<compile_context>
chip_gen: v7x
topology: tpu7x:2x2x1
jax: 0.10.2.dev20260603
libtpu: 0.0.44.dev20260713+nightly
codegen_flags: <defaults>
</compile_context>

<pallas_src>
import functools

import jax
import jax.numpy as jnp
from jax import lax
from jax.experimental import pallas as pl
from jax.experimental.pallas import tpu as pltpu
from jax.experimental.pallas import tpu_sc as plsc

NC = 2
NS = 16
NW = NC * NS

_SC_PARAMS = pltpu.CompilerParams(use_tc_tiling_on_sc=False)


def _sc_segsum(x2, src2, dst2, n, dh, with_count=False):
  _, nchunk, cc = src2.shape
  nacc = n + 128
  rpw = n // NS
  zr = 128
  while rpw % zr:
    zr -= 1
  nbuf = 1
  for nb in (5, 4, 3, 2):
    if nchunk % nb == 0:
      nbuf = nb
      break
  mesh = plsc.VectorSubcoreMesh(core_axis_name="c", subcore_axis_name="s")

  out_type = [jax.ShapeDtypeStruct((NC, n, dh), jnp.float32)]
  cnt_scratch = []
  if with_count:
    out_type.append(jax.ShapeDtypeStruct((NC, n, 16), jnp.float32))
    cnt_scratch = [
        pltpu.VMEM((cc, 16), jnp.float32),
        pltpu.VMEM((zr, 16), jnp.float32),
        pltpu.VMEM_SHARED((nacc, 16), jnp.float32),
    ]

  @functools.partial(
      pl.kernel,
      out_type=out_type,
      mesh=mesh,
      compiler_params=_SC_PARAMS,
      scratch_types=[
          pltpu.VMEM((nchunk, cc), jnp.int32),
          [pltpu.VMEM((cc,), jnp.int32) for _ in range(nbuf)],
          [pltpu.VMEM((cc,), jnp.int32) for _ in range(nbuf)],
          [pltpu.VMEM((cc, dh), jnp.float32) for _ in range(nbuf)],
          pltpu.VMEM((zr, dh), jnp.float32),
          pltpu.VMEM_SHARED((nacc, dh), jnp.float32),
          [pltpu.SemaphoreType.DMA for _ in range(nbuf)],
          [pltpu.SemaphoreType.DMA for _ in range(nbuf)],
      ] + cnt_scratch,
  )
  def seg(x2_hbm, src_hbm, dst_hbm, out_hbm, *rest):
    if with_count:
      cnt_hbm, sidx, idx2, dcur, rows, zbuf, agg, gsem, dsem, \
          ones, zcnt, cnt = rest
    else:
      (sidx, idx2, dcur, rows, zbuf, agg, gsem, dsem) = rest
    c = lax.axis_index("c")
    s = lax.axis_index("s")

    @pl.loop(0, zr)
    def _(r):
      @pl.loop(0, dh // 16)
      def _(j):
        zbuf[r, pl.ds(j * 16, 16)] = jnp.zeros((16,), jnp.float32)

    @pl.loop(0, rpw // zr)
    def _(t):
      pltpu.sync_copy(zbuf, agg.at[pl.ds(s * rpw + t * zr, zr)])

    if with_count:
      @pl.loop(0, cc)
      def _(r):
        ones[r, :] = jnp.ones((16,), jnp.float32)

      @pl.loop(0, zr)
      def _(r):
        zcnt[r, :] = jnp.zeros((16,), jnp.float32)

      @pl.loop(0, rpw // zr)
      def _(t):
        pltpu.sync_copy(zcnt, cnt.at[pl.ds(s * rpw + t * zr, zr)])

    pltpu.sync_copy(src_hbm.at[s], sidx)

    def fire(k, b):
      pltpu.async_copy(dst_hbm.at[s, k], dcur[b], dsem[b])
      for j in range(cc // 16):
        v = sidx[k, pl.ds(j * 16, 16)]
        idx2[b][pl.ds(j * 16, 16)] = v * 2 + c
      pltpu.async_copy(x2_hbm.at[idx2[b]], rows[b], gsem[b])

    plsc.subcore_barrier()

    for b in range(nbuf):
      fire(b, b)

    @pl.loop(0, nchunk, step=nbuf)
    def _(g):
      for b in range(nbuf):
        pltpu.make_async_copy(dst_hbm.at[s, 0], dcur[b], dsem[b]).wait()
        pltpu.make_async_copy(x2_hbm.at[idx2[b]], rows[b], gsem[b]).wait()
        pltpu.sync_copy(rows[b], agg.at[dcur[b]], add=True)
        if with_count:
          @pl.when(((g + b) % 2) == c)
          def _():
            pltpu.sync_copy(ones, cnt.at[dcur[b]], add=True)

        @pl.when(g < nchunk - nbuf)
        def _():
          fire(g + nbuf + b, b)

    plsc.subcore_barrier()
    pltpu.sync_copy(agg.at[pl.ds(s * rpw, rpw)],
                    out_hbm.at[c, pl.ds(s * rpw, rpw)])
    if with_count:
      pltpu.sync_copy(cnt.at[pl.ds(s * rpw, rpw)],
                      cnt_hbm.at[c, pl.ds(s * rpw, rpw)])

  res = seg(x2, src2, dst2)
  return res if with_count else res[0]


def _dotT(a, w):
  return lax.dot_general(a, w, (((1,), (1,)), ((), ())),
                         preferred_element_type=jnp.float32)


def _tc_dense1(p, cntp, xin, wl, bl, wr, blk):
  n, d = xin.shape
  dh = d // NC
  grid = (n // blk,)

  def body(p_ref, cnt_ref, x_ref, wl_ref, bl_ref, wr_ref, h_ref, ci_ref):
    cnt = cnt_ref[0, :, :1] + cnt_ref[1, :, :1]
    cinv = 1.0 / jnp.maximum(cnt, 1.0)
    ci_ref[...] = cinv
    agg = jnp.concatenate([p_ref[0], p_ref[1]], axis=1) * cinv
    h = _dotT(agg, wl_ref[...]) + _dotT(x_ref[...], wr_ref[...]) + bl_ref[...]
    h_ref[...] = jnp.maximum(h, 0.0)

  return pl.pallas_call(
      body,
      grid=grid,
      in_specs=[
          pl.BlockSpec((NC, blk, dh), lambda i: (0, i, 0)),
          pl.BlockSpec((NC, blk, 16), lambda i: (0, i, 0)),
          pl.BlockSpec((blk, d), lambda i: (i, 0)),
          pl.BlockSpec((d, d), lambda i: (0, 0)),
          pl.BlockSpec((d,), lambda i: (0,)),
          pl.BlockSpec((d, d), lambda i: (0, 0)),
      ],
      out_specs=[
          pl.BlockSpec((blk, d), lambda i: (i, 0)),
          pl.BlockSpec((blk, 1), lambda i: (i, 0)),
      ],
      out_shape=[
          jax.ShapeDtypeStruct((n, d), jnp.float32),
          jax.ShapeDtypeStruct((n, 1), jnp.float32),
      ],
  )(p, cntp, xin, wl, bl, wr)


def _tc_dense(p, cinv, xin, wl, bl, wr, blk):
  n, d = xin.shape
  dh = d // NC
  grid = (n // blk,)

  def body(p_ref, ci_ref, x_ref, wl_ref, bl_ref, wr_ref, h_ref):
    agg = jnp.concatenate([p_ref[0], p_ref[1]], axis=1) * ci_ref[...]
    h = _dotT(agg, wl_ref[...]) + _dotT(x_ref[...], wr_ref[...]) + bl_ref[...]
    h_ref[...] = jnp.maximum(h, 0.0)

  return pl.pallas_call(
      body,
      grid=grid,
      in_specs=[
          pl.BlockSpec((NC, blk, dh), lambda i: (0, i, 0)),
          pl.BlockSpec((blk, 1), lambda i: (i, 0)),
          pl.BlockSpec((blk, d), lambda i: (i, 0)),
          pl.BlockSpec((d, d), lambda i: (0, 0)),
          pl.BlockSpec((d,), lambda i: (0,)),
          pl.BlockSpec((d, d), lambda i: (0, 0)),
      ],
      out_specs=pl.BlockSpec((blk, d), lambda i: (i, 0)),
      out_shape=jax.ShapeDtypeStruct((n, d), jnp.float32),
  )(p, cinv, xin, wl, bl, wr)


def _tc_dense3(p, cinv, xin, wl, bl, wr, w1, b1, w2, b2, blk):
  n, d = xin.shape
  dh = d // NC
  dout = w2.shape[0]
  grid = (n // blk,)

  def body(p_ref, ci_ref, x_ref, wl_ref, bl_ref, wr_ref,
           w1_ref, b1_ref, w2_ref, b2_ref, o_ref):
    agg = jnp.concatenate([p_ref[0], p_ref[1]], axis=1) * ci_ref[...]
    h = _dotT(agg, wl_ref[...]) + _dotT(x_ref[...], wr_ref[...]) + bl_ref[...]
    h = jnp.maximum(h, 0.0)
    t = jnp.maximum(_dotT(h, w1_ref[...]) + b1_ref[...], 0.0)
    o_ref[...] = _dotT(t, w2_ref[...]) + b2_ref[...]

  return pl.pallas_call(
      body,
      grid=grid,
      in_specs=[
          pl.BlockSpec((NC, blk, dh), lambda i: (0, i, 0)),
          pl.BlockSpec((blk, 1), lambda i: (i, 0)),
          pl.BlockSpec((blk, d), lambda i: (i, 0)),
          pl.BlockSpec((d, d), lambda i: (0, 0)),
          pl.BlockSpec((d,), lambda i: (0,)),
          pl.BlockSpec((d, d), lambda i: (0, 0)),
          pl.BlockSpec((d, d), lambda i: (0, 0)),
          pl.BlockSpec((d,), lambda i: (0,)),
          pl.BlockSpec((dout, d), lambda i: (0, 0)),
          pl.BlockSpec((dout,), lambda i: (0,)),
      ],
      out_specs=pl.BlockSpec((blk, dout), lambda i: (i, 0)),
      out_shape=jax.ShapeDtypeStruct((n, dout), jnp.float32),
  )(p, cinv, xin, wl, bl, wr, w1, b1, w2, b2)


def kernel(x, edge_index, Wl1, bl1, Wr1, Wl2, bl2, Wr2, Wl3, bl3, Wr3,
           W_lin1, b_lin1, W_lin2, b_lin2):
  n, d = x.shape
  dh = d // NC
  src = edge_index[0]
  dst = edge_index[1]
  blk = 1000

  e = src.shape[0]
  cc = 80
  eps = -(-e // (NS * cc)) * cc
  nchunk = eps // cc
  pad = NS * eps - e
  if pad:
    src = jnp.concatenate([src, jnp.zeros((pad,), jnp.int32)])
    dst = jnp.concatenate([dst, n + (jnp.arange(pad, dtype=jnp.int32) % 128)])
  src2 = src.reshape(NS, nchunk, cc)
  dst2 = dst.reshape(NS, nchunk, cc)

  p1, cntp = _sc_segsum(x.reshape(NC * n, dh), src2, dst2, n, dh,
                        with_count=True)
  h1, cinv = _tc_dense1(p1, cntp, x, Wl1, bl1, Wr1, blk)
  p2 = _sc_segsum(h1.reshape(NC * n, dh), src2, dst2, n, dh)
  h2 = _tc_dense(p2, cinv, h1, Wl2, bl2, Wr2, blk)
  p3 = _sc_segsum(h2.reshape(NC * n, dh), src2, dst2, n, dh)
  out = _tc_dense3(p3, cinv, h2, Wl3, bl3, Wr3,
                   W_lin1, b_lin1, W_lin2, b_lin2, blk)
  return out

# --- scband reference (transcript-rebuilt; emitter-appended) ---
"""Pipeline reference for scband-graph-sage-15934328669026 (READ-ONLY COPY).

The authoritative reference and input builder live on the scoring server;
editing this copy changes nothing except your own understanding.
"""

import jax, jax.numpy as jnp
import numpy as np

N = 10000
E = 320000
IN_DIM = 128
HID = 128
OUT = 128

def _lin_init(key, out_d, in_d):
    return jax.random.normal(key, (out_d, in_d), jnp.float32) / np.sqrt(in_d)

def setup_inputs(seed: int = 0):
    key = jax.random.key(seed)
    ks = jax.random.split(key, 16)
    inp = {}
    inp['x'] = jax.random.normal(ks[0], (N, IN_DIM), jnp.float32)
    inp['edge_index'] = jax.random.randint(ks[1], (2, E), 0, N, dtype=jnp.int32)
    inp['Wl1'] = _lin_init(ks[2], HID, IN_DIM)
    inp['bl1'] = jnp.zeros((HID,), jnp.float32)
    inp['Wr1'] = _lin_init(ks[3], HID, IN_DIM)
    inp['Wl2'] = _lin_init(ks[4], HID, HID)
    inp['bl2'] = jnp.zeros((HID,), jnp.float32)
    inp['Wr2'] = _lin_init(ks[5], HID, HID)
    inp['Wl3'] = _lin_init(ks[6], HID, HID)
    inp['bl3'] = jnp.zeros((HID,), jnp.float32)
    inp['Wr3'] = _lin_init(ks[7], HID, HID)
    inp['W_lin1'] = _lin_init(ks[8], HID, HID)
    inp['b_lin1'] = jnp.zeros((HID,), jnp.float32)
    inp['W_lin2'] = _lin_init(ks[9], OUT, HID)
    inp['b_lin2'] = jnp.zeros((OUT,), jnp.float32)
    return inp

def _sage_conv(x, edge_index, Wl, bl, Wr):
    # PyG SAGEConv (mean aggr): out = lin_l(mean_{j in N(i)} x_j) + lin_r(x_i)
    src = edge_index[0]
    dst = edge_index[1]
    msgs = jnp.take(x, src, axis=0)
    agg = jax.ops.segment_sum(msgs, dst, num_segments=x.shape[0])
    cnt = jax.ops.segment_sum(jnp.ones((edge_index.shape[1],), x.dtype), dst, num_segments=x.shape[0])
    agg = agg / jnp.clip(cnt, 1.0, None)[:, None]
    return agg @ Wl.T + bl + x @ Wr.T

def reference(x, edge_index, Wl1, bl1, Wr1, Wl2, bl2, Wr2, Wl3, bl3, Wr3, W_lin1, b_lin1, W_lin2, b_lin2):
    h = jax.nn.relu(_sage_conv(x, edge_index, Wl1, bl1, Wr1))
    h = jax.nn.relu(_sage_conv(h, edge_index, Wl2, bl2, Wr2))
    h = jax.nn.relu(_sage_conv(h, edge_index, Wl3, bl3, Wr3))
    h = jax.nn.relu(h @ W_lin1.T + b_lin1)
    # dropout p=0.0 -> identity
    out = h @ W_lin2.T + b_lin2
    return out

if __name__ == "__main__":
    import jax
    _d = setup_inputs()
    print(jax.jit(kernel)(*tuple(_d.values())))

</pallas_src>

<mosaic_0001>
#map = affine_map<(d0, d1) -> (0, 0)>
#map1 = affine_map<(d0, d1) -> (0, 0, 0)>
module attributes {stable_mosaic.version = 14 : i64} {
  func.func @seg(%arg0: i32, %arg1: i32, %arg2: memref<20000x64xf32, #tpu.memory_space<hbm>>, %arg3: memref<16x250x80xi32, #tpu.memory_space<hbm>>, %arg4: memref<16x250x80xi32, #tpu.memory_space<hbm>>, %arg5: memref<2x10000x64xf32, #tpu.memory_space<hbm>>, %arg6: memref<250x80xi32, #tpu.memory_space<vmem>>, %arg7: memref<80xi32, #tpu.memory_space<vmem>>, %arg8: memref<80xi32, #tpu.memory_space<vmem>>, %arg9: memref<80xi32, #tpu.memory_space<vmem>>, %arg10: memref<80xi32, #tpu.memory_space<vmem>>, %arg11: memref<80xi32, #tpu.memory_space<vmem>>, %arg12: memref<80xi32, #tpu.memory_space<vmem>>, %arg13: memref<80xi32, #tpu.memory_space<vmem>>, %arg14: memref<80xi32, #tpu.memory_space<vmem>>, %arg15: memref<80xi32, #tpu.memory_space<vmem>>, %arg16: memref<80xi32, #tpu.memory_space<vmem>>, %arg17: memref<80x64xf32, #tpu.memory_space<vmem>>, %arg18: memref<80x64xf32, #tpu.memory_space<vmem>>, %arg19: memref<80x64xf32, #tpu.memory_space<vmem>>, %arg20: memref<80x64xf32, #tpu.memory_space<vmem>>, %arg21: memref<80x64xf32, #tpu.memory_space<vmem>>, %arg22: memref<125x64xf32, #tpu.memory_space<vmem>>, %arg23: memref<10128x64xf32, #tpu.memory_space<vmem_shared>>, %arg24: memref<!tpu.dma_semaphore, #tpu.memory_space<semaphore_mem>>, %arg25: memref<!tpu.dma_semaphore, #tpu.memory_space<semaphore_mem>>, %arg26: memref<!tpu.dma_semaphore, #tpu.memory_space<semaphore_mem>>, %arg27: memref<!tpu.dma_semaphore, #tpu.memory_space<semaphore_mem>>, %arg28: memref<!tpu.dma_semaphore, #tpu.memory_space<semaphore_mem>>, %arg29: memref<!tpu.dma_semaphore, #tpu.memory_space<semaphore_mem>>, %arg30: memref<!tpu.dma_semaphore, #tpu.memory_space<semaphore_mem>>, %arg31: memref<!tpu.dma_semaphore, #tpu.memory_space<semaphore_mem>>, %arg32: memref<!tpu.dma_semaphore, #tpu.memory_space<semaphore_mem>>, %arg33: memref<!tpu.dma_semaphore, #tpu.memory_space<semaphore_mem>>) attributes {dimension_semantics = [#tpu.dimension_semantics<core_parallel>, #tpu.dimension_semantics<subcore_parallel>], iteration_bounds = array<i64: 2, 16>, scalar_prefetch = 0 : i64, scratch_operands = 28 : i64, tpu.core_type = #tpu.core_type<sc_vector_subcore>, window_params = [{transform_indices = #map}, {transform_indices = #map1}, {transform_indices = #map1}, {transform_indices = #map1}]} {
    %scan3A = arith.constant 0 : i32
    %scan3A_0 = arith.constant 125 : i32
    %scan3A_1 = arith.addi %scan3A, %scan3A_0 : i32
    %scan3A_2 = arith.constant 1 : i32
    scf.for %scan3A_414 = %scan3A to %scan3A_1 step %scan3A_2  : i32 {
      %mul3A_415 = arith.constant 1 : i32
      %mul3A_416 = arith.muli %scan3A_414, %mul3A_415 : i32
      %add3A_417 = arith.constant 0 : i32
      %add3A_418 = arith.addi %add3A_417, %mul3A_416 : i32
      %scan3A_419 = arith.constant 0 : i32
      %scan3A_420 = arith.constant 4 : i32
      %scan3A_421 = arith.addi %scan3A_419, %scan3A_420 : i32
      %scan3A_422 = arith.constant 1 : i32
      scf.for %scan3A_424 = %scan3A_419 to %scan3A_421 step %scan3A_422  : i32 {
        %mul3A_425 = arith.constant 1 : i32
        %mul3A_426 = arith.muli %scan3A_424, %mul3A_425 : i32
        %add3A_427 = arith.constant 0 : i32
        %add3A_428 = arith.addi %add3A_427, %mul3A_426 : i32
        %broadcast_in_dim3A = arith.constant 0.000000e+00 : f32
        %broadcast_in_dim3A_429 = vector.broadcast %broadcast_in_dim3A : f32 to vector<16xf32>
        %mul3A_430 = arith.constant 16 : i32
        %mul3A_431 = arith.muli %add3A_428, %mul3A_430 : i32
        %swap3A_432 = arith.index_cast %add3A_418 : i32 to index
        %swap3A_433 = arith.index_cast %mul3A_431 : i32 to index
        %swap3A_434 = tpu.vector_load %arg22[%swap3A_432, %swap3A_433] {strides = array<i32>} : memref<125x64xf32, #tpu.memory_space<vmem>>, vector<1x16xf32>,
        %swap3A_435 = vector.shape_cast %swap3A_434 : vector<1x16xf32> to vector<16xf32>
        %swap3A_436 = vector.shape_cast %broadcast_in_dim3A_429 : vector<16xf32> to vector<1x16xf32>
        tpu.vector_store %arg22[%swap3A_432, %swap3A_433], %swap3A_436 {strides = array<i32>} : memref<125x64xf32, #tpu.memory_space<vmem>>, vector<1x16xf32>,
      }
      %scan3A_423 = arith.constant 4 : i32
    }
    %scan3A_3 = arith.constant 125 : i32
    %scan3A_4 = arith.constant 0 : i32
    %scan3A_5 = arith.constant 5 : i32
    %scan3A_6 = arith.addi %scan3A_4, %scan3A_5 : i32
    %scan3A_7 = arith.constant 1 : i32
    scf.for %scan3A_414 = %scan3A_4 to %scan3A_6 step %scan3A_7  : i32 {
      %mul3A_415 = arith.constant 1 : i32
      %mul3A_416 = arith.muli %scan3A_414, %mul3A_415 : i32
      %add3A_417 = arith.constant 0 : i32
      %add3A_418 = arith.addi %add3A_417, %mul3A_416 : i32
      %mul3A_419 = arith.constant 625 : i32
      %mul3A_420 = arith.muli %arg1, %mul3A_419 : i32
      %mul3A_421 = arith.constant 125 : i32
      %mul3A_422 = arith.muli %add3A_418, %mul3A_421 : i32
      %add3A_423 = arith.addi %mul3A_420, %mul3A_422 : i32
      "tpu.region"() ({
        %run_scoped3A = tpu.sem_alloc : memref<!tpu.dma_semaphore, #tpu.memory_space<semaphore_mem>>
        %dma_start3A_424 = arith.constant 0 : i32
        %dma_start3A_425 = tpu.memref_slice %arg23[%add3A_423, %dma_start3A_424] : memref<10128x64xf32, #tpu.memory_space<vmem_shared>> -> memref<125x64xf32, #tpu.memory_space<vmem_shared>>
        %dma_start3A_426 = arith.constant 0 : i32
        %dma_start3A_427 = tpu.memref_slice %arg23[%add3A_423, %dma_start3A_426] : memref<10128x64xf32, #tpu.memory_space<vmem_shared>> -> memref<125x64xf32, #tpu.memory_space<vmem_shared>>
        tpu.enqueue_dma source(%arg22 : memref<125x64xf32, #tpu.memory_space<vmem>>) target(%dma_start3A_427 : memref<125x64xf32, #tpu.memory_space<vmem_shared>>) target_semaphore(%run_scoped3A : memref<!tpu.dma_semaphore, #tpu.memory_space<semaphore_mem>>)
        %dma_wait3A = arith.constant 0 : i32
        %dma_wait3A_428 = tpu.memref_slice %arg23[%add3A_423, %dma_wait3A] : memref<10128x64xf32, #tpu.memory_space<vmem_shared>> -> memref<125x64xf32, #tpu.memory_space<vmem_shared>>
        %dma_wait3A_429 = arith.constant 0 : i32
        %dma_wait3A_430 = tpu.memref_slice %arg23[%add3A_423, %dma_wait3A_429] : memref<10128x64xf32, #tpu.memory_space<vmem_shared>> -> memref<125x64xf32, #tpu.memory_space<vmem_shared>>
        tpu.wait_dma2 semaphore(%run_scoped3A : memref<!tpu.dma_semaphore, #tpu.memory_space<semaphore_mem>>) src(%arg22 : memref<125x64xf32, #tpu.memory_space<vmem>>) dst(%dma_wait3A_430 : memref<125x64xf32, #tpu.memory_space<vmem_shared>>)
        tpu.yield
      }) : () -> ()
    }
    %scan3A_8 = arith.constant 5 : i32
    "tpu.region"() ({
      %run_scoped3A = tpu.sem_alloc : memref<!tpu.dma_semaphore, #tpu.memory_space<semaphore_mem>>
      %dma_start3A_414 = arith.constant 0 : i32
      %dma_start3A_415 = arith.constant 0 : i32
      %dma_start3A_416 = tpu.memref_slice %arg3[%arg1, %dma_start3A_414, %dma_start3A_415] : memref<16x250x80xi32, #tpu.memory_space<hbm>> -> memref<1x250x80xi32, #tpu.memory_space<hbm>>
      %dma_start3A_417 = tpu.memref_squeeze %dma_start3A_416 : memref<1x250x80xi32, #tpu.memory_space<hbm>> -> memref<250x80xi32, #tpu.memory_space<hbm>>
      %dma_start3A_418 = arith.constant 0 : i32
      %dma_start3A_419 = arith.constant 0 : i32
      %dma_start3A_420 = tpu.memref_slice %arg3[%arg1, %dma_start3A_418, %dma_start3A_419] : memref<16x250x80xi32, #tpu.memory_space<hbm>> -> memref<1x250x80xi32, #tpu.memory_space<hbm>>
      %dma_start3A_421 = tpu.memref_squeeze %dma_start3A_420 : memref<1x250x80xi32, #tpu.memory_space<hbm>> -> memref<250x80xi32, #tpu.memory_space<hbm>>
      tpu.enqueue_dma source(%dma_start3A_421 : memref<250x80xi32, #tpu.memory_space<hbm>>) target(%arg6 : memref<250x80xi32, #tpu.memory_space<vmem>>) target_semaphore(%run_scoped3A : memref<!tpu.dma_semaphore, #tpu.memory_space<semaphore_mem>>)
      %dma_wait3A = arith.constant 0 : i32
      %dma_wait3A_422 = arith.constant 0 : i32
      %dma_wait3A_423 = tpu.memref_slice %arg3[%arg1, %dma_wait3A, %dma_wait3A_422] : memref<16x250x80xi32, #tpu.memory_space<hbm>> -> memref<1x250x80xi32, #tpu.memory_space<hbm>>
      %dma_wait3A_424 = tpu.memref_squeeze %dma_wait3A_423 : memref<1x250x80xi32, #tpu.memory_space<hbm>> -> memref<250x80xi32, #tpu.memory_space<hbm>>
      %dma_wait3A_425 = arith.constant 0 : i32
      %dma_wait3A_426 = arith.constant 0 : i32
      %dma_wait3A_427 = tpu.memref_slice %arg3[%arg1, %dma_wait3A_425, %dma_wait3A_426] : memref<16x250x80xi32, #tpu.memory_space<hbm>> -> memref<1x250x80xi32, #tpu.memory_space<hbm>>
      %dma_wait3A_428 = tpu.memref_squeeze %dma_wait3A_427 : memref<1x250x80xi32, #tpu.memory_space<hbm>> -> memref<250x80xi32, #tpu.memory_space<hbm>>
      tpu.wait_dma2 semaphore(%run_scoped3A : memref<!tpu.dma_semaphore, #tpu.memory_space<semaphore_mem>>) src(%dma_wait3A_428 : memref<250x80xi32, #tpu.memory_space<hbm>>) dst(%arg6 : memref<250x80xi32, #tpu.memory_space<vmem>>)
      tpu.yield
    }) : () -> ()
    %barrier3A = arith.constant 0 : index
    tpu.barrier barrier_id(%barrier3A)
    %dma_start3A = arith.constant 0 : i32
    %dma_start3A_9 = arith.constant 0 : i32
    %dma_start3A_10 = tpu.memref_slice %arg4[%arg1, %dma_start3A, %dma_start3A_9] : memref<16x250x80xi32, #tpu.memory_space<hbm>> -> memref<1x1x80xi32, #tpu.memory_space<hbm>>
    %dma_start3A_11 = tpu.memref_squeeze %dma_start3A_10 : memref<1x1x80xi32, #tpu.memory_space<hbm>> -> memref<80xi32, #tpu.memory_space<hbm>>
    %dma_start3A_12 = arith.constant 0 : i32
    %dma_start3A_13 = tpu.memref_slice %arg4[%arg1, %dma_start3A, %dma_start3A_12] : memref<16x250x80xi32, #tpu.memory_space<hbm>> -> memref<1x1x80xi32, #tpu.memory_space<hbm>>
    %dma_start3A_14 = tpu.memref_squeeze %dma_start3A_13 : memref<1x1x80xi32, #tpu.memory_space<hbm>> -> memref<80xi32, #tpu.memory_space<hbm>>
    tpu.enqueue_dma source(%dma_start3A_14 : memref<80xi32, #tpu.memory_space<hbm>>) target(%arg12 : memref<80xi32, #tpu.memory_space<vmem>>) target_semaphore(%arg29 : memref<!tpu.dma_semaphore, #tpu.memory_space<semaphore_mem>>)
    %get3A = arith.constant 0 : i32
    %get3A_15 = arith.index_cast %get3A : i32 to index
    %get3A_16 = arith.constant 0 : index
    %get3A_17 = tpu.vector_load %arg6[%get3A_15, %get3A_16] {strides = array<i32>} : memref<250x80xi32, #tpu.memory_space<vmem>>, vector<1x16xi32>,
    %get3A_18 = vector.shape_cast %get3A_17 : vector<1x16xi32> to vector<16xi32>
    %mul3A = arith.constant 2 : i32
    %mul3A_19 = vector.broadcast %mul3A : i32 to vector<16xi32>
    %mul3A_20 = arith.muli %get3A_18, %mul3A_19 : vector<16xi32>
    %add3A = vector.broadcast %arg0 : i32 to vector<16xi32>
    %add3A_21 = arith.addi %mul3A_20, %add3A : vector<16xi32>
    %swap3A = arith.constant 0 : index
    %swap3A_22 = tpu.vector_load %arg7[%swap3A] {strides = array<i32>} : memref<80xi32, #tpu.memory_space<vmem>>, vector<16xi32>,
    %swap3A_23 = vector.shape_cast %swap3A_22 : vector<16xi32> to vector<16xi32>
    %swap3A_24 = vector.shape_cast %add3A_21 : vector<16xi32> to vector<16xi32>
    tpu.vector_store %arg7[%swap3A], %swap3A_24 {strides = array<i32>} : memref<80xi32, #tpu.memory_space<vmem>>, vector<16xi32>,
    %get3A_25 = arith.constant 0 : i32
    %get3A_26 = arith.index_cast %get3A_25 : i32 to index
    %get3A_27 = arith.constant 16 : index
    %get3A_28 = tpu.vector_load %arg6[%get3A_26, %get3A_27] {strides = array<i32>} : memref<250x80xi32, #tpu.memory_space<vmem>>, vector<1x16xi32>,
    %get3A_29 = vector.shape_cast %get3A_28 : vector<1x16xi32> to vector<16xi32>
    %mul3A_30 = arith.constant 2 : i32
    %mul3A_31 = vector.broadcast %mul3A_30 : i32 to vector<16xi32>
    %mul3A_32 = arith.muli %get3A_29, %mul3A_31 : vector<16xi32>
    %add3A_33 = vector.broadcast %arg0 : i32 to vector<16xi32>
    %add3A_34 = arith.addi %mul3A_32, %add3A_33 : vector<16xi32>
    %swap3A_35 = arith.constant 16 : index
    %swap3A_36 = tpu.vector_load %arg7[%swap3A_35] {strides = array<i32>} : memref<80xi32, #tpu.memory_space<vmem>>, vector<16xi32>,
    %swap3A_37 = vector.shape_cast %swap3A_36 : vector<16xi32> to vector<16xi32>
    %swap3A_38 = vector.shape_cast %add3A_34 : vector<16xi32> to vector<16xi32>
    tpu.vector_store %arg7[%swap3A_35], %swap3A_38 {strides = array<i32>} : memref<80xi32, #tpu.memory_space<vmem>>, vector<16xi32>,
    %get3A_39 = arith.constant 0 : i32
    %get3A_40 = arith.index_cast %get3A_39 : i32 to index
    %get3A_41 = arith.constant 32 : index
    %get3A_42 = tpu.vector_load %arg6[%get3A_40, %get3A_41] {strides = array<i32>} : memref<250x80xi32, #tpu.memory_space<vmem>>, vector<1x16xi32>,
    %get3A_43 = vector.shape_cast %get3A_42 : vector<1x16xi32> to vector<16xi32>
    %mul3A_44 = arith.constant 2 : i32
    %mul3A_45 = vector.broadcast %mul3A_44 : i32 to vector<16xi32>
    %mul3A_46 = arith.muli %get3A_43, %mul3A_45 : vector<16xi32>
    %add3A_47 = vector.broadcast %arg0 : i32 to vector<16xi32>
    %add3A_48 = arith.addi %mul3A_46, %add3A_47 : vector<16xi32>
    %swap3A_49 = arith.constant 32 : index
    %swap3A_50 = tpu.vector_load %arg7[%swap3A_49] {strides = array<i32>} : memref<80xi32, #tpu.memory_space<vmem>>, vector<16xi32>,
    %swap3A_51 = vector.shape_cast %swap3A_50 : vector<16xi32> to vector<16xi32>
    %swap3A_52 = vector.shape_cast %add3A_48 : vector<16xi32> to vector<16xi32>
    tpu.vector_store %arg7[%swap3A_49], %swap3A_52 {strides = array<i32>} : memref<80xi32, #tpu.memory_space<vmem>>, vector<16xi32>,
    %get3A_53 = arith.constant 0 : i32
    %get3A_54 = arith.index_cast %get3A_53 : i32 to index
    %get3A_55 = arith.constant 48 : index
    %get3A_56 = tpu.vector_load %arg6[%get3A_54, %get3A_55] {strides = array<i32>} : memref<250x80xi32, #tpu.memory_space<vmem>>, vector<1x16xi32>,
    %get3A_57 = vector.shape_cast %get3A_56 : vector<1x16xi32> to vector<16xi32>
    %mul3A_58 = arith.constant 2 : i32
    %mul3A_59 = vector.broadcast %mul3A_58 : i32 to vector<16xi32>
    %mul3A_60 = arith.muli %get3A_57, %mul3A_59 : vector<16xi32>
    %add3A_61 = vector.broadcast %arg0 : i32 to vector<16xi32>
    %add3A_62 = arith.addi %mul3A_60, %add3A_61 : vector<16xi32>
    %swap3A_63 = arith.constant 48 : index
    %swap3A_64 = tpu.vector_load %arg7[%swap3A_63] {strides = array<i32>} : memref<80xi32, #tpu.memory_space<vmem>>, vector<16xi32>,
    %swap3A_65 = vector.shape_cast %swap3A_64 : vector<16xi32> to vector<16xi32>
    %swap3A_66 = vector.shape_cast %add3A_62 : vector<16xi32> to vector<16xi32>
    tpu.vector_store %arg7[%swap3A_63], %swap3A_66 {strides = array<i32>} : memref<80xi32, #tpu.memory_space<vmem>>, vector<16xi32>,
    %get3A_67 = arith.constant 0 : i32
    %get3A_68 = arith.index_cast %get3A_67 : i32 to index
    %get3A_69 = arith.constant 64 : index
    %get3A_70 = tpu.vector_load %arg6[%get3A_68, %get3A_69] {strides = array<i32>} : memref<250x80xi32, #tpu.memory_space<vmem>>, vector<1x16xi32>,
    %get3A_71 = vector.shape_cast %get3A_70 : vector<1x16xi32> to vector<16xi32>
    %mul3A_72 = arith.constant 2 : i32
    %mul3A_73 = vector.broadcast %mul3A_72 : i32 to vector<16xi32>
    %mul3A_74 = arith.muli %get3A_71, %mul3A_73 : vector<16xi32>
    %add3A_75 = vector.broadcast %arg0 : i32 to vector<16xi32>
    %add3A_76 = arith.addi %mul3A_74, %add3A_75 : vector<16xi32>
    %swap3A_77 = arith.constant 64 : index
    %swap3A_78 = tpu.vector_load %arg7[%swap3A_77] {strides = array<i32>} : memref<80xi32, #tpu.memory_space<vmem>>, vector<16xi32>,
    %swap3A_79 = vector.shape_cast %swap3A_78 : vector<16xi32> to vector<16xi32>
    %swap3A_80 = vector.shape_cast %add3A_76 : vector<16xi32> to vector<16xi32>
    tpu.vector_store %arg7[%swap3A_77], %swap3A_80 {strides = array<i32>} : memref<80xi32, #tpu.memory_space<vmem>>, vector<16xi32>,
    %dma_start3A_81 = arith.constant 0 : i32
    %dma_start3A_82 = arith.constant 0 : i32
    %dma_start3A_83 = tpu.memref_slice %arg2[%dma_start3A_81, %dma_start3A_82] : memref<20000x64xf32, #tpu.memory_space<hbm>> -> memref<20000x64xf32, #tpu.memory_space<hbm>>
    tpu.enqueue_indirect_dma source(%dma_start3A_83 : memref<20000x64xf32, #tpu.memory_space<hbm>>) target(%arg17 : memref<80x64xf32, #tpu.memory_space<vmem>>) offsets(%arg7 : memref<80xi32, #tpu.memory_space<vmem>>) semaphore(%arg24 : memref<!tpu.dma_semaphore, #tpu.memory_space<semaphore_mem>>)
    %dma_start3A_84 = arith.constant 1 : i32
    %dma_start3A_85 = arith.constant 0 : i32
    %dma_start3A_86 = tpu.memref_slice %arg4[%arg1, %dma_start3A_84, %dma_start3A_85] : memref<16x250x80xi32, #tpu.memory_space<hbm>> -> memref<1x1x80xi32, #tpu.memory_space<hbm>>
    %dma_start3A_87 = tpu.memref_squeeze %dma_start3A_86 : memref<1x1x80xi32, #tpu.memory_space<hbm>> -> memref<80xi32, #tpu.memory_space<hbm>>
    %dma_start3A_88 = arith.constant 0 : i32
    %dma_start3A_89 = tpu.memref_slice %arg4[%arg1, %dma_start3A_84, %dma_start3A_88] : memref<16x250x80xi32, #tpu.memory_space<hbm>> -> memref<1x1x80xi32, #tpu.memory_space<hbm>>
    %dma_start3A_90 = tpu.memref_squeeze %dma_start3A_89 : memref<1x1x80xi32, #tpu.memory_space<hbm>> -> memref<80xi32, #tpu.memory_space<hbm>>
    tpu.enqueue_dma source(%dma_start3A_90 : memref<80xi32, #tpu.memory_space<hbm>>) target(%arg13 : memref<80xi32, #tpu.memory_space<vmem>>) target_semaphore(%arg30 : memref<!tpu.dma_semaphore, #tpu.memory_space<semaphore_mem>>)
    %get3A_91 = arith.constant 1 : i32
    %get3A_92 = arith.index_cast %get3A_91 : i32 to index
    %get3A_93 = arith.constant 0 : index
    %get3A_94 = tpu.vector_load %arg6[%get3A_92, %get3A_93] {strides = array<i32>} : memref<250x80xi32, #tpu.memory_space<vmem>>, vector<1x16xi32>,
    %get3A_95 = vector.shape_cast %get3A_94 : vector<1x16xi32> to vector<16xi32>
    %mul3A_96 = arith.constant 2 : i32
    %mul3A_97 = vector.broadcast %mul3A_96 : i32 to vector<16xi32>
    %mul3A_98 = arith.muli %get3A_95, %mul3A_97 : vector<16xi32>
    %add3A_99 = vector.broadcast %arg0 : i32 to vector<16xi32>
    %add3A_100 = arith.addi %mul3A_98, %add3A_99 : vector<16xi32>
    %swap3A_101 = arith.constant 0 : index
    %swap3A_102 = tpu.vector_load %arg8[%swap3A_101] {strides = array<i32>} : memref<80xi32, #tpu.memory_space<vmem>>, vector<16xi32>,
    %swap3A_103 = vector.shape_cast %swap3A_102 : vector<16xi32> to vector<16xi32>
    %swap3A_104 = vector.shape_cast %add3A_100 : vector<16xi32> to vector<16xi32>
    tpu.vector_store %arg8[%swap3A_101], %swap3A_104 {strides = array<i32>} : memref<80xi32, #tpu.memory_space<vmem>>, vector<16xi32>,
    %get3A_105 = arith.constant 1 : i32
    %get3A_106 = arith.index_cast %get3A_105 : i32 to index
    %get3A_107 = arith.constant 16 : index
    %get3A_108 = tpu.vector_load %arg6[%get3A_106, %get3A_107] {strides = array<i32>} : memref<250x80xi32, #tpu.memory_space<vmem>>, vector<1x16xi32>,
    %get3A_109 = vector.shape_cast %get3A_108 : vector<1x16xi32> to vector<16xi32>
    %mul3A_110 = arith.constant 2 : i32
    %mul3A_111 = vector.broadcast %mul3A_110 : i32 to vector<16xi32>
    %mul3A_112 = arith.muli %get3A_109, %mul3A_111 : vector<16xi32>
    %add3A_113 = vector.broadcast %arg0 : i32 to vector<16xi32>
    %add3A_114 = arith.addi %mul3A_112, %add3A_113 : vector<16xi32>
    %swap3A_115 = arith.constant 16 : index
    %swap3A_116 = tpu.vector_load %arg8[%swap3A_115] {strides = array<i32>} : memref<80xi32, #tpu.memory_space<vmem>>, vector<16xi32>,
    %swap3A_117 = vector.shape_cast %swap3A_116 : vector<16xi32> to vector<16xi32>
    %swap3A_118 = vector.shape_cast %add3A_114 : vector<16xi32> to vector<16xi32>
    tpu.vector_store %arg8[%swap3A_115], %swap3A_118 {strides = array<i32>} : memref<80xi32, #tpu.memory_space<vmem>>, vector<16xi32>,
    %get3A_119 = arith.constant 1 : i32
    %get3A_120 = arith.index_cast %get3A_119 : i32 to index
    %get3A_121 = arith.constant 32 : index
    %get3A_122 = tpu.vector_load %arg6[%get3A_120, %get3A_121] {strides = array<i32>} : memref<250x80xi32, #tpu.memory_space<vmem>>, vector<1x16xi32>,
    %get3A_123 = vector.shape_cast %get3A_122 : vector<1x16xi32> to vector<16xi32>
    %mul3A_124 = arith.constant 2 : i32
    %mul3A_125 = vector.broadcast %mul3A_124 : i32 to vector<16xi32>
    %mul3A_126 = arith.muli %get3A_123, %mul3A_125 : vector<16xi32>
    %add3A_127 = vector.broadcast %arg0 : i32 to vector<16xi32>
    %add3A_128 = arith.addi %mul3A_126, %add3A_127 : vector<16xi32>
    %swap3A_129 = arith.constant 32 : index
    %swap3A_130 = tpu.vector_load %arg8[%swap3A_129] {strides = array<i32>} : memref<80xi32, #tpu.memory_space<vmem>>, vector<16xi32>,
    %swap3A_131 = vector.shape_cast %swap3A_130 : vector<16xi32> to vector<16xi32>
    %swap3A_132 = vector.shape_cast %add3A_128 : vector<16xi32> to vector<16xi32>
    tpu.vector_store %arg8[%swap3A_129], %swap3A_132 {strides = array<i32>} : memref<80xi32, #tpu.memory_space<vmem>>, vector<16xi32>,
    %get3A_133 = arith.constant 1 : i32
    %get3A_134 = arith.index_cast %get3A_133 : i32 to index
    %get3A_135 = arith.constant 48 : index
    %get3A_136 = tpu.vector_load %arg6[%get3A_134, %get3A_135] {strides = array<i32>} : memref<250x80xi32, #tpu.memory_space<vmem>>, vector<1x16xi32>,
    %get3A_137 = vector.shape_cast %get3A_136 : vector<1x16xi32> to vector<16xi32>
    %mul3A_138 = arith.constant 2 : i32
    %mul3A_139 = vector.broadcast %mul3A_138 : i32 to vector<16xi32>
    %mul3A_140 = arith.muli %get3A_137, %mul3A_139 : vector<16xi32>
    %add3A_141 = vector.broadcast %arg0 : i32 to vector<16xi32>
    %add3A_142 = arith.addi %mul3A_140, %add3A_141 : vector<16xi32>
    %swap3A_143 = arith.constant 48 : index
    %swap3A_144 = tpu.vector_load %arg8[%swap3A_143] {strides = array<i32>} : memref<80xi32, #tpu.memory_space<vmem>>, vector<16xi32>,
    %swap3A_145 = vector.shape_cast %swap3A_144 : vector<16xi32> to vector<16xi32>
    %swap3A_146 = vector.shape_cast %add3A_142 : vector<16xi32> to vector<16xi32>
    tpu.vector_store %arg8[%swap3A_143], %swap3A_146 {strides = array<i32>} : memref<80xi32, #tpu.memory_space<vmem>>, vector<16xi32>,
    %get3A_147 = arith.constant 1 : i32
    %get3A_148 = arith.index_cast %get3A_147 : i32 to index
    %get3A_149 = arith.constant 64 : index
    %get3A_150 = tpu.vector_load %arg6[%get3A_148, %get3A_149] {strides = array<i32>} : memref<250x80xi32, #tpu.memory_space<vmem>>, vector<1x16xi32>,
    %get3A_151 = vector.shape_cast %get3A_150 : vector<1x16xi32> to vector<16xi32>
    %mul3A_152 = arith.constant 2 : i32
    %mul3A_153 = vector.broadcast %mul3A_152 : i32 to vector<16xi32>
    %mul3A_154 = arith.muli %get3A_151, %mul3A_153 : vector<16xi32>
    %add3A_155 = vector.broadcast %arg0 : i32 to vector<16xi32>
    %add3A_156 = arith.addi %mul3A_154, %add3A_155 : vector<16xi32>
    %swap3A_157 = arith.constant 64 : index
    %swap3A_158 = tpu.vector_load %arg8[%swap3A_157] {strides = array<i32>} : memref<80xi32, #tpu.memory_space<vmem>>, vector<16xi32>,
    %swap3A_159 = vector.shape_cast %swap3A_158 : vector<16xi32> to vector<16xi32>
    %swap3A_160 = vector.shape_cast %add3A_156 : vector<16xi32> to vector<16xi32>
    tpu.vector_store %arg8[%swap3A_157], %swap3A_160 {strides = array<i32>} : memref<80xi32, #tpu.memory_space<vmem>>, vector<16xi32>,
    %dma_start3A_161 = arith.constant 0 : i32
    %dma_start3A_162 = arith.constant 0 : i32
    %dma_start3A_163 = tpu.memref_slice %arg2[%dma_start3A_161, %dma_start3A_162] : memref<20000x64xf32, #tpu.memory_space<hbm>> -> memref<20000x64xf32, #tpu.memory_space<hbm>>
    tpu.enqueue_indirect_dma source(%dma_start3A_163 : memref<20000x64xf32, #tpu.memory_space<hbm>>) target(%arg18 : memref<80x64xf32, #tpu.memory_space<vmem>>) offsets(%arg8 : memref<80xi32, #tpu.memory_space<vmem>>) semaphore(%arg25 : memref<!tpu.dma_semaphore, #tpu.memory_space<semaphore_mem>>)
    %dma_start3A_164 = arith.constant 2 : i32
    %dma_start3A_165 = arith.constant 0 : i32
    %dma_start3A_166 = tpu.memref_slice %arg4[%arg1, %dma_start3A_164, %dma_start3A_165] : memref<16x250x80xi32, #tpu.memory_space<hbm>> -> memref<1x1x80xi32, #tpu.memory_space<hbm>>
    %dma_start3A_167 = tpu.memref_squeeze %dma_start3A_166 : memref<1x1x80xi32, #tpu.memory_space<hbm>> -> memref<80xi32, #tpu.memory_space<hbm>>
    %dma_start3A_168 = arith.constant 0 : i32
    %dma_start3A_169 = tpu.memref_slice %arg4[%arg1, %dma_start3A_164, %dma_start3A_168] : memref<16x250x80xi32, #tpu.memory_space<hbm>> -> memref<1x1x80xi32, #tpu.memory_space<hbm>>
    %dma_start3A_170 = tpu.memref_squeeze %dma_start3A_169 : memref<1x1x80xi32, #tpu.memory_space<hbm>> -> memref<80xi32, #tpu.memory_space<hbm>>
    tpu.enqueue_dma source(%dma_start3A_170 : memref<80xi32, #tpu.memory_space<hbm>>) target(%arg14 : memref<80xi32, #tpu.memory_space<vmem>>) target_semaphore(%arg31 : memref<!tpu.dma_semaphore, #tpu.memory_space<semaphore_mem>>)
    %get3A_171 = arith.constant 2 : i32
    %get3A_172 = arith.index_cast %get3A_171 : i32 to index
    %get3A_173 = arith.constant 0 : index
    %get3A_174 = tpu.vector_load %arg6[%get3A_172, %get3A_173] {strides = array<i32>} : memref<250x80xi32, #tpu.memory_space<vmem>>, vector<1x16xi32>,
    %get3A_175 = vector.shape_cast %get3A_174 : vector<1x16xi32> to vector<16xi32>
    %mul3A_176 = arith.constant 2 : i32
    %mul3A_177 = vector.broadcast %mul3A_176 : i32 to vector<16xi32>
    %mul3A_178 = arith.muli %get3A_175, %mul3A_177 : vector<16xi32>
    %add3A_179 = vector.broadcast %arg0 : i32 to vector<16xi32>
    %add3A_180 = arith.addi %mul3A_178, %add3A_179 : vector<16xi32>
    %swap3A_181 = arith.constant 0 : index
    %swap3A_182 = tpu.vector_load %arg9[%swap3A_181] {strides = array<i32>} : memref<80xi32, #tpu.memory_space<vmem>>, vector<16xi32>,
    %swap3A_183 = vector.shape_cast %swap3A_182 : vector<16xi32> to vector<16xi32>
    %swap3A_184 = vector.shape_cast %add3A_180 : vector<16xi32> to vector<16xi32>
    tpu.vector_store %arg9[%swap3A_181], %swap3A_184 {strides = array<i32>} : memref<80xi32, #tpu.memory_space<vmem>>, vector<16xi32>,
    %get3A_185 = arith.constant 2 : i32
    %get3A_186 = arith.index_cast %get3A_185 : i32 to index
    %get3A_187 = arith.constant 16 : index
    %get3A_188 = tpu.vector_load %arg6[%get3A_186, %get3A_187] {strides = array<i32>} : memref<250x80xi32, #tpu.memory_space<vmem>>, vector<1x16xi32>,
    %get3A_189 = vector.shape_cast %get3A_188 : vector<1x16xi32> to vector<16xi32>
    %mul3A_190 = arith.constant 2 : i32
    %mul3A_191 = vector.broadcast %mul3A_190 : i32 to vector<16xi32>
    %mul3A_192 = arith.muli %get3A_189, %mul3A_191 : vector<16xi32>
    %add3A_193 = vector.broadcast %arg0 : i32 to vector<16xi32>
    %add3A_194 = arith.addi %mul3A_192, %add3A_193 : vector<16xi32>
    %swap3A_195 = arith.constant 16 : index
    %swap3A_196 = tpu.vector_load %arg9[%swap3A_195] {strides = array<i32>} : memref<80xi32, #tpu.memory_space<vmem>>, vector<16xi32>,
    %swap3A_197 = vector.shape_cast %swap3A_196 : vector<16xi32> to vector<16xi32>
    %swap3A_198 = vector.shape_cast %add3A_194 : vector<16xi32> to vector<16xi32>
    tpu.vector_store %arg9[%swap3A_195], %swap3A_198 {strides = array<i32>} : memref<80xi32, #tpu.memory_space<vmem>>, vector<16xi32>,
    %get3A_199 = arith.constant 2 : i32
    %get3A_200 = arith.index_cast %get3A_199 : i32 to index
    %get3A_201 = arith.constant 32 : index
    %get3A_202 = tpu.vector_load %arg6[%get3A_200, %get3A_201] {strides = array<i32>} : memref<250x80xi32, #tpu.memory_space<vmem>>, vector<1x16xi32>,
    %get3A_203 = vector.shape_cast %get3A_202 : vector<1x16xi32> to vector<16xi32>
    %mul3A_204 = arith.constant 2 : i32
    %mul3A_205 = vector.broadcast %mul3A_204 : i32 to vector<16xi32>
    %mul3A_206 = arith.muli %get3A_203, %mul3A_205 : vector<16xi32>
    %add3A_207 = vector.broadcast %arg0 : i32 to vector<16xi32>
    %add3A_208 = arith.addi %mul3A_206, %add3A_207 : vector<16xi32>
    %swap3A_209 = arith.constant 32 : index
    %swap3A_210 = tpu.vector_load %arg9[%swap3A_209] {strides = array<i32>} : memref<80xi32, #tpu.memory_space<vmem>>, vector<16xi32>,
    %swap3A_211 = vector.shape_cast %swap3A_210 : vector<16xi32> to vector<16xi32>
    %swap3A_212 = vector.shape_cast %add3A_208 : vector<16xi32> to vector<16xi32>
    tpu.vector_store %arg9[%swap3A_209], %swap3A_212 {strides = array<i32>} : memref<80xi32, #tpu.memory_space<vmem>>, vector<16xi32>,
    %get3A_213 = arith.constant 2 : i32
    %get3A_214 = arith.index_cast %get3A_213 : i32 to index
    %get3A_215 = arith.constant 48 : index
    %get3A_216 = tpu.vector_load %arg6[%get3A_214, %get3A_215] {strides = array<i32>} : memref<250x80xi32, #tpu.memory_space<vmem>>, vector<1x16xi32>,
    %get3A_217 = vector.shape_cast %get3A_216 : vector<1x16xi32> to vector<16xi32>
    %mul3A_218 = arith.constant 2 : i32
    %mul3A_219 = vector.broadcast %mul3A_218 : i32 to vector<16xi32>
    %mul3A_220 = arith.muli %get3A_217, %mul3A_219 : vector<16xi32>
    %add3A_221 = vector.broadcast %arg0 : i32 to vector<16xi32>
    %add3A_222 = arith.addi %mul3A_220, %add3A_221 : vector<16xi32>
    %swap3A_223 = arith.constant 48 : index
    %swap3A_224 = tpu.vector_load %arg9[%swap3A_223] {strides = array<i32>} : memref<80xi32, #tpu.memory_space<vmem>>, vector<16xi32>,
    %swap3A_225 = vector.shape_cast %swap3A_224 : vector<16xi32> to vector<16xi32>
    %swap3A_226 = vector.shape_cast %add3A_222 : vector<16xi32> to vector<16xi32>
    tpu.vector_store %arg9[%swap3A_223], %swap3A_226 {strides = array<i32>} : memref<80xi32, #tpu.memory_space<vmem>>, vector<16xi32>,
    %get3A_227 = arith.constant 2 : i32
    %get3A_228 = arith.index_cast %get3A_227 : i32 to index
    %get3A_229 = arith.constant 64 : index
    %get3A_230 = tpu.vector_load %arg6[%get3A_228, %get3A_229] {strides = array<i32>} : memref<250x80xi32, #tpu.memory_space<vmem>>, vector<1x16xi32>,
    %get3A_231 = vector.shape_cast %get3A_230 : vector<1x16xi32> to vector<16xi32>
    %mul3A_232 = arith.constant 2 : i32
    %mul3A_233 = vector.broadcast %mul3A_232 : i32 to vector<16xi32>
    %mul3A_234 = arith.muli %get3A_231, %mul3A_233 : vector<16xi32>
    %add3A_235 = vector.broadcast %arg0 : i32 to vector<16xi32>
    %add3A_236 = arith.addi %mul3A_234, %add3A_235 : vector<16xi32>
    %swap3A_237 = arith.constant 64 : index
    %swap3A_238 = tpu.vector_load %arg9[%swap3A_237] {strides = array<i32>} : memref<80xi32, #tpu.memory_space<vmem>>, vector<16xi32>,
    %swap3A_239 = vector.shape_cast %swap3A_238 : vector<16xi32> to vector<16xi32>
    %swap3A_240 = vector.shape_cast %add3A_236 : vector<16xi32> to vector<16xi32>
    tpu.vector_store %arg9[%swap3A_237], %swap3A_240 {strides = array<i32>} : memref<80xi32, #tpu.memory_space<vmem>>, vector<16xi32>,
    %dma_start3A_241 = arith.constant 0 : i32
    %dma_start3A_242 = arith.constant 0 : i32
    %dma_start3A_243 = tpu.memref_slice %arg2[%dma_start3A_241, %dma_start3A_242] : memref<20000x64xf32, #tpu.memory_space<hbm>> -> memref<20000x64xf32, #tpu.memory_space<hbm>>
    tpu.enqueue_indirect_dma source(%dma_start3A_243 : memref<20000x64xf32, #tpu.memory_space<hbm>>) target(%arg19 : memref<80x64xf32, #tpu.memory_space<vmem>>) offsets(%arg9 : memref<80xi32, #tpu.memory_space<vmem>>) semaphore(%arg26 : memref<!tpu.dma_semaphore, #tpu.memory_space<semaphore_mem>>)
    %dma_start3A_244 = arith.constant 3 : i32
    %dma_start3A_245 = arith.constant 0 : i32
    %dma_start3A_246 = tpu.memref_slice %arg4[%arg1, %dma_start3A_244, %dma_start3A_245] : memref<16x250x80xi32, #tpu.memory_space<hbm>> -> memref<1x1x80xi32, #tpu.memory_space<hbm>>
    %dma_start3A_247 = tpu.memref_squeeze %dma_start3A_246 : memref<1x1x80xi32, #tpu.memory_space<hbm>> -> memref<80xi32, #tpu.memory_space<hbm>>
    %dma_start3A_248 = arith.constant 0 : i32
    %dma_start3A_249 = tpu.memref_slice %arg4[%arg1, %dma_start3A_244, %dma_start3A_248] : memref<16x250x80xi32, #tpu.memory_space<hbm>> -> memref<1x1x80xi32, #tpu.memory_space<hbm>>
    %dma_start3A_250 = tpu.memref_squeeze %dma_start3A_249 : memref<1x1x80xi32, #tpu.memory_space<hbm>> -> memref<80xi32, #tpu.memory_space<hbm>>
    tpu.enqueue_dma source(%dma_start3A_250 : memref<80xi32, #tpu.memory_space<hbm>>) target(%arg15 : memref<80xi32, #tpu.memory_space<vmem>>) target_semaphore(%arg32 : memref<!tpu.dma_semaphore, #tpu.memory_space<semaphore_mem>>)
    %get3A_251 = arith.constant 3 : i32
    %get3A_252 = arith.index_cast %get3A_251 : i32 to index
    %get3A_253 = arith.constant 0 : index
    %get3A_254 = tpu.vector_load %arg6[%get3A_252, %get3A_253] {strides = array<i32>} : memref<250x80xi32, #tpu.memory_space<vmem>>, vector<1x16xi32>,
    %get3A_255 = vector.shape_cast %get3A_254 : vector<1x16xi32> to vector<16xi32>
    %mul3A_256 = arith.constant 2 : i32
    %mul3A_257 = vector.broadcast %mul3A_256 : i32 to vector<16xi32>
    %mul3A_258 = arith.muli %get3A_255, %mul3A_257 : vector<16xi32>
    %add3A_259 = vector.broadcast %arg0 : i32 to vector<16xi32>
    %add3A_260 = arith.addi %mul3A_258, %add3A_259 : vector<16xi32>
    %swap3A_261 = arith.constant 0 : index
    %swap3A_262 = tpu.vector_load %arg10[%swap3A_261] {strides = array<i32>} : memref<80xi32, #tpu.memory_space<vmem>>, vector<16xi32>,
    %swap3A_263 = vector.shape_cast %swap3A_262 : vector<16xi32> to vector<16xi32>
    %swap3A_264 = vector.shape_cast %add3A_260 : vector<16xi32> to vector<16xi32>
    tpu.vector_store %arg10[%swap3A_261], %swap3A_264 {strides = array<i32>} : memref<80xi32, #tpu.memory_space<vmem>>, vector<16xi32>,
    %get3A_265 = arith.constant 3 : i32
    %get3A_266 = arith.index_cast %get3A_265 : i32 to index
    %get3A_267 = arith.constant 16 : index
    %get3A_268 = tpu.vector_load %arg6[%get3A_266, %get3A_267] {strides = array<i32>} : memref<250x80xi32, #tpu.memory_space<vmem>>, vector<1x16xi32>,
    %get3A_269 = vector.shape_cast %get3A_268 : vector<1x16xi32> to vector<16xi32>
    %mul3A_270 = arith.constant 2 : i32
    %mul3A_271 = vector.broadcast %mul3A_270 : i32 to vector<16xi32>
    %mul3A_272 = arith.muli %get3A_269, %mul3A_271 : vector<16xi32>
    %add3A_273 = vector.broadcast %arg0 : i32 to vector<16xi32>
    %add3A_274 = arith.addi %mul3A_272, %add3A_273 : vector<16xi32>
    %swap3A_275 = arith.constant 16 : index
    %swap3A_276 = tpu.vector_load %arg10[%swap3A_275] {strides = array<i32>} : memref<80xi32, #tpu.memory_space<vmem>>, vector<16xi32>,
    %swap3A_277 = vector.shape_cast %swap3A_276 : vector<16xi32> to vector<16xi32>
    %swap3A_278 = vector.shape_cast %add3A_274 : vector<16xi32> to vector<16xi32>
    tpu.vector_store %arg10[%swap3A_275], %swap3A_278 {strides = array<i32>} : memref<80xi32, #tpu.memory_space<vmem>>, vector<16xi32>,
    %get3A_279 = arith.constant 3 : i32
    %get3A_280 = arith.index_cast %get3A_279 : i32 to index
    %get3A_281 = arith.constant 32 : index
    %get3A_282 = tpu.vector_load %arg6[%get3A_280, %get3A_281] {strides = array<i32>} : memref<250x80xi32, #tpu.memory_space<vmem>>, vector<1x16xi32>,
    %get3A_283 = vector.shape_cast %get3A_282 : vector<1x16xi32> to vector<16xi32>
    %mul3A_284 = arith.constant 2 : i32
    %mul3A_285 = vector.broadcast %mul3A_284 : i32 to vector<16xi32>
    %mul3A_286 = arith.muli %get3A_283, %mul3A_285 : vector<16xi32>
    %add3A_287 = vector.broadcast %arg0 : i32 to vector<16xi32>
    %add3A_288 = arith.addi %mul3A_286, %add3A_287 : vector<16xi32>
    %swap3A_289 = arith.constant 32 : index
    %swap3A_290 = tpu.vector_load %arg10[%swap3A_289] {strides = array<i32>} : memref<80xi32, #tpu.memory_space<vmem>>, vector<16xi32>,
    %swap3A_291 = vector.shape_cast %swap3A_290 : vector<16xi32> to vector<16xi32>
    %swap3A_292 = vector.shape_cast %add3A_288 : vector<16xi32> to vector<16xi32>
    tpu.vector_store %arg10[%swap3A_289], %swap3A_292 {strides = array<i32>} : memref<80xi32, #tpu.memory_space<vmem>>, vector<16xi32>,
    %get3A_293 = arith.constant 3 : i32
    %get3A_294 = arith.index_cast %get3A_293 : i32 to index
    %get3A_295 = arith.constant 48 : index
    %get3A_296 = tpu.vector_load %arg6[%get3A_294, %get3A_295] {strides = array<i32>} : memref<250x80xi32, #tpu.memory_space<vmem>>, vector<1x16xi32>,
    %get3A_297 = vector.shape_cast %get3A_296 : vector<1x16xi32> to vector<16xi32>
    %mul3A_298 = arith.constant 2 : i32
    %mul3A_299 = vector.broadcast %mul3A_298 : i32 to vector<16xi32>
    %mul3A_300 = arith.muli %get3A_297, %mul3A_299 : vector<16xi32>
    %add3A_301 = vector.broadcast %arg0 : i32 to vector<16xi32>
    %add3A_302 = arith.addi %mul3A_300, %add3A_301 : vector<16xi32>
    %swap3A_303 = arith.constant 48 : index
    %swap3A_304 = tpu.vector_load %arg10[%swap3A_303] {strides = array<i32>} : memref<80xi32, #tpu.memory_space<vmem>>, vector<16xi32>,
    %swap3A_305 = vector.shape_cast %swap3A_304 : vector<16xi32> to vector<16xi32>
    %swap3A_306 = vector.shape_cast %add3A_302 : vector<16xi32> to vector<16xi32>
    tpu.vector_store %arg10[%swap3A_303], %swap3A_306 {strides = array<i32>} : memref<80xi32, #tpu.memory_space<vmem>>, vector<16xi32>,
    %get3A_307 = arith.constant 3 : i32
    %get3A_308 = arith.index_cast %get3A_307 : i32 to index
    %get3A_309 = arith.constant 64 : index
    %get3A_310 = tpu.vector_load %arg6[%get3A_308, %get3A_309] {strides = array<i32>} : memref<250x80xi32, #tpu.memory_space<vmem>>, vector<1x16xi32>,
    %get3A_311 = vector.shape_cast %get3A_310 : vector<1x16xi32> to vector<16xi32>
    %mul3A_312 = arith.constant 2 : i32
    %mul3A_313 = vector.broadcast %mul3A_312 : i32 to vector<16xi32>
    %mul3A_314 = arith.muli %get3A_311, %mul3A_313 : vector<16xi32>
    %add3A_315 = vector.broadcast %arg0 : i32 to vector<16xi32>
    %add3A_316 = arith.addi %mul3A_314, %add3A_315 : vector<16xi32>
    %swap3A_317 = arith.constant 64 : index
    %swap3A_318 = tpu.vector_load %arg10[%swap3A_317] {strides = array<i32>} : memref<80xi32, #tpu.memory_space<vmem>>, vector<16xi32>,
    %swap3A_319 = vector.shape_cast %swap3A_318 : vector<16xi32> to vector<16xi32>
    %swap3A_320 = vector.shape_cast %add3A_316 : vector<16xi32> to vector<16xi32>
    tpu.vector_store %arg10[%swap3A_317], %swap3A_320 {strides = array<i32>} : memref<80xi32, #tpu.memory_space<vmem>>, vector<16xi32>,
    %dma_start3A_321 = arith.constant 0 : i32
    %dma_start3A_322 = arith.constant 0 : i32
    %dma_start3A_323 = tpu.memref_slice %arg2[%dma_start3A_321, %dma_start3A_322] : memref<20000x64xf32, #tpu.memory_space<hbm>> -> memref<20000x64xf32, #tpu.memory_space<hbm>>
    tpu.enqueue_indirect_dma source(%dma_start3A_323 : memref<20000x64xf32, #tpu.memory_space<hbm>>) target(%arg20 : memref<80x64xf32, #tpu.memory_space<vmem>>) offsets(%arg10 : memref<80xi32, #tpu.memory_space<vmem>>) semaphore(%arg27 : memref<!tpu.dma_semaphore, #tpu.memory_space<semaphore_mem>>)
    %dma_start3A_324 = arith.constant 4 : i32
    %dma_start3A_325 = arith.constant 0 : i32
    %dma_start3A_326 = tpu.memref_slice %arg4[%arg1, %dma_start3A_324, %dma_start3A_325] : memref<16x250x80xi32, #tpu.memory_space<hbm>> -> memref<1x1x80xi32, #tpu.memory_space<hbm>>
    %dma_start3A_327 = tpu.memref_squeeze %dma_start3A_326 : memref<1x1x80xi32, #tpu.memory_space<hbm>> -> memref<80xi32, #tpu.memory_space<hbm>>
    %dma_start3A_328 = arith.constant 0 : i32
    %dma_start3A_329 = tpu.memref_slice %arg4[%arg1, %dma_start3A_324, %dma_start3A_328] : memref<16x250x80xi32, #tpu.memory_space<hbm>> -> memref<1x1x80xi32, #tpu.memory_space<hbm>>
    %dma_start3A_330 = tpu.memref_squeeze %dma_start3A_329 : memref<1x1x80xi32, #tpu.memory_space<hbm>> -> memref<80xi32, #tpu.memory_space<hbm>>
    tpu.enqueue_dma source(%dma_start3A_330 : memref<80xi32, #tpu.memory_space<hbm>>) target(%arg16 : memref<80xi32, #tpu.memory_space<vmem>>) target_semaphore(%arg33 : memref<!tpu.dma_semaphore, #tpu.memory_space<semaphore_mem>>)
    %get3A_331 = arith.constant 4 : i32
    %get3A_332 = arith.index_cast %get3A_331 : i32 to index
    %get3A_333 = arith.constant 0 : index
    %get3A_334 = tpu.vector_load %arg6[%get3A_332, %get3A_333] {strides = array<i32>} : memref<250x80xi32, #tpu.memory_space<vmem>>, vector<1x16xi32>,
    %get3A_335 = vector.shape_cast %get3A_334 : vector<1x16xi32> to vector<16xi32>
    %mul3A_336 = arith.constant 2 : i32
    %mul3A_337 = vector.broadcast %mul3A_336 : i32 to vector<16xi32>
    %mul3A_338 = arith.muli %get3A_335, %mul3A_337 : vector<16xi32>
    %add3A_339 = vector.broadcast %arg0 : i32 to vector<16xi32>
    %add3A_340 = arith.addi %mul3A_338, %add3A_339 : vector<16xi32>
    %swap3A_341 = arith.constant 0 : index
    %swap3A_342 = tpu.vector_load %arg11[%swap3A_341] {strides = array<i32>} : memref<80xi32, #tpu.memory_space<vmem>>, vector<16xi32>,
    %swap3A_343 = vector.shape_cast %swap3A_342 : vector<16xi32> to vector<16xi32>
    %swap3A_344 = vector.shape_cast %add3A_340 : vector<16xi32> to vector<16xi32>
    tpu.vector_store %arg11[%swap3A_341], %swap3A_344 {strides = array<i32>} : memref<80xi32, #tpu.memory_space<vmem>>, vector<16xi32>,
    %get3A_345 = arith.constant 4 : i32
    %get3A_346 = arith.index_cast %get3A_345 : i32 to index
    %get3A_347 = arith.constant 16 : index
    %get3A_348 = tpu.vector_load %arg6[%get3A_346, %get3A_347] {strides = array<i32>} : memref<250x80xi32, #tpu.memory_space<vmem>>, vector<1x16xi32>,
    %get3A_349 = vector.shape_cast %get3A_348 : vector<1x16xi32> to vector<16xi32>
    %mul3A_350 = arith.constant 2 : i32
    %mul3A_351 = vector.broadcast %mul3A_350 : i32 to vector<16xi32>
    %mul3A_352 = arith.muli %get3A_349, %mul3A_351 : vector<16xi32>
    %add3A_353 = vector.broadcast %arg0 : i32 to vector<16xi32>
    %add3A_354 = arith.addi %mul3A_352, %add3A_353 : vector<16xi32>
    %swap3A_355 = arith.constant 16 : index
    %swap3A_356 = tpu.vector_load %arg11[%swap3A_355] {strides = array<i32>} : memref<80xi32, #tpu.memory_space<vmem>>, vector<16xi32>,
    %swap3A_357 = vector.shape_cast %swap3A_356 : vector<16xi32> to vector<16xi32>
    %swap3A_358 = vector.shape_cast %add3A_354 : vector<16xi32> to vector<16xi32>
    tpu.vector_store %arg11[%swap3A_355], %swap3A_358 {strides = array<i32>} : memref<80xi32, #tpu.memory_space<vmem>>, vector<16xi32>,
    %get3A_359 = arith.constant 4 : i32
    %get3A_360 = arith.index_cast %get3A_359 : i32 to index
    %get3A_361 = arith.constant 32 : index
    %get3A_362 = tpu.vector_load %arg6[%get3A_360, %get3A_361] {strides = array<i32>} : memref<250x80xi32, #tpu.memory_space<vmem>>, vector<1x16xi32>,
    %get3A_363 = vector.shape_cast %get3A_362 : vector<1x16xi32> to vector<16xi32>
    %mul3A_364 = arith.constant 2 : i32
    %mul3A_365 = vector.broadcast %mul3A_364 : i32 to vector<16xi32>
    %mul3A_366 = arith.muli %get3A_363, %mul3A_365 : vector<16xi32>
    %add3A_367 = vector.broadcast %arg0 : i32 to vector<16xi32>
    %add3A_368 = arith.addi %mul3A_366, %add3A_367 : vector<16xi32>
    %swap3A_369 = arith.constant 32 : index
    %swap3A_370 = tpu.vector_load %arg11[%swap3A_369] {strides = array<i32>} : memref<80xi32, #tpu.memory_space<vmem>>, vector<16xi32>,
    %swap3A_371 = vector.shape_cast %swap3A_370 : vector<16xi32> to vector<16xi32>
    %swap3A_372 = vector.shape_cast %add3A_368 : vector<16xi32> to vector<16xi32>
    tpu.vector_store %arg11[%swap3A_369], %swap3A_372 {strides = array<i32>} : memref<80xi32, #tpu.memory_space<vmem>>, vector<16xi32>,
    %get3A_373 = arith.constant 4 : i32
    %get3A_374 = arith.index_cast %get3A_373 : i32 to index
    %get3A_375 = arith.constant 48 : index
    %get3A_376 = tpu.vector_load %arg6[%get3A_374, %get3A_375] {strides = array<i32>} : memref<250x80xi32, #tpu.memory_space<vmem>>, vector<1x16xi32>,
    %get3A_377 = vector.shape_cast %get3A_376 : vector<1x16xi32> to vector<16xi32>
    %mul3A_378 = arith.constant 2 : i32
    %mul3A_379 = vector.broadcast %mul3A_378 : i32 to vector<16xi32>
    %mul3A_380 = arith.muli %get3A_377, %mul3A_379 : vector<16xi32>
    %add3A_381 = vector.broadcast %arg0 : i32 to vector<16xi32>
    %add3A_382 = arith.addi %mul3A_380, %add3A_381 : vector<16xi32>
    %swap3A_383 = arith.constant 48 : index
    %swap3A_384 = tpu.vector_load %arg11[%swap3A_383] {strides = array<i32>} : memref<80xi32, #tpu.memory_space<vmem>>, vector<16xi32>,
    %swap3A_385 = vector.shape_cast %swap3A_384 : vector<16xi32> to vector<16xi32>
    %swap3A_386 = vector.shape_cast %add3A_382 : vector<16xi32> to vector<16xi32>
    tpu.vector_store %arg11[%swap3A_383], %swap3A_386 {strides = array<i32>} : memref<80xi32, #tpu.memory_space<vmem>>, vector<16xi32>,
    %get3A_387 = arith.constant 4 : i32
    %get3A_388 = arith.index_cast %get3A_387 : i32 to index
    %get3A_389 = arith.constant 64 : index
    %get3A_390 = tpu.vector_load %arg6[%get3A_388, %get3A_389] {strides = array<i32>} : memref<250x80xi32, #tpu.memory_space<vmem>>, vector<1x16xi32>,
    %get3A_391 = vector.shape_cast %get3A_390 : vector<1x16xi32> to vector<16xi32>
    %mul3A_392 = arith.constant 2 : i32
    %mul3A_393 = vector.broadcast %mul3A_392 : i32 to vector<16xi32>
    %mul3A_394 = arith.muli %get3A_391, %mul3A_393 : vector<16xi32>
    %add3A_395 = vector.broadcast %arg0 : i32 to vector<16xi32>
    %add3A_396 = arith.addi %mul3A_394, %add3A_395 : vector<16xi32>
    %swap3A_397 = arith.constant 64 : index
    %swap3A_398 = tpu.vector_load %arg11[%swap3A_397] {strides = array<i32>} : memref<80xi32, #tpu.memory_space<vmem>>, vector<16xi32>,
    %swap3A_399 = vector.shape_cast %swap3A_398 : vector<16xi32> to vector<16xi32>
    %swap3A_400 = vector.shape_cast %add3A_396 : vector<16xi32> to vector<16xi32>
    tpu.vector_store %arg11[%swap3A_397], %swap3A_400 {strides = array<i32>} : memref<80xi32, #tpu.memory_space<vmem>>, vector<16xi32>,
    %dma_start3A_401 = arith.constant 0 : i32
    %dma_start3A_402 = arith.constant 0 : i32
    %dma_start3A_403 = tpu.memref_slice %arg2[%dma_start3A_401, %dma_start3A_402] : memref<20000x64xf32, #tpu.memory_space<hbm>> -> memref<20000x64xf32, #tpu.memory_space<hbm>>
    tpu.enqueue_indirect_dma source(%dma_start3A_403 : memref<20000x64xf32, #tpu.memory_space<hbm>>) target(%arg21 : memref<80x64xf32, #tpu.memory_space<vmem>>) offsets(%arg11 : memref<80xi32, #tpu.memory_space<vmem>>) semaphore(%arg28 : memref<!tpu.dma_semaphore, #tpu.memory_space<semaphore_mem>>)
    %scan3A_404 = arith.constant 0 : i32
    %scan3A_405 = arith.constant 50 : i32
    %scan3A_406 = arith.addi %scan3A_404, %scan3A_405 : i32
    %scan3A_407 = arith.constant 1 : i32
    scf.for %scan3A_414 = %scan3A_404 to %scan3A_406 step %scan3A_407  : i32 {
      %mul3A_415 = arith.constant 5 : i32
      %mul3A_416 = arith.muli %scan3A_414, %mul3A_415 : i32
      %add3A_417 = arith.constant 0 : i32
      %add3A_418 = arith.addi %add3A_417, %mul3A_416 : i32
      %dma_wait3A = arith.constant 0 : i32
      %dma_wait3A_419 = arith.constant 0 : i32
      %dma_wait3A_420 = tpu.memref_slice %arg4[%arg1, %dma_wait3A, %dma_wait3A_419] : memref<16x250x80xi32, #tpu.memory_space<hbm>> -> memref<1x1x80xi32, #tpu.memory_space<hbm>>
      %dma_wait3A_421 = tpu.memref_squeeze %dma_wait3A_420 : memref<1x1x80xi32, #tpu.memory_space<hbm>> -> memref<80xi32, #tpu.memory_space<hbm>>
      %dma_wait3A_422 = arith.constant 0 : i32
      %dma_wait3A_423 = tpu.memref_slice %arg4[%arg1, %dma_wait3A, %dma_wait3A_422] : memref<16x250x80xi32, #tpu.memory_space<hbm>> -> memref<1x1x80xi32, #tpu.memory_space<hbm>>
      %dma_wait3A_424 = tpu.memref_squeeze %dma_wait3A_423 : memref<1x1x80xi32, #tpu.memory_space<hbm>> -> memref<80xi32, #tpu.memory_space<hbm>>
      tpu.wait_dma2 semaphore(%arg29 : memref<!tpu.dma_semaphore, #tpu.memory_space<semaphore_mem>>) src(%dma_wait3A_424 : memref<80xi32, #tpu.memory_space<hbm>>) dst(%arg12 : memref<80xi32, #tpu.memory_space<vmem>>)
      %dma_wait3A_425 = arith.constant 0 : i32
      %dma_wait3A_426 = arith.constant 0 : i32
      %dma_wait3A_427 = tpu.memref_slice %arg2[%dma_wait3A_425, %dma_wait3A_426] : memref<20000x64xf32, #tpu.memory_space<hbm>> -> memref<20000x64xf32, #tpu.memory_space<hbm>>
      tpu.wait_indirect_dma semaphore(%arg24 : memref<!tpu.dma_semaphore, #tpu.memory_space<semaphore_mem>>) src(%dma_wait3A_427 : memref<20000x64xf32, #tpu.memory_space<hbm>>) dst(%arg17 : memref<80x64xf32, #tpu.memory_space<vmem>>)
      "tpu.region"() ({
        %run_scoped3A = tpu.sem_alloc : memref<!tpu.dma_semaphore, #tpu.memory_space<semaphore_mem>>
        %dma_start3A_490 = arith.constant 0 : i32
        %dma_start3A_491 = arith.constant 0 : i32
        %dma_start3A_492 = tpu.memref_slice %arg23[%dma_start3A_490, %dma_start3A_491] : memref<10128x64xf32, #tpu.memory_space<vmem_shared>> -> memref<10128x64xf32, #tpu.memory_space<vmem_shared>>
        tpu.enqueue_indirect_dma source(%arg17 : memref<80x64xf32, #tpu.memory_space<vmem>>) target(%dma_start3A_492 : memref<10128x64xf32, #tpu.memory_space<vmem_shared>>) offsets(%arg12 : memref<80xi32, #tpu.memory_space<vmem>>) semaphore(%run_scoped3A : memref<!tpu.dma_semaphore, #tpu.memory_space<semaphore_mem>>) {add = true}
        %dma_wait3A_493 = arith.constant 0 : i32
        %dma_wait3A_494 = arith.constant 0 : i32
        %dma_wait3A_495 = tpu.memref_slice %arg23[%dma_wait3A_493, %dma_wait3A_494] : memref<10128x64xf32, #tpu.memory_space<vmem_shared>> -> memref<10128x64xf32, #tpu.memory_space<vmem_shared>>
        tpu.wait_indirect_dma semaphore(%run_scoped3A : memref<!tpu.dma_semaphore, #tpu.memory_space<semaphore_mem>>) src(%arg17 : memref<80x64xf32, #tpu.memory_space<vmem>>) dst(%dma_wait3A_495 : memref<10128x64xf32, #tpu.memory_space<vmem_shared>>)
        tpu.yield
      }) : () -> ()
      %lt3A = arith.constant 245 : i32
      %lt3A_428 = arith.cmpi slt, %add3A_418, %lt3A : i32
      %convert_element_type3A = arith.extui %lt3A_428 : i1 to i32
      %cond3A = arith.constant 0 : i32
      %cond3A_429 = arith.cmpi ne, %convert_element_type3A, %cond3A : i32
      scf.if %cond3A_429 {
        %add3A_490 = arith.constant 5 : i32
        %add3A_491 = arith.addi %add3A_418, %add3A_490 : i32
        %add3A_492 = arith.constant 0 : i32
        %add3A_493 = arith.addi %add3A_491, %add3A_492 : i32
        %dma_start3A_494 = arith.constant 0 : i32
        %dma_start3A_495 = tpu.memref_slice %arg4[%arg1, %add3A_493, %dma_start3A_494] : memref<16x250x80xi32, #tpu.memory_space<hbm>> -> memref<1x1x80xi32, #tpu.memory_space<hbm>>
        %dma_start3A_496 = tpu.memref_squeeze %dma_start3A_495 : memref<1x1x80xi32, #tpu.memory_space<hbm>> -> memref<80xi32, #tpu.memory_space<hbm>>
        %dma_start3A_497 = arith.constant 0 : i32
        %dma_start3A_498 = tpu.memref_slice %arg4[%arg1, %add3A_493, %dma_start3A_497] : memref<16x250x80xi32, #tpu.memory_space<hbm>> -> memref<1x1x80xi32, #tpu.memory_space<hbm>>
        %dma_start3A_499 = tpu.memref_squeeze %dma_start3A_498 : memref<1x1x80xi32, #tpu.memory_space<hbm>> -> memref<80xi32, #tpu.memory_space<hbm>>
        tpu.enqueue_dma source(%dma_start3A_499 : memref<80xi32, #tpu.memory_space<hbm>>) target(%arg12 : memref<80xi32, #tpu.memory_space<vmem>>) target_semaphore(%arg29 : memref<!tpu.dma_semaphore, #tpu.memory_space<semaphore_mem>>)
        %get3A_500 = arith.index_cast %add3A_493 : i32 to index
        %get3A_501 = arith.constant 0 : index
        %get3A_502 = tpu.vector_load %arg6[%get3A_500, %get3A_501] {strides = array<i32>} : memref<250x80xi32, #tpu.memory_space<vmem>>, vector<1x16xi32>,
        %get3A_503 = vector.shape_cast %get3A_502 : vector<1x16xi32> to vector<16xi32>
        %mul3A_504 = arith.constant 2 : i32
        %mul3A_505 = vector.broadcast %mul3A_504 : i32 to vector<16xi32>
        %mul3A_506 = arith.muli %get3A_503, %mul3A_505 : vector<16xi32>
        %add3A_507 = vector.broadcast %arg0 : i32 to vector<16xi32>
        %add3A_508 = arith.addi %mul3A_506, %add3A_507 : vector<16xi32>
        %swap3A_509 = arith.constant 0 : index
        %swap3A_510 = tpu.vector_load %arg7[%swap3A_509] {strides = array<i32>} : memref<80xi32, #tpu.memory_space<vmem>>, vector<16xi32>,
        %swap3A_511 = vector.shape_cast %swap3A_510 : vector<16xi32> to vector<16xi32>
        %swap3A_512 = vector.shape_cast %add3A_508 : vector<16xi32> to vector<16xi32>
        tpu.vector_store %arg7[%swap3A_509], %swap3A_512 {strides = array<i32>} : memref<80xi32, #tpu.memory_space<vmem>>, vector<16xi32>,
        %get3A_513 = arith.index_cast %add3A_493 : i32 to index
        %get3A_514 = arith.constant 16 : index
        %get3A_515 = tpu.vector_load %arg6[%get3A_513, %get3A_514] {strides = array<i32>} : memref<250x80xi32, #tpu.memory_space<vmem>>, vector<1x16xi32>,
        %get3A_516 = vector.shape_cast %get3A_515 : vector<1x16xi32> to vector<16xi32>
        %mul3A_517 = arith.constant 2 : i32
        %mul3A_518 = vector.broadcast %mul3A_517 : i32 to vector<16xi32>
        %mul3A_519 = arith.muli %get3A_516, %mul3A_518 : vector<16xi32>
        %add3A_520 = vector.broadcast %arg0 : i32 to vector<16xi32>
        %add3A_521 = arith.addi %mul3A_519, %add3A_520 : vector<16xi32>
        %swap3A_522 = arith.constant 16 : index
        %swap3A_523 = tpu.vector_load %arg7[%swap3A_522] {strides = array<i32>} : memref<80xi32, #tpu.memory_space<vmem>>, vector<16xi32>,
        %swap3A_524 = vector.shape_cast %swap3A_523 : vector<16xi32> to vector<16xi32>
        %swap3A_525 = vector.shape_cast %add3A_521 : vector<16xi32> to vector<16xi32>
        tpu.vector_store %arg7[%swap3A_522], %swap3A_525 {strides = array<i32>} : memref<80xi32, #tpu.memory_space<vmem>>, vector<16xi32>,
        %get3A_526 = arith.index_cast %add3A_493 : i32 to index
        %get3A_527 = arith.constant 32 : index
        %get3A_528 = tpu.vector_load %arg6[%get3A_526, %get3A_527] {strides = array<i32>} : memref<250x80xi32, #tpu.memory_space<vmem>>, vector<1x16xi32>,
        %get3A_529 = vector.shape_cast %get3A_528 : vector<1x16xi32> to vector<16xi32>
        %mul3A_530 = arith.constant 2 : i32
        %mul3A_531 = vector.broadcast %mul3A_530 : i32 to vector<16xi32>
        %mul3A_532 = arith.muli %get3A_529, %mul3A_531 : vector<16xi32>
        %add3A_533 = vector.broadcast %arg0 : i32 to vector<16xi32>
        %add3A_534 = arith.addi %mul3A_532, %add3A_533 : vector<16xi32>
        %swap3A_535 = arith.constant 32 : index
        %swap3A_536 = tpu.vector_load %arg7[%swap3A_535] {strides = array<i32>} : memref<80xi32, #tpu.memory_space<vmem>>, vector<16xi32>,
        %swap3A_537 = vector.shape_cast %swap3A_536 : vector<16xi32> to vector<16xi32>
        %swap3A_538 = vector.shape_cast %add3A_534 : vector<16xi32> to vector<16xi32>
        tpu.vector_store %arg7[%swap3A_535], %swap3A_538 {strides = array<i32>} : memref<80xi32, #tpu.memory_space<vmem>>, vector<16xi32>,
        %get3A_539 = arith.index_cast %add3A_493 : i32 to index
        %get3A_540 = arith.constant 48 : index
        %get3A_541 = tpu.vector_load %arg6[%get3A_539, %get3A_540] {strides = array<i32>} : memref<250x80xi32, #tpu.memory_space<vmem>>, vector<1x16xi32>,
        %get3A_542 = vector.shape_cast %get3A_541 : vector<1x16xi32> to vector<16xi32>
        %mul3A_543 = arith.constant 2 : i32
        %mul3A_544 = vector.broadcast %mul3A_543 : i32 to vector<16xi32>
        %mul3A_545 = arith.muli %get3A_542, %mul3A_544 : vector<16xi32>
        %add3A_546 = vector.broadcast %arg0 : i32 to vector<16xi32>
        %add3A_547 = arith.addi %mul3A_545, %add3A_546 : vector<16xi32>
        %swap3A_548 = arith.constant 48 : index
        %swap3A_549 = tpu.vector_load %arg7[%swap3A_548] {strides = array<i32>} : memref<80xi32, #tpu.memory_space<vmem>>, vector<16xi32>,
        %swap3A_550 = vector.shape_cast %swap3A_549 : vector<16xi32> to vector<16xi32>
        %swap3A_551 = vector.shape_cast %add3A_547 : vector<16xi32> to vector<16xi32>
        tpu.vector_store %arg7[%swap3A_548], %swap3A_551 {strides = array<i32>} : memref<80xi32, #tpu.memory_space<vmem>>, vector<16xi32>,
        %get3A_552 = arith.index_cast %add3A_493 : i32 to index
        %get3A_553 = arith.constant 64 : index
        %get3A_554 = tpu.vector_load %arg6[%get3A_552, %get3A_553] {strides = array<i32>} : memref<250x80xi32, #tpu.memory_space<vmem>>, vector<1x16xi32>,
        %get3A_555 = vector.shape_cast %get3A_554 : vector<1x16xi32> to vector<16xi32>
        %mul3A_556 = arith.constant 2 : i32
        %mul3A_557 = vector.broadcast %mul3A_556 : i32 to vector<16xi32>
        %mul3A_558 = arith.muli %get3A_555, %mul3A_557 : vector<16xi32>
        %add3A_559 = vector.broadcast %arg0 : i32 to vector<16xi32>
        %add3A_560 = arith.addi %mul3A_558, %add3A_559 : vector<16xi32>
        %swap3A_561 = arith.constant 64 : index
        %swap3A_562 = tpu.vector_load %arg7[%swap3A_561] {strides = array<i32>} : memref<80xi32, #tpu.memory_space<vmem>>, vector<16xi32>,
        %swap3A_563 = vector.shape_cast %swap3A_562 : vector<16xi32> to vector<16xi32>
        %swap3A_564 = vector.shape_cast %add3A_560 : vector<16xi32> to vector<16xi32>
        tpu.vector_store %arg7[%swap3A_561], %swap3A_564 {strides = array<i32>} : memref<80xi32, #tpu.memory_space<vmem>>, vector<16xi32>,
        %dma_start3A_565 = arith.constant 0 : i32
        %dma_start3A_566 = arith.constant 0 : i32
        %dma_start3A_567 = tpu.memref_slice %arg2[%dma_start3A_565, %dma_start3A_566] : memref<20000x64xf32, #tpu.memory_space<hbm>> -> memref<20000x64xf32, #tpu.memory_space<hbm>>
        tpu.enqueue_indirect_dma source(%dma_start3A_567 : memref<20000x64xf32, #tpu.memory_space<hbm>>) target(%arg17 : memref<80x64xf32, #tpu.memory_space<vmem>>) offsets(%arg7 : memref<80xi32, #tpu.memory_space<vmem>>) semaphore(%arg24 : memref<!tpu.dma_semaphore, #tpu.memory_space<semaphore_mem>>)
      } else {
      }
      %dma_wait3A_430 = arith.constant 0 : i32
      %dma_wait3A_431 = arith.constant 0 : i32
      %dma_wait3A_432 = tpu.memref_slice %arg4[%arg1, %dma_wait3A_430, %dma_wait3A_431] : memref<16x250x80xi32, #tpu.memory_space<hbm>> -> memref<1x1x80xi32, #tpu.memory_space<hbm>>
      %dma_wait3A_433 = tpu.memref_squeeze %dma_wait3A_432 : memref<1x1x80xi32, #tpu.memory_space<hbm>> -> memref<80xi32, #tpu.memory_space<hbm>>
      %dma_wait3A_434 = arith.constant 0 : i32
      %dma_wait3A_435 = tpu.memref_slice %arg4[%arg1, %dma_wait3A_430, %dma_wait3A_434] : memref<16x250x80xi32, #tpu.memory_space<hbm>> -> memref<1x1x80xi32, #tpu.memory_space<hbm>>
      %dma_wait3A_436 = tpu.memref_squeeze %dma_wait3A_435 : memref<1x1x80xi32, #tpu.memory_space<hbm>> -> memref<80xi32, #tpu.memory_space<hbm>>
      tpu.wait_dma2 semaphore(%arg30 : memref<!tpu.dma_semaphore, #tpu.memory_space<semaphore_mem>>) src(%dma_wait3A_436 : memref<80xi32, #tpu.memory_space<hbm>>) dst(%arg13 : memref<80xi32, #tpu.memory_space<vmem>>)
      %dma_wait3A_437 = arith.constant 0 : i32
      %dma_wait3A_438 = arith.constant 0 : i32
      %dma_wait3A_439 = tpu.memref_slice %arg2[%dma_wait3A_437, %dma_wait3A_438] : memref<20000x64xf32, #tpu.memory_space<hbm>> -> memref<20000x64xf32, #tpu.memory_space<hbm>>
      tpu.wait_indirect_dma semaphore(%arg25 : memref<!tpu.dma_semaphore, #tpu.memory_space<semaphore_mem>>) src(%dma_wait3A_439 : memref<20000x64xf32, #tpu.memory_space<hbm>>) dst(%arg18 : memref<80x64xf32, #tpu.memory_space<vmem>>)
      "tpu.region"() ({
        %run_scoped3A = tpu.sem_alloc : memref<!tpu.dma_semaphore, #tpu.memory_space<semaphore_mem>>
        %dma_start3A_490 = arith.constant 0 : i32
        %dma_start3A_491 = arith.constant 0 : i32
        %dma_start3A_492 = tpu.memref_slice %arg23[%dma_start3A_490, %dma_start3A_491] : memref<10128x64xf32, #tpu.memory_space<vmem_shared>> -> memref<10128x64xf32, #tpu.memory_space<vmem_shared>>
        tpu.enqueue_indirect_dma source(%arg18 : memref<80x64xf32, #tpu.memory_space<vmem>>) target(%dma_start3A_492 : memref<10128x64xf32, #tpu.memory_space<vmem_shared>>) offsets(%arg13 : memref<80xi32, #tpu.memory_space<vmem>>) semaphore(%run_scoped3A : memref<!tpu.dma_semaphore, #tpu.memory_space<semaphore_mem>>) {add = true}
        %dma_wait3A_493 = arith.constant 0 : i32
        %dma_wait3A_494 = arith.constant 0 : i32
        %dma_wait3A_495 = tpu.memref_slice %arg23[%dma_wait3A_493, %dma_wait3A_494] : memref<10128x64xf32, #tpu.memory_space<vmem_shared>> -> memref<10128x64xf32, #tpu.memory_space<vmem_shared>>
        tpu.wait_indirect_dma semaphore(%run_scoped3A : memref<!tpu.dma_semaphore, #tpu.memory_space<semaphore_mem>>) src(%arg18 : memref<80x64xf32, #tpu.memory_space<vmem>>) dst(%dma_wait3A_495 : memref<10128x64xf32, #tpu.memory_space<vmem_shared>>)
        tpu.yield
      }) : () -> ()
      %lt3A_440 = arith.constant 245 : i32
      %lt3A_441 = arith.cmpi slt, %add3A_418, %lt3A_440 : i32
      %convert_element_type3A_442 = arith.extui %lt3A_441 : i1 to i32
      %cond3A_443 = arith.constant 0 : i32
      %cond3A_444 = arith.cmpi ne, %convert_element_type3A_442, %cond3A_443 : i32
      scf.if %cond3A_444 {
        %add3A_490 = arith.constant 5 : i32
        %add3A_491 = arith.addi %add3A_418, %add3A_490 : i32
        %add3A_492 = arith.constant 1 : i32
        %add3A_493 = arith.addi %add3A_491, %add3A_492 : i32
        %dma_start3A_494 = arith.constant 0 : i32
        %dma_start3A_495 = tpu.memref_slice %arg4[%arg1, %add3A_493, %dma_start3A_494] : memref<16x250x80xi32, #tpu.memory_space<hbm>> -> memref<1x1x80xi32, #tpu.memory_space<hbm>>
        %dma_start3A_496 = tpu.memref_squeeze %dma_start3A_495 : memref<1x1x80xi32, #tpu.memory_space<hbm>> -> memref<80xi32, #tpu.memory_space<hbm>>
        %dma_start3A_497 = arith.constant 0 : i32
        %dma_start3A_498 = tpu.memref_slice %arg4[%arg1, %add3A_493, %dma_start3A_497] : memref<16x250x80xi32, #tpu.memory_space<hbm>> -> memref<1x1x80xi32, #tpu.memory_space<hbm>>
        %dma_start3A_499 = tpu.memref_squeeze %dma_start3A_498 : memref<1x1x80xi32, #tpu.memory_space<hbm>> -> memref<80xi32, #tpu.memory_space<hbm>>
        tpu.enqueue_dma source(%dma_start3A_499 : memref<80xi32, #tpu.memory_space<hbm>>) target(%arg13 : memref<80xi32, #tpu.memory_space<vmem>>) target_semaphore(%arg30 : memref<!tpu.dma_semaphore, #tpu.memory_space<semaphore_mem>>)
        %get3A_500 = arith.index_cast %add3A_493 : i32 to index
        %get3A_501 = arith.constant 0 : index
        %get3A_502 = tpu.vector_load %arg6[%get3A_500, %get3A_501] {strides = array<i32>} : memref<250x80xi32, #tpu.memory_space<vmem>>, vector<1x16xi32>,
        %get3A_503 = vector.shape_cast %get3A_502 : vector<1x16xi32> to vector<16xi32>
        %mul3A_504 = arith.constant 2 : i32
        %mul3A_505 = vector.broadcast %mul3A_504 : i32 to vector<16xi32>
        %mul3A_506 = arith.muli %get3A_503, %mul3A_505 : vector<16xi32>
        %add3A_507 = vector.broadcast %arg0 : i32 to vector<16xi32>
        %add3A_508 = arith.addi %mul3A_506, %add3A_507 : vector<16xi32>
        %swap3A_509 = arith.constant 0 : index
        %swap3A_510 = tpu.vector_load %arg8[%swap3A_509] {strides = array<i32>} : memref<80xi32, #tpu.memory_space<vmem>>, vector<16xi32>,
        %swap3A_511 = vector.shape_cast %swap3A_510 : vector<16xi32> to vector<16xi32>
        %swap3A_512 = vector.shape_cast %add3A_508 : vector<16xi32> to vector<16xi32>
        tpu.vector_store %arg8[%swap3A_509], %swap3A_512 {strides = array<i32>} : memref<80xi32, #tpu.memory_space<vmem>>, vector<16xi32>,
        %get3A_513 = arith.index_cast %add3A_493 : i32 to index
        %get3A_514 = arith.constant 16 : index
        %get3A_515 = tpu.vector_load %arg6[%get3A_513, %get3A_514] {strides = array<i32>} : memref<250x80xi32, #tpu.memory_space<vmem>>, vector<1x16xi32>,
        %get3A_516 = vector.shape_cast %get3A_515 : vector<1x16xi32> to vector<16xi32>
        %mul3A_517 = arith.constant 2 : i32
        %mul3A_518 = vector.broadcast %mul3A_517 : i32 to vector<16xi32>
        %mul3A_519 = arith.muli %get3A_516, %mul3A_518 : vector<16xi32>
        %add3A_520 = vector.broadcast %arg0 : i32 to vector<16xi32>
        %add3A_521 = arith.addi %mul3A_519, %add3A_520 : vector<16xi32>
        %swap3A_522 = arith.constant 16 : index
        %swap3A_523 = tpu.vector_load %arg8[%swap3A_522] {strides = array<i32>} : memref<80xi32, #tpu.memory_space<vmem>>, vector<16xi32>,
        %swap3A_524 = vector.shape_cast %swap3A_523 : vector<16xi32> to vector<16xi32>
        %swap3A_525 = vector.shape_cast %add3A_521 : vector<16xi32> to vector<16xi32>
        tpu.vector_store %arg8[%swap3A_522], %swap3A_525 {strides = array<i32>} : memref<80xi32, #tpu.memory_space<vmem>>, vector<16xi32>,
        %get3A_526 = arith.index_cast %add3A_493 : i32 to index
        %get3A_527 = arith.constant 32 : index
        %get3A_528 = tpu.vector_load %arg6[%get3A_526, %get3A_527] {strides = array<i32>} : memref<250x80xi32, #tpu.memory_space<vmem>>, vector<1x16xi32>,
        %get3A_529 = vector.shape_cast %get3A_528 : vector<1x16xi32> to vector<16xi32>
        %mul3A_530 = arith.constant 2 : i32
        %mul3A_531 = vector.broadcast %mul3A_530 : i32 to vector<16xi32>
        %mul3A_532 = arith.muli %get3A_529, %mul3A_531 : vector<16xi32>
        %add3A_533 = vector.broadcast %arg0 : i32 to vector<16xi32>
        %add3A_534 = arith.addi %mul3A_532, %add3A_533 : vector<16xi32>
        %swap3A_535 = arith.constant 32 : index
        %swap3A_536 = tpu.vector_load %arg8[%swap3A_535] {strides = array<i32>} : memref<80xi32, #tpu.memory_space<vmem>>, vector<16xi32>,
        %swap3A_537 = vector.shape_cast %swap3A_536 : vector<16xi32> to vector<16xi32>
        %swap3A_538 = vector.shape_cast %add3A_534 : vector<16xi32> to vector<16xi32>
        tpu.vector_store %arg8[%swap3A_535], %swap3A_538 {strides = array<i32>} : memref<80xi32, #tpu.memory_space<vmem>>, vector<16xi32>,
        %get3A_539 = arith.index_cast %add3A_493 : i32 to index
        %get3A_540 = arith.constant 48 : index
        %get3A_541 = tpu.vector_load %arg6[%get3A_539, %get3A_540] {strides = array<i32>} : memref<250x80xi32, #tpu.memory_space<vmem>>, vector<1x16xi32>,
        %get3A_542 = vector.shape_cast %get3A_541 : vector<1x16xi32> to vector<16xi32>
        %mul3A_543 = arith.constant 2 : i32
        %mul3A_544 = vector.broadcast %mul3A_543 : i32 to vector<16xi32>
        %mul3A_545 = arith.muli %get3A_542, %mul3A_544 : vector<16xi32>
        %add3A_546 = vector.broadcast %arg0 : i32 to vector<16xi32>
        %add3A_547 = arith.addi %mul3A_545, %add3A_546 : vector<16xi32>
        %swap3A_548 = arith.constant 48 : index
        %swap3A_549 = tpu.vector_load %arg8[%swap3A_548] {strides = array<i32>} : memref<80xi32, #tpu.memory_space<vmem>>, vector<16xi32>,
        %swap3A_550 = vector.shape_cast %swap3A_549 : vector<16xi32> to vector<16xi32>
        %swap3A_551 = vector.shape_cast %add3A_547 : vector<16xi32> to vector<16xi32>
        tpu.vector_store %arg8[%swap3A_548], %swap3A_551 {strides = array<i32>} : memref<80xi32, #tpu.memory_space<vmem>>, vector<16xi32>,
        %get3A_552 = arith.index_cast %add3A_493 : i32 to index
        %get3A_553 = arith.constant 64 : index
        %get3A_554 = tpu.vector_load %arg6[%get3A_552, %get3A_553] {strides = array<i32>} : memref<250x80xi32, #tpu.memory_space<vmem>>, vector<1x16xi32>,
        %get3A_555 = vector.shape_cast %get3A_554 : vector<1x16xi32> to vector<16xi32>
        %mul3A_556 = arith.constant 2 : i32
        %mul3A_557 = vector.broadcast %mul3A_556 : i32 to vector<16xi32>
        %mul3A_558 = arith.muli %get3A_555, %mul3A_557 : vector<16xi32>
        %add3A_559 = vector.broadcast %arg0 : i32 to vector<16xi32>
        %add3A_560 = arith.addi %mul3A_558, %add3A_559 : vector<16xi32>
        %swap3A_561 = arith.constant 64 : index
        %swap3A_562 = tpu.vector_load %arg8[%swap3A_561] {strides = array<i32>} : memref<80xi32, #tpu.memory_space<vmem>>, vector<16xi32>,
        %swap3A_563 = vector.shape_cast %swap3A_562 : vector<16xi32> to vector<16xi32>
        %swap3A_564 = vector.shape_cast %add3A_560 : vector<16xi32> to vector<16xi32>
        tpu.vector_store %arg8[%swap3A_561], %swap3A_564 {strides = array<i32>} : memref<80xi32, #tpu.memory_space<vmem>>, vector<16xi32>,
        %dma_start3A_565 = arith.constant 0 : i32
        %dma_start3A_566 = arith.constant 0 : i32
        %dma_start3A_567 = tpu.memref_slice %arg2[%dma_start3A_565, %dma_start3A_566] : memref<20000x64xf32, #tpu.memory_space<hbm>> -> memref<20000x64xf32, #tpu.memory_space<hbm>>
        tpu.enqueue_indirect_dma source(%dma_start3A_567 : memref<20000x64xf32, #tpu.memory_space<hbm>>) target(%arg18 : memref<80x64xf32, #tpu.memory_space<vmem>>) offsets(%arg8 : memref<80xi32, #tpu.memory_space<vmem>>) semaphore(%arg25 : memref<!tpu.dma_semaphore, #tpu.memory_space<semaphore_mem>>)
      } else {
      }
      %dma_wait3A_445 = arith.constant 0 : i32
      %dma_wait3A_446 = arith.constant 0 : i32
      %dma_wait3A_447 = tpu.memref_slice %arg4[%arg1, %dma_wait3A_445, %dma_wait3A_446] : memref<16x250x80xi32, #tpu.memory_space<hbm>> -> memref<1x1x80xi32, #tpu.memory_space<hbm>>
      %dma_wait3A_448 = tpu.memref_squeeze %dma_wait3A_447 : memref<1x1x80xi32, #tpu.memory_space<hbm>> -> memref<80xi32, #tpu.memory_space<hbm>>
      %dma_wait3A_449 = arith.constant 0 : i32
      %dma_wait3A_450 = tpu.memref_slice %arg4[%arg1, %dma_wait3A_445, %dma_wait3A_449] : memref<16x250x80xi32, #tpu.memory_space<hbm>> -> memref<1x1x80xi32, #tpu.memory_space<hbm>>
      %dma_wait3A_451 = tpu.memref_squeeze %dma_wait3A_450 : memref<1x1x80xi32, #tpu.memory_space<hbm>> -> memref<80xi32, #tpu.memory_space<hbm>>
      tpu.wait_dma2 semaphore(%arg31 : memref<!tpu.dma_semaphore, #tpu.memory_space<semaphore_mem>>) src(%dma_wait3A_451 : memref<80xi32, #tpu.memory_space<hbm>>) dst(%arg14 : memref<80xi32, #tpu.memory_space<vmem>>)
      %dma_wait3A_452 = arith.constant 0 : i32
      %dma_wait3A_453 = arith.constant 0 : i32
      %dma_wait3A_454 = tpu.memref_slice %arg2[%dma_wait3A_452, %dma_wait3A_453] : memref<20000x64xf32, #tpu.memory_space<hbm>> -> memref<20000x64xf32, #tpu.memory_space<hbm>>
      tpu.wait_indirect_dma semaphore(%arg26 : memref<!tpu.dma_semaphore, #tpu.memory_space<semaphore_mem>>) src(%dma_wait3A_454 : memref<20000x64xf32, #tpu.memory_space<hbm>>) dst(%arg19 : memref<80x64xf32, #tpu.memory_space<vmem>>)
      "tpu.region"() ({
        %run_scoped3A = tpu.sem_alloc : memref<!tpu.dma_semaphore, #tpu.memory_space<semaphore_mem>>
        %dma_start3A_490 = arith.constant 0 : i32
        %dma_start3A_491 = arith.constant 0 : i32
        %dma_start3A_492 = tpu.memref_slice %arg23[%dma_start3A_490, %dma_start3A_491] : memref<10128x64xf32, #tpu.memory_space<vmem_shared>> -> memref<10128x64xf32, #tpu.memory_space<vmem_shared>>
        tpu.enqueue_indirect_dma source(%arg19 : memref<80x64xf32, #tpu.memory_space<vmem>>) target(%dma_start3A_492 : memref<10128x64xf32, #tpu.memory_space<vmem_shared>>) offsets(%arg14 : memref<80xi32, #tpu.memory_space<vmem>>) semaphore(%run_scoped3A : memref<!tpu.dma_semaphore, #tpu.memory_space<semaphore_mem>>) {add = true}
        %dma_wait3A_493 = arith.constant 0 : i32
        %dma_wait3A_494 = arith.constant 0 : i32
        %dma_wait3A_495 = tpu.memref_slice %arg23[%dma_wait3A_493, %dma_wait3A_494] : memref<10128x64xf32, #tpu.memory_space<vmem_shared>> -> memref<10128x64xf32, #tpu.memory_space<vmem_shared>>
        tpu.wait_indirect_dma semaphore(%run_scoped3A : memref<!tpu.dma_semaphore, #tpu.memory_space<semaphore_mem>>) src(%arg19 : memref<80x64xf32, #tpu.memory_space<vmem>>) dst(%dma_wait3A_495 : memref<10128x64xf32, #tpu.memory_space<vmem_shared>>)
        tpu.yield
      }) : () -> ()
      %lt3A_455 = arith.constant 245 : i32
      %lt3A_456 = arith.cmpi slt, %add3A_418, %lt3A_455 : i32
      %convert_element_type3A_457 = arith.extui %lt3A_456 : i1 to i32
      %cond3A_458 = arith.constant 0 : i32
      %cond3A_459 = arith.cmpi ne, %convert_element_type3A_457, %cond3A_458 : i32
      scf.if %cond3A_459 {
        %add3A_490 = arith.constant 5 : i32
        %add3A_491 = arith.addi %add3A_418, %add3A_490 : i32
        %add3A_492 = arith.constant 2 : i32
        %add3A_493 = arith.addi %add3A_491, %add3A_492 : i32
        %dma_start3A_494 = arith.constant 0 : i32
        %dma_start3A_495 = tpu.memref_slice %arg4[%arg1, %add3A_493, %dma_start3A_494] : memref<16x250x80xi32, #tpu.memory_space<hbm>> -> memref<1x1x80xi32, #tpu.memory_space<hbm>>
        %dma_start3A_496 = tpu.memref_squeeze %dma_start3A_495 : memref<1x1x80xi32, #tpu.memory_space<hbm>> -> memref<80xi32, #tpu.memory_space<hbm>>
        %dma_start3A_497 = arith.constant 0 : i32
        %dma_start3A_498 = tpu.memref_slice %arg4[%arg1, %add3A_493, %dma_start3A_497] : memref<16x250x80xi32, #tpu.memory_space<hbm>> -> memref<1x1x80xi32, #tpu.memory_space<hbm>>
        %dma_start3A_499 = tpu.memref_squeeze %dma_start3A_498 : memref<1x1x80xi32, #tpu.memory_space<hbm>> -> memref<80xi32, #tpu.memory_space<hbm>>
        tpu.enqueue_dma source(%dma_start3A_499 : memref<80xi32, #tpu.memory_space<hbm>>) target(%arg14 : memref<80xi32, #tpu.memory_space<vmem>>) target_semaphore(%arg31 : memref<!tpu.dma_semaphore, #tpu.memory_space<semaphore_mem>>)
        %get3A_500 = arith.index_cast %add3A_493 : i32 to index
        %get3A_501 = arith.constant 0 : index
        %get3A_502 = tpu.vector_load %arg6[%get3A_500, %get3A_501] {strides = array<i32>} : memref<250x80xi32, #tpu.memory_space<vmem>>, vector<1x16xi32>,
        %get3A_503 = vector.shape_cast %get3A_502 : vector<1x16xi32> to vector<16xi32>
        %mul3A_504 = arith.constant 2 : i32
        %mul3A_505 = vector.broadcast %mul3A_504 : i32 to vector<16xi32>
        %mul3A_506 = arith.muli %get3A_503, %mul3A_505 : vector<16xi32>
        %add3A_507 = vector.broadcast %arg0 : i32 to vector<16xi32>
        %add3A_508 = arith.addi %mul3A_506, %add3A_507 : vector<16xi32>
        %swap3A_509 = arith.constant 0 : index
        %swap3A_510 = tpu.vector_load %arg9[%swap3A_509] {strides = array<i32>} : memref<80xi32, #tpu.memory_space<vmem>>, vector<16xi32>,
        %swap3A_511 = vector.shape_cast %swap3A_510 : vector<16xi32> to vector<16xi32>
        %swap3A_512 = vector.shape_cast %add3A_508 : vector<16xi32> to vector<16xi32>
        tpu.vector_store %arg9[%swap3A_509], %swap3A_512 {strides = array<i32>} : memref<80xi32, #tpu.memory_space<vmem>>, vector<16xi32>,
        %get3A_513 = arith.index_cast %add3A_493 : i32 to index
        %get3A_514 = arith.constant 16 : index
        %get3A_515 = tpu.vector_load %arg6[%get3A_513, %get3A_514] {strides = array<i32>} : memref<250x80xi32, #tpu.memory_space<vmem>>, vector<1x16xi32>,
        %get3A_516 = vector.shape_cast %get3A_515 : vector<1x16xi32> to vector<16xi32>
        %mul3A_517 = arith.constant 2 : i32
        %mul3A_518 = vector.broadcast %mul3A_517 : i32 to vector<16xi32>
        %mul3A_519 = arith.muli %get3A_516, %mul3A_518 : vector<16xi32>
        %add3A_520 = vector.broadcast %arg0 : i32 to vector<16xi32>
        %add3A_521 = arith.addi %mul3A_519, %add3A_520 : vector<16xi32>
        %swap3A_522 = arith.constant 16 : index
        %swap3A_523 = tpu.vector_load %arg9[%swap3A_522] {strides = array<i32>} : memref<80xi32, #tpu.memory_space<vmem>>, vector<16xi32>,
        %swap3A_524 = vector.shape_cast %swap3A_523 : vector<16xi32> to vector<16xi32>
        %swap3A_525 = vector.shape_cast %add3A_521 : vector<16xi32> to vector<16xi32>
        tpu.vector_store %arg9[%swap3A_522], %swap3A_525 {strides = array<i32>} : memref<80xi32, #tpu.memory_space<vmem>>, vector<16xi32>,
        %get3A_526 = arith.index_cast %add3A_493 : i32 to index
        %get3A_527 = arith.constant 32 : index
        %get3A_528 = tpu.vector_load %arg6[%get3A_526, %get3A_527] {strides = array<i32>} : memref<250x80xi32, #tpu.memory_space<vmem>>, vector<1x16xi32>,
        %get3A_529 = vector.shape_cast %get3A_528 : vector<1x16xi32> to vector<16xi32>
        %mul3A_530 = arith.constant 2 : i32
        %mul3A_531 = vector.broadcast %mul3A_530 : i32 to vector<16xi32>
        %mul3A_532 = arith.muli %get3A_529, %mul3A_531 : vector<16xi32>
        %add3A_533 = vector.broadcast %arg0 : i32 to vector<16xi32>
        %add3A_534 = arith.addi %mul3A_532, %add3A_533 : vector<16xi32>
        %swap3A_535 = arith.constant 32 : index
        %swap3A_536 = tpu.vector_load %arg9[%swap3A_535] {strides = array<i32>} : memref<80xi32, #tpu.memory_space<vmem>>, vector<16xi32>,
        %swap3A_537 = vector.shape_cast %swap3A_536 : vector<16xi32> to vector<16xi32>
        %swap3A_538 = vector.shape_cast %add3A_534 : vector<16xi32> to vector<16xi32>
        tpu.vector_store %arg9[%swap3A_535], %swap3A_538 {strides = array<i32>} : memref<80xi32, #tpu.memory_space<vmem>>, vector<16xi32>,
        %get3A_539 = arith.index_cast %add3A_493 : i32 to index
        %get3A_540 = arith.constant 48 : index
        %get3A_541 = tpu.vector_load %arg6[%get3A_539, %get3A_540] {strides = array<i32>} : memref<250x80xi32, #tpu.memory_space<vmem>>, vector<1x16xi32>,
        %get3A_542 = vector.shape_cast %get3A_541 : vector<1x16xi32> to vector<16xi32>
        %mul3A_543 = arith.constant 2 : i32
        %mul3A_544 = vector.broadcast %mul3A_543 : i32 to vector<16xi32>
        %mul3A_545 = arith.muli %get3A_542, %mul3A_544 : vector<16xi32>
        %add3A_546 = vector.broadcast %arg0 : i32 to vector<16xi32>
        %add3A_547 = arith.addi %mul3A_545, %add3A_546 : vector<16xi32>
        %swap3A_548 = arith.constant 48 : index
        %swap3A_549 = tpu.vector_load %arg9[%swap3A_548] {strides = array<i32>} : memref<80xi32, #tpu.memory_space<vmem>>, vector<16xi32>,
        %swap3A_550 = vector.shape_cast %swap3A_549 : vector<16xi32> to vector<16xi32>
        %swap3A_551 = vector.shape_cast %add3A_547 : vector<16xi32> to vector<16xi32>
        tpu.vector_store %arg9[%swap3A_548], %swap3A_551 {strides = array<i32>} : memref<80xi32, #tpu.memory_space<vmem>>, vector<16xi32>,
        %get3A_552 = arith.index_cast %add3A_493 : i32 to index
        %get3A_553 = arith.constant 64 : index
        %get3A_554 = tpu.vector_load %arg6[%get3A_552, %get3A_553] {strides = array<i32>} : memref<250x80xi32, #tpu.memory_space<vmem>>, vector<1x16xi32>,
        %get3A_555 = vector.shape_cast %get3A_554 : vector<1x16xi32> to vector<16xi32>
        %mul3A_556 = arith.constant 2 : i32
        %mul3A_557 = vector.broadcast %mul3A_556 : i32 to vector<16xi32>
        %mul3A_558 = arith.muli %get3A_555, %mul3A_557 : vector<16xi32>
        %add3A_559 = vector.broadcast %arg0 : i32 to vector<16xi32>
        %add3A_560 = arith.addi %mul3A_558, %add3A_559 : vector<16xi32>
        %swap3A_561 = arith.constant 64 : index
        %swap3A_562 = tpu.vector_load %arg9[%swap3A_561] {strides = array<i32>} : memref<80xi32, #tpu.memory_space<vmem>>, vector<16xi32>,
        %swap3A_563 = vector.shape_cast %swap3A_562 : vector<16xi32> to vector<16xi32>
        %swap3A_564 = vector.shape_cast %add3A_560 : vector<16xi32> to vector<16xi32>
        tpu.vector_store %arg9[%swap3A_561], %swap3A_564 {strides = array<i32>} : memref<80xi32, #tpu.memory_space<vmem>>, vector<16xi32>,
        %dma_start3A_565 = arith.constant 0 : i32
        %dma_start3A_566 = arith.constant 0 : i32
        %dma_start3A_567 = tpu.memref_slice %arg2[%dma_start3A_565, %dma_start3A_566] : memref<20000x64xf32, #tpu.memory_space<hbm>> -> memref<20000x64xf32, #tpu.memory_space<hbm>>
        tpu.enqueue_indirect_dma source(%dma_start3A_567 : memref<20000x64xf32, #tpu.memory_space<hbm>>) target(%arg19 : memref<80x64xf32, #tpu.memory_space<vmem>>) offsets(%arg9 : memref<80xi32, #tpu.memory_space<vmem>>) semaphore(%arg26 : memref<!tpu.dma_semaphore, #tpu.memory_space<semaphore_mem>>)
      } else {
      }
      %dma_wait3A_460 = arith.constant 0 : i32
      %dma_wait3A_461 = arith.constant 0 : i32
      %dma_wait3A_462 = tpu.memref_slice %arg4[%arg1, %dma_wait3A_460, %dma_wait3A_461] : memref<16x250x80xi32, #tpu.memory_space<hbm>> -> memref<1x1x80xi32, #tpu.memory_space<hbm>>
      %dma_wait3A_463 = tpu.memref_squeeze %dma_wait3A_462 : memref<1x1x80xi32, #tpu.memory_space<hbm>> -> memref<80xi32, #tpu.memory_space<hbm>>
      %dma_wait3A_464 = arith.constant 0 : i32
      %dma_wait3A_465 = tpu.memref_slice %arg4[%arg1, %dma_wait3A_460, %dma_wait3A_464] : memref<16x250x80xi32, #tpu.memory_space<hbm>> -> memref<1x1x80xi32, #tpu.memory_space<hbm>>
      %dma_wait3A_466 = tpu.memref_squeeze %dma_wait3A_465 : memref<1x1x80xi32, #tpu.memory_space<hbm>> -> memref<80xi32, #tpu.memory_space<hbm>>
      tpu.wait_dma2 semaphore(%arg32 : memref<!tpu.dma_semaphore, #tpu.memory_space<semaphore_mem>>) src(%dma_wait3A_466 : memref<80xi32, #tpu.memory_space<hbm>>) dst(%arg15 : memref<80xi32, #tpu.memory_space<vmem>>)
      %dma_wait3A_467 = arith.constant 0 : i32
      %dma_wait3A_468 = arith.constant 0 : i32
      %dma_wait3A_469 = tpu.memref_slice %arg2[%dma_wait3A_467, %dma_wait3A_468] : memref<20000x64xf32, #tpu.memory_space<hbm>> -> memref<20000x64xf32, #tpu.memory_space<hbm>>
      tpu.wait_indirect_dma semaphore(%arg27 : memref<!tpu.dma_semaphore, #tpu.memory_space<semaphore_mem>>) src(%dma_wait3A_469 : memref<20000x64xf32, #tpu.memory_space<hbm>>) dst(%arg20 : memref<80x64xf32, #tpu.memory_space<vmem>>)
      "tpu.region"() ({
        %run_scoped3A = tpu.sem_alloc : memref<!tpu.dma_semaphore, #tpu.memory_space<semaphore_mem>>
        %dma_start3A_490 = arith.constant 0 : i32
        %dma_start3A_491 = arith.constant 0 : i32
        %dma_start3A_492 = tpu.memref_slice %arg23[%dma_start3A_490, %dma_start3A_491] : memref<10128x64xf32, #tpu.memory_space<vmem_shared>> -> memref<10128x64xf32, #tpu.memory_space<vmem_shared>>
        tpu.enqueue_indirect_dma source(%arg20 : memref<80x64xf32, #tpu.memory_space<vmem>>) target(%dma_start3A_492 : memref<10128x64xf32, #tpu.memory_space<vmem_shared>>) offsets(%arg15 : memref<80xi32, #tpu.memory_space<vmem>>) semaphore(%run_scoped3A : memref<!tpu.dma_semaphore, #tpu.memory_space<semaphore_mem>>) {add = true}
        %dma_wait3A_493 = arith.constant 0 : i32
        %dma_wait3A_494 = arith.constant 0 : i32
        %dma_wait3A_495 = tpu.memref_slice %arg23[%dma_wait3A_493, %dma_wait3A_494] : memref<10128x64xf32, #tpu.memory_space<vmem_shared>> -> memref<10128x64xf32, #tpu.memory_space<vmem_shared>>
        tpu.wait_indirect_dma semaphore(%run_scoped3A : memref<!tpu.dma_semaphore, #tpu.memory_space<semaphore_mem>>) src(%arg20 : memref<80x64xf32, #tpu.memory_space<vmem>>) dst(%dma_wait3A_495 : memref<10128x64xf32, #tpu.memory_space<vmem_shared>>)
        tpu.yield
      }) : () -> ()
      %lt3A_470 = arith.constant 245 : i32
      %lt3A_471 = arith.cmpi slt, %add3A_418, %lt3A_470 : i32
      %convert_element_type3A_472 = arith.extui %lt3A_471 : i1 to i32
      %cond3A_473 = arith.constant 0 : i32
      %cond3A_474 = arith.cmpi ne, %convert_element_type3A_472, %cond3A_473 : i32
      scf.if %cond3A_474 {
        %add3A_490 = arith.constant 5 : i32
        %add3A_491 = arith.addi %add3A_418, %add3A_490 : i32
        %add3A_492 = arith.constant 3 : i32
        %add3A_493 = arith.addi %add3A_491, %add3A_492 : i32
        %dma_start3A_494 = arith.constant 0 : i32
        %dma_start3A_495 = tpu.memref_slice %arg4[%arg1, %add3A_493, %dma_start3A_494] : memref<16x250x80xi32, #tpu.memory_space<hbm>> -> memref<1x1x80xi32, #tpu.memory_space<hbm>>
        %dma_start3A_496 = tpu.memref_squeeze %dma_start3A_495 : memref<1x1x80xi32, #tpu.memory_space<hbm>> -> memref<80xi32, #tpu.memory_space<hbm>>
        %dma_start3A_497 = arith.constant 0 : i32
        %dma_start3A_498 = tpu.memref_slice %arg4[%arg1, %add3A_493, %dma_start3A_497] : memref<16x250x80xi32, #tpu.memory_space<hbm>> -> memref<1x1x80xi32, #tpu.memory_space<hbm>>
        %dma_start3A_499 = tpu.memref_squeeze %dma_start3A_498 : memref<1x1x80xi32, #tpu.memory_space<hbm>> -> memref<80xi32, #tpu.memory_space<hbm>>
        tpu.enqueue_dma source(%dma_start3A_499 : memref<80xi32, #tpu.memory_space<hbm>>) target(%arg15 : memref<80xi32, #tpu.memory_space<vmem>>) target_semaphore(%arg32 : memref<!tpu.dma_semaphore, #tpu.memory_space<semaphore_mem>>)
        %get3A_500 = arith.index_cast %add3A_493 : i32 to index
        %get3A_501 = arith.constant 0 : index
        %get3A_502 = tpu.vector_load %arg6[%get3A_500, %get3A_501] {strides = array<i32>} : memref<250x80xi32, #tpu.memory_space<vmem>>, vector<1x16xi32>,
        %get3A_503 = vector.shape_cast %get3A_502 : vector<1x16xi32> to vector<16xi32>
        %mul3A_504 = arith.constant 2 : i32
        %mul3A_505 = vector.broadcast %mul3A_504 : i32 to vector<16xi32>
        %mul3A_506 = arith.muli %get3A_503, %mul3A_505 : vector<16xi32>
        %add3A_507 = vector.broadcast %arg0 : i32 to vector<16xi32>
        %add3A_508 = arith.addi %mul3A_506, %add3A_507 : vector<16xi32>
        %swap3A_509 = arith.constant 0 : index
        %swap3A_510 = tpu.vector_load %arg10[%swap3A_509] {strides = array<i32>} : memref<80xi32, #tpu.memory_space<vmem>>, vector<16xi32>,
        %swap3A_511 = vector.shape_cast %swap3A_510 : vector<16xi32> to vector<16xi32>
        %swap3A_512 = vector.shape_cast %add3A_508 : vector<16xi32> to vector<16xi32>
        tpu.vector_store %arg10[%swap3A_509], %swap3A_512 {strides = array<i32>} : memref<80xi32, #tpu.memory_space<vmem>>, vector<16xi32>,
        %get3A_513 = arith.index_cast %add3A_493 : i32 to index
        %get3A_514 = arith.constant 16 : index
        %get3A_515 = tpu.vector_load %arg6[%get3A_513, %get3A_514] {strides = array<i32>} : memref<250x80xi32, #tpu.memory_space<vmem>>, vector<1x16xi32>,
        %get3A_516 = vector.shape_cast %get3A_515 : vector<1x16xi32> to vector<16xi32>
        %mul3A_517 = arith.constant 2 : i32
        %mul3A_518 = vector.broadcast %mul3A_517 : i32 to vector<16xi32>
        %mul3A_519 = arith.muli %get3A_516, %mul3A_518 : vector<16xi32>
        %add3A_520 = vector.broadcast %arg0 : i32 to vector<16xi32>
        %add3A_521 = arith.addi %mul3A_519, %add3A_520 : vector<16xi32>
        %swap3A_522 = arith.constant 16 : index
        %swap3A_523 = tpu.vector_load %arg10[%swap3A_522] {strides = array<i32>} : memref<80xi32, #tpu.memory_space<vmem>>, vector<16xi32>,
        %swap3A_524 = vector.shape_cast %swap3A_523 : vector<16xi32> to vector<16xi32>
        %swap3A_525 = vector.shape_cast %add3A_521 : vector<16xi32> to vector<16xi32>
        tpu.vector_store %arg10[%swap3A_522], %swap3A_525 {strides = array<i32>} : memref<80xi32, #tpu.memory_space<vmem>>, vector<16xi32>,
        %get3A_526 = arith.index_cast %add3A_493 : i32 to index
        %get3A_527 = arith.constant 32 : index
        %get3A_528 = tpu.vector_load %arg6[%get3A_526, %get3A_527] {strides = array<i32>} : memref<250x80xi32, #tpu.memory_space<vmem>>, vector<1x16xi32>,
        %get3A_529 = vector.shape_cast %get3A_528 : vector<1x16xi32> to vector<16xi32>
        %mul3A_530 = arith.constant 2 : i32
        %mul3A_531 = vector.broadcast %mul3A_530 : i32 to vector<16xi32>
        %mul3A_532 = arith.muli %get3A_529, %mul3A_531 : vector<16xi32>
        %add3A_533 = vector.broadcast %arg0 : i32 to vector<16xi32>
        %add3A_534 = arith.addi %mul3A_532, %add3A_533 : vector<16xi32>
        %swap3A_535 = arith.constant 32 : index
        %swap3A_536 = tpu.vector_load %arg10[%swap3A_535] {strides = array<i32>} : memref<80xi32, #tpu.memory_space<vmem>>, vector<16xi32>,
        %swap3A_537 = vector.shape_cast %swap3A_536 : vector<16xi32> to vector<16xi32>
        %swap3A_538 = vector.shape_cast %add3A_534 : vector<16xi32> to vector<16xi32>
        tpu.vector_store %arg10[%swap3A_535], %swap3A_538 {strides = array<i32>} : memref<80xi32, #tpu.memory_space<vmem>>, vector<16xi32>,
        %get3A_539 = arith.index_cast %add3A_493 : i32 to index
        %get3A_540 = arith.constant 48 : index
        %get3A_541 = tpu.vector_load %arg6[%get3A_539, %get3A_540] {strides = array<i32>} : memref<250x80xi32, #tpu.memory_space<vmem>>, vector<1x16xi32>,
        %get3A_542 = vector.shape_cast %get3A_541 : vector<1x16xi32> to vector<16xi32>
        %mul3A_543 = arith.constant 2 : i32
        %mul3A_544 = vector.broadcast %mul3A_543 : i32 to vector<16xi32>
        %mul3A_545 = arith.muli %get3A_542, %mul3A_544 : vector<16xi32>
        %add3A_546 = vector.broadcast %arg0 : i32 to vector<16xi32>
        %add3A_547 = arith.addi %mul3A_545, %add3A_546 : vector<16xi32>
        %swap3A_548 = arith.constant 48 : index
        %swap3A_549 = tpu.vector_load %arg10[%swap3A_548] {strides = array<i32>} : memref<80xi32, #tpu.memory_space<vmem>>, vector<16xi32>,
        %swap3A_550 = vector.shape_cast %swap3A_549 : vector<16xi32> to vector<16xi32>
        %swap3A_551 = vector.shape_cast %add3A_547 : vector<16xi32> to vector<16xi32>
        tpu.vector_store %arg10[%swap3A_548], %swap3A_551 {strides = array<i32>} : memref<80xi32, #tpu.memory_space<vmem>>, vector<16xi32>,
        %get3A_552 = arith.index_cast %add3A_493 : i32 to index
        %get3A_553 = arith.constant 64 : index
        %get3A_554 = tpu.vector_load %arg6[%get3A_552, %get3A_553] {strides = array<i32>} : memref<250x80xi32, #tpu.memory_space<vmem>>, vector<1x16xi32>,
        %get3A_555 = vector.shape_cast %get3A_554 : vector<1x16xi32> to vector<16xi32>
        %mul3A_556 = arith.constant 2 : i32
        %mul3A_557 = vector.broadcast %mul3A_556 : i32 to vector<16xi32>
        %mul3A_558 = arith.muli %get3A_555, %mul3A_557 : vector<16xi32>
        %add3A_559 = vector.broadcast %arg0 : i32 to vector<16xi32>
        %add3A_560 = arith.addi %mul3A_558, %add3A_559 : vector<16xi32>
        %swap3A_561 = arith.constant 64 : index
        %swap3A_562 = tpu.vector_load %arg10[%swap3A_561] {strides = array<i32>} : memref<80xi32, #tpu.memory_space<vmem>>, vector<16xi32>,
        %swap3A_563 = vector.shape_cast %swap3A_562 : vector<16xi32> to vector<16xi32>
        %swap3A_564 = vector.shape_cast %add3A_560 : vector<16xi32> to vector<16xi32>
        tpu.vector_store %arg10[%swap3A_561], %swap3A_564 {strides = array<i32>} : memref<80xi32, #tpu.memory_space<vmem>>, vector<16xi32>,
        %dma_start3A_565 = arith.constant 0 : i32
        %dma_start3A_566 = arith.constant 0 : i32
        %dma_start3A_567 = tpu.memref_slice %arg2[%dma_start3A_565, %dma_start3A_566] : memref<20000x64xf32, #tpu.memory_space<hbm>> -> memref<20000x64xf32, #tpu.memory_space<hbm>>
        tpu.enqueue_indirect_dma source(%dma_start3A_567 : memref<20000x64xf32, #tpu.memory_space<hbm>>) target(%arg20 : memref<80x64xf32, #tpu.memory_space<vmem>>) offsets(%arg10 : memref<80xi32, #tpu.memory_space<vmem>>) semaphore(%arg27 : memref<!tpu.dma_semaphore, #tpu.memory_space<semaphore_mem>>)
      } else {
      }
      %dma_wait3A_475 = arith.constant 0 : i32
      %dma_wait3A_476 = arith.constant 0 : i32
      %dma_wait3A_477 = tpu.memref_slice %arg4[%arg1, %dma_wait3A_475, %dma_wait3A_476] : memref<16x250x80xi32, #tpu.memory_space<hbm>> -> memref<1x1x80xi32, #tpu.memory_space<hbm>>
      %dma_wait3A_478 = tpu.memref_squeeze %dma_wait3A_477 : memref<1x1x80xi32, #tpu.memory_space<hbm>> -> memref<80xi32, #tpu.memory_space<hbm>>
      %dma_wait3A_479 = arith.constant 0 : i32
      %dma_wait3A_480 = tpu.memref_slice %arg4[%arg1, %dma_wait3A_475, %dma_wait3A_479] : memref<16x250x80xi32, #tpu.memory_space<hbm>> -> memref<1x1x80xi32, #tpu.memory_space<hbm>>
      %dma_wait3A_481 = tpu.memref_squeeze %dma_wait3A_480 : memref<1x1x80xi32, #tpu.memory_space<hbm>> -> memref<80xi32, #tpu.memory_space<hbm>>
      tpu.wait_dma2 semaphore(%arg33 : memref<!tpu.dma_semaphore, #tpu.memory_space<semaphore_mem>>) src(%dma_wait3A_481 : memref<80xi32, #tpu.memory_space<hbm>>) dst(%arg16 : memref<80xi32, #tpu.memory_space<vmem>>)
      %dma_wait3A_482 = arith.constant 0 : i32
      %dma_wait3A_483 = arith.constant 0 : i32
      %dma_wait3A_484 = tpu.memref_slice %arg2[%dma_wait3A_482, %dma_wait3A_483] : memref<20000x64xf32, #tpu.memory_space<hbm>> -> memref<20000x64xf32, #tpu.memory_space<hbm>>
      tpu.wait_indirect_dma semaphore(%arg28 : memref<!tpu.dma_semaphore, #tpu.memory_space<semaphore_mem>>) src(%dma_wait3A_484 : memref<20000x64xf32, #tpu.memory_space<hbm>>) dst(%arg21 : memref<80x64xf32, #tpu.memory_space<vmem>>)
      "tpu.region"() ({
        %run_scoped3A = tpu.sem_alloc : memref<!tpu.dma_semaphore, #tpu.memory_space<semaphore_mem>>
        %dma_start3A_490 = arith.constant 0 : i32
        %dma_start3A_491 = arith.constant 0 : i32
        %dma_start3A_492 = tpu.memref_slice %arg23[%dma_start3A_490, %dma_start3A_491] : memref<10128x64xf32, #tpu.memory_space<vmem_shared>> -> memref<10128x64xf32, #tpu.memory_space<vmem_shared>>
        tpu.enqueue_indirect_dma source(%arg21 : memref<80x64xf32, #tpu.memory_space<vmem>>) target(%dma_start3A_492 : memref<10128x64xf32, #tpu.memory_space<vmem_shared>>) offsets(%arg16 : memref<80xi32, #tpu.memory_space<vmem>>) semaphore(%run_scoped3A : memref<!tpu.dma_semaphore, #tpu.memory_space<semaphore_mem>>) {add = true}
        %dma_wait3A_493 = arith.constant 0 : i32
        %dma_wait3A_494 = arith.constant 0 : i32
        %dma_wait3A_495 = tpu.memref_slice %arg23[%dma_wait3A_493, %dma_wait3A_494] : memref<10128x64xf32, #tpu.memory_space<vmem_shared>> -> memref<10128x64xf32, #tpu.memory_space<vmem_shared>>
        tpu.wait_indirect_dma semaphore(%run_scoped3A : memref<!tpu.dma_semaphore, #tpu.memory_space<semaphore_mem>>) src(%arg21 : memref<80x64xf32, #tpu.memory_space<vmem>>) dst(%dma_wait3A_495 : memref<10128x64xf32, #tpu.memory_space<vmem_shared>>)
        tpu.yield
      }) : () -> ()
      %lt3A_485 = arith.constant 245 : i32
      %lt3A_486 = arith.cmpi slt, %add3A_418, %lt3A_485 : i32
      %convert_element_type3A_487 = arith.extui %lt3A_486 : i1 to i32
      %cond3A_488 = arith.constant 0 : i32
      %cond3A_489 = arith.cmpi ne, %convert_element_type3A_487, %cond3A_488 : i32
      scf.if %cond3A_489 {
        %add3A_490 = arith.constant 5 : i32
        %add3A_491 = arith.addi %add3A_418, %add3A_490 : i32
        %add3A_492 = arith.constant 4 : i32
        %add3A_493 = arith.addi %add3A_491, %add3A_492 : i32
        %dma_start3A_494 = arith.constant 0 : i32
        %dma_start3A_495 = tpu.memref_slice %arg4[%arg1, %add3A_493, %dma_start3A_494] : memref<16x250x80xi32, #tpu.memory_space<hbm>> -> memref<1x1x80xi32, #tpu.memory_space<hbm>>
        %dma_start3A_496 = tpu.memref_squeeze %dma_start3A_495 : memref<1x1x80xi32, #tpu.memory_space<hbm>> -> memref<80xi32, #tpu.memory_space<hbm>>
        %dma_start3A_497 = arith.constant 0 : i32
        %dma_start3A_498 = tpu.memref_slice %arg4[%arg1, %add3A_493, %dma_start3A_497] : memref<16x250x80xi32, #tpu.memory_space<hbm>> -> memref<1x1x80xi32, #tpu.memory_space<hbm>>
        %dma_start3A_499 = tpu.memref_squeeze %dma_start3A_498 : memref<1x1x80xi32, #tpu.memory_space<hbm>> -> memref<80xi32, #tpu.memory_space<hbm>>
        tpu.enqueue_dma source(%dma_start3A_499 : memref<80xi32, #tpu.memory_space<hbm>>) target(%arg16 : memref<80xi32, #tpu.memory_space<vmem>>) target_semaphore(%arg33 : memref<!tpu.dma_semaphore, #tpu.memory_space<semaphore_mem>>)
        %get3A_500 = arith.index_cast %add3A_493 : i32 to index
        %get3A_501 = arith.constant 0 : index
        %get3A_502 = tpu.vector_load %arg6[%get3A_500, %get3A_501] {strides = array<i32>} : memref<250x80xi32, #tpu.memory_space<vmem>>, vector<1x16xi32>,
        %get3A_503 = vector.shape_cast %get3A_502 : vector<1x16xi32> to vector<16xi32>
        %mul3A_504 = arith.constant 2 : i32
        %mul3A_505 = vector.broadcast %mul3A_504 : i32 to vector<16xi32>
        %mul3A_506 = arith.muli %get3A_503, %mul3A_505 : vector<16xi32>
        %add3A_507 = vector.broadcast %arg0 : i32 to vector<16xi32>
        %add3A_508 = arith.addi %mul3A_506, %add3A_507 : vector<16xi32>
        %swap3A_509 = arith.constant 0 : index
        %swap3A_510 = tpu.vector_load %arg11[%swap3A_509] {strides = array<i32>} : memref<80xi32, #tpu.memory_space<vmem>>, vector<16xi32>,
        %swap3A_511 = vector.shape_cast %swap3A_510 : vector<16xi32> to vector<16xi32>
        %swap3A_512 = vector.shape_cast %add3A_508 : vector<16xi32> to vector<16xi32>
        tpu.vector_store %arg11[%swap3A_509], %swap3A_512 {strides = array<i32>} : memref<80xi32, #tpu.memory_space<vmem>>, vector<16xi32>,
        %get3A_513 = arith.index_cast %add3A_493 : i32 to index
        %get3A_514 = arith.constant 16 : index
        %get3A_515 = tpu.vector_load %arg6[%get3A_513, %get3A_514] {strides = array<i32>} : memref<250x80xi32, #tpu.memory_space<vmem>>, vector<1x16xi32>,
        %get3A_516 = vector.shape_cast %get3A_515 : vector<1x16xi32> to vector<16xi32>
        %mul3A_517 = arith.constant 2 : i32
        %mul3A_518 = vector.broadcast %mul3A_517 : i32 to vector<16xi32>
        %mul3A_519 = arith.muli %get3A_516, %mul3A_518 : vector<16xi32>
        %add3A_520 = vector.broadcast %arg0 : i32 to vector<16xi32>
        %add3A_521 = arith.addi %mul3A_519, %add3A_520 : vector<16xi32>
        %swap3A_522 = arith.constant 16 : index
        %swap3A_523 = tpu.vector_load %arg11[%swap3A_522] {strides = array<i32>} : memref<80xi32, #tpu.memory_space<vmem>>, vector<16xi32>,
        %swap3A_524 = vector.shape_cast %swap3A_523 : vector<16xi32> to vector<16xi32>
        %swap3A_525 = vector.shape_cast %add3A_521 : vector<16xi32> to vector<16xi32>
        tpu.vector_store %arg11[%swap3A_522], %swap3A_525 {strides = array<i32>} : memref<80xi32, #tpu.memory_space<vmem>>, vector<16xi32>,
        %get3A_526 = arith.index_cast %add3A_493 : i32 to index
        %get3A_527 = arith.constant 32 : index
        %get3A_528 = tpu.vector_load %arg6[%get3A_526, %get3A_527] {strides = array<i32>} : memref<250x80xi32, #tpu.memory_space<vmem>>, vector<1x16xi32>,
        %get3A_529 = vector.shape_cast %get3A_528 : vector<1x16xi32> to vector<16xi32>
        %mul3A_530 = arith.constant 2 : i32
        %mul3A_531 = vector.broadcast %mul3A_530 : i32 to vector<16xi32>
        %mul3A_532 = arith.muli %get3A_529, %mul3A_531 : vector<16xi32>
        %add3A_533 = vector.broadcast %arg0 : i32 to vector<16xi32>
        %add3A_534 = arith.addi %mul3A_532, %add3A_533 : vector<16xi32>
        %swap3A_535 = arith.constant 32 : index
        %swap3A_536 = tpu.vector_load %arg11[%swap3A_535] {strides = array<i32>} : memref<80xi32, #tpu.memory_space<vmem>>, vector<16xi32>,
        %swap3A_537 = vector.shape_cast %swap3A_536 : vector<16xi32> to vector<16xi32>
        %swap3A_538 = vector.shape_cast %add3A_534 : vector<16xi32> to vector<16xi32>
        tpu.vector_store %arg11[%swap3A_535], %swap3A_538 {strides = array<i32>} : memref<80xi32, #tpu.memory_space<vmem>>, vector<16xi32>,
        %get3A_539 = arith.index_cast %add3A_493 : i32 to index
        %get3A_540 = arith.constant 48 : index
        %get3A_541 = tpu.vector_load %arg6[%get3A_539, %get3A_540] {strides = array<i32>} : memref<250x80xi32, #tpu.memory_space<vmem>>, vector<1x16xi32>,
        %get3A_542 = vector.shape_cast %get3A_541 : vector<1x16xi32> to vector<16xi32>
        %mul3A_543 = arith.constant 2 : i32
        %mul3A_544 = vector.broadcast %mul3A_543 : i32 to vector<16xi32>
        %mul3A_545 = arith.muli %get3A_542, %mul3A_544 : vector<16xi32>
        %add3A_546 = vector.broadcast %arg0 : i32 to vector<16xi32>
        %add3A_547 = arith.addi %mul3A_545, %add3A_546 : vector<16xi32>
        %swap3A_548 = arith.constant 48 : index
        %swap3A_549 = tpu.vector_load %arg11[%swap3A_548] {strides = array<i32>} : memref<80xi32, #tpu.memory_space<vmem>>, vector<16xi32>,
        %swap3A_550 = vector.shape_cast %swap3A_549 : vector<16xi32> to vector<16xi32>
        %swap3A_551 = vector.shape_cast %add3A_547 : vector<16xi32> to vector<16xi32>
        tpu.vector_store %arg11[%swap3A_548], %swap3A_551 {strides = array<i32>} : memref<80xi32, #tpu.memory_space<vmem>>, vector<16xi32>,
        %get3A_552 = arith.index_cast %add3A_493 : i32 to index
        %get3A_553 = arith.constant 64 : index
        %get3A_554 = tpu.vector_load %arg6[%get3A_552, %get3A_553] {strides = array<i32>} : memref<250x80xi32, #tpu.memory_space<vmem>>, vector<1x16xi32>,
        %get3A_555 = vector.shape_cast %get3A_554 : vector<1x16xi32> to vector<16xi32>
        %mul3A_556 = arith.constant 2 : i32
        %mul3A_557 = vector.broadcast %mul3A_556 : i32 to vector<16xi32>
        %mul3A_558 = arith.muli %get3A_555, %mul3A_557 : vector<16xi32>
        %add3A_559 = vector.broadcast %arg0 : i32 to vector<16xi32>
        %add3A_560 = arith.addi %mul3A_558, %add3A_559 : vector<16xi32>
        %swap3A_561 = arith.constant 64 : index
        %swap3A_562 = tpu.vector_load %arg11[%swap3A_561] {strides = array<i32>} : memref<80xi32, #tpu.memory_space<vmem>>, vector<16xi32>,
        %swap3A_563 = vector.shape_cast %swap3A_562 : vector<16xi32> to vector<16xi32>
        %swap3A_564 = vector.shape_cast %add3A_560 : vector<16xi32> to vector<16xi32>
        tpu.vector_store %arg11[%swap3A_561], %swap3A_564 {strides = array<i32>} : memref<80xi32, #tpu.memory_space<vmem>>, vector<16xi32>,
        %dma_start3A_565 = arith.constant 0 : i32
        %dma_start3A_566 = arith.constant 0 : i32
        %dma_start3A_567 = tpu.memref_slice %arg2[%dma_start3A_565, %dma_start3A_566] : memref<20000x64xf32, #tpu.memory_space<hbm>> -> memref<20000x64xf32, #tpu.memory_space<hbm>>
        tpu.enqueue_indirect_dma source(%dma_start3A_567 : memref<20000x64xf32, #tpu.memory_space<hbm>>) target(%arg21 : memref<80x64xf32, #tpu.memory_space<vmem>>) offsets(%arg11 : memref<80xi32, #tpu.memory_space<vmem>>) semaphore(%arg28 : memref<!tpu.dma_semaphore, #tpu.memory_space<semaphore_mem>>)
      } else {
      }
    }
    %scan3A_408 = arith.constant 50 : i32
    %barrier3A_409 = arith.constant 0 : index
    tpu.barrier barrier_id(%barrier3A_409)
    %mul3A_410 = arith.constant 625 : i32
    %mul3A_411 = arith.muli %arg1, %mul3A_410 : i32
    %mul3A_412 = arith.constant 625 : i32
    %mul3A_413 = arith.muli %arg1, %mul3A_412 : i32
    "tpu.region"() ({
      %run_scoped3A = tpu.sem_alloc : memref<!tpu.dma_semaphore, #tpu.memory_space<semaphore_mem>>
      %dma_start3A_414 = arith.constant 0 : i32
      %dma_start3A_415 = tpu.memref_slice %arg5[%arg0, %mul3A_413, %dma_start3A_414] : memref<2x10000x64xf32, #tpu.memory_space<hbm>> -> memref<1x625x64xf32, #tpu.memory_space<hbm>>
      %dma_start3A_416 = tpu.memref_squeeze %dma_start3A_415 : memref<1x625x64xf32, #tpu.memory_space<hbm>> -> memref<625x64xf32, #tpu.memory_space<hbm>>
      %dma_start3A_417 = arith.constant 0 : i32
      %dma_start3A_418 = tpu.memref_slice %arg23[%mul3A_411, %dma_start3A_417] : memref<10128x64xf32, #tpu.memory_space<vmem_shared>> -> memref<625x64xf32, #tpu.memory_space<vmem_shared>>
      tpu.enqueue_dma source(%dma_start3A_418 : memref<625x64xf32, #tpu.memory_space<vmem_shared>>) target(%dma_start3A_416 : memref<625x64xf32, #tpu.memory_space<hbm>>) target_semaphore(%run_scoped3A : memref<!tpu.dma_semaphore, #tpu.memory_space<semaphore_mem>>)
      %dma_wait3A = arith.constant 0 : i32
      %dma_wait3A_419 = tpu.memref_slice %arg5[%arg0, %mul3A_413, %dma_wait3A] : memref<2x10000x64xf32, #tpu.memory_space<hbm>> -> memref<1x625x64xf32, #tpu.memory_space<hbm>>
      %dma_wait3A_420 = tpu.memref_squeeze %dma_wait3A_419 : memref<1x625x64xf32, #tpu.memory_space<hbm>> -> memref<625x64xf32, #tpu.memory_space<hbm>>
      %dma_wait3A_421 = arith.constant 0 : i32
      %dma_wait3A_422 = tpu.memref_slice %arg23[%mul3A_411, %dma_wait3A_421] : memref<10128x64xf32, #tpu.memory_space<vmem_shared>> -> memref<625x64xf32, #tpu.memory_space<vmem_shared>>
      tpu.wait_dma2 semaphore(%run_scoped3A : memref<!tpu.dma_semaphore, #tpu.memory_space<semaphore_mem>>) src(%dma_wait3A_422 : memref<625x64xf32, #tpu.memory_space<vmem_shared>>) dst(%dma_wait3A_420 : memref<625x64xf32, #tpu.memory_space<hbm>>)
      tpu.yield
    }) : () -> ()
    return
  }
}

#map = affine_map<(d0, d1) -> (0, 0)>
#map1 = affine_map<(d0, d1) -> (0, 0, 0)>
module attributes {stable_mosaic.version = 14 : i64} {
  func.func @seg(%arg0: i32, %arg1: i32, %arg2: memref<20000x64xf32, #tpu.memory_space<hbm>>, %arg3: memref<16x250x80xi32, #tpu.memory_space<hbm>>, %arg4: memref<16x250x80xi32, #tpu.memory_space<hbm>>, %arg5: memref<2x10000x64xf32, #tpu.memory_space<hbm>>, %arg6: memref<250x80xi32, #tpu.memory_space<vmem>>, %arg7: memref<80xi32, #tpu.memory_space<vmem>>, %arg8: memref<80xi32, #tpu.memory_space<vmem>>, %arg9: memref<80xi32, #tpu.memory_space<vmem>>, %arg10: memref<80xi32, #tpu.memory_space<vmem>>, %arg11: memref<80xi32, #tpu.memory_space<vmem>>, %arg12: memref<80xi32, #tpu.memory_space<vmem>>, %arg13: memref<80xi32, #tpu.memory_space<vmem>>, %arg14: memref<80xi32, #tpu.memory_space<vmem>>, %arg15: memref<80xi32, #tpu.memory_space<vmem>>, %arg16: memref<80xi32, #tpu.memory_space<vmem>>, %arg17: memref<80x64xf32, #tpu.memory_space<vmem>>, %arg18: memref<80x64xf32, #tpu.memory_space<vmem>>, %arg19: memref<80x64xf32, #tpu.memory_space<vmem>>, %arg20: memref<80x64xf32, #tpu.memory_space<vmem>>, %arg21: memref<80x64xf32, #tpu.memory_space<vmem>>, %arg22: memref<125x64xf32, #tpu.memory_space<vmem>>, %arg23: memref<10128x64xf32, #tpu.memory_space<vmem_shared>>, %arg24: memref<!tpu.dma_semaphore, #tpu.memory_space<semaphore_mem>>, %arg25: memref<!tpu.dma_semaphore, #tpu.memory_space<semaphore_mem>>, %arg26: memref<!tpu.dma_semaphore, #tpu.memory_space<semaphore_mem>>, %arg27: memref<!tpu.dma_semaphore, #tpu.memory_space<semaphore_mem>>, %arg28: memref<!tpu.dma_semaphore, #tpu.memory_space<semaphore_mem>>, %arg29: memref<!tpu.dma_semaphore, #tpu.memory_space<semaphore_mem>>, %arg30: memref<!tpu.dma_semaphore, #tpu.memory_space<semaphore_mem>>, %arg31: memref<!tpu.dma_semaphore, #tpu.memory_space<semaphore_mem>>, %arg32: memref<!tpu.dma_semaphore, #tpu.memory_space<semaphore_mem>>, %arg33: memref<!tpu.dma_semaphore, #tpu.memory_space<semaphore_mem>>) attributes {dimension_semantics = [#tpu.dimension_semantics<core_parallel>, #tpu.dimension_semantics<subcore_parallel>], iteration_bounds = array<i64: 2, 16>, scalar_prefetch = 0 : i64, scratch_operands = 28 : i64, tpu.core_type = #tpu.core_type<sc_vector_subcore>, window_params = [{transform_indices = #map}, {transform_indices = #map1}, {transform_indices = #map1}, {transform_indices = #map1}]} {
    %scan3A = arith.constant 0 : i32
    %scan3A_0 = arith.constant 125 : i32
    %scan3A_1 = arith.addi %scan3A, %scan3A_0 : i32
    %scan3A_2 = arith.constant 1 : i32
    scf.for %scan3A_414 = %scan3A to %scan3A_1 step %scan3A_2  : i32 {
      %mul3A_415 = arith.constant 1 : i32
      %mul3A_416 = arith.muli %scan3A_414, %mul3A_415 : i32
      %add3A_417 = arith.constant 0 : i32
      %add3A_418 = arith.addi %add3A_417, %mul3A_416 : i32
      %scan3A_419 = arith.constant 0 : i32
      %scan3A_420 = arith.constant 4 : i32
      %scan3A_421 = arith.addi %scan3A_419, %scan3A_420 : i32
      %scan3A_422 = arith.constant 1 : i32
      scf.for %scan3A_424 = %scan3A_419 to %scan3A_421 step %scan3A_422  : i32 {
        %mul3A_425 = arith.constant 1 : i32
        %mul3A_426 = arith.muli %scan3A_424, %mul3A_425 : i32
        %add3A_427 = arith.constant 0 : i32
        %add3A_428 = arith.addi %add3A_427, %mul3A_426 : i32
        %broadcast_in_dim3A = arith.constant 0.000000e+00 : f32
        %broadcast_in_dim3A_429 = vector.broadcast %broadcast_in_dim3A : f32 to vector<16xf32>
        %mul3A_430 = arith.constant 16 : i32
        %mul3A_431 = arith.muli %add3A_428, %mul3A_430 : i32
        %swap3A_432 = arith.index_cast %add3A_418 : i32 to index
        %swap3A_433 = arith.index_cast %mul3A_431 : i32 to index
        %swap3A_434 = tpu.vector_load %arg22[%swap3A_432, %swap3A_433] {strides = array<i32>} : memref<125x64xf32, #tpu.memory_space<vmem>>, vector<1x16xf32>,
        %swap3A_435 = vector.shape_cast %swap3A_434 : vector<1x16xf32> to vector<16xf32>
        %swap3A_436 = vector.shape_cast %broadcast_in_dim3A_429 : vector<16xf32> to vector<1x16xf32>
        tpu.vector_store %arg22[%swap3A_432, %swap3A_433], %swap3A_436 {strides = array<i32>} : memref<125x64xf32, #tpu.memory_space<vmem>>, vector<1x16xf32>,
      }
      %scan3A_423 = arith.constant 4 : i32
    }
    %scan3A_3 = arith.constant 125 : i32
    %scan3A_4 = arith.constant 0 : i32
    %scan3A_5 = arith.constant 5 : i32
    %scan3A_6 = arith.addi %scan3A_4, %scan3A_5 : i32
    %scan3A_7 = arith.constant 1 : i32
    scf.for %scan3A_414 = %scan3A_4 to %scan3A_6 step %scan3A_7  : i32 {
      %mul3A_415 = arith.constant 1 : i32
      %mul3A_416 = arith.muli %scan3A_414, %mul3A_415 : i32
      %add3A_417 = arith.constant 0 : i32
      %add3A_418 = arith.addi %add3A_417, %mul3A_416 : i32
      %mul3A_419 = arith.constant 625 : i32
      %mul3A_420 = arith.muli %arg1, %mul3A_419 : i32
      %mul3A_421 = arith.constant 125 : i32
      %mul3A_422 = arith.muli %add3A_418, %mul3A_421 : i32
      %add3A_423 = arith.addi %mul3A_420, %mul3A_422 : i32
      "tpu.region"() ({
        %run_scoped3A = tpu.sem_alloc : memref<!tpu.dma_semaphore, #tpu.memory_space<semaphore_mem>>
        %dma_start3A_424 = arith.constant 0 : i32
        %dma_start3A_425 = tpu.memref_slice %arg23[%add3A_423, %dma_start3A_424] : memref<10128x64xf32, #tpu.memory_space<vmem_shared>> -> memref<125x64xf32, #tpu.memory_space<vmem_shared>>
        %dma_start3A_426 = arith.constant 0 : i32
        %dma_start3A_427 = tpu.memref_slice %arg23[%add3A_423, %dma_start3A_426] : memref<10128x64xf32, #tpu.memory_space<vmem_shared>> -> memref<125x64xf32, #tpu.memory_space<vmem_shared>>
        tpu.enqueue_dma source(%arg22 : memref<125x64xf32, #tpu.memory_space<vmem>>) target(%dma_start3A_427 : memref<125x64xf32, #tpu.memory_space<vmem_shared>>) target_semaphore(%run_scoped3A : memref<!tpu.dma_semaphore, #tpu.memory_space<semaphore_mem>>)
        %dma_wait3A = arith.constant 0 : i32
        %dma_wait3A_428 = tpu.memref_slice %arg23[%add3A_423, %dma_wait3A] : memref<10128x64xf32, #tpu.memory_space<vmem_shared>> -> memref<125x64xf32, #tpu.memory_space<vmem_shared>>
        %dma_wait3A_429 = arith.constant 0 : i32
        %dma_wait3A_430 = tpu.memref_slice %arg23[%add3A_423, %dma_wait3A_429] : memref<10128x64xf32, #tpu.memory_space<vmem_shared>> -> memref<125x64xf32, #tpu.memory_space<vmem_shared>>
        tpu.wait_dma2 semaphore(%run_scoped3A : memref<!tpu.dma_semaphore, #tpu.memory_space<semaphore_mem>>) src(%arg22 : memref<125x64xf32, #tpu.memory_space<vmem>>) dst(%dma_wait3A_430 : memref<125x64xf32, #tpu.memory_space<vmem_shared>>)
        tpu.yield
      }) : () -> ()
    }
    %scan3A_8 = arith.constant 5 : i32
    "tpu.region"() ({
      %run_scoped3A = tpu.sem_alloc : memref<!tpu.dma_semaphore, #tpu.memory_space<semaphore_mem>>
      %dma_start3A_414 = arith.constant 0 : i32
      %dma_start3A_415 = arith.constant 0 : i32
      %dma_start3A_416 = tpu.memref_slice %arg3[%arg1, %dma_start3A_414, %dma_start3A_415] : memref<16x250x80xi32, #tpu.memory_space<hbm>> -> memref<1x250x80xi32, #tpu.memory_space<hbm>>
      %dma_start3A_417 = tpu.memref_squeeze %dma_start3A_416 : memref<1x250x80xi32, #tpu.memory_space<hbm>> -> memref<250x80xi32, #tpu.memory_space<hbm>>
      %dma_start3A_418 = arith.constant 0 : i32
      %dma_start3A_419 = arith.constant 0 : i32
      %dma_start3A_420 = tpu.memref_slice %arg3[%arg1, %dma_start3A_418, %dma_start3A_419] : memref<16x250x80xi32, #tpu.memory_space<hbm>> -> memref<1x250x80xi32, #tpu.memory_space<hbm>>
      %dma_start3A_421 = tpu.memref_squeeze %dma_start3A_420 : memref<1x250x80xi32, #tpu.memory_space<hbm>> -> memref<250x80xi32, #tpu.memory_space<hbm>>
      tpu.enqueue_dma source(%dma_start3A_421 : memref<250x80xi32, #tpu.memory_space<hbm>>) target(%arg6 : memref<250x80xi32, #tpu.memory_space<vmem>>) target_semaphore(%run_scoped3A : memref<!tpu.dma_semaphore, #tpu.memory_space<semaphore_mem>>)
      %dma_wait3A = arith.constant 0 : i32
      %dma_wait3A_422 = arith.constant 0 : i32
      %dma_wait3A_423 = tpu.memref_slice %arg3[%arg1, %dma_wait3A, %dma_wait3A_422] : memref<16x250x80xi32, #tpu.memory_space<hbm>> -> memref<1x250x80xi32, #tpu.memory_space<hbm>>
      %dma_wait3A_424 = tpu.memref_squeeze %dma_wait3A_423 : memref<1x250x80xi32, #tpu.memory_space<hbm>> -> memref<250x80xi32, #tpu.memory_space<hbm>>
      %dma_wait3A_425 = arith.constant 0 : i32
      %dma_wait3A_426 = arith.constant 0 : i32
      %dma_wait3A_427 = tpu.memref_slice %arg3[%arg1, %dma_wait3A_425, %dma_wait3A_426] : memref<16x250x80xi32, #tpu.memory_space<hbm>> -> memref<1x250x80xi32, #tpu.memory_space<hbm>>
      %dma_wait3A_428 = tpu.memref_squeeze %dma_wait3A_427 : memref<1x250x80xi32, #tpu.memory_space<hbm>> -> memref<250x80xi32, #tpu.memory_space<hbm>>
      tpu.wait_dma2 semaphore(%run_scoped3A : memref<!tpu.dma_semaphore, #tpu.memory_space<semaphore_mem>>) src(%dma_wait3A_428 : memref<250x80xi32, #tpu.memory_space<hbm>>) dst(%arg6 : memref<250x80xi32, #tpu.memory_space<vmem>>)
      tpu.yield
    }) : () -> ()
    %barrier3A = arith.constant 0 : index
    tpu.barrier barrier_id(%barrier3A)
    %dma_start3A = arith.constant 0 : i32
    %dma_start3A_9 = arith.constant 0 : i32
    %dma_start3A_10 = tpu.memref_slice %arg4[%arg1, %dma_start3A, %dma_start3A_9] : memref<16x250x80xi32, #tpu.memory_space<hbm>> -> memref<1x1x80xi32, #tpu.memory_space<hbm>>
    %dma_start3A_11 = tpu.memref_squeeze %dma_start3A_10 : memref<1x1x80xi32, #tpu.memory_space<hbm>> -> memref<80xi32, #tpu.memory_space<hbm>>
    %dma_start3A_12 = arith.constant 0 : i32
    %dma_start3A_13 = tpu.memref_slice %arg4[%arg1, %dma_start3A, %dma_start3A_12] : memref<16x250x80xi32, #tpu.memory_space<hbm>> -> memref<1x1x80xi32, #tpu.memory_space<hbm>>
    %dma_start3A_14 = tpu.memref_squeeze %dma_start3A_13 : memref<1x1x80xi32, #tpu.memory_space<hbm>> -> memref<80xi32, #tpu.memory_space<hbm>>
    tpu.enqueue_dma source(%dma_start3A_14 : memref<80xi32, #tpu.memory_space<hbm>>) target(%arg12 : memref<80xi32, #tpu.memory_space<vmem>>) target_semaphore(%arg29 : memref<!tpu.dma_semaphore, #tpu.memory_space<semaphore_mem>>)
    %get3A = arith.constant 0 : i32
    %get3A_15 = arith.index_cast %get3A : i32 to index
    %get3A_16 = arith.constant 0 : index
    %get3A_17 = tpu.vector_load %arg6[%get3A_15, %get3A_16] {strides = array<i32>} : memref<250x80xi32, #tpu.memory_space<vmem>>, vector<1x16xi32>,
    %get3A_18 = vector.shape_cast %get3A_17 : vector<1x16xi32> to vector<16xi32>
    %mul3A = arith.constant 2 : i32
    %mul3A_19 = vector.broadcast %mul3A : i32 to vector<16xi32>
    %mul3A_20 = arith.muli %get3A_18, %mul3A_19 : vector<16xi32>
    %add3A = vector.broadcast %arg0 : i32 to vector<16xi32>
    %add3A_21 = arith.addi %mul3A_20, %add3A : vector<16xi32>
    %swap3A = arith.constant 0 : index
    %swap3A_22 = tpu.vector_load %arg7[%swap3A] {strides = array<i32>} : memref<80xi32, #tpu.memory_space<vmem>>, vector<16xi32>,
    %swap3A_23 = vector.shape_cast %swap3A_22 : vector<16xi32> to vector<16xi32>
    %swap3A_24 = vector.shape_cast %add3A_21 : vector<16xi32> to vector<16xi32>
    tpu.vector_store %arg7[%swap3A], %swap3A_24 {strides = array<i32>} : memref<80xi32, #tpu.memory_space<vmem>>, vector<16xi32>,
    %get3A_25 = arith.constant 0 : i32
    %get3A_26 = arith.index_cast %get3A_25 : i32 to index
    %get3A_27 = arith.constant 16 : index
    %get3A_28 = tpu.vector_load %arg6[%get3A_26, %get3A_27] {strides = array<i32>} : memref<250x80xi32, #tpu.memory_space<vmem>>, vector<1x16xi32>,
    %get3A_29 = vector.shape_cast %get3A_28 : vector<1x16xi32> to vector<16xi32>
    %mul3A_30 = arith.constant 2 : i32
    %mul3A_31 = vector.broadcast %mul3A_30 : i32 to vector<16xi32>
    %mul3A_32 = arith.muli %get3A_29, %mul3A_31 : vector<16xi32>
    %add3A_33 = vector.broadcast %arg0 : i32 to vector<16xi32>
    %add3A_34 = arith.addi %mul3A_32, %add3A_33 : vector<16xi32>
    %swap3A_35 = arith.constant 16 : index
    %swap3A_36 = tpu.vector_load %arg7[%swap3A_35] {strides = array<i32>} : memref<80xi32, #tpu.memory_space<vmem>>, vector<16xi32>,
    %swap3A_37 = vector.shape_cast %swap3A_36 : vector<16xi32> to vector<16xi32>
    %swap3A_38 = vector.shape_cast %add3A_34 : vector<16xi32> to vector<16xi32>
    tpu.vector_store %arg7[%swap3A_35], %swap3A_38 {strides = array<i32>} : memref<80xi32, #tpu.memory_space<vmem>>, vector<16xi32>,
    %get3A_39 = arith.constant 0 : i32
    %get3A_40 = arith.index_cast %get3A_39 : i32 to index
    %get3A_41 = arith.constant 32 : index
    %get3A_42 = tpu.vector_load %arg6[%get3A_40, %get3A_41] {strides = array<i32>} : memref<250x80xi32, #tpu.memory_space<vmem>>, vector<1x16xi32>,
    %get3A_43 = vector.shape_cast %get3A_42 : vector<1x16xi32> to vector<16xi32>
    %mul3A_44 = arith.constant 2 : i32
    %mul3A_45 = vector.broadcast %mul3A_44 : i32 to vector<16xi32>
    %mul3A_46 = arith.muli %get3A_43, %mul3A_45 : vector<16xi32>
    %add3A_47 = vector.broadcast %arg0 : i32 to vector<16xi32>
    %add3A_48 = arith.addi %mul3A_46, %add3A_47 : vector<16xi32>
    %swap3A_49 = arith.constant 32 : index
    %swap3A_50 = tpu.vector_load %arg7[%swap3A_49] {strides = array<i32>} : memref<80xi32, #tpu.memory_space<vmem>>, vector<16xi32>,
    %swap3A_51 = vector.shape_cast %swap3A_50 : vector<16xi32> to vector<16xi32>
    %swap3A_52 = vector.shape_cast %add3A_48 : vector<16xi32> to vector<16xi32>
    tpu.vector_store %arg7[%swap3A_49], %swap3A_52 {strides = array<i32>} : memref<80xi32, #tpu.memory_space<vmem>>, vector<16xi32>,
    %get3A_53 = arith.constant 0 : i32
    %get3A_54 = arith.index_cast %get3A_53 : i32 to index
    %get3A_55 = arith.constant 48 : index
    %get3A_56 = tpu.vector_load %arg6[%get3A_54, %get3A_55] {strides = array<i32>} : memref<250x80xi32, #tpu.memory_space<vmem>>, vector<1x16xi32>,
    %get3A_57 = vector.shape_cast %get3A_56 : vector<1x16xi32> to vector<16xi32>
    %mul3A_58 = arith.constant 2 : i32
    %mul3A_59 = vector.broadcast %mul3A_58 : i32 to vector<16xi32>
    %mul3A_60 = arith.muli %get3A_57, %mul3A_59 : vector<16xi32>
    %add3A_61 = vector.broadcast %arg0 : i32 to vector<16xi32>
    %add3A_62 = arith.addi %mul3A_60, %add3A_61 : vector<16xi32>
    %swap3A_63 = arith.constant 48 : index
    %swap3A_64 = tpu.vector_load %arg7[%swap3A_63] {strides = array<i32>} : memref<80xi32, #tpu.memory_space<vmem>>, vector<16xi32>,
    %swap3A_65 = vector.shape_cast %swap3A_64 : vector<16xi32> to vector<16xi32>
    %swap3A_66 = vector.shape_cast %add3A_62 : vector<16xi32> to vector<16xi32>
    tpu.vector_store %arg7[%swap3A_63], %swap3A_66 {strides = array<i32>} : memref<80xi32, #tpu.memory_space<vmem>>, vector<16xi32>,
    %get3A_67 = arith.constant 0 : i32
    %get3A_68 = arith.index_cast %get3A_67 : i32 to index
    %get3A_69 = arith.constant 64 : index
    %get3A_70 = tpu.vector_load %arg6[%get3A_68, %get3A_69] {strides = array<i32>} : memref<250x80xi32, #tpu.memory_space<vmem>>, vector<1x16xi32>,
    %get3A_71 = vector.shape_cast %get3A_70 : vector<1x16xi32> to vector<16xi32>
    %mul3A_72 = arith.constant 2 : i32
    %mul3A_73 = vector.broadcast %mul3A_72 : i32 to vector<16xi32>
    %mul3A_74 = arith.muli %get3A_71, %mul3A_73 : vector<16xi32>
    %add3A_75 = vector.broadcast %arg0 : i32 to vector<16xi32>
    %add3A_76 = arith.addi %mul3A_74, %add3A_75 : vector<16xi32>
    %swap3A_77 = arith.constant 64 : index
    %swap3A_78 = tpu.vector_load %arg7[%swap3A_77] {strides = array<i32>} : memref<80xi32, #tpu.memory_space<vmem>>, vector<16xi32>,
    %swap3A_79 = vector.shape_cast %swap3A_78 : vector<16xi32> to vector<16xi32>
    %swap3A_80 = vector.shape_cast %add3A_76 : vector<16xi32> to vector<16xi32>
    tpu.vector_store %arg7[%swap3A_77], %swap3A_80 {strides = array<i32>} : memref<80xi32, #tpu.memory_space<vmem>>, vector<16xi32>,
    %dma_start3A_81 = arith.constant 0 : i32
    %dma_start3A_82 = arith.constant 0 : i32
    %dma_start3A_83 = tpu.memref_slice %arg2[%dma_start3A_81, %dma_start3A_82] : memref<20000x64xf32, #tpu.memory_space<hbm>> -> memref<20000x64xf32, #tpu.memory_space<hbm>>
    tpu.enqueue_indirect_dma source(%dma_start3A_83 : memref<20000x64xf32, #tpu.memory_space<hbm>>) target(%arg17 : memref<80x64xf32, #tpu.memory_space<vmem>>) offsets(%arg7 : memref<80xi32, #tpu.memory_space<vmem>>) semaphore(%arg24 : memref<!tpu.dma_semaphore, #tpu.memory_space<semaphore_mem>>)
    %dma_start3A_84 = arith.constant 1 : i32
    %dma_start3A_85 = arith.constant 0 : i32
    %dma_start3A_86 = tpu.memref_slice %arg4[%arg1, %dma_start3A_84, %dma_start3A_85] : memref<16x250x80xi32, #tpu.memory_space<hbm>> -> memref<1x1x80xi32, #tpu.memory_space<hbm>>
    %dma_start3A_87 = tpu.memref_squeeze %dma_start3A_86 : memref<1x1x80xi32, #tpu.memory_space<hbm>> -> memref<80xi32, #tpu.memory_space<hbm>>
    %dma_start3A_88 = arith.constant 0 : i32
    %dma_start3A_89 = tpu.memref_slice %arg4[%arg1, %dma_start3A_84, %dma_start3A_88] : memref<16x250x80xi32, #tpu.memory_space<hbm>> -> memref<1x1x80xi32, #tpu.memory_space<hbm>>
    %dma_start3A_90 = tpu.memref_squeeze %dma_start3A_89 : memref<1x1x80xi32, #tpu.memory_space<hbm>> -> memref<80xi32, #tpu.memory_space<hbm>>
    tpu.enqueue_dma source(%dma_start3A_90 : memref<80xi32, #tpu.memory_space<hbm>>) target(%arg13 : memref<80xi32, #tpu.memory_space<vmem>>) target_semaphore(%arg30 : memref<!tpu.dma_semaphore, #tpu.memory_space<semaphore_mem>>)
    %get3A_91 = arith.constant 1 : i32
    %get3A_92 = arith.index_cast %get3A_91 : i32 to index
    %get3A_93 = arith.constant 0 : index
    %get3A_94 = tpu.vector_load %arg6[%get3A_92, %get3A_93] {strides = array<i32>} : memref<250x80xi32, #tpu.memory_space<vmem>>, vector<1x16xi32>,
    %get3A_95 = vector.shape_cast %get3A_94 : vector<1x16xi32> to vector<16xi32>
    %mul3A_96 = arith.constant 2 : i32
    %mul3A_97 = vector.broadcast %mul3A_96 : i32 to vector<16xi32>
    %mul3A_98 = arith.muli %get3A_95, %mul3A_97 : vector<16xi32>
    %add3A_99 = vector.broadcast %arg0 : i32 to vector<16xi32>
    %add3A_100 = arith.addi %mul3A_98, %add3A_99 : vector<16xi32>
    %swap3A_101 = arith.constant 0 : index
    %swap3A_102 = tpu.vector_load %arg8[%swap3A_101] {strides = array<i32>} : memref<80xi32, #tpu.memory_space<vmem>>, vector<16xi32>,
    %swap3A_103 = vector.shape_cast %swap3A_102 : vector<16xi32> to vector<16xi32>
    %swap3A_104 = vector.shape_cast %add3A_100 : vector<16xi32> to vector<16xi32>
    tpu.vector_store %arg8[%swap3A_101], %swap3A_104 {strides = array<i32>} : memref<80xi32, #tpu.memory_space<vmem>>, vector<16xi32>,
    %get3A_105 = arith.constant 1 : i32
    %get3A_106 = arith.index_cast %get3A_105 : i32 to index
    %get3A_107 = arith.constant 16 : index
    %get3A_108 = tpu.vector_load %arg6[%get3A_106, %get3A_107] {strides = array<i32>} : memref<250x80xi32, #tpu.memory_space<vmem>>, vector<1x16xi32>,
    %get3A_109 = vector.shape_cast %get3A_108 : vector<1x16xi32> to vector<16xi32>
    %mul3A_110 = arith.constant 2 : i32
    %mul3A_111 = vector.broadcast %mul3A_110 : i32 to vector<16xi32>
    %mul3A_112 = arith.muli %get3A_109, %mul3A_111 : vector<16xi32>
    %add3A_113 = vector.broadcast %arg0 : i32 to vector<16xi32>
    %add3A_114 = arith.addi %mul3A_112, %add3A_113 : vector<16xi32>
    %swap3A_115 = arith.constant 16 : index
    %swap3A_116 = tpu.vector_load %arg8[%swap3A_115] {strides = array<i32>} : memref<80xi32, #tpu.memory_space<vmem>>, vector<16xi32>,
    %swap3A_117 = vector.shape_cast %swap3A_116 : vector<16xi32> to vector<16xi32>
    %swap3A_118 = vector.shape_cast %add3A_114 : vector<16xi32> to vector<16xi32>
    tpu.vector_store %arg8[%swap3A_115], %swap3A_118 {strides = array<i32>} : memref<80xi32, #tpu.memory_space<vmem>>, vector<16xi32>,
    %get3A_119 = arith.constant 1 : i32
    %get3A_120 = arith.index_cast %get3A_119 : i32 to index
    %get3A_121 = arith.constant 32 : index
    %get3A_122 = tpu.vector_load %arg6[%get3A_120, %get3A_121] {strides = array<i32>} : memref<250x80xi32, #tpu.memory_space<vmem>>, vector<1x16xi32>,
    %get3A_123 = vector.shape_cast %get3A_122 : vector<1x16xi32> to vector<16xi32>
    %mul3A_124 = arith.constant 2 : i32
    %mul3A_125 = vector.broadcast %mul3A_124 : i32 to vector<16xi32>
    %mul3A_126 = arith.muli %get3A_123, %mul3A_125 : vector<16xi32>
    %add3A_127 = vector.broadcast %arg0 : i32 to vector<16xi32>
    %add3A_128 = arith.addi %mul3A_126, %add3A_127 : vector<16xi32>
    %swap3A_129 = arith.constant 32 : index
    %swap3A_130 = tpu.vector_load %arg8[%swap3A_129] {strides = array<i32>} : memref<80xi32, #tpu.memory_space<vmem>>, vector<16xi32>,
    %swap3A_131 = vector.shape_cast %swap3A_130 : vector<16xi32> to vector<16xi32>
    %swap3A_132 = vector.shape_cast %add3A_128 : vector<16xi32> to vector<16xi32>
    tpu.vector_store %arg8[%swap3A_129], %swap3A_132 {strides = array<i32>} : memref<80xi32, #tpu.memory_space<vmem>>, vector<16xi32>,
    %get3A_133 = arith.constant 1 : i32
    %get3A_134 = arith.index_cast %get3A_133 : i32 to index
    %get3A_135 = arith.constant 48 : index
    %get3A_136 = tpu.vector_load %arg6[%get3A_134, %get3A_135] {strides = array<i32>} : memref<250x80xi32, #tpu.memory_space<vmem>>, vector<1x16xi32>,
    %get3A_137 = vector.shape_cast %get3A_136 : vector<1x16xi32> to vector<16xi32>
    %mul3A_138 = arith.constant 2 : i32
    %mul3A_139 = vector.broadcast %mul3A_138 : i32 to vector<16xi32>
    %mul3A_140 = arith.muli %get3A_137, %mul3A_139 : vector<16xi32>
    %add3A_141 = vector.broadcast %arg0 : i32 to vector<16xi32>
    %add3A_142 = arith.addi %mul3A_140, %add3A_141 : vector<16xi32>
    %swap3A_143 = arith.constant 48 : index
    %swap3A_144 = tpu.vector_load %arg8[%swap3A_143] {strides = array<i32>} : memref<80xi32, #tpu.memory_space<vmem>>, vector<16xi32>,
    %swap3A_145 = vector.shape_cast %swap3A_144 : vector<16xi32> to vector<16xi32>
    %swap3A_146 = vector.shape_cast %add3A_142 : vector<16xi32> to vector<16xi32>
    tpu.vector_store %arg8[%swap3A_143], %swap3A_146 {strides = array<i32>} : memref<80xi32, #tpu.memory_space<vmem>>, vector<16xi32>,
    %get3A_147 = arith.constant 1 : i32
    %get3A_148 = arith.index_cast %get3A_147 : i32 to index
    %get3A_149 = arith.constant 64 : index
    %get3A_150 = tpu.vector_load %arg6[%get3A_148, %get3A_149] {strides = array<i32>} : memref<250x80xi32, #tpu.memory_space<vmem>>, vector<1x16xi32>,
    %get3A_151 = vector.shape_cast %get3A_150 : vector<1x16xi32> to vector<16xi32>
    %mul3A_152 = arith.constant 2 : i32
    %mul3A_153 = vector.broadcast %mul3A_152 : i32 to vector<16xi32>
    %mul3A_154 = arith.muli %get3A_151, %mul3A_153 : vector<16xi32>
    %add3A_155 = vector.broadcast %arg0 : i32 to vector<16xi32>
    %add3A_156 = arith.addi %mul3A_154, %add3A_155 : vector<16xi32>
    %swap3A_157 = arith.constant 64 : index
    %swap3A_158 = tpu.vector_load %arg8[%swap3A_157] {strides = array<i32>} : memref<80xi32, #tpu.memory_space<vmem>>, vector<16xi32>,
    %swap3A_159 = vector.shape_cast %swap3A_158 : vector<16xi32> to vector<16xi32>
    %swap3A_160 = vector.shape_cast %add3A_156 : vector<16xi32> to vector<16xi32>
    tpu.vector_store %arg8[%swap3A_157], %swap3A_160 {strides = array<i32>} : memref<80xi32, #tpu.memory_space<vmem>>, vector<16xi32>,
    %dma_start3A_161 = arith.constant 0 : i32
    %dma_start3A_162 = arith.constant 0 : i32
    %dma_start3A_163 = tpu.memref_slice %arg2[%dma_start3A_161, %dma_start3A_162] : memref<20000x64xf32, #tpu.memory_space<hbm>> -> memref<20000x64xf32, #tpu.memory_space<hbm>>
    tpu.enqueue_indirect_dma source(%dma_start3A_163 : memref<20000x64xf32, #tpu.memory_space<hbm>>) target(%arg18 : memref<80x64xf32, #tpu.memory_space<vmem>>) offsets(%arg8 : memref<80xi32, #tpu.memory_space<vmem>>) semaphore(%arg25 : memref<!tpu.dma_semaphore, #tpu.memory_space<semaphore_mem>>)
    %dma_start3A_164 = arith.constant 2 : i32
    %dma_start3A_165 = arith.constant 0 : i32
    %dma_start3A_166 = tpu.memref_slice %arg4[%arg1, %dma_start3A_164, %dma_start3A_165] : memref<16x250x80xi32, #tpu.memory_space<hbm>> -> memref<1x1x80xi32, #tpu.memory_space<hbm>>
    %dma_start3A_167 = tpu.memref_squeeze %dma_start3A_166 : memref<1x1x80xi32, #tpu.memory_space<hbm>> -> memref<80xi32, #tpu.memory_space<hbm>>
    %dma_start3A_168 = arith.constant 0 : i32
    %dma_start3A_169 = tpu.memref_slice %arg4[%arg1, %dma_start3A_164, %dma_start3A_168] : memref<16x250x80xi32, #tpu.memory_space<hbm>> -> memref<1x1x80xi32, #tpu.memory_space<hbm>>
    %dma_start3A_170 = tpu.memref_squeeze %dma_start3A_169 : memref<1x1x80xi32, #tpu.memory_space<hbm>> -> memref<80xi32, #tpu.memory_space<hbm>>
    tpu.enqueue_dma source(%dma_start3A_170 : memref<80xi32, #tpu.memory_space<hbm>>) target(%arg14 : memref<80xi32, #tpu.memory_space<vmem>>) target_semaphore(%arg31 : memref<!tpu.dma_semaphore, #tpu.memory_space<semaphore_mem>>)
    %get3A_171 = arith.constant 2 : i32
    %get3A_172 = arith.index_cast %get3A_171 : i32 to index
    %get3A_173 = arith.constant 0 : index
    %get3A_174 = tpu.vector_load %arg6[%get3A_172, %get3A_173] {strides = array<i32>} : memref<250x80xi32, #tpu.memory_space<vmem>>, vector<1x16xi32>,
    %get3A_175 = vector.shape_cast %get3A_174 : vector<1x16xi32> to vector<16xi32>
    %mul3A_176 = arith.constant 2 : i32
    %mul3A_177 = vector.broadcast %mul3A_176 : i32 to vector<16xi32>
    %mul3A_178 = arith.muli %get3A_175, %mul3A_177 : vector<16xi32>
    %add3A_179 = vector.broadcast %arg0 : i32 to vector<16xi32>
    %add3A_180 = arith.addi %mul3A_178, %add3A_179 : vector<16xi32>
    %swap3A_181 = arith.constant 0 : index
    %swap3A_182 = tpu.vector_load %arg9[%swap3A_181] {strides = array<i32>} : memref<80xi32, #tpu.memory_space<vmem>>, vector<16xi32>,
    %swap3A_183 = vector.shape_cast %swap3A_182 : vector<16xi32> to vector<16xi32>
    %swap3A_184 = vector.shape_cast %add3A_180 : vector<16xi32> to vector<16xi32>
    tpu.vector_store %arg9[%swap3A_181], %swap3A_184 {strides = array<i32>} : memref<80xi32, #tpu.memory_space<vmem>>, vector<16xi32>,
    %get3A_185 = arith.constant 2 : i32
    %get3A_186 = arith.index_cast %get3A_185 : i32 to index
    %get3A_187 = arith.constant 16 : index
    %get3A_188 = tpu.vector_load %arg6[%get3A_186, %get3A_187] {strides = array<i32>} : memref<250x80xi32, #tpu.memory_space<vmem>>, vector<1x16xi32>,
    %get3A_189 = vector.shape_cast %get3A_188 : vector<1x16xi32> to vector<16xi32>
    %mul3A_190 = arith.constant 2 : i32
    %mul3A_191 = vector.broadcast %mul3A_190 : i32 to vector<16xi32>
    %mul3A_192 = arith.muli %get3A_189, %mul3A_191 : vector<16xi32>
    %add3A_193 = vector.broadcast %arg0 : i32 to vector<16xi32>
    %add3A_194 = arith.addi %mul3A_192, %add3A_193 : vector<16xi32>
    %swap3A_195 = arith.constant 16 : index
    %swap3A_196 = tpu.vector_load %arg9[%swap3A_195] {strides = array<i32>} : memref<80xi32, #tpu.memory_space<vmem>>, vector<16xi32>,
    %swap3A_197 = vector.shape_cast %swap3A_196 : vector<16xi32> to vector<16xi32>
    %swap3A_198 = vector.shape_cast %add3A_194 : vector<16xi32> to vector<16xi32>
    tpu.vector_store %arg9[%swap3A_195], %swap3A_198 {strides = array<i32>} : memref<80xi32, #tpu.memory_space<vmem>>, vector<16xi32>,
    %get3A_199 = arith.constant 2 : i32
    %get3A_200 = arith.index_cast %get3A_199 : i32 to index
    %get3A_201 = arith.constant 32 : index
    %get3A_202 = tpu.vector_load %arg6[%get3A_200, %get3A_201] {strides = array<i32>} : memref<250x80xi32, #tpu.memory_space<vmem>>, vector<1x16xi32>,
    %get3A_203 = vector.shape_cast %get3A_202 : vector<1x16xi32> to vector<16xi32>
    %mul3A_204 = arith.constant 2 : i32
    %mul3A_205 = vector.broadcast %mul3A_204 : i32 to vector<16xi32>
    %mul3A_206 = arith.muli %get3A_203, %mul3A_205 : vector<16xi32>
    %add3A_207 = vector.broadcast %arg0 : i32 to vector<16xi32>
    %add3A_208 = arith.addi %mul3A_206, %add3A_207 : vector<16xi32>
    %swap3A_209 = arith.constant 32 : index
    %swap3A_210 = tpu.vector_load %arg9[%swap3A_209] {strides = array<i32>} : memref<80xi32, #tpu.memory_space<vmem>>, vector<16xi32>,
    %swap3A_211 = vector.shape_cast %swap3A_210 : vector<16xi32> to vector<16xi32>
    %swap3A_212 = vector.shape_cast %add3A_208 : vector<16xi32> to vector<16xi32>
    tpu.vector_store %arg9[%swap3A_209], %swap3A_212 {strides = array<i32>} : memref<80xi32, #tpu.memory_space<vmem>>, vector<16xi32>,
    %get3A_213 = arith.constant 2 : i32
    %get3A_214 = arith.index_cast %get3A_213 : i32 to index
    %get3A_215 = arith.constant 48 : index
    %get3A_216 = tpu.vector_load %arg6[%get3A_214, %get3A_215] {strides = array<i32>} : memref<250x80xi32, #tpu.memory_space<vmem>>, vector<1x16xi32>,
    %get3A_217 = vector.shape_cast %get3A_216 : vector<1x16xi32> to vector<16xi32>
    %mul3A_218 = arith.constant 2 : i32
    %mul3A_219 = vector.broadcast %mul3A_218 : i32 to vector<16xi32>
    %mul3A_220 = arith.muli %get3A_217, %mul3A_219 : vector<16xi32>
    %add3A_221 = vector.broadcast %arg0 : i32 to vector<16xi32>
    %add3A_222 = arith.addi %mul3A_220, %add3A_221 : vector<16xi32>
    %swap3A_223 = arith.constant 48 : index
    %swap3A_224 = tpu.vector_load %arg9[%swap3A_223] {strides = array<i32>} : memref<80xi32, #tpu.memory_space<vmem>>, vector<16xi32>,
    %swap3A_225 = vector.shape_cast %swap3A_224 : vector<16xi32> to vector<16xi32>
    %swap3A_226 = vector.shape_cast %add3A_222 : vector<16xi32> to vector<16xi32>
    tpu.vector_store %arg9[%swap3A_223], %swap3A_226 {strides = array<i32>} : memref<80xi32, #tpu.memory_space<vmem>>, vector<16xi32>,
    %get3A_227 = arith.constant 2 : i32
    %get3A_228 = arith.index_cast %get3A_227 : i32 to index
    %get3A_229 = arith.constant 64 : index
    %get3A_230 = tpu.vector_load %arg6[%get3A_228, %get3A_229] {strides = array<i32>} : memref<250x80xi32, #tpu.memory_space<vmem>>, vector<1x16xi32>,
    %get3A_231 = vector.shape_cast %get3A_230 : vector<1x16xi32> to vector<16xi32>
    %mul3A_232 = arith.constant 2 : i32
    %mul3A_233 = vector.broadcast %mul3A_232 : i32 to vector<16xi32>
    %mul3A_234 = arith.muli %get3A_231, %mul3A_233 : vector<16xi32>
    %add3A_235 = vector.broadcast %arg0 : i32 to vector<16xi32>
    %add3A_236 = arith.addi %mul3A_234, %add3A_235 : vector<16xi32>
    %swap3A_237 = arith.constant 64 : index
    %swap3A_238 = tpu.vector_load %arg9[%swap3A_237] {strides = array<i32>} : memref<80xi32, #tpu.memory_space<vmem>>, vector<16xi32>,
    %swap3A_239 = vector.shape_cast %swap3A_238 : vector<16xi32> to vector<16xi32>
    %swap3A_240 = vector.shape_cast %add3A_236 : vector<16xi32> to vector<16xi32>
    tpu.vector_store %arg9[%swap3A_237], %swap3A_240 {strides = array<i32>} : memref<80xi32, #tpu.memory_space<vmem>>, vector<16xi32>,
    %dma_start3A_241 = arith.constant 0 : i32
    %dma_start3A_242 = arith.constant 0 : i32
    %dma_start3A_243 = tpu.memref_slice %arg2[%dma_start3A_241, %dma_start3A_242] : memref<20000x64xf32, #tpu.memory_space<hbm>> -> memref<20000x64xf32, #tpu.memory_space<hbm>>
    tpu.enqueue_indirect_dma source(%dma_start3A_243 : memref<20000x64xf32, #tpu.memory_space<hbm>>) target(%arg19 : memref<80x64xf32, #tpu.memory_space<vmem>>) offsets(%arg9 : memref<80xi32, #tpu.memory_space<vmem>>) semaphore(%arg26 : memref<!tpu.dma_semaphore, #tpu.memory_space<semaphore_mem>>)
    %dma_start3A_244 = arith.constant 3 : i32
    %dma_start3A_245 = arith.constant 0 : i32
    %dma_start3A_246 = tpu.memref_slice %arg4[%arg1, %dma_start3A_244, %dma_start3A_245] : memref<16x250x80xi32, #tpu.memory_space<hbm>> -> memref<1x1x80xi32, #tpu.memory_space<hbm>>
    %dma_start3A_247 = tpu.memref_squeeze %dma_start3A_246 : memref<1x1x80xi32, #tpu.memory_space<hbm>> -> memref<80xi32, #tpu.memory_space<hbm>>
    %dma_start3A_248 = arith.constant 0 : i32
    %dma_start3A_249 = tpu.memref_slice %arg4[%arg1, %dma_start3A_244, %dma_start3A_248] : memref<16x250x80xi32, #tpu.memory_space<hbm>> -> memref<1x1x80xi32, #tpu.memory_space<hbm>>
    %dma_start3A_250 = tpu.memref_squeeze %dma_start3A_249 : memref<1x1x80xi32, #tpu.memory_space<hbm>> -> memref<80xi32, #tpu.memory_space<hbm>>
    tpu.enqueue_dma source(%dma_start3A_250 : memref<80xi32, #tpu.memory_space<hbm>>) target(%arg15 : memref<80xi32, #tpu.memory_space<vmem>>) target_semaphore(%arg32 : memref<!tpu.dma_semaphore, #tpu.memory_space<semaphore_mem>>)
    %get3A_251 = arith.constant 3 : i32
    %get3A_252 = arith.index_cast %get3A_251 : i32 to index
    %get3A_253 = arith.constant 0 : index
    %get3A_254 = tpu.vector_load %arg6[%get3A_252, %get3A_253] {strides = array<i32>} : memref<250x80xi32, #tpu.memory_space<vmem>>, vector<1x16xi32>,
    %get3A_255 = vector.shape_cast %get3A_254 : vector<1x16xi32> to vector<16xi32>
    %mul3A_256 = arith.constant 2 : i32
    %mul3A_257 = vector.broadcast %mul3A_256 : i32 to vector<16xi32>
    %mul3A_258 = arith.muli %get3A_255, %mul3A_257 : vector<16xi32>
    %add3A_259 = vector.broadcast %arg0 : i32 to vector<16xi32>
    %add3A_260 = arith.addi %mul3A_258, %add3A_259 : vector<16xi32>
    %swap3A_261 = arith.constant 0 : index
    %swap3A_262 = tpu.vector_load %arg10[%swap3A_261] {strides = array<i32>} : memref<80xi32, #tpu.memory_space<vmem>>, vector<16xi32>,
    %swap3A_263 = vector.shape_cast %swap3A_262 : vector<16xi32> to vector<16xi32>
    %swap3A_264 = vector.shape_cast %add3A_260 : vector<16xi32> to vector<16xi32>
    tpu.vector_store %arg10[%swap3A_261], %swap3A_264 {strides = array<i32>} : memref<80xi32, #tpu.memory_space<vmem>>, vector<16xi32>,
    %get3A_265 = arith.constant 3 : i32
    %get3A_266 = arith.index_cast %get3A_265 : i32 to index
    %get3A_267 = arith.constant 16 : index
    %get3A_268 = tpu.vector_load %arg6[%get3A_266, %get3A_267] {strides = array<i32>} : memref<250x80xi32, #tpu.memory_space<vmem>>, vector<1x16xi32>,
    %get3A_269 = vector.shape_cast %get3A_268 : vector<1x16xi32> to vector<16xi32>
    %mul3A_270 = arith.constant 2 : i32
    %mul3A_271 = vector.broadcast %mul3A_270 : i32 to vector<16xi32>
    %mul3A_272 = arith.muli %get3A_269, %mul3A_271 : vector<16xi32>
    %add3A_273 = vector.broadcast %arg0 : i32 to vector<16xi32>
    %add3A_274 = arith.addi %mul3A_272, %add3A_273 : vector<16xi32>
    %swap3A_275 = arith.constant 16 : index
    %swap3A_276 = tpu.vector_load %arg10[%swap3A_275] {strides = array<i32>} : memref<80xi32, #tpu.memory_space<vmem>>, vector<16xi32>,
    %swap3A_277 = vector.shape_cast %swap3A_276 : vector<16xi32> to vector<16xi32>
    %swap3A_278 = vector.shape_cast %add3A_274 : vector<16xi32> to vector<16xi32>
    tpu.vector_store %arg10[%swap3A_275], %swap3A_278 {strides = array<i32>} : memref<80xi32, #tpu.memory_space<vmem>>, vector<16xi32>,
    %get3A_279 = arith.constant 3 : i32
    %get3A_280 = arith.index_cast %get3A_279 : i32 to index
    %get3A_281 = arith.constant 32 : index
    %get3A_282 = tpu.vector_load %arg6[%get3A_280, %get3A_281] {strides = array<i32>} : memref<250x80xi32, #tpu.memory_space<vmem>>, vector<1x16xi32>,
    %get3A_283 = vector.shape_cast %get3A_282 : vector<1x16xi32> to vector<16xi32>
    %mul3A_284 = arith.constant 2 : i32
    %mul3A_285 = vector.broadcast %mul3A_284 : i32 to vector<16xi32>
    %mul3A_286 = arith.muli %get3A_283, %mul3A_285 : vector<16xi32>
    %add3A_287 = vector.broadcast %arg0 : i32 to vector<16xi32>
    %add3A_288 = arith.addi %mul3A_286, %add3A_287 : vector<16xi32>
    %swap3A_289 = arith.constant 32 : index
    %swap3A_290 = tpu.vector_load %arg10[%swap3A_289] {strides = array<i32>} : memref<80xi32, #tpu.memory_space<vmem>>, vector<16xi32>,
    %swap3A_291 = vector.shape_cast %swap3A_290 : vector<16xi32> to vector<16xi32>
    %swap3A_292 = vector.shape_cast %add3A_288 : vector<16xi32> to vector<16xi32>
    tpu.vector_store %arg10[%swap3A_289], %swap3A_292 {strides = array<i32>} : memref<80xi32, #tpu.memory_space<vmem>>, vector<16xi32>,
    %get3A_293 = arith.constant 3 : i32
    %get3A_294 = arith.index_cast %get3A_293 : i32 to index
    %get3A_295 = arith.constant 48 : index
    %get3A_296 = tpu.vector_load %arg6[%get3A_294, %get3A_295] {strides = array<i32>} : memref<250x80xi32, #tpu.memory_space<vmem>>, vector<1x16xi32>,
    %get3A_297 = vector.shape_cast %get3A_296 : vector<1x16xi32> to vector<16xi32>
    %mul3A_298 = arith.constant 2 : i32
    %mul3A_299 = vector.broadcast %mul3A_298 : i32 to vector<16xi32>
    %mul3A_300 = arith.muli %get3A_297, %mul3A_299 : vector<16xi32>
    %add3A_301 = vector.broadcast %arg0 : i32 to vector<16xi32>
    %add3A_302 = arith.addi %mul3A_300, %add3A_301 : vector<16xi32>
    %swap3A_303 = arith.constant 48 : index
    %swap3A_304 = tpu.vector_load %arg10[%swap3A_303] {strides = array<i32>} : memref<80xi32, #tpu.memory_space<vmem>>, vector<16xi32>,
    %swap3A_305 = vector.shape_cast %swap3A_304 : vector<16xi32> to vector<16xi32>
    %swap3A_306 = vector.shape_cast %add3A_302 : vector<16xi32> to vector<16xi32>
    tpu.vector_store %arg10[%swap3A_303], %swap3A_306 {strides = array<i32>} : memref<80xi32, #tpu.memory_space<vmem>>, vector<16xi32>,
    %get3A_307 = arith.constant 3 : i32
    %get3A_308 = arith.index_cast %get3A_307 : i32 to index
    %get3A_309 = arith.constant 64 : index
    %get3A_310 = tpu.vector_load %arg6[%get3A_308, %get3A_309] {strides = array<i32>} : memref<250x80xi32, #tpu.memory_space<vmem>>, vector<1x16xi32>,
    %get3A_311 = vector.shape_cast %get3A_310 : vector<1x16xi32> to vector<16xi32>
    %mul3A_312 = arith.constant 2 : i32
    %mul3A_313 = vector.broadcast %mul3A_312 : i32 to vector<16xi32>
    %mul3A_314 = arith.muli %get3A_311, %mul3A_313 : vector<16xi32>
    %add3A_315 = vector.broadcast %arg0 : i32 to vector<16xi32>
    %add3A_316 = arith.addi %mul3A_314, %add3A_315 : vector<16xi32>
    %swap3A_317 = arith.constant 64 : index
    %swap3A_318 = tpu.vector_load %arg10[%swap3A_317] {strides = array<i32>} : memref<80xi32, #tpu.memory_space<vmem>>, vector<16xi32>,
    %swap3A_319 = vector.shape_cast %swap3A_318 : vector<16xi32> to vector<16xi32>
    %swap3A_320 = vector.shape_cast %add3A_316 : vector<16xi32> to vector<16xi32>
    tpu.vector_store %arg10[%swap3A_317], %swap3A_320 {strides = array<i32>} : memref<80xi32, #tpu.memory_space<vmem>>, vector<16xi32>,
    %dma_start3A_321 = arith.constant 0 : i32
    %dma_start3A_322 = arith.constant 0 : i32
    %dma_start3A_323 = tpu.memref_slice %arg2[%dma_start3A_321, %dma_start3A_322] : memref<20000x64xf32, #tpu.memory_space<hbm>> -> memref<20000x64xf32, #tpu.memory_space<hbm>>
    tpu.enqueue_indirect_dma source(%dma_start3A_323 : memref<20000x64xf32, #tpu.memory_space<hbm>>) target(%arg20 : memref<80x64xf32, #tpu.memory_space<vmem>>) offsets(%arg10 : memref<80xi32, #tpu.memory_space<vmem>>) semaphore(%arg27 : memref<!tpu.dma_semaphore, #tpu.memory_space<semaphore_mem>>)
    %dma_start3A_324 = arith.constant 4 : i32
    %dma_start3A_325 = arith.constant 0 : i32
    %dma_start3A_326 = tpu.memref_slice %arg4[%arg1, %dma_start3A_324, %dma_start3A_325] : memref<16x250x80xi32, #tpu.memory_space<hbm>> -> memref<1x1x80xi32, #tpu.memory_space<hbm>>
    %dma_start3A_327 = tpu.memref_squeeze %dma_start3A_326 : memref<1x1x80xi32, #tpu.memory_space<hbm>> -> memref<80xi32, #tpu.memory_space<hbm>>
    %dma_start3A_328 = arith.constant 0 : i32
    %dma_start3A_329 = tpu.memref_slice %arg4[%arg1, %dma_start3A_324, %dma_start3A_328] : memref<16x250x80xi32, #tpu.memory_space<hbm>> -> memref<1x1x80xi32, #tpu.memory_space<hbm>>
    %dma_start3A_330 = tpu.memref_squeeze %dma_start3A_329 : memref<1x1x80xi32, #tpu.memory_space<hbm>> -> memref<80xi32, #tpu.memory_space<hbm>>
    tpu.enqueue_dma source(%dma_start3A_330 : memref<80xi32, #tpu.memory_space<hbm>>) target(%arg16 : memref<80xi32, #tpu.memory_space<vmem>>) target_semaphore(%arg33 : memref<!tpu.dma_semaphore, #tpu.memory_space<semaphore_mem>>)
    %get3A_331 = arith.constant 4 : i32
    %get3A_332 = arith.index_cast %get3A_331 : i32 to index
    %get3A_333 = arith.constant 0 : index
    %get3A_334 = tpu.vector_load %arg6[%get3A_332, %get3A_333] {strides = array<i32>} : memref<250x80xi32, #tpu.memory_space<vmem>>, vector<1x16xi32>,
    %get3A_335 = vector.shape_cast %get3A_334 : vector<1x16xi32> to vector<16xi32>
    %mul3A_336 = arith.constant 2 : i32
    %mul3A_337 = vector.broadcast %mul3A_336 : i32 to vector<16xi32>
    %mul3A_338 = arith.muli %get3A_335, %mul3A_337 : vector<16xi32>
    %add3A_339 = vector.broadcast %arg0 : i32 to vector<16xi32>
    %add3A_340 = arith.addi %mul3A_338, %add3A_339 : vector<16xi32>
    %swap3A_341 = arith.constant 0 : index
    %swap3A_342 = tpu.vector_load %arg11[%swap3A_341] {strides = array<i32>} : memref<80xi32, #tpu.memory_space<vmem>>, vector<16xi32>,
    %swap3A_343 = vector.shape_cast %swap3A_342 : vector<16xi32> to vector<16xi32>
    %swap3A_344 = vector.shape_cast %add3A_340 : vector<16xi32> to vector<16xi32>
    tpu.vector_store %arg11[%swap3A_341], %swap3A_344 {strides = array<i32>} : memref<80xi32, #tpu.memory_space<vmem>>, vector<16xi32>,
    %get3A_345 = arith.constant 4 : i32
    %get3A_346 = arith.index_cast %get3A_345 : i32 to index
    %get3A_347 = arith.constant 16 : index
    %get3A_348 = tpu.vector_load %arg6[%get3A_346, %get3A_347] {strides = array<i32>} : memref<250x80xi32, #tpu.memory_space<vmem>>, vector<1x16xi32>,
    %get3A_349 = vector.shape_cast %get3A_348 : vector<1x16xi32> to vector<16xi32>
    %mul3A_350 = arith.constant 2 : i32
    %mul3A_351 = vector.broadcast %mul3A_350 : i32 to vector<16xi32>
    %mul3A_352 = arith.muli %get3A_349, %mul3A_351 : vector<16xi32>
    %add3A_353 = vector.broadcast %arg0 : i32 to vector<16xi32>
    %add3A_354 = arith.addi %mul3A_352, %add3A_353 : vector<16xi32>
    %swap3A_355 = arith.constant 16 : index
    %swap3A_356 = tpu.vector_load %arg11[%swap3A_355] {strides = array<i32>} : memref<80xi32, #tpu.memory_space<vmem>>, vector<16xi32>,
    %swap3A_357 = vector.shape_cast %swap3A_356 : vector<16xi32> to vector<16xi32>
    %swap3A_358 = vector.shape_cast %add3A_354 : vector<16xi32> to vector<16xi32>
    tpu.vector_store %arg11[%swap3A_355], %swap3A_358 {strides = array<i32>} : memref<80xi32, #tpu.memory_space<vmem>>, vector<16xi32>,
    %get3A_359 = arith.constant 4 : i32
    %get3A_360 = arith.index_cast %get3A_359 : i32 to index
    %get3A_361 = arith.constant 32 : index
    %get3A_362 = tpu.vector_load %arg6[%get3A_360, %get3A_361] {strides = array<i32>} : memref<250x80xi32, #tpu.memory_space<vmem>>, vector<1x16xi32>,
    %get3A_363 = vector.shape_cast %get3A_362 : vector<1x16xi32> to vector<16xi32>
    %mul3A_364 = arith.constant 2 : i32
    %mul3A_365 = vector.broadcast %mul3A_364 : i32 to vector<16xi32>
    %mul3A_366 = arith.muli %get3A_363, %mul3A_365 : vector<16xi32>
    %add3A_367 = vector.broadcast %arg0 : i32 to vector<16xi32>
    %add3A_368 = arith.addi %mul3A_366, %add3A_367 : vector<16xi32>
    %swap3A_369 = arith.constant 32 : index
    %swap3A_370 = tpu.vector_load %arg11[%swap3A_369] {strides = array<i32>} : memref<80xi32, #tpu.memory_space<vmem>>, vector<16xi32>,
    %swap3A_371 = vector.shape_cast %swap3A_370 : vector<16xi32> to vector<16xi32>
    %swap3A_372 = vector.shape_cast %add3A_368 : vector<16xi32> to vector<16xi32>
    tpu.vector_store %arg11[%swap3A_369], %swap3A_372 {strides = array<i32>} : memref<80xi32, #tpu.memory_space<vmem>>, vector<16xi32>,
    %get3A_373 = arith.constant 4 : i32
    %get3A_374 = arith.index_cast %get3A_373 : i32 to index
    %get3A_375 = arith.constant 48 : index
    %get3A_376 = tpu.vector_load %arg6[%get3A_374, %get3A_375] {strides = array<i32>} : memref<250x80xi32, #tpu.memory_space<vmem>>, vector<1x16xi32>,
    %get3A_377 = vector.shape_cast %get3A_376 : vector<1x16xi32> to vector<16xi32>
    %mul3A_378 = arith.constant 2 : i32
    %mul3A_379 = vector.broadcast %mul3A_378 : i32 to vector<16xi32>
    %mul3A_380 = arith.muli %get3A_377, %mul3A_379 : vector<16xi32>
    %add3A_381 = vector.broadcast %arg0 : i32 to vector<16xi32>
    %add3A_382 = arith.addi %mul3A_380, %add3A_381 : vector<16xi32>
    %swap3A_383 = arith.constant 48 : index
    %swap3A_384 = tpu.vector_load %arg11[%swap3A_383] {strides = array<i32>} : memref<80xi32, #tpu.memory_space<vmem>>, vector<16xi32>,
    %swap3A_385 = vector.shape_cast %swap3A_384 : vector<16xi32> to vector<16xi32>
    %swap3A_386 = vector.shape_cast %add3A_382 : vector<16xi32> to vector<16xi32>
    tpu.vector_store %arg11[%swap3A_383], %swap3A_386 {strides = array<i32>} : memref<80xi32, #tpu.memory_space<vmem>>, vector<16xi32>,
    %get3A_387 = arith.constant 4 : i32
    %get3A_388 = arith.index_cast %get3A_387 : i32 to index
    %get3A_389 = arith.constant 64 : index
    %get3A_390 = tpu.vector_load %arg6[%get3A_388, %get3A_389] {strides = array<i32>} : memref<250x80xi32, #tpu.memory_space<vmem>>, vector<1x16xi32>,
    %get3A_391 = vector.shape_cast %get3A_390 : vector<1x16xi32> to vector<16xi32>
    %mul3A_392 = arith.constant 2 : i32
    %mul3A_393 = vector.broadcast %mul3A_392 : i32 to vector<16xi32>
    %mul3A_394 = arith.muli %get3A_391, %mul3A_393 : vector<16xi32>
    %add3A_395 = vector.broadcast %arg0 : i32 to vector<16xi32>
    %add3A_396 = arith.addi %mul3A_394, %add3A_395 : vector<16xi32>
    %swap3A_397 = arith.constant 64 : index
    %swap3A_398 = tpu.vector_load %arg11[%swap3A_397] {strides = array<i32>} : memref<80xi32, #tpu.memory_space<vmem>>, vector<16xi32>,
    %swap3A_399 = vector.shape_cast %swap3A_398 : vector<16xi32> to vector<16xi32>
    %swap3A_400 = vector.shape_cast %add3A_396 : vector<16xi32> to vector<16xi32>
    tpu.vector_store %arg11[%swap3A_397], %swap3A_400 {strides = array<i32>} : memref<80xi32, #tpu.memory_space<vmem>>, vector<16xi32>,
    %dma_start3A_401 = arith.constant 0 : i32
    %dma_start3A_402 = arith.constant 0 : i32
    %dma_start3A_403 = tpu.memref_slice %arg2[%dma_start3A_401, %dma_start3A_402] : memref<20000x64xf32, #tpu.memory_space<hbm>> -> memref<20000x64xf32, #tpu.memory_space<hbm>>
    tpu.enqueue_indirect_dma source(%dma_start3A_403 : memref<20000x64xf32, #tpu.memory_space<hbm>>) target(%arg21 : memref<80x64xf32, #tpu.memory_space<vmem>>) offsets(%arg11 : memref<80xi32, #tpu.memory_space<vmem>>) semaphore(%arg28 : memref<!tpu.dma_semaphore, #tpu.memory_space<semaphore_mem>>)
    %scan3A_404 = arith.constant 0 : i32
    %scan3A_405 = arith.constant 50 : i32
    %scan3A_406 = arith.addi %scan3A_404, %scan3A_405 : i32
    %scan3A_407 = arith.constant 1 : i32
    scf.for %scan3A_414 = %scan3A_404 to %scan3A_406 step %scan3A_407  : i32 {
      %mul3A_415 = arith.constant 5 : i32
      %mul3A_416 = arith.muli %scan3A_414, %mul3A_415 : i32
      %add3A_417 = arith.constant 0 : i32
      %add3A_418 = arith.addi %add3A_417, %mul3A_416 : i32
      %dma_wait3A = arith.constant 0 : i32
      %dma_wait3A_419 = arith.constant 0 : i32
      %dma_wait3A_420 = tpu.memref_slice %arg4[%arg1, %dma_wait3A, %dma_wait3A_419] : memref<16x250x80xi32, #tpu.memory_space<hbm>> -> memref<1x1x80xi32, #tpu.memory_space<hbm>>
      %dma_wait3A_421 = tpu.memref_squeeze %dma_wait3A_420 : memref<1x1x80xi32, #tpu.memory_space<hbm>> -> memref<80xi32, #tpu.memory_space<hbm>>
      %dma_wait3A_422 = arith.constant 0 : i32
      %dma_wait3A_423 = tpu.memref_slice %arg4[%arg1, %dma_wait3A, %dma_wait3A_422] : memref<16x250x80xi32, #tpu.memory_space<hbm>> -> memref<1x1x80xi32, #tpu.memory_space<hbm>>
      %dma_wait3A_424 = tpu.memref_squeeze %dma_wait3A_423 : memref<1x1x80xi32, #tpu.memory_space<hbm>> -> memref<80xi32, #tpu.memory_space<hbm>>
      tpu.wait_dma2 semaphore(%arg29 : memref<!tpu.dma_semaphore, #tpu.memory_space<semaphore_mem>>) src(%dma_wait3A_424 : memref<80xi32, #tpu.memory_space<hbm>>) dst(%arg12 : memref<80xi32, #tpu.memory_space<vmem>>)
      %dma_wait3A_425 = arith.constant 0 : i32
      %dma_wait3A_426 = arith.constant 0 : i32
      %dma_wait3A_427 = tpu.memref_slice %arg2[%dma_wait3A_425, %dma_wait3A_426] : memref<20000x64xf32, #tpu.memory_space<hbm>> -> memref<20000x64xf32, #tpu.memory_space<hbm>>
      tpu.wait_indirect_dma semaphore(%arg24 : memref<!tpu.dma_semaphore, #tpu.memory_space<semaphore_mem>>) src(%dma_wait3A_427 : memref<20000x64xf32, #tpu.memory_space<hbm>>) dst(%arg17 : memref<80x64xf32, #tpu.memory_space<vmem>>)
      "tpu.region"() ({
        %run_scoped3A = tpu.sem_alloc : memref<!tpu.dma_semaphore, #tpu.memory_space<semaphore_mem>>
        %dma_start3A_490 = arith.constant 0 : i32
        %dma_start3A_491 = arith.constant 0 : i32
        %dma_start3A_492 = tpu.memref_slice %arg23[%dma_start3A_490, %dma_start3A_491] : memref<10128x64xf32, #tpu.memory_space<vmem_shared>> -> memref<10128x64xf32, #tpu.memory_space<vmem_shared>>
        tpu.enqueue_indirect_dma source(%arg17 : memref<80x64xf32, #tpu.memory_space<vmem>>) target(%dma_start3A_492 : memref<10128x64xf32, #tpu.memory_space<vmem_shared>>) offsets(%arg12 : memref<80xi32, #tpu.memory_space<vmem>>) semaphore(%run_scoped3A : memref<!tpu.dma_semaphore, #tpu.memory_space<semaphore_mem>>) {add = true}
        %dma_wait3A_493 = arith.constant 0 : i32
        %dma_wait3A_494 = arith.constant 0 : i32
        %dma_wait3A_495 = tpu.memref_slice %arg23[%dma_wait3A_493, %dma_wait3A_494] : memref<10128x64xf32, #tpu.memory_space<vmem_shared>> -> memref<10128x64xf32, #tpu.memory_space<vmem_shared>>
        tpu.wait_indirect_dma semaphore(%run_scoped3A : memref<!tpu.dma_semaphore, #tpu.memory_space<semaphore_mem>>) src(%arg17 : memref<80x64xf32, #tpu.memory_space<vmem>>) dst(%dma_wait3A_495 : memref<10128x64xf32, #tpu.memory_space<vmem_shared>>)
        tpu.yield
      }) : () -> ()
      %lt3A = arith.constant 245 : i32
      %lt3A_428 = arith.cmpi slt, %add3A_418, %lt3A : i32
      %convert_element_type3A = arith.extui %lt3A_428 : i1 to i32
      %cond3A = arith.constant 0 : i32
      %cond3A_429 = arith.cmpi ne, %convert_element_type3A, %cond3A : i32
      scf.if %cond3A_429 {
        %add3A_490 = arith.constant 5 : i32
        %add3A_491 = arith.addi %add3A_418, %add3A_490 : i32
        %add3A_492 = arith.constant 0 : i32
        %add3A_493 = arith.addi %add3A_491, %add3A_492 : i32
        %dma_start3A_494 = arith.constant 0 : i32
        %dma_start3A_495 = tpu.memref_slice %arg4[%arg1, %add3A_493, %dma_start3A_494] : memref<16x250x80xi32, #tpu.memory_space<hbm>> -> memref<1x1x80xi32, #tpu.memory_space<hbm>>
        %dma_start3A_496 = tpu.memref_squeeze %dma_start3A_495 : memref<1x1x80xi32, #tpu.memory_space<hbm>> -> memref<80xi32, #tpu.memory_space<hbm>>
        %dma_start3A_497 = arith.constant 0 : i32
        %dma_start3A_498 = tpu.memref_slice %arg4[%arg1, %add3A_493, %dma_start3A_497] : memref<16x250x80xi32, #tpu.memory_space<hbm>> -> memref<1x1x80xi32, #tpu.memory_space<hbm>>
        %dma_start3A_499 = tpu.memref_squeeze %dma_start3A_498 : memref<1x1x80xi32, #tpu.memory_space<hbm>> -> memref<80xi32, #tpu.memory_space<hbm>>
        tpu.enqueue_dma source(%dma_start3A_499 : memref<80xi32, #tpu.memory_space<hbm>>) target(%arg12 : memref<80xi32, #tpu.memory_space<vmem>>) target_semaphore(%arg29 : memref<!tpu.dma_semaphore, #tpu.memory_space<semaphore_mem>>)
        %get3A_500 = arith.index_cast %add3A_493 : i32 to index
        %get3A_501 = arith.constant 0 : index
        %get3A_502 = tpu.vector_load %arg6[%get3A_500, %get3A_501] {strides = array<i32>} : memref<250x80xi32, #tpu.memory_space<vmem>>, vector<1x16xi32>,
        %get3A_503 = vector.shape_cast %get3A_502 : vector<1x16xi32> to vector<16xi32>
        %mul3A_504 = arith.constant 2 : i32
        %mul3A_505 = vector.broadcast %mul3A_504 : i32 to vector<16xi32>
        %mul3A_506 = arith.muli %get3A_503, %mul3A_505 : vector<16xi32>
        %add3A_507 = vector.broadcast %arg0 : i32 to vector<16xi32>
        %add3A_508 = arith.addi %mul3A_506, %add3A_507 : vector<16xi32>
        %swap3A_509 = arith.constant 0 : index
        %swap3A_510 = tpu.vector_load %arg7[%swap3A_509] {strides = array<i32>} : memref<80xi32, #tpu.memory_space<vmem>>, vector<16xi32>,
        %swap3A_511 = vector.shape_cast %swap3A_510 : vector<16xi32> to vector<16xi32>
        %swap3A_512 = vector.shape_cast %add3A_508 : vector<16xi32> to vector<16xi32>
        tpu.vector_store %arg7[%swap3A_509], %swap3A_512 {strides = array<i32>} : memref<80xi32, #tpu.memory_space<vmem>>, vector<16xi32>,
        %get3A_513 = arith.index_cast %add3A_493 : i32 to index
        %get3A_514 = arith.constant 16 : index
        %get3A_515 = tpu.vector_load %arg6[%get3A_513, %get3A_514] {strides = array<i32>} : memref<250x80xi32, #tpu.memory_space<vmem>>, vector<1x16xi32>,
        %get3A_516 = vector.shape_cast %get3A_515 : vector<1x16xi32> to vector<16xi32>
        %mul3A_517 = arith.constant 2 : i32
        %mul3A_518 = vector.broadcast %mul3A_517 : i32 to vector<16xi32>
        %mul3A_519 = arith.muli %get3A_516, %mul3A_518 : vector<16xi32>
        %add3A_520 = vector.broadcast %arg0 : i32 to vector<16xi32>
        %add3A_521 = arith.addi %mul3A_519, %add3A_520 : vector<16xi32>
        %swap3A_522 = arith.constant 16 : index
        %swap3A_523 = tpu.vector_load %arg7[%swap3A_522] {strides = array<i32>} : memref<80xi32, #tpu.memory_space<vmem>>, vector<16xi32>,
        %swap3A_524 = vector.shape_cast %swap3A_523 : vector<16xi32> to vector<16xi32>
        %swap3A_525 = vector.shape_cast %add3A_521 : vector<16xi32> to vector<16xi32>
        tpu.vector_store %arg7[%swap3A_522], %swap3A_525 {strides = array<i32>} : memref<80xi32, #tpu.memory_space<vmem>>, vector<16xi32>,
        %get3A_526 = arith.index_cast %add3A_493 : i32 to index
        %get3A_527 = arith.constant 32 : index
        %get3A_528 = tpu.vector_load %arg6[%get3A_526, %get3A_527] {strides = array<i32>} : memref<250x80xi32, #tpu.memory_space<vmem>>, vector<1x16xi32>,
        %get3A_529 = vector.shape_cast %get3A_528 : vector<1x16xi32> to vector<16xi32>
        %mul3A_530 = arith.constant 2 : i32
        %mul3A_531 = vector.broadcast %mul3A_530 : i32 to vector<16xi32>
        %mul3A_532 = arith.muli %get3A_529, %mul3A_531 : vector<16xi32>
        %add3A_533 = vector.broadcast %arg0 : i32 to vector<16xi32>
        %add3A_534 = arith.addi %mul3A_532, %add3A_533 : vector<16xi32>
        %swap3A_535 = arith.constant 32 : index
        %swap3A_536 = tpu.vector_load %arg7[%swap3A_535] {strides = array<i32>} : memref<80xi32, #tpu.memory_space<vmem>>, vector<16xi32>,
        %swap3A_537 = vector.shape_cast %swap3A_536 : vector<16xi32> to vector<16xi32>
        %swap3A_538 = vector.shape_cast %add3A_534 : vector<16xi32> to vector<16xi32>
        tpu.vector_store %arg7[%swap3A_535], %swap3A_538 {strides = array<i32>} : memref<80xi32, #tpu.memory_space<vmem>>, vector<16xi32>,
        %get3A_539 = arith.index_cast %add3A_493 : i32 to index
        %get3A_540 = arith.constant 48 : index
        %get3A_541 = tpu.vector_load %arg6[%get3A_539, %get3A_540] {strides = array<i32>} : memref<250x80xi32, #tpu.memory_space<vmem>>, vector<1x16xi32>,
        %get3A_542 = vector.shape_cast %get3A_541 : vector<1x16xi32> to vector<16xi32>
        %mul3A_543 = arith.constant 2 : i32
        %mul3A_544 = vector.broadcast %mul3A_543 : i32 to vector<16xi32>
        %mul3A_545 = arith.muli %get3A_542, %mul3A_544 : vector<16xi32>
        %add3A_546 = vector.broadcast %arg0 : i32 to vector<16xi32>
        %add3A_547 = arith.addi %mul3A_545, %add3A_546 : vector<16xi32>
        %swap3A_548 = arith.constant 48 : index
        %swap3A_549 = tpu.vector_load %arg7[%swap3A_548] {strides = array<i32>} : memref<80xi32, #tpu.memory_space<vmem>>, vector<16xi32>,
        %swap3A_550 = vector.shape_cast %swap3A_549 : vector<16xi32> to vector<16xi32>
        %swap3A_551 = vector.shape_cast %add3A_547 : vector<16xi32> to vector<16xi32>
        tpu.vector_store %arg7[%swap3A_548], %swap3A_551 {strides = array<i32>} : memref<80xi32, #tpu.memory_space<vmem>>, vector<16xi32>,
        %get3A_552 = arith.index_cast %add3A_493 : i32 to index
        %get3A_553 = arith.constant 64 : index
        %get3A_554 = tpu.vector_load %arg6[%get3A_552, %get3A_553] {strides = array<i32>} : memref<250x80xi32, #tpu.memory_space<vmem>>, vector<1x16xi32>,
        %get3A_555 = vector.shape_cast %get3A_554 : vector<1x16xi32> to vector<16xi32>
        %mul3A_556 = arith.constant 2 : i32
        %mul3A_557 = vector.broadcast %mul3A_556 : i32 to vector<16xi32>
        %mul3A_558 = arith.muli %get3A_555, %mul3A_557 : vector<16xi32>
        %add3A_559 = vector.broadcast %arg0 : i32 to vector<16xi32>
        %add3A_560 = arith.addi %mul3A_558, %add3A_559 : vector<16xi32>
        %swap3A_561 = arith.constant 64 : index
        %swap3A_562 = tpu.vector_load %arg7[%swap3A_561] {strides = array<i32>} : memref<80xi32, #tpu.memory_space<vmem>>, vector<16xi32>,
        %swap3A_563 = vector.shape_cast %swap3A_562 : vector<16xi32> to vector<16xi32>
        %swap3A_564 = vector.shape_cast %add3A_560 : vector<16xi32> to vector<16xi32>
        tpu.vector_store %arg7[%swap3A_561], %swap3A_564 {strides = array<i32>} : memref<80xi32, #tpu.memory_space<vmem>>, vector<16xi32>,
        %dma_start3A_565 = arith.constant 0 : i32
        %dma_start3A_566 = arith.constant 0 : i32
        %dma_start3A_567 = tpu.memref_slice %arg2[%dma_start3A_565, %dma_start3A_566] : memref<20000x64xf32, #tpu.memory_space<hbm>> -> memref<20000x64xf32, #tpu.memory_space<hbm>>
        tpu.enqueue_indirect_dma source(%dma_start3A_567 : memref<20000x64xf32, #tpu.memory_space<hbm>>) target(%arg17 : memref<80x64xf32, #tpu.memory_space<vmem>>) offsets(%arg7 : memref<80xi32, #tpu.memory_space<vmem>>) semaphore(%arg24 : memref<!tpu.dma_semaphore, #tpu.memory_space<semaphore_mem>>)
      } else {
      }
      %dma_wait3A_430 = arith.constant 0 : i32
      %dma_wait3A_431 = arith.constant 0 : i32
      %dma_wait3A_432 = tpu.memref_slice %arg4[%arg1, %dma_wait3A_430, %dma_wait3A_431] : memref<16x250x80xi32, #tpu.memory_space<hbm>> -> memref<1x1x80xi32, #tpu.memory_space<hbm>>
      %dma_wait3A_433 = tpu.memref_squeeze %dma_wait3A_432 : memref<1x1x80xi32, #tpu.memory_space<hbm>> -> memref<80xi32, #tpu.memory_space<hbm>>
      %dma_wait3A_434 = arith.constant 0 : i32
      %dma_wait3A_435 = tpu.memref_slice %arg4[%arg1, %dma_wait3A_430, %dma_wait3A_434] : memref<16x250x80xi32, #tpu.memory_space<hbm>> -> memref<1x1x80xi32, #tpu.memory_space<hbm>>
      %dma_wait3A_436 = tpu.memref_squeeze %dma_wait3A_435 : memref<1x1x80xi32, #tpu.memory_space<hbm>> -> memref<80xi32, #tpu.memory_space<hbm>>
      tpu.wait_dma2 semaphore(%arg30 : memref<!tpu.dma_semaphore, #tpu.memory_space<semaphore_mem>>) src(%dma_wait3A_436 : memref<80xi32, #tpu.memory_space<hbm>>) dst(%arg13 : memref<80xi32, #tpu.memory_space<vmem>>)
      %dma_wait3A_437 = arith.constant 0 : i32
      %dma_wait3A_438 = arith.constant 0 : i32
      %dma_wait3A_439 = tpu.memref_slice %arg2[%dma_wait3A_437, %dma_wait3A_438] : memref<20000x64xf32, #tpu.memory_space<hbm>> -> memref<20000x64xf32, #tpu.memory_space<hbm>>
      tpu.wait_indirect_dma semaphore(%arg25 : memref<!tpu.dma_semaphore, #tpu.memory_space<semaphore_mem>>) src(%dma_wait3A_439 : memref<20000x64xf32, #tpu.memory_space<hbm>>) dst(%arg18 : memref<80x64xf32, #tpu.memory_space<vmem>>)
      "tpu.region"() ({
        %run_scoped3A = tpu.sem_alloc : memref<!tpu.dma_semaphore, #tpu.memory_space<semaphore_mem>>
        %dma_start3A_490 = arith.constant 0 : i32
        %dma_start3A_491 = arith.constant 0 : i32
        %dma_start3A_492 = tpu.memref_slice %arg23[%dma_start3A_490, %dma_start3A_491] : memref<10128x64xf32, #tpu.memory_space<vmem_shared>> -> memref<10128x64xf32, #tpu.memory_space<vmem_shared>>
        tpu.enqueue_indirect_dma source(%arg18 : memref<80x64xf32, #tpu.memory_space<vmem>>) target(%dma_start3A_492 : memref<10128x64xf32, #tpu.memory_space<vmem_shared>>) offsets(%arg13 : memref<80xi32, #tpu.memory_space<vmem>>) semaphore(%run_scoped3A : memref<!tpu.dma_semaphore, #tpu.memory_space<semaphore_mem>>) {add = true}
        %dma_wait3A_493 = arith.constant 0 : i32
        %dma_wait3A_494 = arith.constant 0 : i32
        %dma_wait3A_495 = tpu.memref_slice %arg23[%dma_wait3A_493, %dma_wait3A_494] : memref<10128x64xf32, #tpu.memory_space<vmem_shared>> -> memref<10128x64xf32, #tpu.memory_space<vmem_shared>>
        tpu.wait_indirect_dma semaphore(%run_scoped3A : memref<!tpu.dma_semaphore, #tpu.memory_space<semaphore_mem>>) src(%arg18 : memref<80x64xf32, #tpu.memory_space<vmem>>) dst(%dma_wait3A_495 : memref<10128x64xf32, #tpu.memory_space<vmem_shared>>)
        tpu.yield
      }) : () -> ()
      %lt3A_440 = arith.constant 245 : i32
      %lt3A_441 = arith.cmpi slt, %add3A_418, %lt3A_440 : i32
      %convert_element_type3A_442 = arith.extui %lt3A_441 : i1 to i32
      %cond3A_443 = arith.constant 0 : i32
      %cond3A_444 = arith.cmpi ne, %convert_element_type3A_442, %cond3A_443 : i32
      scf.if %cond3A_444 {
        %add3A_490 = arith.constant 5 : i32
        %add3A_491 = arith.addi %add3A_418, %add3A_490 : i32
        %add3A_492 = arith.constant 1 : i32
        %add3A_493 = arith.addi %add3A_491, %add3A_492 : i32
        %dma_start3A_494 = arith.constant 0 : i32
        %dma_start3A_495 = tpu.memref_slice %arg4[%arg1, %add3A_493, %dma_start3A_494] : memref<16x250x80xi32, #tpu.memory_space<hbm>> -> memref<1x1x80xi32, #tpu.memory_space<hbm>>
        %dma_start3A_496 = tpu.memref_squeeze %dma_start3A_495 : memref<1x1x80xi32, #tpu.memory_space<hbm>> -> memref<80xi32, #tpu.memory_space<hbm>>
        %dma_start3A_497 = arith.constant 0 : i32
        %dma_start3A_498 = tpu.memref_slice %arg4[%arg1, %add3A_493, %dma_start3A_497] : memref<16x250x80xi32, #tpu.memory_space<hbm>> -> memref<1x1x80xi32, #tpu.memory_space<hbm>>
        %dma_start3A_499 = tpu.memref_squeeze %dma_start3A_498 : memref<1x1x80xi32, #tpu.memory_space<hbm>> -> memref<80xi32, #tpu.memory_space<hbm>>
        tpu.enqueue_dma source(%dma_start3A_499 : memref<80xi32, #tpu.memory_space<hbm>>) target(%arg13 : memref<80xi32, #tpu.memory_space<vmem>>) target_semaphore(%arg30 : memref<!tpu.dma_semaphore, #tpu.memory_space<semaphore_mem>>)
        %get3A_500 = arith.index_cast %add3A_493 : i32 to index
        %get3A_501 = arith.constant 0 : index
        %get3A_502 = tpu.vector_load %arg6[%get3A_500, %get3A_501] {strides = array<i32>} : memref<250x80xi32, #tpu.memory_space<vmem>>, vector<1x16xi32>,
        %get3A_503 = vector.shape_cast %get3A_502 : vector<1x16xi32> to vector<16xi32>
        %mul3A_504 = arith.constant 2 : i32
        %mul3A_505 = vector.broadcast %mul3A_504 : i32 to vector<16xi32>
        %mul3A_506 = arith.muli %get3A_503, %mul3A_505 : vector<16xi32>
        %add3A_507 = vector.broadcast %arg0 : i32 to vector<16xi32>
        %add3A_508 = arith.addi %mul3A_506, %add3A_507 : vector<16xi32>
        %swap3A_509 = arith.constant 0 : index
        %swap3A_510 = tpu.vector_load %arg8[%swap3A_509] {strides = array<i32>} : memref<80xi32, #tpu.memory_space<vmem>>, vector<16xi32>,
        %swap3A_511 = vector.shape_cast %swap3A_510 : vector<16xi32> to vector<16xi32>
        %swap3A_512 = vector.shape_cast %add3A_508 : vector<16xi32> to vector<16xi32>
        tpu.vector_store %arg8[%swap3A_509], %swap3A_512 {strides = array<i32>} : memref<80xi32, #tpu.memory_space<vmem>>, vector<16xi32>,
        %get3A_513 = arith.index_cast %add3A_493 : i32 to index
        %get3A_514 = arith.constant 16 : index
        %get3A_515 = tpu.vector_load %arg6[%get3A_513, %get3A_514] {strides = array<i32>} : memref<250x80xi32, #tpu.memory_space<vmem>>, vector<1x16xi32>,
        %get3A_516 = vector.shape_cast %get3A_515 : vector<1x16xi32> to vector<16xi32>
        %mul3A_517 = arith.constant 2 : i32
        %mul3A_518 = vector.broadcast %mul3A_517 : i32 to vector<16xi32>
        %mul3A_519 = arith.muli %get3A_516, %mul3A_518 : vector<16xi32>
        %add3A_520 = vector.broadcast %arg0 : i32 to vector<16xi32>
        %add3A_521 = arith.addi %mul3A_519, %add3A_520 : vector<16xi32>
        %swap3A_522 = arith.constant 16 : index
        %swap3A_523 = tpu.vector_load %arg8[%swap3A_522] {strides = array<i32>} : memref<80xi32, #tpu.memory_space<vmem>>, vector<16xi32>,
        %swap3A_524 = vector.shape_cast %swap3A_523 : vector<16xi32> to vector<16xi32>
        %swap3A_525 = vector.shape_cast %add3A_521 : vector<16xi32> to vector<16xi32>
        tpu.vector_store %arg8[%swap3A_522], %swap3A_525 {strides = array<i32>} : memref<80xi32, #tpu.memory_space<vmem>>, vector<16xi32>,
        %get3A_526 = arith.index_cast %add3A_493 : i32 to index
        %get3A_527 = arith.constant 32 : index
        %get3A_528 = tpu.vector_load %arg6[%get3A_526, %get3A_527] {strides = array<i32>} : memref<250x80xi32, #tpu.memory_space<vmem>>, vector<1x16xi32>,
        %get3A_529 = vector.shape_cast %get3A_528 : vector<1x16xi32> to vector<16xi32>
        %mul3A_530 = arith.constant 2 : i32
        %mul3A_531 = vector.broadcast %mul3A_530 : i32 to vector<16xi32>
        %mul3A_532 = arith.muli %get3A_529, %mul3A_531 : vector<16xi32>
        %add3A_533 = vector.broadcast %arg0 : i32 to vector<16xi32>
        %add3A_534 = arith.addi %mul3A_532, %add3A_533 : vector<16xi32>
        %swap3A_535 = arith.constant 32 : index
        %swap3A_536 = tpu.vector_load %arg8[%swap3A_535] {strides = array<i32>} : memref<80xi32, #tpu.memory_space<vmem>>, vector<16xi32>,
        %swap3A_537 = vector.shape_cast %swap3A_536 : vector<16xi32> to vector<16xi32>
        %swap3A_538 = vector.shape_cast %add3A_534 : vector<16xi32> to vector<16xi32>
        tpu.vector_store %arg8[%swap3A_535], %swap3A_538 {strides = array<i32>} : memref<80xi32, #tpu.memory_space<vmem>>, vector<16xi32>,
        %get3A_539 = arith.index_cast %add3A_493 : i32 to index
        %get3A_540 = arith.constant 48 : index
        %get3A_541 = tpu.vector_load %arg6[%get3A_539, %get3A_540] {strides = array<i32>} : memref<250x80xi32, #tpu.memory_space<vmem>>, vector<1x16xi32>,
        %get3A_542 = vector.shape_cast %get3A_541 : vector<1x16xi32> to vector<16xi32>
        %mul3A_543 = arith.constant 2 : i32
        %mul3A_544 = vector.broadcast %mul3A_543 : i32 to vector<16xi32>
        %mul3A_545 = arith.muli %get3A_542, %mul3A_544 : vector<16xi32>
        %add3A_546 = vector.broadcast %arg0 : i32 to vector<16xi32>
        %add3A_547 = arith.addi %mul3A_545, %add3A_546 : vector<16xi32>
        %swap3A_548 = arith.constant 48 : index
        %swap3A_549 = tpu.vector_load %arg8[%swap3A_548] {strides = array<i32>} : memref<80xi32, #tpu.memory_space<vmem>>, vector<16xi32>,
        %swap3A_550 = vector.shape_cast %swap3A_549 : vector<16xi32> to vector<16xi32>
        %swap3A_551 = vector.shape_cast %add3A_547 : vector<16xi32> to vector<16xi32>
        tpu.vector_store %arg8[%swap3A_548], %swap3A_551 {strides = array<i32>} : memref<80xi32, #tpu.memory_space<vmem>>, vector<16xi32>,
        %get3A_552 = arith.index_cast %add3A_493 : i32 to index
        %get3A_553 = arith.constant 64 : index
        %get3A_554 = tpu.vector_load %arg6[%get3A_552, %get3A_553] {strides = array<i32>} : memref<250x80xi32, #tpu.memory_space<vmem>>, vector<1x16xi32>,
        %get3A_555 = vector.shape_cast %get3A_554 : vector<1x16xi32> to vector<16xi32>
        %mul3A_556 = arith.constant 2 : i32
        %mul3A_557 = vector.broadcast %mul3A_556 : i32 to vector<16xi32>
        %mul3A_558 = arith.muli %get3A_555, %mul3A_557 : vector<16xi32>
        %add3A_559 = vector.broadcast %arg0 : i32 to vector<16xi32>
        %add3A_560 = arith.addi %mul3A_558, %add3A_559 : vector<16xi32>
        %swap3A_561 = arith.constant 64 : index
        %swap3A_562 = tpu.vector_load %arg8[%swap3A_561] {strides = array<i32>} : memref<80xi32, #tpu.memory_space<vmem>>, vector<16xi32>,
        %swap3A_563 = vector.shape_cast %swap3A_562 : vector<16xi32> to vector<16xi32>
        %swap3A_564 = vector.shape_cast %add3A_560 : vector<16xi32> to vector<16xi32>
        tpu.vector_store %arg8[%swap3A_561], %swap3A_564 {strides = array<i32>} : memref<80xi32, #tpu.memory_space<vmem>>, vector<16xi32>,
        %dma_start3A_565 = arith.constant 0 : i32
        %dma_start3A_566 = arith.constant 0 : i32
        %dma_start3A_567 = tpu.memref_slice %arg2[%dma_start3A_565, %dma_start3A_566] : memref<20000x64xf32, #tpu.memory_space<hbm>> -> memref<20000x64xf32, #tpu.memory_space<hbm>>
        tpu.enqueue_indirect_dma source(%dma_start3A_567 : memref<20000x64xf32, #tpu.memory_space<hbm>>) target(%arg18 : memref<80x64xf32, #tpu.memory_space<vmem>>) offsets(%arg8 : memref<80xi32, #tpu.memory_space<vmem>>) semaphore(%arg25 : memref<!tpu.dma_semaphore, #tpu.memory_space<semaphore_mem>>)
      } else {
      }
      %dma_wait3A_445 = arith.constant 0 : i32
      %dma_wait3A_446 = arith.constant 0 : i32
      %dma_wait3A_447 = tpu.memref_slice %arg4[%arg1, %dma_wait3A_445, %dma_wait3A_446] : memref<16x250x80xi32, #tpu.memory_space<hbm>> -> memref<1x1x80xi32, #tpu.memory_space<hbm>>
      %dma_wait3A_448 = tpu.memref_squeeze %dma_wait3A_447 : memref<1x1x80xi32, #tpu.memory_space<hbm>> -> memref<80xi32, #tpu.memory_space<hbm>>
      %dma_wait3A_449 = arith.constant 0 : i32
      %dma_wait3A_450 = tpu.memref_slice %arg4[%arg1, %dma_wait3A_445, %dma_wait3A_449] : memref<16x250x80xi32, #tpu.memory_space<hbm>> -> memref<1x1x80xi32, #tpu.memory_space<hbm>>
      %dma_wait3A_451 = tpu.memref_squeeze %dma_wait3A_450 : memref<1x1x80xi32, #tpu.memory_space<hbm>> -> memref<80xi32, #tpu.memory_space<hbm>>
      tpu.wait_dma2 semaphore(%arg31 : memref<!tpu.dma_semaphore, #tpu.memory_space<semaphore_mem>>) src(%dma_wait3A_451 : memref<80xi32, #tpu.memory_space<hbm>>) dst(%arg14 : memref<80xi32, #tpu.memory_space<vmem>>)
      %dma_wait3A_452 = arith.constant 0 : i32
      %dma_wait3A_453 = arith.constant 0 : i32
      %dma_wait3A_454 = tpu.memref_slice %arg2[%dma_wait3A_452, %dma_wait3A_453] : memref<20000x64xf32, #tpu.memory_space<hbm>> -> memref<20000x64xf32, #tpu.memory_space<hbm>>
      tpu.wait_indirect_dma semaphore(%arg26 : memref<!tpu.dma_semaphore, #tpu.memory_space<semaphore_mem>>) src(%dma_wait3A_454 : memref<20000x64xf32, #tpu.memory_space<hbm>>) dst(%arg19 : memref<80x64xf32, #tpu.memory_space<vmem>>)
      "tpu.region"() ({
        %run_scoped3A = tpu.sem_alloc : memref<!tpu.dma_semaphore, #tpu.memory_space<semaphore_mem>>
        %dma_start3A_490 = arith.constant 0 : i32
        %dma_start3A_491 = arith.constant 0 : i32
        %dma_start3A_492 = tpu.memref_slice %arg23[%dma_start3A_490, %dma_start3A_491] : memref<10128x64xf32, #tpu.memory_space<vmem_shared>> -> memref<10128x64xf32, #tpu.memory_space<vmem_shared>>
        tpu.enqueue_indirect_dma source(%arg19 : memref<80x64xf32, #tpu.memory_space<vmem>>) target(%dma_start3A_492 : memref<10128x64xf32, #tpu.memory_space<vmem_shared>>) offsets(%arg14 : memref<80xi32, #tpu.memory_space<vmem>>) semaphore(%run_scoped3A : memref<!tpu.dma_semaphore, #tpu.memory_space<semaphore_mem>>) {add = true}
        %dma_wait3A_493 = arith.constant 0 : i32
        %dma_wait3A_494 = arith.constant 0 : i32
        %dma_wait3A_495 = tpu.memref_slice %arg23[%dma_wait3A_493, %dma_wait3A_494] : memref<10128x64xf32, #tpu.memory_space<vmem_shared>> -> memref<10128x64xf32, #tpu.memory_space<vmem_shared>>
        tpu.wait_indirect_dma semaphore(%run_scoped3A : memref<!tpu.dma_semaphore, #tpu.memory_space<semaphore_mem>>) src(%arg19 : memref<80x64xf32, #tpu.memory_space<vmem>>) dst(%dma_wait3A_495 : memref<10128x64xf32, #tpu.memory_space<vmem_shared>>)
        tpu.yield
      }) : () -> ()
      %lt3A_455 = arith.constant 245 : i32
      %lt3A_456 = arith.cmpi slt, %add3A_418, %lt3A_455 : i32
      %convert_element_type3A_457 = arith.extui %lt3A_456 : i1 to i32
      %cond3A_458 = arith.constant 0 : i32
      %cond3A_459 = arith.cmpi ne, %convert_element_type3A_457, %cond3A_458 : i32
      scf.if %cond3A_459 {
        %add3A_490 = arith.constant 5 : i32
        %add3A_491 = arith.addi %add3A_418, %add3A_490 : i32
        %add3A_492 = arith.constant 2 : i32
        %add3A_493 = arith.addi %add3A_491, %add3A_492 : i32
        %dma_start3A_494 = arith.constant 0 : i32
        %dma_start3A_495 = tpu.memref_slice %arg4[%arg1, %add3A_493, %dma_start3A_494] : memref<16x250x80xi32, #tpu.memory_space<hbm>> -> memref<1x1x80xi32, #tpu.memory_space<hbm>>
        %dma_start3A_496 = tpu.memref_squeeze %dma_start3A_495 : memref<1x1x80xi32, #tpu.memory_space<hbm>> -> memref<80xi32, #tpu.memory_space<hbm>>
        %dma_start3A_497 = arith.constant 0 : i32
        %dma_start3A_498 = tpu.memref_slice %arg4[%arg1, %add3A_493, %dma_start3A_497] : memref<16x250x80xi32, #tpu.memory_space<hbm>> -> memref<1x1x80xi32, #tpu.memory_space<hbm>>
        %dma_start3A_499 = tpu.memref_squeeze %dma_start3A_498 : memref<1x1x80xi32, #tpu.memory_space<hbm>> -> memref<80xi32, #tpu.memory_space<hbm>>
        tpu.enqueue_dma source(%dma_start3A_499 : memref<80xi32, #tpu.memory_space<hbm>>) target(%arg14 : memref<80xi32, #tpu.memory_space<vmem>>) target_semaphore(%arg31 : memref<!tpu.dma_semaphore, #tpu.memory_space<semaphore_mem>>)
        %get3A_500 = arith.index_cast %add3A_493 : i32 to index
        %get3A_501 = arith.constant 0 : index
        %get3A_502 = tpu.vector_load %arg6[%get3A_500, %get3A_501] {strides = array<i32>} : memref<250x80xi32, #tpu.memory_space<vmem>>, vector<1x16xi32>,
        %get3A_503 = vector.shape_cast %get3A_502 : vector<1x16xi32> to vector<16xi32>
        %mul3A_504 = arith.constant 2 : i32
        %mul3A_505 = vector.broadcast %mul3A_504 : i32 to vector<16xi32>
        %mul3A_506 = arith.muli %get3A_503, %mul3A_505 : vector<16xi32>
        %add3A_507 = vector.broadcast %arg0 : i32 to vector<16xi32>
        %add3A_508 = arith.addi %mul3A_506, %add3A_507 : vector<16xi32>
        %swap3A_509 = arith.constant 0 : index
        %swap3A_510 = tpu.vector_load %arg9[%swap3A_509] {strides = array<i32>} : memref<80xi32, #tpu.memory_space<vmem>>, vector<16xi32>,
        %swap3A_511 = vector.shape_cast %swap3A_510 : vector<16xi32> to vector<16xi32>
        %swap3A_512 = vector.shape_cast %add3A_508 : vector<16xi32> to vector<16xi32>
        tpu.vector_store %arg9[%swap3A_509], %swap3A_512 {strides = array<i32>} : memref<80xi32, #tpu.memory_space<vmem>>, vector<16xi32>,
        %get3A_513 = arith.index_cast %add3A_493 : i32 to index
        %get3A_514 = arith.constant 16 : index
        %get3A_515 = tpu.vector_load %arg6[%get3A_513, %get3A_514] {strides = array<i32>} : memref<250x80xi32, #tpu.memory_space<vmem>>, vector<1x16xi32>,
        %get3A_516 = vector.shape_cast %get3A_515 : vector<1x16xi32> to vector<16xi32>
        %mul3A_517 = arith.constant 2 : i32
        %mul3A_518 = vector.broadcast %mul3A_517 : i32 to vector<16xi32>
        %mul3A_519 = arith.muli %get3A_516, %mul3A_518 : vector<16xi32>
        %add3A_520 = vector.broadcast %arg0 : i32 to vector<16xi32>
        %add3A_521 = arith.addi %mul3A_519, %add3A_520 : vector<16xi32>
        %swap3A_522 = arith.constant 16 : index
        %swap3A_523 = tpu.vector_load %arg9[%swap3A_522] {strides = array<i32>} : memref<80xi32, #tpu.memory_space<vmem>>, vector<16xi32>,
        %swap3A_524 = vector.shape_cast %swap3A_523 : vector<16xi32> to vector<16xi32>
        %swap3A_525 = vector.shape_cast %add3A_521 : vector<16xi32> to vector<16xi32>
        tpu.vector_store %arg9[%swap3A_522], %swap3A_525 {strides = array<i32>} : memref<80xi32, #tpu.memory_space<vmem>>, vector<16xi32>,
        %get3A_526 = arith.index_cast %add3A_493 : i32 to index
        %get3A_527 = arith.constant 32 : index
        %get3A_528 = tpu.vector_load %arg6[%get3A_526, %get3A_527] {strides = array<i32>} : memref<250x80xi32, #tpu.memory_space<vmem>>, vector<1x16xi32>,
        %get3A_529 = vector.shape_cast %get3A_528 : vector<1x16xi32> to vector<16xi32>
        %mul3A_530 = arith.constant 2 : i32
        %mul3A_531 = vector.broadcast %mul3A_530 : i32 to vector<16xi32>
        %mul3A_532 = arith.muli %get3A_529, %mul3A_531 : vector<16xi32>
        %add3A_533 = vector.broadcast %arg0 : i32 to vector<16xi32>
        %add3A_534 = arith.addi %mul3A_532, %add3A_533 : vector<16xi32>
        %swap3A_535 = arith.constant 32 : index
        %swap3A_536 = tpu.vector_load %arg9[%swap3A_535] {strides = array<i32>} : memref<80xi32, #tpu.memory_space<vmem>>, vector<16xi32>,
        %swap3A_537 = vector.shape_cast %swap3A_536 : vector<16xi32> to vector<16xi32>
        %swap3A_538 = vector.shape_cast %add3A_534 : vector<16xi32> to vector<16xi32>
        tpu.vector_store %arg9[%swap3A_535], %swap3A_538 {strides = array<i32>} : memref<80xi32, #tpu.memory_space<vmem>>, vector<16xi32>,
        %get3A_539 = arith.index_cast %add3A_493 : i32 to index
        %get3A_540 = arith.constant 48 : index
        %get3A_541 = tpu.vector_load %arg6[%get3A_539, %get3A_540] {strides = array<i32>} : memref<250x80xi32, #tpu.memory_space<vmem>>, vector<1x16xi32>,
        %get3A_542 = vector.shape_cast %get3A_541 : vector<1x16xi32> to vector<16xi32>
        %mul3A_543 = arith.constant 2 : i32
        %mul3A_544 = vector.broadcast %mul3A_543 : i32 to vector<16xi32>
        %mul3A_545 = arith.muli %get3A_542, %mul3A_544 : vector<16xi32>
        %add3A_546 = vector.broadcast %arg0 : i32 to vector<16xi32>
        %add3A_547 = arith.addi %mul3A_545, %add3A_546 : vector<16xi32>
        %swap3A_548 = arith.constant 48 : index
        %swap3A_549 = tpu.vector_load %arg9[%swap3A_548] {strides = array<i32>} : memref<80xi32, #tpu.memory_space<vmem>>, vector<16xi32>,
        %swap3A_550 = vector.shape_cast %swap3A_549 : vector<16xi32> to vector<16xi32>
        %swap3A_551 = vector.shape_cast %add3A_547 : vector<16xi32> to vector<16xi32>
        tpu.vector_store %arg9[%swap3A_548], %swap3A_551 {strides = array<i32>} : memref<80xi32, #tpu.memory_space<vmem>>, vector<16xi32>,
        %get3A_552 = arith.index_cast %add3A_493 : i32 to index
        %get3A_553 = arith.constant 64 : index
        %get3A_554 = tpu.vector_load %arg6[%get3A_552, %get3A_553] {strides = array<i32>} : memref<250x80xi32, #tpu.memory_space<vmem>>, vector<1x16xi32>,
        %get3A_555 = vector.shape_cast %get3A_554 : vector<1x16xi32> to vector<16xi32>
        %mul3A_556 = arith.constant 2 : i32
        %mul3A_557 = vector.broadcast %mul3A_556 : i32 to vector<16xi32>
        %mul3A_558 = arith.muli %get3A_555, %mul3A_557 : vector<16xi32>
        %add3A_559 = vector.broadcast %arg0 : i32 to vector<16xi32>
        %add3A_560 = arith.addi %mul3A_558, %add3A_559 : vector<16xi32>
        %swap3A_561 = arith.constant 64 : index
        %swap3A_562 = tpu.vector_load %arg9[%swap3A_561] {strides = array<i32>} : memref<80xi32, #tpu.memory_space<vmem>>, vector<16xi32>,
        %swap3A_563 = vector.shape_cast %swap3A_562 : vector<16xi32> to vector<16xi32>
        %swap3A_564 = vector.shape_cast %add3A_560 : vector<16xi32> to vector<16xi32>
        tpu.vector_store %arg9[%swap3A_561], %swap3A_564 {strides = array<i32>} : memref<80xi32, #tpu.memory_space<vmem>>, vector<16xi32>,
        %dma_start3A_565 = arith.constant 0 : i32
        %dma_start3A_566 = arith.constant 0 : i32
        %dma_start3A_567 = tpu.memref_slice %arg2[%dma_start3A_565, %dma_start3A_566] : memref<20000x64xf32, #tpu.memory_space<hbm>> -> memref<20000x64xf32, #tpu.memory_space<hbm>>
        tpu.enqueue_indirect_dma source(%dma_start3A_567 : memref<20000x64xf32, #tpu.memory_space<hbm>>) target(%arg19 : memref<80x64xf32, #tpu.memory_space<vmem>>) offsets(%arg9 : memref<80xi32, #tpu.memory_space<vmem>>) semaphore(%arg26 : memref<!tpu.dma_semaphore, #tpu.memory_space<semaphore_mem>>)
      } else {
      }
      %dma_wait3A_460 = arith.constant 0 : i32
      %dma_wait3A_461 = arith.constant 0 : i32
      %dma_wait3A_462 = tpu.memref_slice %arg4[%arg1, %dma_wait3A_460, %dma_wait3A_461] : memref<16x250x80xi32, #tpu.memory_space<hbm>> -> memref<1x1x80xi32, #tpu.memory_space<hbm>>
      %dma_wait3A_463 = tpu.memref_squeeze %dma_wait3A_462 : memref<1x1x80xi32, #tpu.memory_space<hbm>> -> memref<80xi32, #tpu.memory_space<hbm>>
      %dma_wait3A_464 = arith.constant 0 : i32
      %dma_wait3A_465 = tpu.memref_slice %arg4[%arg1, %dma_wait3A_460, %dma_wait3A_464] : memref<16x250x80xi32, #tpu.memory_space<hbm>> -> memref<1x1x80xi32, #tpu.memory_space<hbm>>
      %dma_wait3A_466 = tpu.memref_squeeze %dma_wait3A_465 : memref<1x1x80xi32, #tpu.memory_space<hbm>> -> memref<80xi32, #tpu.memory_space<hbm>>
      tpu.wait_dma2 semaphore(%arg32 : memref<!tpu.dma_semaphore, #tpu.memory_space<semaphore_mem>>) src(%dma_wait3A_466 : memref<80xi32, #tpu.memory_space<hbm>>) dst(%arg15 : memref<80xi32, #tpu.memory_space<vmem>>)
      %dma_wait3A_467 = arith.constant 0 : i32
      %dma_wait3A_468 = arith.constant 0 : i32
      %dma_wait3A_469 = tpu.memref_slice %arg2[%dma_wait3A_467, %dma_wait3A_468] : memref<20000x64xf32, #tpu.memory_space<hbm>> -> memref<20000x64xf32, #tpu.memory_space<hbm>>
      tpu.wait_indirect_dma semaphore(%arg27 : memref<!tpu.dma_semaphore, #tpu.memory_space<semaphore_mem>>) src(%dma_wait3A_469 : memref<20000x64xf32, #tpu.memory_space<hbm>>) dst(%arg20 : memref<80x64xf32, #tpu.memory_space<vmem>>)
      "tpu.region"() ({
        %run_scoped3A = tpu.sem_alloc : memref<!tpu.dma_semaphore, #tpu.memory_space<semaphore_mem>>
        %dma_start3A_490 = arith.constant 0 : i32
        %dma_start3A_491 = arith.constant 0 : i32
        %dma_start3A_492 = tpu.memref_slice %arg23[%dma_start3A_490, %dma_start3A_491] : memref<10128x64xf32, #tpu.memory_space<vmem_shared>> -> memref<10128x64xf32, #tpu.memory_space<vmem_shared>>
        tpu.enqueue_indirect_dma source(%arg20 : memref<80x64xf32, #tpu.memory_space<vmem>>) target(%dma_start3A_492 : memref<10128x64xf32, #tpu.memory_space<vmem_shared>>) offsets(%arg15 : memref<80xi32, #tpu.memory_space<vmem>>) semaphore(%run_scoped3A : memref<!tpu.dma_semaphore, #tpu.memory_space<semaphore_mem>>) {add = true}
        %dma_wait3A_493 = arith.constant 0 : i32
        %dma_wait3A_494 = arith.constant 0 : i32
        %dma_wait3A_495 = tpu.memref_slice %arg23[%dma_wait3A_493, %dma_wait3A_494] : memref<10128x64xf32, #tpu.memory_space<vmem_shared>> -> memref<10128x64xf32, #tpu.memory_space<vmem_shared>>
        tpu.wait_indirect_dma semaphore(%run_scoped3A : memref<!tpu.dma_semaphore, #tpu.memory_space<semaphore_mem>>) src(%arg20 : memref<80x64xf32, #tpu.memory_space<vmem>>) dst(%dma_wait3A_495 : memref<10128x64xf32, #tpu.memory_space<vmem_shared>>)
        tpu.yield
      }) : () -> ()
      %lt3A_470 = arith.constant 245 : i32
      %lt3A_471 = arith.cmpi slt, %add3A_418, %lt3A_470 : i32
      %convert_element_type3A_472 = arith.extui %lt3A_471 : i1 to i32
      %cond3A_473 = arith.constant 0 : i32
      %cond3A_474 = arith.cmpi ne, %convert_element_type3A_472, %cond3A_473 : i32
      scf.if %cond3A_474 {
        %add3A_490 = arith.constant 5 : i32
        %add3A_491 = arith.addi %add3A_418, %add3A_490 : i32
        %add3A_492 = arith.constant 3 : i32
        %add3A_493 = arith.addi %add3A_491, %add3A_492 : i32
        %dma_start3A_494 = arith.constant 0 : i32
        %dma_start3A_495 = tpu.memref_slice %arg4[%arg1, %add3A_493, %dma_start3A_494] : memref<16x250x80xi32, #tpu.memory_space<hbm>> -> memref<1x1x80xi32, #tpu.memory_space<hbm>>
        %dma_start3A_496 = tpu.memref_squeeze %dma_start3A_495 : memref<1x1x80xi32, #tpu.memory_space<hbm>> -> memref<80xi32, #tpu.memory_space<hbm>>
        %dma_start3A_497 = arith.constant 0 : i32
        %dma_start3A_498 = tpu.memref_slice %arg4[%arg1, %add3A_493, %dma_start3A_497] : memref<16x250x80xi32, #tpu.memory_space<hbm>> -> memref<1x1x80xi32, #tpu.memory_space<hbm>>
        %dma_start3A_499 = tpu.memref_squeeze %dma_start3A_498 : memref<1x1x80xi32, #tpu.memory_space<hbm>> -> memref<80xi32, #tpu.memory_space<hbm>>
        tpu.enqueue_dma source(%dma_start3A_499 : memref<80xi32, #tpu.memory_space<hbm>>) target(%arg15 : memref<80xi32, #tpu.memory_space<vmem>>) target_semaphore(%arg32 : memref<!tpu.dma_semaphore, #tpu.memory_space<semaphore_mem>>)
        %get3A_500 = arith.index_cast %add3A_493 : i32 to index
        %get3A_501 = arith.constant 0 : index
        %get3A_502 = tpu.vector_load %arg6[%get3A_500, %get3A_501] {strides = array<i32>} : memref<250x80xi32, #tpu.memory_space<vmem>>, vector<1x16xi32>,
        %get3A_503 = vector.shape_cast %get3A_502 : vector<1x16xi32> to vector<16xi32>
        %mul3A_504 = arith.constant 2 : i32
        %mul3A_505 = vector.broadcast %mul3A_504 : i32 to vector<16xi32>
        %mul3A_506 = arith.muli %get3A_503, %mul3A_505 : vector<16xi32>
        %add3A_507 = vector.broadcast %arg0 : i32 to vector<16xi32>
        %add3A_508 = arith.addi %mul3A_506, %add3A_507 : vector<16xi32>
        %swap3A_509 = arith.constant 0 : index
        %swap3A_510 = tpu.vector_load %arg10[%swap3A_509] {strides = array<i32>} : memref<80xi32, #tpu.memory_space<vmem>>, vector<16xi32>,
        %swap3A_511 = vector.shape_cast %swap3A_510 : vector<16xi32> to vector<16xi32>
        %swap3A_512 = vector.shape_cast %add3A_508 : vector<16xi32> to vector<16xi32>
        tpu.vector_store %arg10[%swap3A_509], %swap3A_512 {strides = array<i32>} : memref<80xi32, #tpu.memory_space<vmem>>, vector<16xi32>,
        %get3A_513 = arith.index_cast %add3A_493 : i32 to index
        %get3A_514 = arith.constant 16 : index
        %get3A_515 = tpu.vector_load %arg6[%get3A_513, %get3A_514] {strides = array<i32>} : memref<250x80xi32, #tpu.memory_space<vmem>>, vector<1x16xi32>,
        %get3A_516 = vector.shape_cast %get3A_515 : vector<1x16xi32> to vector<16xi32>
        %mul3A_517 = arith.constant 2 : i32
        %mul3A_518 = vector.broadcast %mul3A_517 : i32 to vector<16xi32>
        %mul3A_519 = arith.muli %get3A_516, %mul3A_518 : vector<16xi32>
        %add3A_520 = vector.broadcast %arg0 : i32 to vector<16xi32>
        %add3A_521 = arith.addi %mul3A_519, %add3A_520 : vector<16xi32>
        %swap3A_522 = arith.constant 16 : index
        %swap3A_523 = tpu.vector_load %arg10[%swap3A_522] {strides = array<i32>} : memref<80xi32, #tpu.memory_space<vmem>>, vector<16xi32>,
        %swap3A_524 = vector.shape_cast %swap3A_523 : vector<16xi32> to vector<16xi32>
        %swap3A_525 = vector.shape_cast %add3A_521 : vector<16xi32> to vector<16xi32>
        tpu.vector_store %arg10[%swap3A_522], %swap3A_525 {strides = array<i32>} : memref<80xi32, #tpu.memory_space<vmem>>, vector<16xi32>,
        %get3A_526 = arith.index_cast %add3A_493 : i32 to index
        %get3A_527 = arith.constant 32 : index
        %get3A_528 = tpu.vector_load %arg6[%get3A_526, %get3A_527] {strides = array<i32>} : memref<250x80xi32, #tpu.memory_space<vmem>>, vector<1x16xi32>,
        %get3A_529 = vector.shape_cast %get3A_528 : vector<1x16xi32> to vector<16xi32>
        %mul3A_530 = arith.constant 2 : i32
        %mul3A_531 = vector.broadcast %mul3A_530 : i32 to vector<16xi32>
        %mul3A_532 = arith.muli %get3A_529, %mul3A_531 : vector<16xi32>
        %add3A_533 = vector.broadcast %arg0 : i32 to vector<16xi32>
        %add3A_534 = arith.addi %mul3A_532, %add3A_533 : vector<16xi32>
        %swap3A_535 = arith.constant 32 : index
        %swap3A_536 = tpu.vector_load %arg10[%swap3A_535] {strides = array<i32>} : memref<80xi32, #tpu.memory_space<vmem>>, vector<16xi32>,
        %swap3A_537 = vector.shape_cast %swap3A_536 : vector<16xi32> to vector<16xi32>
        %swap3A_538 = vector.shape_cast %add3A_534 : vector<16xi32> to vector<16xi32>
        tpu.vector_store %arg10[%swap3A_535], %swap3A_538 {strides = array<i32>} : memref<80xi32, #tpu.memory_space<vmem>>, vector<16xi32>,
        %get3A_539 = arith.index_cast %add3A_493 : i32 to index
        %get3A_540 = arith.constant 48 : index
        %get3A_541 = tpu.vector_load %arg6[%get3A_539, %get3A_540] {strides = array<i32>} : memref<250x80xi32, #tpu.memory_space<vmem>>, vector<1x16xi32>,
        %get3A_542 = vector.shape_cast %get3A_541 : vector<1x16xi32> to vector<16xi32>
        %mul3A_543 = arith.constant 2 : i32
        %mul3A_544 = vector.broadcast %mul3A_543 : i32 to vector<16xi32>
        %mul3A_545 = arith.muli %get3A_542, %mul3A_544 : vector<16xi32>
        %add3A_546 = vector.broadcast %arg0 : i32 to vector<16xi32>
        %add3A_547 = arith.addi %mul3A_545, %add3A_546 : vector<16xi32>
        %swap3A_548 = arith.constant 48 : index
        %swap3A_549 = tpu.vector_load %arg10[%swap3A_548] {strides = array<i32>} : memref<80xi32, #tpu.memory_space<vmem>>, vector<16xi32>,
        %swap3A_550 = vector.shape_cast %swap3A_549 : vector<16xi32> to vector<16xi32>
        %swap3A_551 = vector.shape_cast %add3A_547 : vector<16xi32> to vector<16xi32>
        tpu.vector_store %arg10[%swap3A_548], %swap3A_551 {strides = array<i32>} : memref<80xi32, #tpu.memory_space<vmem>>, vector<16xi32>,
        %get3A_552 = arith.index_cast %add3A_493 : i32 to index
        %get3A_553 = arith.constant 64 : index
        %get3A_554 = tpu.vector_load %arg6[%get3A_552, %get3A_553] {strides = array<i32>} : memref<250x80xi32, #tpu.memory_space<vmem>>, vector<1x16xi32>,
        %get3A_555 = vector.shape_cast %get3A_554 : vector<1x16xi32> to vector<16xi32>
        %mul3A_556 = arith.constant 2 : i32
        %mul3A_557 = vector.broadcast %mul3A_556 : i32 to vector<16xi32>
        %mul3A_558 = arith.muli %get3A_555, %mul3A_557 : vector<16xi32>
        %add3A_559 = vector.broadcast %arg0 : i32 to vector<16xi32>
        %add3A_560 = arith.addi %mul3A_558, %add3A_559 : vector<16xi32>
        %swap3A_561 = arith.constant 64 : index
        %swap3A_562 = tpu.vector_load %arg10[%swap3A_561] {strides = array<i32>} : memref<80xi32, #tpu.memory_space<vmem>>, vector<16xi32>,
        %swap3A_563 = vector.shape_cast %swap3A_562 : vector<16xi32> to vector<16xi32>
        %swap3A_564 = vector.shape_cast %add3A_560 : vector<16xi32> to vector<16xi32>
        tpu.vector_store %arg10[%swap3A_561], %swap3A_564 {strides = array<i32>} : memref<80xi32, #tpu.memory_space<vmem>>, vector<16xi32>,
        %dma_start3A_565 = arith.constant 0 : i32
        %dma_start3A_566 = arith.constant 0 : i32
        %dma_start3A_567 = tpu.memref_slice %arg2[%dma_start3A_565, %dma_start3A_566] : memref<20000x64xf32, #tpu.memory_space<hbm>> -> memref<20000x64xf32, #tpu.memory_space<hbm>>
        tpu.enqueue_indirect_dma source(%dma_start3A_567 : memref<20000x64xf32, #tpu.memory_space<hbm>>) target(%arg20 : memref<80x64xf32, #tpu.memory_space<vmem>>) offsets(%arg10 : memref<80xi32, #tpu.memory_space<vmem>>) semaphore(%arg27 : memref<!tpu.dma_semaphore, #tpu.memory_space<semaphore_mem>>)
      } else {
      }
      %dma_wait3A_475 = arith.constant 0 : i32
      %dma_wait3A_476 = arith.constant 0 : i32
      %dma_wait3A_477 = tpu.memref_slice %arg4[%arg1, %dma_wait3A_475, %dma_wait3A_476] : memref<16x250x80xi32, #tpu.memory_space<hbm>> -> memref<1x1x80xi32, #tpu.memory_space<hbm>>
      %dma_wait3A_478 = tpu.memref_squeeze %dma_wait3A_477 : memref<1x1x80xi32, #tpu.memory_space<hbm>> -> memref<80xi32, #tpu.memory_space<hbm>>
      %dma_wait3A_479 = arith.constant 0 : i32
      %dma_wait3A_480 = tpu.memref_slice %arg4[%arg1, %dma_wait3A_475, %dma_wait3A_479] : memref<16x250x80xi32, #tpu.memory_space<hbm>> -> memref<1x1x80xi32, #tpu.memory_space<hbm>>
      %dma_wait3A_481 = tpu.memref_squeeze %dma_wait3A_480 : memref<1x1x80xi32, #tpu.memory_space<hbm>> -> memref<80xi32, #tpu.memory_space<hbm>>
      tpu.wait_dma2 semaphore(%arg33 : memref<!tpu.dma_semaphore, #tpu.memory_space<semaphore_mem>>) src(%dma_wait3A_481 : memref<80xi32, #tpu.memory_space<hbm>>) dst(%arg16 : memref<80xi32, #tpu.memory_space<vmem>>)
      %dma_wait3A_482 = arith.constant 0 : i32
      %dma_wait3A_483 = arith.constant 0 : i32
      %dma_wait3A_484 = tpu.memref_slice %arg2[%dma_wait3A_482, %dma_wait3A_483] : memref<20000x64xf32, #tpu.memory_space<hbm>> -> memref<20000x64xf32, #tpu.memory_space<hbm>>
      tpu.wait_indirect_dma semaphore(%arg28 : memref<!tpu.dma_semaphore, #tpu.memory_space<semaphore_mem>>) src(%dma_wait3A_484 : memref<20000x64xf32, #tpu.memory_space<hbm>>) dst(%arg21 : memref<80x64xf32, #tpu.memory_space<vmem>>)
      "tpu.region"() ({
        %run_scoped3A = tpu.sem_alloc : memref<!tpu.dma_semaphore, #tpu.memory_space<semaphore_mem>>
        %dma_start3A_490 = arith.constant 0 : i32
        %dma_start3A_491 = arith.constant 0 : i32
        %dma_start3A_492 = tpu.memref_slice %arg23[%dma_start3A_490, %dma_start3A_491] : memref<10128x64xf32, #tpu.memory_space<vmem_shared>> -> memref<10128x64xf32, #tpu.memory_space<vmem_shared>>
        tpu.enqueue_indirect_dma source(%arg21 : memref<80x64xf32, #tpu.memory_space<vmem>>) target(%dma_start3A_492 : memref<10128x64xf32, #tpu.memory_space<vmem_shared>>) offsets(%arg16 : memref<80xi32, #tpu.memory_space<vmem>>) semaphore(%run_scoped3A : memref<!tpu.dma_semaphore, #tpu.memory_space<semaphore_mem>>) {add = true}
        %dma_wait3A_493 = arith.constant 0 : i32
        %dma_wait3A_494 = arith.constant 0 : i32
        %dma_wait3A_495 = tpu.memref_slice %arg23[%dma_wait3A_493, %dma_wait3A_494] : memref<10128x64xf32, #tpu.memory_space<vmem_shared>> -> memref<10128x64xf32, #tpu.memory_space<vmem_shared>>
        tpu.wait_indirect_dma semaphore(%run_scoped3A : memref<!tpu.dma_semaphore, #tpu.memory_space<semaphore_mem>>) src(%arg21 : memref<80x64xf32, #tpu.memory_space<vmem>>) dst(%dma_wait3A_495 : memref<10128x64xf32, #tpu.memory_space<vmem_shared>>)
        tpu.yield
      }) : () -> ()
      %lt3A_485 = arith.constant 245 : i32
      %lt3A_486 = arith.cmpi slt, %add3A_418, %lt3A_485 : i32
      %convert_element_type3A_487 = arith.extui %lt3A_486 : i1 to i32
      %cond3A_488 = arith.constant 0 : i32
      %cond3A_489 = arith.cmpi ne, %convert_element_type3A_487, %cond3A_488 : i32
      scf.if %cond3A_489 {
        %add3A_490 = arith.constant 5 : i32
        %add3A_491 = arith.addi %add3A_418, %add3A_490 : i32
        %add3A_492 = arith.constant 4 : i32
        %add3A_493 = arith.addi %add3A_491, %add3A_492 : i32
        %dma_start3A_494 = arith.constant 0 : i32
        %dma_start3A_495 = tpu.memref_slice %arg4[%arg1, %add3A_493, %dma_start3A_494] : memref<16x250x80xi32, #tpu.memory_space<hbm>> -> memref<1x1x80xi32, #tpu.memory_space<hbm>>
        %dma_start3A_496 = tpu.memref_squeeze %dma_start3A_495 : memref<1x1x80xi32, #tpu.memory_space<hbm>> -> memref<80xi32, #tpu.memory_space<hbm>>
        %dma_start3A_497 = arith.constant 0 : i32
        %dma_start3A_498 = tpu.memref_slice %arg4[%arg1, %add3A_493, %dma_start3A_497] : memref<16x250x80xi32, #tpu.memory_space<hbm>> -> memref<1x1x80xi32, #tpu.memory_space<hbm>>
        %dma_start3A_499 = tpu.memref_squeeze %dma_start3A_498 : memref<1x1x80xi32, #tpu.memory_space<hbm>> -> memref<80xi32, #tpu.memory_space<hbm>>
        tpu.enqueue_dma source(%dma_start3A_499 : memref<80xi32, #tpu.memory_space<hbm>>) target(%arg16 : memref<80xi32, #tpu.memory_space<vmem>>) target_semaphore(%arg33 : memref<!tpu.dma_semaphore, #tpu.memory_space<semaphore_mem>>)
        %get3A_500 = arith.index_cast %add3A_493 : i32 to index
        %get3A_501 = arith.constant 0 : index
        %get3A_502 = tpu.vector_load %arg6[%get3A_500, %get3A_501] {strides = array<i32>} : memref<250x80xi32, #tpu.memory_space<vmem>>, vector<1x16xi32>,
        %get3A_503 = vector.shape_cast %get3A_502 : vector<1x16xi32> to vector<16xi32>
        %mul3A_504 = arith.constant 2 : i32
        %mul3A_505 = vector.broadcast %mul3A_504 : i32 to vector<16xi32>
        %mul3A_506 = arith.muli %get3A_503, %mul3A_505 : vector<16xi32>
        %add3A_507 = vector.broadcast %arg0 : i32 to vector<16xi32>
        %add3A_508 = arith.addi %mul3A_506, %add3A_507 : vector<16xi32>
        %swap3A_509 = arith.constant 0 : index
        %swap3A_510 = tpu.vector_load %arg11[%swap3A_509] {strides = array<i32>} : memref<80xi32, #tpu.memory_space<vmem>>, vector<16xi32>,
        %swap3A_511 = vector.shape_cast %swap3A_510 : vector<16xi32> to vector<16xi32>
        %swap3A_512 = vector.shape_cast %add3A_508 : vector<16xi32> to vector<16xi32>
        tpu.vector_store %arg11[%swap3A_509], %swap3A_512 {strides = array<i32>} : memref<80xi32, #tpu.memory_space<vmem>>, vector<16xi32>,
        %get3A_513 = arith.index_cast %add3A_493 : i32 to index
        %get3A_514 = arith.constant 16 : index
        %get3A_515 = tpu.vector_load %arg6[%get3A_513, %get3A_514] {strides = array<i32>} : memref<250x80xi32, #tpu.memory_space<vmem>>, vector<1x16xi32>,
        %get3A_516 = vector.shape_cast %get3A_515 : vector<1x16xi32> to vector<16xi32>
        %mul3A_517 = arith.constant 2 : i32
        %mul3A_518 = vector.broadcast %mul3A_517 : i32 to vector<16xi32>
        %mul3A_519 = arith.muli %get3A_516, %mul3A_518 : vector<16xi32>
        %add3A_520 = vector.broadcast %arg0 : i32 to vector<16xi32>
        %add3A_521 = arith.addi %mul3A_519, %add3A_520 : vector<16xi32>
        %swap3A_522 = arith.constant 16 : index
        %swap3A_523 = tpu.vector_load %arg11[%swap3A_522] {strides = array<i32>} : memref<80xi32, #tpu.memory_space<vmem>>, vector<16xi32>,
        %swap3A_524 = vector.shape_cast %swap3A_523 : vector<16xi32> to vector<16xi32>
        %swap3A_525 = vector.shape_cast %add3A_521 : vector<16xi32> to vector<16xi32>
        tpu.vector_store %arg11[%swap3A_522], %swap3A_525 {strides = array<i32>} : memref<80xi32, #tpu.memory_space<vmem>>, vector<16xi32>,
        %get3A_526 = arith.index_cast %add3A_493 : i32 to index
        %get3A_527 = arith.constant 32 : index
        %get3A_528 = tpu.vector_load %arg6[%get3A_526, %get3A_527] {strides = array<i32>} : memref<250x80xi32, #tpu.memory_space<vmem>>, vector<1x16xi32>,
        %get3A_529 = vector.shape_cast %get3A_528 : vector<1x16xi32> to vector<16xi32>
        %mul3A_530 = arith.constant 2 : i32
        %mul3A_531 = vector.broadcast %mul3A_530 : i32 to vector<16xi32>
        %mul3A_532 = arith.muli %get3A_529, %mul3A_531 : vector<16xi32>
        %add3A_533 = vector.broadcast %arg0 : i32 to vector<16xi32>
        %add3A_534 = arith.addi %mul3A_532, %add3A_533 : vector<16xi32>
        %swap3A_535 = arith.constant 32 : index
        %swap3A_536 = tpu.vector_load %arg11[%swap3A_535] {strides = array<i32>} : memref<80xi32, #tpu.memory_space<vmem>>, vector<16xi32>,
        %swap3A_537 = vector.shape_cast %swap3A_536 : vector<16xi32> to vector<16xi32>
        %swap3A_538 = vector.shape_cast %add3A_534 : vector<16xi32> to vector<16xi32>
        tpu.vector_store %arg11[%swap3A_535], %swap3A_538 {strides = array<i32>} : memref<80xi32, #tpu.memory_space<vmem>>, vector<16xi32>,
        %get3A_539 = arith.index_cast %add3A_493 : i32 to index
        %get3A_540 = arith.constant 48 : index
        %get3A_541 = tpu.vector_load %arg6[%get3A_539, %get3A_540] {strides = array<i32>} : memref<250x80xi32, #tpu.memory_space<vmem>>, vector<1x16xi32>,
        %get3A_542 = vector.shape_cast %get3A_541 : vector<1x16xi32> to vector<16xi32>
        %mul3A_543 = arith.constant 2 : i32
        %mul3A_544 = vector.broadcast %mul3A_543 : i32 to vector<16xi32>
        %mul3A_545 = arith.muli %get3A_542, %mul3A_544 : vector<16xi32>
        %add3A_546 = vector.broadcast %arg0 : i32 to vector<16xi32>
        %add3A_547 = arith.addi %mul3A_545, %add3A_546 : vector<16xi32>
        %swap3A_548 = arith.constant 48 : index
        %swap3A_549 = tpu.vector_load %arg11[%swap3A_548] {strides = array<i32>} : memref<80xi32, #tpu.memory_space<vmem>>, vector<16xi32>,
        %swap3A_550 = vector.shape_cast %swap3A_549 : vector<16xi32> to vector<16xi32>
        %swap3A_551 = vector.shape_cast %add3A_547 : vector<16xi32> to vector<16xi32>
        tpu.vector_store %arg11[%swap3A_548], %swap3A_551 {strides = array<i32>} : memref<80xi32, #tpu.memory_space<vmem>>, vector<16xi32>,
        %get3A_552 = arith.index_cast %add3A_493 : i32 to index
        %get3A_553 = arith.constant 64 : index
        %get3A_554 = tpu.vector_load %arg6[%get3A_552, %get3A_553] {strides = array<i32>} : memref<250x80xi32, #tpu.memory_space<vmem>>, vector<1x16xi32>,
        %get3A_555 = vector.shape_cast %get3A_554 : vector<1x16xi32> to vector<16xi32>
        %mul3A_556 = arith.constant 2 : i32
        %mul3A_557 = vector.broadcast %mul3A_556 : i32 to vector<16xi32>
        %mul3A_558 = arith.muli %get3A_555, %mul3A_557 : vector<16xi32>
        %add3A_559 = vector.broadcast %arg0 : i32 to vector<16xi32>
        %add3A_560 = arith.addi %mul3A_558, %add3A_559 : vector<16xi32>
        %swap3A_561 = arith.constant 64 : index
        %swap3A_562 = tpu.vector_load %arg11[%swap3A_561] {strides = array<i32>} : memref<80xi32, #tpu.memory_space<vmem>>, vector<16xi32>,
        %swap3A_563 = vector.shape_cast %swap3A_562 : vector<16xi32> to vector<16xi32>
        %swap3A_564 = vector.shape_cast %add3A_560 : vector<16xi32> to vector<16xi32>
        tpu.vector_store %arg11[%swap3A_561], %swap3A_564 {strides = array<i32>} : memref<80xi32, #tpu.memory_space<vmem>>, vector<16xi32>,
        %dma_start3A_565 = arith.constant 0 : i32
        %dma_start3A_566 = arith.constant 0 : i32
        %dma_start3A_567 = tpu.memref_slice %arg2[%dma_start3A_565, %dma_start3A_566] : memref<20000x64xf32, #tpu.memory_space<hbm>> -> memref<20000x64xf32, #tpu.memory_space<hbm>>
        tpu.enqueue_indirect_dma source(%dma_start3A_567 : memref<20000x64xf32, #tpu.memory_space<hbm>>) target(%arg21 : memref<80x64xf32, #tpu.memory_space<vmem>>) offsets(%arg11 : memref<80xi32, #tpu.memory_space<vmem>>) semaphore(%arg28 : memref<!tpu.dma_semaphore, #tpu.memory_space<semaphore_mem>>)
      } else {
      }
    }
    %scan3A_408 = arith.constant 50 : i32
    %barrier3A_409 = arith.constant 0 : index
    tpu.barrier barrier_id(%barrier3A_409)
    %mul3A_410 = arith.constant 625 : i32
    %mul3A_411 = arith.muli %arg1, %mul3A_410 : i32
    %mul3A_412 = arith.constant 625 : i32
    %mul3A_413 = arith.muli %arg1, %mul3A_412 : i32
    "tpu.region"() ({
      %run_scoped3A = tpu.sem_alloc : memref<!tpu.dma_semaphore, #tpu.memory_space<semaphore_mem>>
      %dma_start3A_414 = arith.constant 0 : i32
      %dma_start3A_415 = tpu.memref_slice %arg5[%arg0, %mul3A_413, %dma_start3A_414] : memref<2x10000x64xf32, #tpu.memory_space<hbm>> -> memref<1x625x64xf32, #tpu.memory_space<hbm>>
      %dma_start3A_416 = tpu.memref_squeeze %dma_start3A_415 : memref<1x625x64xf32, #tpu.memory_space<hbm>> -> memref<625x64xf32, #tpu.memory_space<hbm>>
      %dma_start3A_417 = arith.constant 0 : i32
      %dma_start3A_418 = tpu.memref_slice %arg23[%mul3A_411, %dma_start3A_417] : memref<10128x64xf32, #tpu.memory_space<vmem_shared>> -> memref<625x64xf32, #tpu.memory_space<vmem_shared>>
      tpu.enqueue_dma source(%dma_start3A_418 : memref<625x64xf32, #tpu.memory_space<vmem_shared>>) target(%dma_start3A_416 : memref<625x64xf32, #tpu.memory_space<hbm>>) target_semaphore(%run_scoped3A : memref<!tpu.dma_semaphore, #tpu.memory_space<semaphore_mem>>)
      %dma_wait3A = arith.constant 0 : i32
      %dma_wait3A_419 = tpu.memref_slice %arg5[%arg0, %mul3A_413, %dma_wait3A] : memref<2x10000x64xf32, #tpu.memory_space<hbm>> -> memref<1x625x64xf32, #tpu.memory_space<hbm>>
      %dma_wait3A_420 = tpu.memref_squeeze %dma_wait3A_419 : memref<1x625x64xf32, #tpu.memory_space<hbm>> -> memref<625x64xf32, #tpu.memory_space<hbm>>
      %dma_wait3A_421 = arith.constant 0 : i32
      %dma_wait3A_422 = tpu.memref_slice %arg23[%mul3A_411, %dma_wait3A_421] : memref<10128x64xf32, #tpu.memory_space<vmem_shared>> -> memref<625x64xf32, #tpu.memory_space<vmem_shared>>
      tpu.wait_dma2 semaphore(%run_scoped3A : memref<!tpu.dma_semaphore, #tpu.memory_space<semaphore_mem>>) src(%dma_wait3A_422 : memref<625x64xf32, #tpu.memory_space<vmem_shared>>) dst(%dma_wait3A_420 : memref<625x64xf32, #tpu.memory_space<hbm>>)
      tpu.yield
    }) : () -> ()
    return
  }
}

#map = affine_map<(d0, d1) -> (0, 0)>
#map1 = affine_map<(d0, d1) -> (0, 0, 0)>
module attributes {stable_mosaic.version = 14 : i64} {
  func.func @seg(%arg0: i32, %arg1: i32, %arg2: memref<20000x64xf32, #tpu.memory_space<hbm>>, %arg3: memref<16x250x80xi32, #tpu.memory_space<hbm>>, %arg4: memref<16x250x80xi32, #tpu.memory_space<hbm>>, %arg5: memref<2x10000x64xf32, #tpu.memory_space<hbm>>, %arg6: memref<2x10000x16xf32, #tpu.memory_space<hbm>>, %arg7: memref<250x80xi32, #tpu.memory_space<vmem>>, %arg8: memref<80xi32, #tpu.memory_space<vmem>>, %arg9: memref<80xi32, #tpu.memory_space<vmem>>, %arg10: memref<80xi32, #tpu.memory_space<vmem>>, %arg11: memref<80xi32, #tpu.memory_space<vmem>>, %arg12: memref<80xi32, #tpu.memory_space<vmem>>, %arg13: memref<80xi32, #tpu.memory_space<vmem>>, %arg14: memref<80xi32, #tpu.memory_space<vmem>>, %arg15: memref<80xi32, #tpu.memory_space<vmem>>, %arg16: memref<80xi32, #tpu.memory_space<vmem>>, %arg17: memref<80xi32, #tpu.memory_space<vmem>>, %arg18: memref<80x64xf32, #tpu.memory_space<vmem>>, %arg19: memref<80x64xf32, #tpu.memory_space<vmem>>, %arg20: memref<80x64xf32, #tpu.memory_space<vmem>>, %arg21: memref<80x64xf32, #tpu.memory_space<vmem>>, %arg22: memref<80x64xf32, #tpu.memory_space<vmem>>, %arg23: memref<125x64xf32, #tpu.memory_space<vmem>>, %arg24: memref<10128x64xf32, #tpu.memory_space<vmem_shared>>, %arg25: memref<!tpu.dma_semaphore, #tpu.memory_space<semaphore_mem>>, %arg26: memref<!tpu.dma_semaphore, #tpu.memory_space<semaphore_mem>>, %arg27: memref<!tpu.dma_semaphore, #tpu.memory_space<semaphore_mem>>, %arg28: memref<!tpu.dma_semaphore, #tpu.memory_space<semaphore_mem>>, %arg29: memref<!tpu.dma_semaphore, #tpu.memory_space<semaphore_mem>>, %arg30: memref<!tpu.dma_semaphore, #tpu.memory_space<semaphore_mem>>, %arg31: memref<!tpu.dma_semaphore, #tpu.memory_space<semaphore_mem>>, %arg32: memref<!tpu.dma_semaphore, #tpu.memory_space<semaphore_mem>>, %arg33: memref<!tpu.dma_semaphore, #tpu.memory_space<semaphore_mem>>, %arg34: memref<!tpu.dma_semaphore, #tpu.memory_space<semaphore_mem>>, %arg35: memref<80x16xf32, #tpu.memory_space<vmem>>, %arg36: memref<125x16xf32, #tpu.memory_space<vmem>>, %arg37: memref<10128x16xf32, #tpu.memory_space<vmem_shared>>) attributes {dimension_semantics = [#tpu.dimension_semantics<core_parallel>, #tpu.dimension_semantics<subcore_parallel>], iteration_bounds = array<i64: 2, 16>, scalar_prefetch = 0 : i64, scratch_operands = 31 : i64, tpu.core_type = #tpu.core_type<sc_vector_subcore>, window_params = [{transform_indices = #map}, {transform_indices = #map1}, {transform_indices = #map1}, {transform_indices = #map1}, {transform_indices = #map1}]} {
    %scan3A = arith.constant 0 : i32
    %scan3A_0 = arith.constant 125 : i32
    %scan3A_1 = arith.addi %scan3A, %scan3A_0 : i32
    %scan3A_2 = arith.constant 1 : i32
    scf.for %scan3A_433 = %scan3A to %scan3A_1 step %scan3A_2  : i32 {
      %mul3A_434 = arith.constant 1 : i32
      %mul3A_435 = arith.muli %scan3A_433, %mul3A_434 : i32
      %add3A_436 = arith.constant 0 : i32
      %add3A_437 = arith.addi %add3A_436, %mul3A_435 : i32
      %scan3A_438 = arith.constant 0 : i32
      %scan3A_439 = arith.constant 4 : i32
      %scan3A_440 = arith.addi %scan3A_438, %scan3A_439 : i32
      %scan3A_441 = arith.constant 1 : i32
      scf.for %scan3A_443 = %scan3A_438 to %scan3A_440 step %scan3A_441  : i32 {
        %mul3A_444 = arith.constant 1 : i32
        %mul3A_445 = arith.muli %scan3A_443, %mul3A_444 : i32
        %add3A_446 = arith.constant 0 : i32
        %add3A_447 = arith.addi %add3A_446, %mul3A_445 : i32
        %broadcast_in_dim3A = arith.constant 0.000000e+00 : f32
        %broadcast_in_dim3A_448 = vector.broadcast %broadcast_in_dim3A : f32 to vector<16xf32>
        %mul3A_449 = arith.constant 16 : i32
        %mul3A_450 = arith.muli %add3A_447, %mul3A_449 : i32
        %swap3A_451 = arith.index_cast %add3A_437 : i32 to index
        %swap3A_452 = arith.index_cast %mul3A_450 : i32 to index
        %swap3A_453 = tpu.vector_load %arg23[%swap3A_451, %swap3A_452] {strides = array<i32>} : memref<125x64xf32, #tpu.memory_space<vmem>>, vector<1x16xf32>,
        %swap3A_454 = vector.shape_cast %swap3A_453 : vector<1x16xf32> to vector<16xf32>
        %swap3A_455 = vector.shape_cast %broadcast_in_dim3A_448 : vector<16xf32> to vector<1x16xf32>
        tpu.vector_store %arg23[%swap3A_451, %swap3A_452], %swap3A_455 {strides = array<i32>} : memref<125x64xf32, #tpu.memory_space<vmem>>, vector<1x16xf32>,
      }
      %scan3A_442 = arith.constant 4 : i32
    }
    %scan3A_3 = arith.constant 125 : i32
    %scan3A_4 = arith.constant 0 : i32
    %scan3A_5 = arith.constant 5 : i32
    %scan3A_6 = arith.addi %scan3A_4, %scan3A_5 : i32
    %scan3A_7 = arith.constant 1 : i32
    scf.for %scan3A_433 = %scan3A_4 to %scan3A_6 step %scan3A_7  : i32 {
      %mul3A_434 = arith.constant 1 : i32
      %mul3A_435 = arith.muli %scan3A_433, %mul3A_434 : i32
      %add3A_436 = arith.constant 0 : i32
      %add3A_437 = arith.addi %add3A_436, %mul3A_435 : i32
      %mul3A_438 = arith.constant 625 : i32
      %mul3A_439 = arith.muli %arg1, %mul3A_438 : i32
      %mul3A_440 = arith.constant 125 : i32
      %mul3A_441 = arith.muli %add3A_437, %mul3A_440 : i32
      %add3A_442 = arith.addi %mul3A_439, %mul3A_441 : i32
      "tpu.region"() ({
        %run_scoped3A = tpu.sem_alloc : memref<!tpu.dma_semaphore, #tpu.memory_space<semaphore_mem>>
        %dma_start3A_443 = arith.constant 0 : i32
        %dma_start3A_444 = tpu.memref_slice %arg24[%add3A_442, %dma_start3A_443] : memref<10128x64xf32, #tpu.memory_space<vmem_shared>> -> memref<125x64xf32, #tpu.memory_space<vmem_shared>>
        %dma_start3A_445 = arith.constant 0 : i32
        %dma_start3A_446 = tpu.memref_slice %arg24[%add3A_442, %dma_start3A_445] : memref<10128x64xf32, #tpu.memory_space<vmem_shared>> -> memref<125x64xf32, #tpu.memory_space<vmem_shared>>
        tpu.enqueue_dma source(%arg23 : memref<125x64xf32, #tpu.memory_space<vmem>>) target(%dma_start3A_446 : memref<125x64xf32, #tpu.memory_space<vmem_shared>>) target_semaphore(%run_scoped3A : memref<!tpu.dma_semaphore, #tpu.memory_space<semaphore_mem>>)
        %dma_wait3A = arith.constant 0 : i32
        %dma_wait3A_447 = tpu.memref_slice %arg24[%add3A_442, %dma_wait3A] : memref<10128x64xf32, #tpu.memory_space<vmem_shared>> -> memref<125x64xf32, #tpu.memory_space<vmem_shared>>
        %dma_wait3A_448 = arith.constant 0 : i32
        %dma_wait3A_449 = tpu.memref_slice %arg24[%add3A_442, %dma_wait3A_448] : memref<10128x64xf32, #tpu.memory_space<vmem_shared>> -> memref<125x64xf32, #tpu.memory_space<vmem_shared>>
        tpu.wait_dma2 semaphore(%run_scoped3A : memref<!tpu.dma_semaphore, #tpu.memory_space<semaphore_mem>>) src(%arg23 : memref<125x64xf32, #tpu.memory_space<vmem>>) dst(%dma_wait3A_449 : memref<125x64xf32, #tpu.memory_space<vmem_shared>>)
        tpu.yield
      }) : () -> ()
    }
    %scan3A_8 = arith.constant 5 : i32
    %scan3A_9 = arith.constant 0 : i32
    %scan3A_10 = arith.constant 80 : i32
    %scan3A_11 = arith.addi %scan3A_9, %scan3A_10 : i32
    %scan3A_12 = arith.constant 1 : i32
    scf.for %scan3A_433 = %scan3A_9 to %scan3A_11 step %scan3A_12  : i32 {
      %mul3A_434 = arith.constant 1 : i32
      %mul3A_435 = arith.muli %scan3A_433, %mul3A_434 : i32
      %add3A_436 = arith.constant 0 : i32
      %add3A_437 = arith.addi %add3A_436, %mul3A_435 : i32
      %broadcast_in_dim3A = arith.constant 1.000000e+00 : f32
      %broadcast_in_dim3A_438 = vector.broadcast %broadcast_in_dim3A : f32 to vector<16xf32>
      %swap3A_439 = arith.index_cast %add3A_437 : i32 to index
      %swap3A_440 = arith.constant 0 : index
      %swap3A_441 = tpu.vector_load %arg35[%swap3A_439, %swap3A_440] {strides = array<i32>} : memref<80x16xf32, #tpu.memory_space<vmem>>, vector<1x16xf32>,
      %swap3A_442 = vector.shape_cast %swap3A_441 : vector<1x16xf32> to vector<16xf32>
      %swap3A_443 = vector.shape_cast %broadcast_in_dim3A_438 : vector<16xf32> to vector<1x16xf32>
      tpu.vector_store %arg35[%swap3A_439, %swap3A_440], %swap3A_443 {strides = array<i32>} : memref<80x16xf32, #tpu.memory_space<vmem>>, vector<1x16xf32>,
    }
    %scan3A_13 = arith.constant 80 : i32
    %scan3A_14 = arith.constant 0 : i32
    %scan3A_15 = arith.constant 125 : i32
    %scan3A_16 = arith.addi %scan3A_14, %scan3A_15 : i32
    %scan3A_17 = arith.constant 1 : i32
    scf.for %scan3A_433 = %scan3A_14 to %scan3A_16 step %scan3A_17  : i32 {
      %mul3A_434 = arith.constant 1 : i32
      %mul3A_435 = arith.muli %scan3A_433, %mul3A_434 : i32
      %add3A_436 = arith.constant 0 : i32
      %add3A_437 = arith.addi %add3A_436, %mul3A_435 : i32
      %broadcast_in_dim3A = arith.constant 0.000000e+00 : f32
      %broadcast_in_dim3A_438 = vector.broadcast %broadcast_in_dim3A : f32 to vector<16xf32>
      %swap3A_439 = arith.index_cast %add3A_437 : i32 to index
      %swap3A_440 = arith.constant 0 : index
      %swap3A_441 = tpu.vector_load %arg36[%swap3A_439, %swap3A_440] {strides = array<i32>} : memref<125x16xf32, #tpu.memory_space<vmem>>, vector<1x16xf32>,
      %swap3A_442 = vector.shape_cast %swap3A_441 : vector<1x16xf32> to vector<16xf32>
      %swap3A_443 = vector.shape_cast %broadcast_in_dim3A_438 : vector<16xf32> to vector<1x16xf32>
      tpu.vector_store %arg36[%swap3A_439, %swap3A_440], %swap3A_443 {strides = array<i32>} : memref<125x16xf32, #tpu.memory_space<vmem>>, vector<1x16xf32>,
    }
    %scan3A_18 = arith.constant 125 : i32
    %scan3A_19 = arith.constant 0 : i32
    %scan3A_20 = arith.constant 5 : i32
    %scan3A_21 = arith.addi %scan3A_19, %scan3A_20 : i32
    %scan3A_22 = arith.constant 1 : i32
    scf.for %scan3A_433 = %scan3A_19 to %scan3A_21 step %scan3A_22  : i32 {
      %mul3A_434 = arith.constant 1 : i32
      %mul3A_435 = arith.muli %scan3A_433, %mul3A_434 : i32
      %add3A_436 = arith.constant 0 : i32
      %add3A_437 = arith.addi %add3A_436, %mul3A_435 : i32
      %mul3A_438 = arith.constant 625 : i32
      %mul3A_439 = arith.muli %arg1, %mul3A_438 : i32
      %mul3A_440 = arith.constant 125 : i32
      %mul3A_441 = arith.muli %add3A_437, %mul3A_440 : i32
      %add3A_442 = arith.addi %mul3A_439, %mul3A_441 : i32
      "tpu.region"() ({
        %run_scoped3A = tpu.sem_alloc : memref<!tpu.dma_semaphore, #tpu.memory_space<semaphore_mem>>
        %dma_start3A_443 = arith.constant 0 : i32
        %dma_start3A_444 = tpu.memref_slice %arg37[%add3A_442, %dma_start3A_443] : memref<10128x16xf32, #tpu.memory_space<vmem_shared>> -> memref<125x16xf32, #tpu.memory_space<vmem_shared>>
        %dma_start3A_445 = arith.constant 0 : i32
        %dma_start3A_446 = tpu.memref_slice %arg37[%add3A_442, %dma_start3A_445] : memref<10128x16xf32, #tpu.memory_space<vmem_shared>> -> memref<125x16xf32, #tpu.memory_space<vmem_shared>>
        tpu.enqueue_dma source(%arg36 : memref<125x16xf32, #tpu.memory_space<vmem>>) target(%dma_start3A_446 : memref<125x16xf32, #tpu.memory_space<vmem_shared>>) target_semaphore(%run_scoped3A : memref<!tpu.dma_semaphore, #tpu.memory_space<semaphore_mem>>)
        %dma_wait3A = arith.constant 0 : i32
        %dma_wait3A_447 = tpu.memref_slice %arg37[%add3A_442, %dma_wait3A] : memref<10128x16xf32, #tpu.memory_space<vmem_shared>> -> memref<125x16xf32, #tpu.memory_space<vmem_shared>>
        %dma_wait3A_448 = arith.constant 0 : i32
        %dma_wait3A_449 = tpu.memref_slice %arg37[%add3A_442, %dma_wait3A_448] : memref<10128x16xf32, #tpu.memory_space<vmem_shared>> -> memref<125x16xf32, #tpu.memory_space<vmem_shared>>
        tpu.wait_dma2 semaphore(%run_scoped3A : memref<!tpu.dma_semaphore, #tpu.memory_space<semaphore_mem>>) src(%arg36 : memref<125x16xf32, #tpu.memory_space<vmem>>) dst(%dma_wait3A_449 : memref<125x16xf32, #tpu.memory_space<vmem_shared>>)
        tpu.yield
      }) : () -> ()
    }
    %scan3A_23 = arith.constant 5 : i32
    "tpu.region"() ({
      %run_scoped3A = tpu.sem_alloc : memref<!tpu.dma_semaphore, #tpu.memory_space<semaphore_mem>>
      %dma_start3A_433 = arith.constant 0 : i32
      %dma_start3A_434 = arith.constant 0 : i32
      %dma_start3A_435 = tpu.memref_slice %arg3[%arg1, %dma_start3A_433, %dma_start3A_434] : memref<16x250x80xi32, #tpu.memory_space<hbm>> -> memref<1x250x80xi32, #tpu.memory_space<hbm>>
      %dma_start3A_436 = tpu.memref_squeeze %dma_start3A_435 : memref<1x250x80xi32, #tpu.memory_space<hbm>> -> memref<250x80xi32, #tpu.memory_space<hbm>>
      %dma_start3A_437 = arith.constant 0 : i32
      %dma_start3A_438 = arith.constant 0 : i32
      %dma_start3A_439 = tpu.memref_slice %arg3[%arg1, %dma_start3A_437, %dma_start3A_438] : memref<16x250x80xi32, #tpu.memory_space<hbm>> -> memref<1x250x80xi32, #tpu.memory_space<hbm>>
      %dma_start3A_440 = tpu.memref_squeeze %dma_start3A_439 : memref<1x250x80xi32, #tpu.memory_space<hbm>> -> memref<250x80xi32, #tpu.memory_space<hbm>>
      tpu.enqueue_dma source(%dma_start3A_440 : memref<250x80xi32, #tpu.memory_space<hbm>>) target(%arg7 : memref<250x80xi32, #tpu.memory_space<vmem>>) target_semaphore(%run_scoped3A : memref<!tpu.dma_semaphore, #tpu.memory_space<semaphore_mem>>)
      %dma_wait3A = arith.constant 0 : i32
      %dma_wait3A_441 = arith.constant 0 : i32
      %dma_wait3A_442 = tpu.memref_slice %arg3[%arg1, %dma_wait3A, %dma_wait3A_441] : memref<16x250x80xi32, #tpu.memory_space<hbm>> -> memref<1x250x80xi32, #tpu.memory_space<hbm>>
      %dma_wait3A_443 = tpu.memref_squeeze %dma_wait3A_442 : memref<1x250x80xi32, #tpu.memory_space<hbm>> -> memref<250x80xi32, #tpu.memory_space<hbm>>
      %dma_wait3A_444 = arith.constant 0 : i32
      %dma_wait3A_445 = arith.constant 0 : i32
      %dma_wait3A_446 = tpu.memref_slice %arg3[%arg1, %dma_wait3A_444, %dma_wait3A_445] : memref<16x250x80xi32, #tpu.memory_space<hbm>> -> memref<1x250x80xi32, #tpu.memory_space<hbm>>
      %dma_wait3A_447 = tpu.memref_squeeze %dma_wait3A_446 : memref<1x250x80xi32, #tpu.memory_space<hbm>> -> memref<250x80xi32, #tpu.memory_space<hbm>>
      tpu.wait_dma2 semaphore(%run_scoped3A : memref<!tpu.dma_semaphore, #tpu.memory_space<semaphore_mem>>) src(%dma_wait3A_447 : memref<250x80xi32, #tpu.memory_space<hbm>>) dst(%arg7 : memref<250x80xi32, #tpu.memory_space<vmem>>)
      tpu.yield
    }) : () -> ()
    %barrier3A = arith.constant 0 : index
    tpu.barrier barrier_id(%barrier3A)
    %dma_start3A = arith.constant 0 : i32
    %dma_start3A_24 = arith.constant 0 : i32
    %dma_start3A_25 = tpu.memref_slice %arg4[%arg1, %dma_start3A, %dma_start3A_24] : memref<16x250x80xi32, #tpu.memory_space<hbm>> -> memref<1x1x80xi32, #tpu.memory_space<hbm>>
    %dma_start3A_26 = tpu.memref_squeeze %dma_start3A_25 : memref<1x1x80xi32, #tpu.memory_space<hbm>> -> memref<80xi32, #tpu.memory_space<hbm>>
    %dma_start3A_27 = arith.constant 0 : i32
    %dma_start3A_28 = tpu.memref_slice %arg4[%arg1, %dma_start3A, %dma_start3A_27] : memref<16x250x80xi32, #tpu.memory_space<hbm>> -> memref<1x1x80xi32, #tpu.memory_space<hbm>>
    %dma_start3A_29 = tpu.memref_squeeze %dma_start3A_28 : memref<1x1x80xi32, #tpu.memory_space<hbm>> -> memref<80xi32, #tpu.memory_space<hbm>>
    tpu.enqueue_dma source(%dma_start3A_29 : memref<80xi32, #tpu.memory_space<hbm>>) target(%arg13 : memref<80xi32, #tpu.memory_space<vmem>>) target_semaphore(%arg30 : memref<!tpu.dma_semaphore, #tpu.memory_space<semaphore_mem>>)
    %get3A = arith.constant 0 : i32
    %get3A_30 = arith.index_cast %get3A : i32 to index
    %get3A_31 = arith.constant 0 : index
    %get3A_32 = tpu.vector_load %arg7[%get3A_30, %get3A_31] {strides = array<i32>} : memref<250x80xi32, #tpu.memory_space<vmem>>, vector<1x16xi32>,
    %get3A_33 = vector.shape_cast %get3A_32 : vector<1x16xi32> to vector<16xi32>
    %mul3A = arith.constant 2 : i32
    %mul3A_34 = vector.broadcast %mul3A : i32 to vector<16xi32>
    %mul3A_35 = arith.muli %get3A_33, %mul3A_34 : vector<16xi32>
    %add3A = vector.broadcast %arg0 : i32 to vector<16xi32>
    %add3A_36 = arith.addi %mul3A_35, %add3A : vector<16xi32>
    %swap3A = arith.constant 0 : index
    %swap3A_37 = tpu.vector_load %arg8[%swap3A] {strides = array<i32>} : memref<80xi32, #tpu.memory_space<vmem>>, vector<16xi32>,
    %swap3A_38 = vector.shape_cast %swap3A_37 : vector<16xi32> to vector<16xi32>
    %swap3A_39 = vector.shape_cast %add3A_36 : vector<16xi32> to vector<16xi32>
    tpu.vector_store %arg8[%swap3A], %swap3A_39 {strides = array<i32>} : memref<80xi32, #tpu.memory_space<vmem>>, vector<16xi32>,
    %get3A_40 = arith.constant 0 : i32
    %get3A_41 = arith.index_cast %get3A_40 : i32 to index
    %get3A_42 = arith.constant 16 : index
    %get3A_43 = tpu.vector_load %arg7[%get3A_41, %get3A_42] {strides = array<i32>} : memref<250x80xi32, #tpu.memory_space<vmem>>, vector<1x16xi32>,
    %get3A_44 = vector.shape_cast %get3A_43 : vector<1x16xi32> to vector<16xi32>
    %mul3A_45 = arith.constant 2 : i32
    %mul3A_46 = vector.broadcast %mul3A_45 : i32 to vector<16xi32>
    %mul3A_47 = arith.muli %get3A_44, %mul3A_46 : vector<16xi32>
    %add3A_48 = vector.broadcast %arg0 : i32 to vector<16xi32>
    %add3A_49 = arith.addi %mul3A_47, %add3A_48 : vector<16xi32>
    %swap3A_50 = arith.constant 16 : index
    %swap3A_51 = tpu.vector_load %arg8[%swap3A_50] {strides = array<i32>} : memref<80xi32, #tpu.memory_space<vmem>>, vector<16xi32>,
    %swap3A_52 = vector.shape_cast %swap3A_51 : vector<16xi32> to vector<16xi32>
    %swap3A_53 = vector.shape_cast %add3A_49 : vector<16xi32> to vector<16xi32>
    tpu.vector_store %arg8[%swap3A_50], %swap3A_53 {strides = array<i32>} : memref<80xi32, #tpu.memory_space<vmem>>, vector<16xi32>,
    %get3A_54 = arith.constant 0 : i32
    %get3A_55 = arith.index_cast %get3A_54 : i32 to index
    %get3A_56 = arith.constant 32 : index
    %get3A_57 = tpu.vector_load %arg7[%get3A_55, %get3A_56] {strides = array<i32>} : memref<250x80xi32, #tpu.memory_space<vmem>>, vector<1x16xi32>,
    %get3A_58 = vector.shape_cast %get3A_57 : vector<1x16xi32> to vector<16xi32>
    %mul3A_59 = arith.constant 2 : i32
    %mul3A_60 = vector.broadcast %mul3A_59 : i32 to vector<16xi32>
    %mul3A_61 = arith.muli %get3A_58, %mul3A_60 : vector<16xi32>
    %add3A_62 = vector.broadcast %arg0 : i32 to vector<16xi32>
    %add3A_63 = arith.addi %mul3A_61, %add3A_62 : vector<16xi32>
    %swap3A_64 = arith.constant 32 : index
    %swap3A_65 = tpu.vector_load %arg8[%swap3A_64] {strides = array<i32>} : memref<80xi32, #tpu.memory_space<vmem>>, vector<16xi32>,
    %swap3A_66 = vector.shape_cast %swap3A_65 : vector<16xi32> to vector<16xi32>
    %swap3A_67 = vector.shape_cast %add3A_63 : vector<16xi32> to vector<16xi32>
    tpu.vector_store %arg8[%swap3A_64], %swap3A_67 {strides = array<i32>} : memref<80xi32, #tpu.memory_space<vmem>>, vector<16xi32>,
    %get3A_68 = arith.constant 0 : i32
    %get3A_69 = arith.index_cast %get3A_68 : i32 to index
    %get3A_70 = arith.constant 48 : index
    %get3A_71 = tpu.vector_load %arg7[%get3A_69, %get3A_70] {strides = array<i32>} : memref<250x80xi32, #tpu.memory_space<vmem>>, vector<1x16xi32>,
    %get3A_72 = vector.shape_cast %get3A_71 : vector<1x16xi32> to vector<16xi32>
    %mul3A_73 = arith.constant 2 : i32
    %mul3A_74 = vector.broadcast %mul3A_73 : i32 to vector<16xi32>
    %mul3A_75 = arith.muli %get3A_72, %mul3A_74 : vector<16xi32>
    %add3A_76 = vector.broadcast %arg0 : i32 to vector<16xi32>
    %add3A_77 = arith.addi %mul3A_75, %add3A_76 : vector<16xi32>
    %swap3A_78 = arith.constant 48 : index
    %swap3A_79 = tpu.vector_load %arg8[%swap3A_78] {strides = array<i32>} : memref<80xi32, #tpu.memory_space<vmem>>, vector<16xi32>,
    %swap3A_80 = vector.shape_cast %swap3A_79 : vector<16xi32> to vector<16xi32>
    %swap3A_81 = vector.shape_cast %add3A_77 : vector<16xi32> to vector<16xi32>
    tpu.vector_store %arg8[%swap3A_78], %swap3A_81 {strides = array<i32>} : memref<80xi32, #tpu.memory_space<vmem>>, vector<16xi32>,
    %get3A_82 = arith.constant 0 : i32
    %get3A_83 = arith.index_cast %get3A_82 : i32 to index
    %get3A_84 = arith.constant 64 : index
    %get3A_85 = tpu.vector_load %arg7[%get3A_83, %get3A_84] {strides = array<i32>} : memref<250x80xi32, #tpu.memory_space<vmem>>, vector<1x16xi32>,
    %get3A_86 = vector.shape_cast %get3A_85 : vector<1x16xi32> to vector<16xi32>
    %mul3A_87 = arith.constant 2 : i32
    %mul3A_88 = vector.broadcast %mul3A_87 : i32 to vector<16xi32>
    %mul3A_89 = arith.muli %get3A_86, %mul3A_88 : vector<16xi32>
    %add3A_90 = vector.broadcast %arg0 : i32 to vector<16xi32>
    %add3A_91 = arith.addi %mul3A_89, %add3A_90 : vector<16xi32>
    %swap3A_92 = arith.constant 64 : index
    %swap3A_93 = tpu.vector_load %arg8[%swap3A_92] {strides = array<i32>} : memref<80xi32, #tpu.memory_space<vmem>>, vector<16xi32>,
    %swap3A_94 = vector.shape_cast %swap3A_93 : vector<16xi32> to vector<16xi32>
    %swap3A_95 = vector.shape_cast %add3A_91 : vector<16xi32> to vector<16xi32>
    tpu.vector_store %arg8[%swap3A_92], %swap3A_95 {strides = array<i32>} : memref<80xi32, #tpu.memory_space<vmem>>, vector<16xi32>,
    %dma_start3A_96 = arith.constant 0 : i32
    %dma_start3A_97 = arith.constant 0 : i32
    %dma_start3A_98 = tpu.memref_slice %arg2[%dma_start3A_96, %dma_start3A_97] : memref<20000x64xf32, #tpu.memory_space<hbm>> -> memref<20000x64xf32, #tpu.memory_space<hbm>>
    tpu.enqueue_indirect_dma source(%dma_start3A_98 : memref<20000x64xf32, #tpu.memory_space<hbm>>) target(%arg18 : memref<80x64xf32, #tpu.memory_space<vmem>>) offsets(%arg8 : memref<80xi32, #tpu.memory_space<vmem>>) semaphore(%arg25 : memref<!tpu.dma_semaphore, #tpu.memory_space<semaphore_mem>>)
    %dma_start3A_99 = arith.constant 1 : i32
    %dma_start3A_100 = arith.constant 0 : i32
    %dma_start3A_101 = tpu.memref_slice %arg4[%arg1, %dma_start3A_99, %dma_start3A_100] : memref<16x250x80xi32, #tpu.memory_space<hbm>> -> memref<1x1x80xi32, #tpu.memory_space<hbm>>
    %dma_start3A_102 = tpu.memref_squeeze %dma_start3A_101 : memref<1x1x80xi32, #tpu.memory_space<hbm>> -> memref<80xi32, #tpu.memory_space<hbm>>
    %dma_start3A_103 = arith.constant 0 : i32
    %dma_start3A_104 = tpu.memref_slice %arg4[%arg1, %dma_start3A_99, %dma_start3A_103] : memref<16x250x80xi32, #tpu.memory_space<hbm>> -> memref<1x1x80xi32, #tpu.memory_space<hbm>>
    %dma_start3A_105 = tpu.memref_squeeze %dma_start3A_104 : memref<1x1x80xi32, #tpu.memory_space<hbm>> -> memref<80xi32, #tpu.memory_space<hbm>>
    tpu.enqueue_dma source(%dma_start3A_105 : memref<80xi32, #tpu.memory_space<hbm>>) target(%arg14 : memref<80xi32, #tpu.memory_space<vmem>>) target_semaphore(%arg31 : memref<!tpu.dma_semaphore, #tpu.memory_space<semaphore_mem>>)
    %get3A_106 = arith.constant 1 : i32
    %get3A_107 = arith.index_cast %get3A_106 : i32 to index
    %get3A_108 = arith.constant 0 : index
    %get3A_109 = tpu.vector_load %arg7[%get3A_107, %get3A_108] {strides = array<i32>} : memref<250x80xi32, #tpu.memory_space<vmem>>, vector<1x16xi32>,
    %get3A_110 = vector.shape_cast %get3A_109 : vector<1x16xi32> to vector<16xi32>
    %mul3A_111 = arith.constant 2 : i32
    %mul3A_112 = vector.broadcast %mul3A_111 : i32 to vector<16xi32>
    %mul3A_113 = arith.muli %get3A_110, %mul3A_112 : vector<16xi32>
    %add3A_114 = vector.broadcast %arg0 : i32 to vector<16xi32>
    %add3A_115 = arith.addi %mul3A_113, %add3A_114 : vector<16xi32>
    %swap3A_116 = arith.constant 0 : index
    %swap3A_117 = tpu.vector_load %arg9[%swap3A_116] {strides = array<i32>} : memref<80xi32, #tpu.memory_space<vmem>>, vector<16xi32>,
    %swap3A_118 = vector.shape_cast %swap3A_117 : vector<16xi32> to vector<16xi32>
    %swap3A_119 = vector.shape_cast %add3A_115 : vector<16xi32> to vector<16xi32>
    tpu.vector_store %arg9[%swap3A_116], %swap3A_119 {strides = array<i32>} : memref<80xi32, #tpu.memory_space<vmem>>, vector<16xi32>,
    %get3A_120 = arith.constant 1 : i32
    %get3A_121 = arith.index_cast %get3A_120 : i32 to index
    %get3A_122 = arith.constant 16 : index
    %get3A_123 = tpu.vector_load %arg7[%get3A_121, %get3A_122] {strides = array<i32>} : memref<250x80xi32, #tpu.memory_space<vmem>>, vector<1x16xi32>,
    %get3A_124 = vector.shape_cast %get3A_123 : vector<1x16xi32> to vector<16xi32>
    %mul3A_125 = arith.constant 2 : i32
    %mul3A_126 = vector.broadcast %mul3A_125 : i32 to vector<16xi32>
    %mul3A_127 = arith.muli %get3A_124, %mul3A_126 : vector<16xi32>
    %add3A_128 = vector.broadcast %arg0 : i32 to vector<16xi32>
    %add3A_129 = arith.addi %mul3A_127, %add3A_128 : vector<16xi32>
    %swap3A_130 = arith.constant 16 : index
    %swap3A_131 = tpu.vector_load %arg9[%swap3A_130] {strides = array<i32>} : memref<80xi32, #tpu.memory_space<vmem>>, vector<16xi32>,
    %swap3A_132 = vector.shape_cast %swap3A_131 : vector<16xi32> to vector<16xi32>
    %swap3A_133 = vector.shape_cast %add3A_129 : vector<16xi32> to vector<16xi32>
    tpu.vector_store %arg9[%swap3A_130], %swap3A_133 {strides = array<i32>} : memref<80xi32, #tpu.memory_space<vmem>>, vector<16xi32>,
    %get3A_134 = arith.constant 1 : i32
    %get3A_135 = arith.index_cast %get3A_134 : i32 to index
    %get3A_136 = arith.constant 32 : index
    %get3A_137 = tpu.vector_load %arg7[%get3A_135, %get3A_136] {strides = array<i32>} : memref<250x80xi32, #tpu.memory_space<vmem>>, vector<1x16xi32>,
    %get3A_138 = vector.shape_cast %get3A_137 : vector<1x16xi32> to vector<16xi32>
    %mul3A_139 = arith.constant 2 : i32
    %mul3A_140 = vector.broadcast %mul3A_139 : i32 to vector<16xi32>
    %mul3A_141 = arith.muli %get3A_138, %mul3A_140 : vector<16xi32>
    %add3A_142 = vector.broadcast %arg0 : i32 to vector<16xi32>
    %add3A_143 = arith.addi %mul3A_141, %add3A_142 : vector<16xi32>
    %swap3A_144 = arith.constant 32 : index
    %swap3A_145 = tpu.vector_load %arg9[%swap3A_144] {strides = array<i32>} : memref<80xi32, #tpu.memory_space<vmem>>, vector<16xi32>,
    %swap3A_146 = vector.shape_cast %swap3A_145 : vector<16xi32> to vector<16xi32>
    %swap3A_147 = vector.shape_cast %add3A_143 : vector<16xi32> to vector<16xi32>
    tpu.vector_store %arg9[%swap3A_144], %swap3A_147 {strides = array<i32>} : memref<80xi32, #tpu.memory_space<vmem>>, vector<16xi32>,
    %get3A_148 = arith.constant 1 : i32
    %get3A_149 = arith.index_cast %get3A_148 : i32 to index
    %get3A_150 = arith.constant 48 : index
    %get3A_151 = tpu.vector_load %arg7[%get3A_149, %get3A_150] {strides = array<i32>} : memref<250x80xi32, #tpu.memory_space<vmem>>, vector<1x16xi32>,
    %get3A_152 = vector.shape_cast %get3A_151 : vector<1x16xi32> to vector<16xi32>
    %mul3A_153 = arith.constant 2 : i32
    %mul3A_154 = vector.broadcast %mul3A_153 : i32 to vector<16xi32>
    %mul3A_155 = arith.muli %get3A_152, %mul3A_154 : vector<16xi32>
    %add3A_156 = vector.broadcast %arg0 : i32 to vector<16xi32>
    %add3A_157 = arith.addi %mul3A_155, %add3A_156 : vector<16xi32>
    %swap3A_158 = arith.constant 48 : index
    %swap3A_159 = tpu.vector_load %arg9[%swap3A_158] {strides = array<i32>} : memref<80xi32, #tpu.memory_space<vmem>>, vector<16xi32>,
    %swap3A_160 = vector.shape_cast %swap3A_159 : vector<16xi32> to vector<16xi32>
    %swap3A_161 = vector.shape_cast %add3A_157 : vector<16xi32> to vector<16xi32>
    tpu.vector_store %arg9[%swap3A_158], %swap3A_161 {strides = array<i32>} : memref<80xi32, #tpu.memory_space<vmem>>, vector<16xi32>,
    %get3A_162 = arith.constant 1 : i32
    %get3A_163 = arith.index_cast %get3A_162 : i32 to index
    %get3A_164 = arith.constant 64 : index
    %get3A_165 = tpu.vector_load %arg7[%get3A_163, %get3A_164] {strides = array<i32>} : memref<250x80xi32, #tpu.memory_space<vmem>>, vector<1x16xi32>,
    %get3A_166 = vector.shape_cast %get3A_165 : vector<1x16xi32> to vector<16xi32>
    %mul3A_167 = arith.constant 2 : i32
    %mul3A_168 = vector.broadcast %mul3A_167 : i32 to vector<16xi32>
    %mul3A_169 = arith.muli %get3A_166, %mul3A_168 : vector<16xi32>
    %add3A_170 = vector.broadcast %arg0 : i32 to vector<16xi32>
    %add3A_171 = arith.addi %mul3A_169, %add3A_170 : vector<16xi32>
    %swap3A_172 = arith.constant 64 : index
    %swap3A_173 = tpu.vector_load %arg9[%swap3A_172] {strides = array<i32>} : memref<80xi32, #tpu.memory_space<vmem>>, vector<16xi32>,
    %swap3A_174 = vector.shape_cast %swap3A_173 : vector<16xi32> to vector<16xi32>
    %swap3A_175 = vector.shape_cast %add3A_171 : vector<16xi32> to vector<16xi32>
    tpu.vector_store %arg9[%swap3A_172], %swap3A_175 {strides = array<i32>} : memref<80xi32, #tpu.memory_space<vmem>>, vector<16xi32>,
    %dma_start3A_176 = arith.constant 0 : i32
    %dma_start3A_177 = arith.constant 0 : i32
    %dma_start3A_178 = tpu.memref_slice %arg2[%dma_start3A_176, %dma_start3A_177] : memref<20000x64xf32, #tpu.memory_space<hbm>> -> memref<20000x64xf32, #tpu.memory_space<hbm>>
    tpu.enqueue_indirect_dma source(%dma_start3A_178 : memref<20000x64xf32, #tpu.memory_space<hbm>>) target(%arg19 : memref<80x64xf32, #tpu.memory_space<vmem>>) offsets(%arg9 : memref<80xi32, #tpu.memory_space<vmem>>) semaphore(%arg26 : memref<!tpu.dma_semaphore, #tpu.memory_space<semaphore_mem>>)
    %dma_start3A_179 = arith.constant 2 : i32
    %dma_start3A_180 = arith.constant 0 : i32
    %dma_start3A_181 = tpu.memref_slice %arg4[%arg1, %dma_start3A_179, %dma_start3A_180] : memref<16x250x80xi32, #tpu.memory_space<hbm>> -> memref<1x1x80xi32, #tpu.memory_space<hbm>>
    %dma_start3A_182 = tpu.memref_squeeze %dma_start3A_181 : memref<1x1x80xi32, #tpu.memory_space<hbm>> -> memref<80xi32, #tpu.memory_space<hbm>>
    %dma_start3A_183 = arith.constant 0 : i32
    %dma_start3A_184 = tpu.memref_slice %arg4[%arg1, %dma_start3A_179, %dma_start3A_183] : memref<16x250x80xi32, #tpu.memory_space<hbm>> -> memref<1x1x80xi32, #tpu.memory_space<hbm>>
    %dma_start3A_185 = tpu.memref_squeeze %dma_start3A_184 : memref<1x1x80xi32, #tpu.memory_space<hbm>> -> memref<80xi32, #tpu.memory_space<hbm>>
    tpu.enqueue_dma source(%dma_start3A_185 : memref<80xi32, #tpu.memory_space<hbm>>) target(%arg15 : memref<80xi32, #tpu.memory_space<vmem>>) target_semaphore(%arg32 : memref<!tpu.dma_semaphore, #tpu.memory_space<semaphore_mem>>)
    %get3A_186 = arith.constant 2 : i32
    %get3A_187 = arith.index_cast %get3A_186 : i32 to index
    %get3A_188 = arith.constant 0 : index
    %get3A_189 = tpu.vector_load %arg7[%get3A_187, %get3A_188] {strides = array<i32>} : memref<250x80xi32, #tpu.memory_space<vmem>>, vector<1x16xi32>,
    %get3A_190 = vector.shape_cast %get3A_189 : vector<1x16xi32> to vector<16xi32>
    %mul3A_191 = arith.constant 2 : i32
    %mul3A_192 = vector.broadcast %mul3A_191 : i32 to vector<16xi32>
    %mul3A_193 = arith.muli %get3A_190, %mul3A_192 : vector<16xi32>
    %add3A_194 = vector.broadcast %arg0 : i32 to vector<16xi32>
    %add3A_195 = arith.addi %mul3A_193, %add3A_194 : vector<16xi32>
    %swap3A_196 = arith.constant 0 : index
    %swap3A_197 = tpu.vector_load %arg10[%swap3A_196] {strides = array<i32>} : memref<80xi32, #tpu.memory_space<vmem>>, vector<16xi32>,
    %swap3A_198 = vector.shape_cast %swap3A_197 : vector<16xi32> to vector<16xi32>
    %swap3A_199 = vector.shape_cast %add3A_195 : vector<16xi32> to vector<16xi32>
    tpu.vector_store %arg10[%swap3A_196], %swap3A_199 {strides = array<i32>} : memref<80xi32, #tpu.memory_space<vmem>>, vector<16xi32>,
    %get3A_200 = arith.constant 2 : i32
    %get3A_201 = arith.index_cast %get3A_200 : i32 to index
    %get3A_202 = arith.constant 16 : index
    %get3A_203 = tpu.vector_load %arg7[%get3A_201, %get3A_202] {strides = array<i32>} : memref<250x80xi32, #tpu.memory_space<vmem>>, vector<1x16xi32>,
    %get3A_204 = vector.shape_cast %get3A_203 : vector<1x16xi32> to vector<16xi32>
    %mul3A_205 = arith.constant 2 : i32
    %mul3A_206 = vector.broadcast %mul3A_205 : i32 to vector<16xi32>
    %mul3A_207 = arith.muli %get3A_204, %mul3A_206 : vector<16xi32>
    %add3A_208 = vector.broadcast %arg0 : i32 to vector<16xi32>
    %add3A_209 = arith.addi %mul3A_207, %add3A_208 : vector<16xi32>
    %swap3A_210 = arith.constant 16 : index
    %swap3A_211 = tpu.vector_load %arg10[%swap3A_210] {strides = array<i32>} : memref<80xi32, #tpu.memory_space<vmem>>, vector<16xi32>,
    %swap3A_212 = vector.shape_cast %swap3A_211 : vector<16xi32> to vector<16xi32>
    %swap3A_213 = vector.shape_cast %add3A_209 : vector<16xi32> to vector<16xi32>
    tpu.vector_store %arg10[%swap3A_210], %swap3A_213 {strides = array<i32>} : memref<80xi32, #tpu.memory_space<vmem>>, vector<16xi32>,
    %get3A_214 = arith.constant 2 : i32
    %get3A_215 = arith.index_cast %get3A_214 : i32 to index
    %get3A_216 = arith.constant 32 : index
    %get3A_217 = tpu.vector_load %arg7[%get3A_215, %get3A_216] {strides = array<i32>} : memref<250x80xi32, #tpu.memory_space<vmem>>, vector<1x16xi32>,
    %get3A_218 = vector.shape_cast %get3A_217 : vector<1x16xi32> to vector<16xi32>
    %mul3A_219 = arith.constant 2 : i32
    %mul3A_220 = vector.broadcast %mul3A_219 : i32 to vector<16xi32>
    %mul3A_221 = arith.muli %get3A_218, %mul3A_220 : vector<16xi32>
    %add3A_222 = vector.broadcast %arg0 : i32 to vector<16xi32>
    %add3A_223 = arith.addi %mul3A_221, %add3A_222 : vector<16xi32>
    %swap3A_224 = arith.constant 32 : index
    %swap3A_225 = tpu.vector_load %arg10[%swap3A_224] {strides = array<i32>} : memref<80xi32, #tpu.memory_space<vmem>>, vector<16xi32>,
    %swap3A_226 = vector.shape_cast %swap3A_225 : vector<16xi32> to vector<16xi32>
    %swap3A_227 = vector.shape_cast %add3A_223 : vector<16xi32> to vector<16xi32>
    tpu.vector_store %arg10[%swap3A_224], %swap3A_227 {strides = array<i32>} : memref<80xi32, #tpu.memory_space<vmem>>, vector<16xi32>,
    %get3A_228 = arith.constant 2 : i32
    %get3A_229 = arith.index_cast %get3A_228 : i32 to index
    %get3A_230 = arith.constant 48 : index
    %get3A_231 = tpu.vector_load %arg7[%get3A_229, %get3A_230] {strides = array<i32>} : memref<250x80xi32, #tpu.memory_space<vmem>>, vector<1x16xi32>,
    %get3A_232 = vector.shape_cast %get3A_231 : vector<1x16xi32> to vector<16xi32>
    %mul3A_233 = arith.constant 2 : i32
    %mul3A_234 = vector.broadcast %mul3A_233 : i32 to vector<16xi32>
    %mul3A_235 = arith.muli %get3A_232, %mul3A_234 : vector<16xi32>
    %add3A_236 = vector.broadcast %arg0 : i32 to vector<16xi32>
    %add3A_237 = arith.addi %mul3A_235, %add3A_236 : vector<16xi32>
    %swap3A_238 = arith.constant 48 : index
    %swap3A_239 = tpu.vector_load %arg10[%swap3A_238] {strides = array<i32>} : memref<80xi32, #tpu.memory_space<vmem>>, vector<16xi32>,
    %swap3A_240 = vector.shape_cast %swap3A_239 : vector<16xi32> to vector<16xi32>
    %swap3A_241 = vector.shape_cast %add3A_237 : vector<16xi32> to vector<16xi32>
    tpu.vector_store %arg10[%swap3A_238], %swap3A_241 {strides = array<i32>} : memref<80xi32, #tpu.memory_space<vmem>>, vector<16xi32>,
    %get3A_242 = arith.constant 2 : i32
    %get3A_243 = arith.index_cast %get3A_242 : i32 to index
    %get3A_244 = arith.constant 64 : index
    %get3A_245 = tpu.vector_load %arg7[%get3A_243, %get3A_244] {strides = array<i32>} : memref<250x80xi32, #tpu.memory_space<vmem>>, vector<1x16xi32>,
    %get3A_246 = vector.shape_cast %get3A_245 : vector<1x16xi32> to vector<16xi32>
    %mul3A_247 = arith.constant 2 : i32
    %mul3A_248 = vector.broadcast %mul3A_247 : i32 to vector<16xi32>
    %mul3A_249 = arith.muli %get3A_246, %mul3A_248 : vector<16xi32>
    %add3A_250 = vector.broadcast %arg0 : i32 to vector<16xi32>
    %add3A_251 = arith.addi %mul3A_249, %add3A_250 : vector<16xi32>
    %swap3A_252 = arith.constant 64 : index
    %swap3A_253 = tpu.vector_load %arg10[%swap3A_252] {strides = array<i32>} : memref<80xi32, #tpu.memory_space<vmem>>, vector<16xi32>,
    %swap3A_254 = vector.shape_cast %swap3A_253 : vector<16xi32> to vector<16xi32>
    %swap3A_255 = vector.shape_cast %add3A_251 : vector<16xi32> to vector<16xi32>
    tpu.vector_store %arg10[%swap3A_252], %swap3A_255 {strides = array<i32>} : memref<80xi32, #tpu.memory_space<vmem>>, vector<16xi32>,
    %dma_start3A_256 = arith.constant 0 : i32
    %dma_start3A_257 = arith.constant 0 : i32
    %dma_start3A_258 = tpu.memref_slice %arg2[%dma_start3A_256, %dma_start3A_257] : memref<20000x64xf32, #tpu.memory_space<hbm>> -> memref<20000x64xf32, #tpu.memory_space<hbm>>
    tpu.enqueue_indirect_dma source(%dma_start3A_258 : memref<20000x64xf32, #tpu.memory_space<hbm>>) target(%arg20 : memref<80x64xf32, #tpu.memory_space<vmem>>) offsets(%arg10 : memref<80xi32, #tpu.memory_space<vmem>>) semaphore(%arg27 : memref<!tpu.dma_semaphore, #tpu.memory_space<semaphore_mem>>)
    %dma_start3A_259 = arith.constant 3 : i32
    %dma_start3A_260 = arith.constant 0 : i32
    %dma_start3A_261 = tpu.memref_slice %arg4[%arg1, %dma_start3A_259, %dma_start3A_260] : memref<16x250x80xi32, #tpu.memory_space<hbm>> -> memref<1x1x80xi32, #tpu.memory_space<hbm>>
    %dma_start3A_262 = tpu.memref_squeeze %dma_start3A_261 : memref<1x1x80xi32, #tpu.memory_space<hbm>> -> memref<80xi32, #tpu.memory_space<hbm>>
    %dma_start3A_263 = arith.constant 0 : i32
    %dma_start3A_264 = tpu.memref_slice %arg4[%arg1, %dma_start3A_259, %dma_start3A_263] : memref<16x250x80xi32, #tpu.memory_space<hbm>> -> memref<1x1x80xi32, #tpu.memory_space<hbm>>
    %dma_start3A_265 = tpu.memref_squeeze %dma_start3A_264 : memref<1x1x80xi32, #tpu.memory_space<hbm>> -> memref<80xi32, #tpu.memory_space<hbm>>
    tpu.enqueue_dma source(%dma_start3A_265 : memref<80xi32, #tpu.memory_space<hbm>>) target(%arg16 : memref<80xi32, #tpu.memory_space<vmem>>) target_semaphore(%arg33 : memref<!tpu.dma_semaphore, #tpu.memory_space<semaphore_mem>>)
    %get3A_266 = arith.constant 3 : i32
    %get3A_267 = arith.index_cast %get3A_266 : i32 to index
    %get3A_268 = arith.constant 0 : index
    %get3A_269 = tpu.vector_load %arg7[%get3A_267, %get3A_268] {strides = array<i32>} : memref<250x80xi32, #tpu.memory_space<vmem>>, vector<1x16xi32>,
    %get3A_270 = vector.shape_cast %get3A_269 : vector<1x16xi32> to vector<16xi32>
    %mul3A_271 = arith.constant 2 : i32
    %mul3A_272 = vector.broadcast %mul3A_271 : i32 to vector<16xi32>
    %mul3A_273 = arith.muli %get3A_270, %mul3A_272 : vector<16xi32>
    %add3A_274 = vector.broadcast %arg0 : i32 to vector<16xi32>
    %add3A_275 = arith.addi %mul3A_273, %add3A_274 : vector<16xi32>
    %swap3A_276 = arith.constant 0 : index
    %swap3A_277 = tpu.vector_load %arg11[%swap3A_276] {strides = array<i32>} : memref<80xi32, #tpu.memory_space<vmem>>, vector<16xi32>,
    %swap3A_278 = vector.shape_cast %swap3A_277 : vector<16xi32> to vector<16xi32>
    %swap3A_279 = vector.shape_cast %add3A_275 : vector<16xi32> to vector<16xi32>
    tpu.vector_store %arg11[%swap3A_276], %swap3A_279 {strides = array<i32>} : memref<80xi32, #tpu.memory_space<vmem>>, vector<16xi32>,
    %get3A_280 = arith.constant 3 : i32
    %get3A_281 = arith.index_cast %get3A_280 : i32 to index
    %get3A_282 = arith.constant 16 : index
    %get3A_283 = tpu.vector_load %arg7[%get3A_281, %get3A_282] {strides = array<i32>} : memref<250x80xi32, #tpu.memory_space<vmem>>, vector<1x16xi32>,
    %get3A_284 = vector.shape_cast %get3A_283 : vector<1x16xi32> to vector<16xi32>
    %mul3A_285 = arith.constant 2 : i32
    %mul3A_286 = vector.broadcast %mul3A_285 : i32 to vector<16xi32>
    %mul3A_287 = arith.muli %get3A_284, %mul3A_286 : vector<16xi32>
    %add3A_288 = vector.broadcast %arg0 : i32 to vector<16xi32>
    %add3A_289 = arith.addi %mul3A_287, %add3A_288 : vector<16xi32>
    %swap3A_290 = arith.constant 16 : index
    %swap3A_291 = tpu.vector_load %arg11[%swap3A_290] {strides = array<i32>} : memref<80xi32, #tpu.memory_space<vmem>>, vector<16xi32>,
    %swap3A_292 = vector.shape_cast %swap3A_291 : vector<16xi32> to vector<16xi32>
    %swap3A_293 = vector.shape_cast %add3A_289 : vector<16xi32> to vector<16xi32>
    tpu.vector_store %arg11[%swap3A_290], %swap3A_293 {strides = array<i32>} : memref<80xi32, #tpu.memory_space<vmem>>, vector<16xi32>,
    %get3A_294 = arith.constant 3 : i32
    %get3A_295 = arith.index_cast %get3A_294 : i32 to index
    %get3A_296 = arith.constant 32 : index
    %get3A_297 = tpu.vector_load %arg7[%get3A_295, %get3A_296] {strides = array<i32>} : memref<250x80xi32, #tpu.memory_space<vmem>>, vector<1x16xi32>,
    %get3A_298 = vector.shape_cast %get3A_297 : vector<1x16xi32> to vector<16xi32>
    %mul3A_299 = arith.constant 2 : i32
    %mul3A_300 = vector.broadcast %mul3A_299 : i32 to vector<16xi32>
    %mul3A_301 = arith.muli %get3A_298, %mul3A_300 : vector<16xi32>
    %add3A_302 = vector.broadcast %arg0 : i32 to vector<16xi32>
    %add3A_303 = arith.addi %mul3A_301, %add3A_302 : vector<16xi32>
    %swap3A_304 = arith.constant 32 : index
    %swap3A_305 = tpu.vector_load %arg11[%swap3A_304] {strides = array<i32>} : memref<80xi32, #tpu.memory_space<vmem>>, vector<16xi32>,
    %swap3A_306 = vector.shape_cast %swap3A_305 : vector<16xi32> to vector<16xi32>
    %swap3A_307 = vector.shape_cast %add3A_303 : vector<16xi32> to vector<16xi32>
    tpu.vector_store %arg11[%swap3A_304], %swap3A_307 {strides = array<i32>} : memref<80xi32, #tpu.memory_space<vmem>>, vector<16xi32>,
    %get3A_308 = arith.constant 3 : i32
    %get3A_309 = arith.index_cast %get3A_308 : i32 to index
    %get3A_310 = arith.constant 48 : index
    %get3A_311 = tpu.vector_load %arg7[%get3A_309, %get3A_310] {strides = array<i32>} : memref<250x80xi32, #tpu.memory_space<vmem>>, vector<1x16xi32>,
    %get3A_312 = vector.shape_cast %get3A_311 : vector<1x16xi32> to vector<16xi32>
    %mul3A_313 = arith.constant 2 : i32
    %mul3A_314 = vector.broadcast %mul3A_313 : i32 to vector<16xi32>
    %mul3A_315 = arith.muli %get3A_312, %mul3A_314 : vector<16xi32>
    %add3A_316 = vector.broadcast %arg0 : i32 to vector<16xi32>
    %add3A_317 = arith.addi %mul3A_315, %add3A_316 : vector<16xi32>
    %swap3A_318 = arith.constant 48 : index
    %swap3A_319 = tpu.vector_load %arg11[%swap3A_318] {strides = array<i32>} : memref<80xi32, #tpu.memory_space<vmem>>, vector<16xi32>,
    %swap3A_320 = vector.shape_cast %swap3A_319 : vector<16xi32> to vector<16xi32>
    %swap3A_321 = vector.shape_cast %add3A_317 : vector<16xi32> to vector<16xi32>
    tpu.vector_store %arg11[%swap3A_318], %swap3A_321 {strides = array<i32>} : memref<80xi32, #tpu.memory_space<vmem>>, vector<16xi32>,
    %get3A_322 = arith.constant 3 : i32
    %get3A_323 = arith.index_cast %get3A_322 : i32 to index
    %get3A_324 = arith.constant 64 : index
    %get3A_325 = tpu.vector_load %arg7[%get3A_323, %get3A_324] {strides = array<i32>} : memref<250x80xi32, #tpu.memory_space<vmem>>, vector<1x16xi32>,
    %get3A_326 = vector.shape_cast %get3A_325 : vector<1x16xi32> to vector<16xi32>
    %mul3A_327 = arith.constant 2 : i32
    %mul3A_328 = vector.broadcast %mul3A_327 : i32 to vector<16xi32>
    %mul3A_329 = arith.muli %get3A_326, %mul3A_328 : vector<16xi32>
    %add3A_330 = vector.broadcast %arg0 : i32 to vector<16xi32>
    %add3A_331 = arith.addi %mul3A_329, %add3A_330 : vector<16xi32>
    %swap3A_332 = arith.constant 64 : index
    %swap3A_333 = tpu.vector_load %arg11[%swap3A_332] {strides = array<i32>} : memref<80xi32, #tpu.memory_space<vmem>>, vector<16xi32>,
    %swap3A_334 = vector.shape_cast %swap3A_333 : vector<16xi32> to vector<16xi32>
    %swap3A_335 = vector.shape_cast %add3A_331 : vector<16xi32> to vector<16xi32>
    tpu.vector_store %arg11[%swap3A_332], %swap3A_335 {strides = array<i32>} : memref<80xi32, #tpu.memory_space<vmem>>, vector<16xi32>,
    %dma_start3A_336 = arith.constant 0 : i32
    %dma_start3A_337 = arith.constant 0 : i32
    %dma_start3A_338 = tpu.memref_slice %arg2[%dma_start3A_336, %dma_start3A_337] : memref<20000x64xf32, #tpu.memory_space<hbm>> -> memref<20000x64xf32, #tpu.memory_space<hbm>>
    tpu.enqueue_indirect_dma source(%dma_start3A_338 : memref<20000x64xf32, #tpu.memory_space<hbm>>) target(%arg21 : memref<80x64xf32, #tpu.memory_space<vmem>>) offsets(%arg11 : memref<80xi32, #tpu.memory_space<vmem>>) semaphore(%arg28 : memref<!tpu.dma_semaphore, #tpu.memory_space<semaphore_mem>>)
    %dma_start3A_339 = arith.constant 4 : i32
    %dma_start3A_340 = arith.constant 0 : i32
    %dma_start3A_341 = tpu.memref_slice %arg4[%arg1, %dma_start3A_339, %dma_start3A_340] : memref<16x250x80xi32, #tpu.memory_space<hbm>> -> memref<1x1x80xi32, #tpu.memory_space<hbm>>
    %dma_start3A_342 = tpu.memref_squeeze %dma_start3A_341 : memref<1x1x80xi32, #tpu.memory_space<hbm>> -> memref<80xi32, #tpu.memory_space<hbm>>
    %dma_start3A_343 = arith.constant 0 : i32
    %dma_start3A_344 = tpu.memref_slice %arg4[%arg1, %dma_start3A_339, %dma_start3A_343] : memref<16x250x80xi32, #tpu.memory_space<hbm>> -> memref<1x1x80xi32, #tpu.memory_space<hbm>>
    %dma_start3A_345 = tpu.memref_squeeze %dma_start3A_344 : memref<1x1x80xi32, #tpu.memory_space<hbm>> -> memref<80xi32, #tpu.memory_space<hbm>>
    tpu.enqueue_dma source(%dma_start3A_345 : memref<80xi32, #tpu.memory_space<hbm>>) target(%arg17 : memref<80xi32, #tpu.memory_space<vmem>>) target_semaphore(%arg34 : memref<!tpu.dma_semaphore, #tpu.memory_space<semaphore_mem>>)
    %get3A_346 = arith.constant 4 : i32
    %get3A_347 = arith.index_cast %get3A_346 : i32 to index
    %get3A_348 = arith.constant 0 : index
    %get3A_349 = tpu.vector_load %arg7[%get3A_347, %get3A_348] {strides = array<i32>} : memref<250x80xi32, #tpu.memory_space<vmem>>, vector<1x16xi32>,
    %get3A_350 = vector.shape_cast %get3A_349 : vector<1x16xi32> to vector<16xi32>
    %mul3A_351 = arith.constant 2 : i32
    %mul3A_352 = vector.broadcast %mul3A_351 : i32 to vector<16xi32>
    %mul3A_353 = arith.muli %get3A_350, %mul3A_352 : vector<16xi32>
    %add3A_354 = vector.broadcast %arg0 : i32 to vector<16xi32>
    %add3A_355 = arith.addi %mul3A_353, %add3A_354 : vector<16xi32>
    %swap3A_356 = arith.constant 0 : index
    %swap3A_357 = tpu.vector_load %arg12[%swap3A_356] {strides = array<i32>} : memref<80xi32, #tpu.memory_space<vmem>>, vector<16xi32>,
    %swap3A_358 = vector.shape_cast %swap3A_357 : vector<16xi32> to vector<16xi32>
    %swap3A_359 = vector.shape_cast %add3A_355 : vector<16xi32> to vector<16xi32>
    tpu.vector_store %arg12[%swap3A_356], %swap3A_359 {strides = array<i32>} : memref<80xi32, #tpu.memory_space<vmem>>, vector<16xi32>,
    %get3A_360 = arith.constant 4 : i32
    %get3A_361 = arith.index_cast %get3A_360 : i32 to index
    %get3A_362 = arith.constant 16 : index
    %get3A_363 = tpu.vector_load %arg7[%get3A_361, %get3A_362] {strides = array<i32>} : memref<250x80xi32, #tpu.memory_space<vmem>>, vector<1x16xi32>,
    %get3A_364 = vector.shape_cast %get3A_363 : vector<1x16xi32> to vector<16xi32>
    %mul3A_365 = arith.constant 2 : i32
    %mul3A_366 = vector.broadcast %mul3A_365 : i32 to vector<16xi32>
    %mul3A_367 = arith.muli %get3A_364, %mul3A_366 : vector<16xi32>
    %add3A_368 = vector.broadcast %arg0 : i32 to vector<16xi32>
    %add3A_369 = arith.addi %mul3A_367, %add3A_368 : vector<16xi32>
    %swap3A_370 = arith.constant 16 : index
    %swap3A_371 = tpu.vector_load %arg12[%swap3A_370] {strides = array<i32>} : memref<80xi32, #tpu.memory_space<vmem>>, vector<16xi32>,
    %swap3A_372 = vector.shape_cast %swap3A_371 : vector<16xi32> to vector<16xi32>
    %swap3A_373 = vector.shape_cast %add3A_369 : vector<16xi32> to vector<16xi32>
    tpu.vector_store %arg12[%swap3A_370], %swap3A_373 {strides = array<i32>} : memref<80xi32, #tpu.memory_space<vmem>>, vector<16xi32>,
    %get3A_374 = arith.constant 4 : i32
    %get3A_375 = arith.index_cast %get3A_374 : i32 to index
    %get3A_376 = arith.constant 32 : index
    %get3A_377 = tpu.vector_load %arg7[%get3A_375, %get3A_376] {strides = array<i32>} : memref<250x80xi32, #tpu.memory_space<vmem>>, vector<1x16xi32>,
    %get3A_378 = vector.shape_cast %get3A_377 : vector<1x16xi32> to vector<16xi32>
    %mul3A_379 = arith.constant 2 : i32
    %mul3A_380 = vector.broadcast %mul3A_379 : i32 to vector<16xi32>
    %mul3A_381 = arith.muli %get3A_378, %mul3A_380 : vector<16xi32>
    %add3A_382 = vector.broadcast %arg0 : i32 to vector<16xi32>
    %add3A_383 = arith.addi %mul3A_381, %add3A_382 : vector<16xi32>
    %swap3A_384 = arith.constant 32 : index
    %swap3A_385 = tpu.vector_load %arg12[%swap3A_384] {strides = array<i32>} : memref<80xi32, #tpu.memory_space<vmem>>, vector<16xi32>,
    %swap3A_386 = vector.shape_cast %swap3A_385 : vector<16xi32> to vector<16xi32>
    %swap3A_387 = vector.shape_cast %add3A_383 : vector<16xi32> to vector<16xi32>
    tpu.vector_store %arg12[%swap3A_384], %swap3A_387 {strides = array<i32>} : memref<80xi32, #tpu.memory_space<vmem>>, vector<16xi32>,
    %get3A_388 = arith.constant 4 : i32
    %get3A_389 = arith.index_cast %get3A_388 : i32 to index
    %get3A_390 = arith.constant 48 : index
    %get3A_391 = tpu.vector_load %arg7[%get3A_389, %get3A_390] {strides = array<i32>} : memref<250x80xi32, #tpu.memory_space<vmem>>, vector<1x16xi32>,
    %get3A_392 = vector.shape_cast %get3A_391 : vector<1x16xi32> to vector<16xi32>
    %mul3A_393 = arith.constant 2 : i32
    %mul3A_394 = vector.broadcast %mul3A_393 : i32 to vector<16xi32>
    %mul3A_395 = arith.muli %get3A_392, %mul3A_394 : vector<16xi32>
    %add3A_396 = vector.broadcast %arg0 : i32 to vector<16xi32>
    %add3A_397 = arith.addi %mul3A_395, %add3A_396 : vector<16xi32>
    %swap3A_398 = arith.constant 48 : index
    %swap3A_399 = tpu.vector_load %arg12[%swap3A_398] {strides = array<i32>} : memref<80xi32, #tpu.memory_space<vmem>>, vector<16xi32>,
    %swap3A_400 = vector.shape_cast %swap3A_399 : vector<16xi32> to vector<16xi32>
    %swap3A_401 = vector.shape_cast %add3A_397 : vector<16xi32> to vector<16xi32>
    tpu.vector_store %arg12[%swap3A_398], %swap3A_401 {strides = array<i32>} : memref<80xi32, #tpu.memory_space<vmem>>, vector<16xi32>,
    %get3A_402 = arith.constant 4 : i32
    %get3A_403 = arith.index_cast %get3A_402 : i32 to index
    %get3A_404 = arith.constant 64 : index
    %get3A_405 = tpu.vector_load %arg7[%get3A_403, %get3A_404] {strides = array<i32>} : memref<250x80xi32, #tpu.memory_space<vmem>>, vector<1x16xi32>,
    %get3A_406 = vector.shape_cast %get3A_405 : vector<1x16xi32> to vector<16xi32>
    %mul3A_407 = arith.constant 2 : i32
    %mul3A_408 = vector.broadcast %mul3A_407 : i32 to vector<16xi32>
    %mul3A_409 = arith.muli %get3A_406, %mul3A_408 : vector<16xi32>
    %add3A_410 = vector.broadcast %arg0 : i32 to vector<16xi32>
    %add3A_411 = arith.addi %mul3A_409, %add3A_410 : vector<16xi32>
    %swap3A_412 = arith.constant 64 : index
    %swap3A_413 = tpu.vector_load %arg12[%swap3A_412] {strides = array<i32>} : memref<80xi32, #tpu.memory_space<vmem>>, vector<16xi32>,
    %swap3A_414 = vector.shape_cast %swap3A_413 : vector<16xi32> to vector<16xi32>
    %swap3A_415 = vector.shape_cast %add3A_411 : vector<16xi32> to vector<16xi32>
    tpu.vector_store %arg12[%swap3A_412], %swap3A_415 {strides = array<i32>} : memref<80xi32, #tpu.memory_space<vmem>>, vector<16xi32>,
    %dma_start3A_416 = arith.constant 0 : i32
    %dma_start3A_417 = arith.constant 0 : i32
    %dma_start3A_418 = tpu.memref_slice %arg2[%dma_start3A_416, %dma_start3A_417] : memref<20000x64xf32, #tpu.memory_space<hbm>> -> memref<20000x64xf32, #tpu.memory_space<hbm>>
    tpu.enqueue_indirect_dma source(%dma_start3A_418 : memref<20000x64xf32, #tpu.memory_space<hbm>>) target(%arg22 : memref<80x64xf32, #tpu.memory_space<vmem>>) offsets(%arg12 : memref<80xi32, #tpu.memory_space<vmem>>) semaphore(%arg29 : memref<!tpu.dma_semaphore, #tpu.memory_space<semaphore_mem>>)
    %scan3A_419 = arith.constant 0 : i32
    %scan3A_420 = arith.constant 50 : i32
    %scan3A_421 = arith.addi %scan3A_419, %scan3A_420 : i32
    %scan3A_422 = arith.constant 1 : i32
    scf.for %scan3A_433 = %scan3A_419 to %scan3A_421 step %scan3A_422  : i32 {
      %mul3A_434 = arith.constant 5 : i32
      %mul3A_435 = arith.muli %scan3A_433, %mul3A_434 : i32
      %add3A_436 = arith.constant 0 : i32
      %add3A_437 = arith.addi %add3A_436, %mul3A_435 : i32
      %dma_wait3A = arith.constant 0 : i32
      %dma_wait3A_438 = arith.constant 0 : i32
      %dma_wait3A_439 = tpu.memref_slice %arg4[%arg1, %dma_wait3A, %dma_wait3A_438] : memref<16x250x80xi32, #tpu.memory_space<hbm>> -> memref<1x1x80xi32, #tpu.memory_space<hbm>>
      %dma_wait3A_440 = tpu.memref_squeeze %dma_wait3A_439 : memref<1x1x80xi32, #tpu.memory_space<hbm>> -> memref<80xi32, #tpu.memory_space<hbm>>
      %dma_wait3A_441 = arith.constant 0 : i32
      %dma_wait3A_442 = tpu.memref_slice %arg4[%arg1, %dma_wait3A, %dma_wait3A_441] : memref<16x250x80xi32, #tpu.memory_space<hbm>> -> memref<1x1x80xi32, #tpu.memory_space<hbm>>
      %dma_wait3A_443 = tpu.memref_squeeze %dma_wait3A_442 : memref<1x1x80xi32, #tpu.memory_space<hbm>> -> memref<80xi32, #tpu.memory_space<hbm>>
      tpu.wait_dma2 semaphore(%arg30 : memref<!tpu.dma_semaphore, #tpu.memory_space<semaphore_mem>>) src(%dma_wait3A_443 : memref<80xi32, #tpu.memory_space<hbm>>) dst(%arg13 : memref<80xi32, #tpu.memory_space<vmem>>)
      %dma_wait3A_444 = arith.constant 0 : i32
      %dma_wait3A_445 = arith.constant 0 : i32
      %dma_wait3A_446 = tpu.memref_slice %arg2[%dma_wait3A_444, %dma_wait3A_445] : memref<20000x64xf32, #tpu.memory_space<hbm>> -> memref<20000x64xf32, #tpu.memory_space<hbm>>
      tpu.wait_indirect_dma semaphore(%arg25 : memref<!tpu.dma_semaphore, #tpu.memory_space<semaphore_mem>>) src(%dma_wait3A_446 : memref<20000x64xf32, #tpu.memory_space<hbm>>) dst(%arg18 : memref<80x64xf32, #tpu.memory_space<vmem>>)
      "tpu.region"() ({
        %run_scoped3A = tpu.sem_alloc : memref<!tpu.dma_semaphore, #tpu.memory_space<semaphore_mem>>
        %dma_start3A_613 = arith.constant 0 : i32
        %dma_start3A_614 = arith.constant 0 : i32
        %dma_start3A_615 = tpu.memref_slice %arg24[%dma_start3A_613, %dma_start3A_614] : memref<10128x64xf32, #tpu.memory_space<vmem_shared>> -> memref<10128x64xf32, #tpu.memory_space<vmem_shared>>
        tpu.enqueue_indirect_dma source(%arg18 : memref<80x64xf32, #tpu.memory_space<vmem>>) target(%dma_start3A_615 : memref<10128x64xf32, #tpu.memory_space<vmem_shared>>) offsets(%arg13 : memref<80xi32, #tpu.memory_space<vmem>>) semaphore(%run_scoped3A : memref<!tpu.dma_semaphore, #tpu.memory_space<semaphore_mem>>) {add = true}
        %dma_wait3A_616 = arith.constant 0 : i32
        %dma_wait3A_617 = arith.constant 0 : i32
        %dma_wait3A_618 = tpu.memref_slice %arg24[%dma_wait3A_616, %dma_wait3A_617] : memref<10128x64xf32, #tpu.memory_space<vmem_shared>> -> memref<10128x64xf32, #tpu.memory_space<vmem_shared>>
        tpu.wait_indirect_dma semaphore(%run_scoped3A : memref<!tpu.dma_semaphore, #tpu.memory_space<semaphore_mem>>) src(%arg18 : memref<80x64xf32, #tpu.memory_space<vmem>>) dst(%dma_wait3A_618 : memref<10128x64xf32, #tpu.memory_space<vmem_shared>>)
        tpu.yield
      }) : () -> ()
      %add3A_447 = arith.constant 0 : i32
      %add3A_448 = arith.addi %add3A_437, %add3A_447 : i32
      %jit3A = arith.constant 2 : i32
      %eq3A = arith.constant 0 : i32
      %eq3A_449 = arith.cmpi eq, %jit3A, %eq3A : i32
      %jit3A_450 = arith.constant 1 : i32
      %select_n3A = arith.select %eq3A_449, %jit3A_450, %jit3A : i32
      %rem3A = arith.remsi %add3A_448, %select_n3A : i32
      %ne3A = arith.constant 0 : i32
      %ne3A_451 = arith.cmpi ne, %rem3A, %ne3A : i32
      %lt3A = arith.constant 0 : i32
      %lt3A_452 = arith.cmpi slt, %rem3A, %lt3A : i32
      %lt3A_453 = arith.constant 0 : i32
      %lt3A_454 = arith.cmpi slt, %select_n3A, %lt3A_453 : i32
      %ne3A_455 = arith.xori %lt3A_452, %lt3A_454 : i1
      %and3A = arith.andi %ne3A_455, %ne3A_451 : i1
      %add3A_456 = arith.addi %rem3A, %select_n3A : i32
      %select_n3A_457 = arith.select %and3A, %add3A_456, %rem3A : i32
      %eq3A_458 = arith.cmpi eq, %select_n3A_457, %arg0 : i32
      %convert_element_type3A = arith.extui %eq3A_458 : i1 to i32
      %cond3A = arith.constant 0 : i32
      %cond3A_459 = arith.cmpi ne, %convert_element_type3A, %cond3A : i32
      scf.if %cond3A_459 {
        "tpu.region"() ({
          %run_scoped3A = tpu.sem_alloc : memref<!tpu.dma_semaphore, #tpu.memory_space<semaphore_mem>>
          %dma_start3A_613 = arith.constant 0 : i32
          %dma_start3A_614 = arith.constant 0 : i32
          %dma_start3A_615 = tpu.memref_slice %arg37[%dma_start3A_613, %dma_start3A_614] : memref<10128x16xf32, #tpu.memory_space<vmem_shared>> -> memref<10128x16xf32, #tpu.memory_space<vmem_shared>>
          tpu.enqueue_indirect_dma source(%arg35 : memref<80x16xf32, #tpu.memory_space<vmem>>) target(%dma_start3A_615 : memref<10128x16xf32, #tpu.memory_space<vmem_shared>>) offsets(%arg13 : memref<80xi32, #tpu.memory_space<vmem>>) semaphore(%run_scoped3A : memref<!tpu.dma_semaphore, #tpu.memory_space<semaphore_mem>>) {add = true}
          %dma_wait3A_616 = arith.constant 0 : i32
          %dma_wait3A_617 = arith.constant 0 : i32
          %dma_wait3A_618 = tpu.memref_slice %arg37[%dma_wait3A_616, %dma_wait3A_617] : memref<10128x16xf32, #tpu.memory_space<vmem_shared>> -> memref<10128x16xf32, #tpu.memory_space<vmem_shared>>
          tpu.wait_indirect_dma semaphore(%run_scoped3A : memref<!tpu.dma_semaphore, #tpu.memory_space<semaphore_mem>>) src(%arg35 : memref<80x16xf32, #tpu.memory_space<vmem>>) dst(%dma_wait3A_618 : memref<10128x16xf32, #tpu.memory_space<vmem_shared>>)
          tpu.yield
        }) : () -> ()
      } else {
      }
      %lt3A_460 = arith.constant 245 : i32
      %lt3A_461 = arith.cmpi slt, %add3A_437, %lt3A_460 : i32
      %convert_element_type3A_462 = arith.extui %lt3A_461 : i1 to i32
      %cond3A_463 = arith.constant 0 : i32
      %cond3A_464 = arith.cmpi ne, %convert_element_type3A_462, %cond3A_463 : i32
      scf.if %cond3A_464 {
        %add3A_613 = arith.constant 5 : i32
        %add3A_614 = arith.addi %add3A_437, %add3A_613 : i32
        %add3A_615 = arith.constant 0 : i32
        %add3A_616 = arith.addi %add3A_614, %add3A_615 : i32
        %dma_start3A_617 = arith.constant 0 : i32
        %dma_start3A_618 = tpu.memref_slice %arg4[%arg1, %add3A_616, %dma_start3A_617] : memref<16x250x80xi32, #tpu.memory_space<hbm>> -> memref<1x1x80xi32, #tpu.memory_space<hbm>>
        %dma_start3A_619 = tpu.memref_squeeze %dma_start3A_618 : memref<1x1x80xi32, #tpu.memory_space<hbm>> -> memref<80xi32, #tpu.memory_space<hbm>>
        %dma_start3A_620 = arith.constant 0 : i32
        %dma_start3A_621 = tpu.memref_slice %arg4[%arg1, %add3A_616, %dma_start3A_620] : memref<16x250x80xi32, #tpu.memory_space<hbm>> -> memref<1x1x80xi32, #tpu.memory_space<hbm>>
        %dma_start3A_622 = tpu.memref_squeeze %dma_start3A_621 : memref<1x1x80xi32, #tpu.memory_space<hbm>> -> memref<80xi32, #tpu.memory_space<hbm>>
        tpu.enqueue_dma source(%dma_start3A_622 : memref<80xi32, #tpu.memory_space<hbm>>) target(%arg13 : memref<80xi32, #tpu.memory_space<vmem>>) target_semaphore(%arg30 : memref<!tpu.dma_semaphore, #tpu.memory_space<semaphore_mem>>)
        %get3A_623 = arith.index_cast %add3A_616 : i32 to index
        %get3A_624 = arith.constant 0 : index
        %get3A_625 = tpu.vector_load %arg7[%get3A_623, %get3A_624] {strides = array<i32>} : memref<250x80xi32, #tpu.memory_space<vmem>>, vector<1x16xi32>,
        %get3A_626 = vector.shape_cast %get3A_625 : vector<1x16xi32> to vector<16xi32>
        %mul3A_627 = arith.constant 2 : i32
        %mul3A_628 = vector.broadcast %mul3A_627 : i32 to vector<16xi32>
        %mul3A_629 = arith.muli %get3A_626, %mul3A_628 : vector<16xi32>
        %add3A_630 = vector.broadcast %arg0 : i32 to vector<16xi32>
        %add3A_631 = arith.addi %mul3A_629, %add3A_630 : vector<16xi32>
        %swap3A_632 = arith.constant 0 : index
        %swap3A_633 = tpu.vector_load %arg8[%swap3A_632] {strides = array<i32>} : memref<80xi32, #tpu.memory_space<vmem>>, vector<16xi32>,
        %swap3A_634 = vector.shape_cast %swap3A_633 : vector<16xi32> to vector<16xi32>
        %swap3A_635 = vector.shape_cast %add3A_631 : vector<16xi32> to vector<16xi32>
        tpu.vector_store %arg8[%swap3A_632], %swap3A_635 {strides = array<i32>} : memref<80xi32, #tpu.memory_space<vmem>>, vector<16xi32>,
        %get3A_636 = arith.index_cast %add3A_616 : i32 to index
        %get3A_637 = arith.constant 16 : index
        %get3A_638 = tpu.vector_load %arg7[%get3A_636, %get3A_637] {strides = array<i32>} : memref<250x80xi32, #tpu.memory_space<vmem>>, vector<1x16xi32>,
        %get3A_639 = vector.shape_cast %get3A_638 : vector<1x16xi32> to vector<16xi32>
        %mul3A_640 = arith.constant 2 : i32
        %mul3A_641 = vector.broadcast %mul3A_640 : i32 to vector<16xi32>
        %mul3A_642 = arith.muli %get3A_639, %mul3A_641 : vector<16xi32>
        %add3A_643 = vector.broadcast %arg0 : i32 to vector<16xi32>
        %add3A_644 = arith.addi %mul3A_642, %add3A_643 : vector<16xi32>
        %swap3A_645 = arith.constant 16 : index
        %swap3A_646 = tpu.vector_load %arg8[%swap3A_645] {strides = array<i32>} : memref<80xi32, #tpu.memory_space<vmem>>, vector<16xi32>,
        %swap3A_647 = vector.shape_cast %swap3A_646 : vector<16xi32> to vector<16xi32>
        %swap3A_648 = vector.shape_cast %add3A_644 : vector<16xi32> to vector<16xi32>
        tpu.vector_store %arg8[%swap3A_645], %swap3A_648 {strides = array<i32>} : memref<80xi32, #tpu.memory_space<vmem>>, vector<16xi32>,
        %get3A_649 = arith.index_cast %add3A_616 : i32 to index
        %get3A_650 = arith.constant 32 : index
        %get3A_651 = tpu.vector_load %arg7[%get3A_649, %get3A_650] {strides = array<i32>} : memref<250x80xi32, #tpu.memory_space<vmem>>, vector<1x16xi32>,
        %get3A_652 = vector.shape_cast %get3A_651 : vector<1x16xi32> to vector<16xi32>
        %mul3A_653 = arith.constant 2 : i32
        %mul3A_654 = vector.broadcast %mul3A_653 : i32 to vector<16xi32>
        %mul3A_655 = arith.muli %get3A_652, %mul3A_654 : vector<16xi32>
        %add3A_656 = vector.broadcast %arg0 : i32 to vector<16xi32>
        %add3A_657 = arith.addi %mul3A_655, %add3A_656 : vector<16xi32>
        %swap3A_658 = arith.constant 32 : index
        %swap3A_659 = tpu.vector_load %arg8[%swap3A_658] {strides = array<i32>} : memref<80xi32, #tpu.memory_space<vmem>>, vector<16xi32>,
        %swap3A_660 = vector.shape_cast %swap3A_659 : vector<16xi32> to vector<16xi32>
        %swap3A_661 = vector.shape_cast %add3A_657 : vector<16xi32> to vector<16xi32>
        tpu.vector_store %arg8[%swap3A_658], %swap3A_661 {strides = array<i32>} : memref<80xi32, #tpu.memory_space<vmem>>, vector<16xi32>,
        %get3A_662 = arith.index_cast %add3A_616 : i32 to index
        %get3A_663 = arith.constant 48 : index
        %get3A_664 = tpu.vector_load %arg7[%get3A_662, %get3A_663] {strides = array<i32>} : memref<250x80xi32, #tpu.memory_space<vmem>>, vector<1x16xi32>,
        %get3A_665 = vector.shape_cast %get3A_664 : vector<1x16xi32> to vector<16xi32>
        %mul3A_666 = arith.constant 2 : i32
        %mul3A_667 = vector.broadcast %mul3A_666 : i32 to vector<16xi32>
        %mul3A_668 = arith.muli %get3A_665, %mul3A_667 : vector<16xi32>
        %add3A_669 = vector.broadcast %arg0 : i32 to vector<16xi32>
        %add3A_670 = arith.addi %mul3A_668, %add3A_669 : vector<16xi32>
        %swap3A_671 = arith.constant 48 : index
        %swap3A_672 = tpu.vector_load %arg8[%swap3A_671] {strides = array<i32>} : memref<80xi32, #tpu.memory_space<vmem>>, vector<16xi32>,
        %swap3A_673 = vector.shape_cast %swap3A_672 : vector<16xi32> to vector<16xi32>
        %swap3A_674 = vector.shape_cast %add3A_670 : vector<16xi32> to vector<16xi32>
        tpu.vector_store %arg8[%swap3A_671], %swap3A_674 {strides = array<i32>} : memref<80xi32, #tpu.memory_space<vmem>>, vector<16xi32>,
        %get3A_675 = arith.index_cast %add3A_616 : i32 to index
        %get3A_676 = arith.constant 64 : index
        %get3A_677 = tpu.vector_load %arg7[%get3A_675, %get3A_676] {strides = array<i32>} : memref<250x80xi32, #tpu.memory_space<vmem>>, vector<1x16xi32>,
        %get3A_678 = vector.shape_cast %get3A_677 : vector<1x16xi32> to vector<16xi32>
        %mul3A_679 = arith.constant 2 : i32
        %mul3A_680 = vector.broadcast %mul3A_679 : i32 to vector<16xi32>
        %mul3A_681 = arith.muli %get3A_678, %mul3A_680 : vector<16xi32>
        %add3A_682 = vector.broadcast %arg0 : i32 to vector<16xi32>
        %add3A_683 = arith.addi %mul3A_681, %add3A_682 : vector<16xi32>
        %swap3A_684 = arith.constant 64 : index
        %swap3A_685 = tpu.vector_load %arg8[%swap3A_684] {strides = array<i32>} : memref<80xi32, #tpu.memory_space<vmem>>, vector<16xi32>,
        %swap3A_686 = vector.shape_cast %swap3A_685 : vector<16xi32> to vector<16xi32>
        %swap3A_687 = vector.shape_cast %add3A_683 : vector<16xi32> to vector<16xi32>
        tpu.vector_store %arg8[%swap3A_684], %swap3A_687 {strides = array<i32>} : memref<80xi32, #tpu.memory_space<vmem>>, vector<16xi32>,
        %dma_start3A_688 = arith.constant 0 : i32
        %dma_start3A_689 = arith.constant 0 : i32
        %dma_start3A_690 = tpu.memref_slice %arg2[%dma_start3A_688, %dma_start3A_689] : memref<20000x64xf32, #tpu.memory_space<hbm>> -> memref<20000x64xf32, #tpu.memory_space<hbm>>
        tpu.enqueue_indirect_dma source(%dma_start3A_690 : memref<20000x64xf32, #tpu.memory_space<hbm>>) target(%arg18 : memref<80x64xf32, #tpu.memory_space<vmem>>) offsets(%arg8 : memref<80xi32, #tpu.memory_space<vmem>>) semaphore(%arg25 : memref<!tpu.dma_semaphore, #tpu.memory_space<semaphore_mem>>)
      } else {
      }
      %dma_wait3A_465 = arith.constant 0 : i32
      %dma_wait3A_466 = arith.constant 0 : i32
      %dma_wait3A_467 = tpu.memref_slice %arg4[%arg1, %dma_wait3A_465, %dma_wait3A_466] : memref<16x250x80xi32, #tpu.memory_space<hbm>> -> memref<1x1x80xi32, #tpu.memory_space<hbm>>
      %dma_wait3A_468 = tpu.memref_squeeze %dma_wait3A_467 : memref<1x1x80xi32, #tpu.memory_space<hbm>> -> memref<80xi32, #tpu.memory_space<hbm>>
      %dma_wait3A_469 = arith.constant 0 : i32
      %dma_wait3A_470 = tpu.memref_slice %arg4[%arg1, %dma_wait3A_465, %dma_wait3A_469] : memref<16x250x80xi32, #tpu.memory_space<hbm>> -> memref<1x1x80xi32, #tpu.memory_space<hbm>>
      %dma_wait3A_471 = tpu.memref_squeeze %dma_wait3A_470 : memref<1x1x80xi32, #tpu.memory_space<hbm>> -> memref<80xi32, #tpu.memory_space<hbm>>
      tpu.wait_dma2 semaphore(%arg31 : memref<!tpu.dma_semaphore, #tpu.memory_space<semaphore_mem>>) src(%dma_wait3A_471 : memref<80xi32, #tpu.memory_space<hbm>>) dst(%arg14 : memref<80xi32, #tpu.memory_space<vmem>>)
      %dma_wait3A_472 = arith.constant 0 : i32
      %dma_wait3A_473 = arith.constant 0 : i32
      %dma_wait3A_474 = tpu.memref_slice %arg2[%dma_wait3A_472, %dma_wait3A_473] : memref<20000x64xf32, #tpu.memory_space<hbm>> -> memref<20000x64xf32, #tpu.memory_space<hbm>>
      tpu.wait_indirect_dma semaphore(%arg26 : memref<!tpu.dma_semaphore, #tpu.memory_space<semaphore_mem>>) src(%dma_wait3A_474 : memref<20000x64xf32, #tpu.memory_space<hbm>>) dst(%arg19 : memref<80x64xf32, #tpu.memory_space<vmem>>)
      "tpu.region"() ({
        %run_scoped3A = tpu.sem_alloc : memref<!tpu.dma_semaphore, #tpu.memory_space<semaphore_mem>>
        %dma_start3A_613 = arith.constant 0 : i32
        %dma_start3A_614 = arith.constant 0 : i32
        %dma_start3A_615 = tpu.memref_slice %arg24[%dma_start3A_613, %dma_start3A_614] : memref<10128x64xf32, #tpu.memory_space<vmem_shared>> -> memref<10128x64xf32, #tpu.memory_space<vmem_shared>>
        tpu.enqueue_indirect_dma source(%arg19 : memref<80x64xf32, #tpu.memory_space<vmem>>) target(%dma_start3A_615 : memref<10128x64xf32, #tpu.memory_space<vmem_shared>>) offsets(%arg14 : memref<80xi32, #tpu.memory_space<vmem>>) semaphore(%run_scoped3A : memref<!tpu.dma_semaphore, #tpu.memory_space<semaphore_mem>>) {add = true}
        %dma_wait3A_616 = arith.constant 0 : i32
        %dma_wait3A_617 = arith.constant 0 : i32
        %dma_wait3A_618 = tpu.memref_slice %arg24[%dma_wait3A_616, %dma_wait3A_617] : memref<10128x64xf32, #tpu.memory_space<vmem_shared>> -> memref<10128x64xf32, #tpu.memory_space<vmem_shared>>
        tpu.wait_indirect_dma semaphore(%run_scoped3A : memref<!tpu.dma_semaphore, #tpu.memory_space<semaphore_mem>>) src(%arg19 : memref<80x64xf32, #tpu.memory_space<vmem>>) dst(%dma_wait3A_618 : memref<10128x64xf32, #tpu.memory_space<vmem_shared>>)
        tpu.yield
      }) : () -> ()
      %add3A_475 = arith.constant 1 : i32
      %add3A_476 = arith.addi %add3A_437, %add3A_475 : i32
      %jit3A_477 = arith.constant 2 : i32
      %eq3A_478 = arith.constant 0 : i32
      %eq3A_479 = arith.cmpi eq, %jit3A_477, %eq3A_478 : i32
      %jit3A_480 = arith.constant 1 : i32
      %select_n3A_481 = arith.select %eq3A_479, %jit3A_480, %jit3A_477 : i32
      %rem3A_482 = arith.remsi %add3A_476, %select_n3A_481 : i32
      %ne3A_483 = arith.constant 0 : i32
      %ne3A_484 = arith.cmpi ne, %rem3A_482, %ne3A_483 : i32
      %lt3A_485 = arith.constant 0 : i32
      %lt3A_486 = arith.cmpi slt, %rem3A_482, %lt3A_485 : i32
      %lt3A_487 = arith.constant 0 : i32
      %lt3A_488 = arith.cmpi slt, %select_n3A_481, %lt3A_487 : i32
      %ne3A_489 = arith.xori %lt3A_486, %lt3A_488 : i1
      %and3A_490 = arith.andi %ne3A_489, %ne3A_484 : i1
      %add3A_491 = arith.addi %rem3A_482, %select_n3A_481 : i32
      %select_n3A_492 = arith.select %and3A_490, %add3A_491, %rem3A_482 : i32
      %eq3A_493 = arith.cmpi eq, %select_n3A_492, %arg0 : i32
      %convert_element_type3A_494 = arith.extui %eq3A_493 : i1 to i32
      %cond3A_495 = arith.constant 0 : i32
      %cond3A_496 = arith.cmpi ne, %convert_element_type3A_494, %cond3A_495 : i32
      scf.if %cond3A_496 {
        "tpu.region"() ({
          %run_scoped3A = tpu.sem_alloc : memref<!tpu.dma_semaphore, #tpu.memory_space<semaphore_mem>>
          %dma_start3A_613 = arith.constant 0 : i32
          %dma_start3A_614 = arith.constant 0 : i32
          %dma_start3A_615 = tpu.memref_slice %arg37[%dma_start3A_613, %dma_start3A_614] : memref<10128x16xf32, #tpu.memory_space<vmem_shared>> -> memref<10128x16xf32, #tpu.memory_space<vmem_shared>>
          tpu.enqueue_indirect_dma source(%arg35 : memref<80x16xf32, #tpu.memory_space<vmem>>) target(%dma_start3A_615 : memref<10128x16xf32, #tpu.memory_space<vmem_shared>>) offsets(%arg14 : memref<80xi32, #tpu.memory_space<vmem>>) semaphore(%run_scoped3A : memref<!tpu.dma_semaphore, #tpu.memory_space<semaphore_mem>>) {add = true}
          %dma_wait3A_616 = arith.constant 0 : i32
          %dma_wait3A_617 = arith.constant 0 : i32
          %dma_wait3A_618 = tpu.memref_slice %arg37[%dma_wait3A_616, %dma_wait3A_617] : memref<10128x16xf32, #tpu.memory_space<vmem_shared>> -> memref<10128x16xf32, #tpu.memory_space<vmem_shared>>
          tpu.wait_indirect_dma semaphore(%run_scoped3A : memref<!tpu.dma_semaphore, #tpu.memory_space<semaphore_mem>>) src(%arg35 : memref<80x16xf32, #tpu.memory_space<vmem>>) dst(%dma_wait3A_618 : memref<10128x16xf32, #tpu.memory_space<vmem_shared>>)
          tpu.yield
        }) : () -> ()
      } else {
      }
      %lt3A_497 = arith.constant 245 : i32
      %lt3A_498 = arith.cmpi slt, %add3A_437, %lt3A_497 : i32
      %convert_element_type3A_499 = arith.extui %lt3A_498 : i1 to i32
      %cond3A_500 = arith.constant 0 : i32
      %cond3A_501 = arith.cmpi ne, %convert_element_type3A_499, %cond3A_500 : i32
      scf.if %cond3A_501 {
        %add3A_613 = arith.constant 5 : i32
        %add3A_614 = arith.addi %add3A_437, %add3A_613 : i32
        %add3A_615 = arith.constant 1 : i32
        %add3A_616 = arith.addi %add3A_614, %add3A_615 : i32
        %dma_start3A_617 = arith.constant 0 : i32
        %dma_start3A_618 = tpu.memref_slice %arg4[%arg1, %add3A_616, %dma_start3A_617] : memref<16x250x80xi32, #tpu.memory_space<hbm>> -> memref<1x1x80xi32, #tpu.memory_space<hbm>>
        %dma_start3A_619 = tpu.memref_squeeze %dma_start3A_618 : memref<1x1x80xi32, #tpu.memory_space<hbm>> -> memref<80xi32, #tpu.memory_space<hbm>>
        %dma_start3A_620 = arith.constant 0 : i32
        %dma_start3A_621 = tpu.memref_slice %arg4[%arg1, %add3A_616, %dma_start3A_620] : memref<16x250x80xi32, #tpu.memory_space<hbm>> -> memref<1x1x80xi32, #tpu.memory_space<hbm>>
        %dma_start3A_622 = tpu.memref_squeeze %dma_start3A_621 : memref<1x1x80xi32, #tpu.memory_space<hbm>> -> memref<80xi32, #tpu.memory_space<hbm>>
        tpu.enqueue_dma source(%dma_start3A_622 : memref<80xi32, #tpu.memory_space<hbm>>) target(%arg14 : memref<80xi32, #tpu.memory_space<vmem>>) target_semaphore(%arg31 : memref<!tpu.dma_semaphore, #tpu.memory_space<semaphore_mem>>)
        %get3A_623 = arith.index_cast %add3A_616 : i32 to index
        %get3A_624 = arith.constant 0 : index
        %get3A_625 = tpu.vector_load %arg7[%get3A_623, %get3A_624] {strides = array<i32>} : memref<250x80xi32, #tpu.memory_space<vmem>>, vector<1x16xi32>,
        %get3A_626 = vector.shape_cast %get3A_625 : vector<1x16xi32> to vector<16xi32>
        %mul3A_627 = arith.constant 2 : i32
        %mul3A_628 = vector.broadcast %mul3A_627 : i32 to vector<16xi32>
        %mul3A_629 = arith.muli %get3A_626, %mul3A_628 : vector<16xi32>
        %add3A_630 = vector.broadcast %arg0 : i32 to vector<16xi32>
        %add3A_631 = arith.addi %mul3A_629, %add3A_630 : vector<16xi32>
        %swap3A_632 = arith.constant 0 : index
        %swap3A_633 = tpu.vector_load %arg9[%swap3A_632] {strides = array<i32>} : memref<80xi32, #tpu.memory_space<vmem>>, vector<16xi32>,
        %swap3A_634 = vector.shape_cast %swap3A_633 : vector<16xi32> to vector<16xi32>
        %swap3A_635 = vector.shape_cast %add3A_631 : vector<16xi32> to vector<16xi32>
        tpu.vector_store %arg9[%swap3A_632], %swap3A_635 {strides = array<i32>} : memref<80xi32, #tpu.memory_space<vmem>>, vector<16xi32>,
        %get3A_636 = arith.index_cast %add3A_616 : i32 to index
        %get3A_637 = arith.constant 16 : index
        %get3A_638 = tpu.vector_load %arg7[%get3A_636, %get3A_637] {strides = array<i32>} : memref<250x80xi32, #tpu.memory_space<vmem>>, vector<1x16xi32>,
        %get3A_639 = vector.shape_cast %get3A_638 : vector<1x16xi32> to vector<16xi32>
        %mul3A_640 = arith.constant 2 : i32
        %mul3A_641 = vector.broadcast %mul3A_640 : i32 to vector<16xi32>
        %mul3A_642 = arith.muli %get3A_639, %mul3A_641 : vector<16xi32>
        %add3A_643 = vector.broadcast %arg0 : i32 to vector<16xi32>
        %add3A_644 = arith.addi %mul3A_642, %add3A_643 : vector<16xi32>
        %swap3A_645 = arith.constant 16 : index
        %swap3A_646 = tpu.vector_load %arg9[%swap3A_645] {strides = array<i32>} : memref<80xi32, #tpu.memory_space<vmem>>, vector<16xi32>,
        %swap3A_647 = vector.shape_cast %swap3A_646 : vector<16xi32> to vector<16xi32>
        %swap3A_648 = vector.shape_cast %add3A_644 : vector<16xi32> to vector<16xi32>
        tpu.vector_store %arg9[%swap3A_645], %swap3A_648 {strides = array<i32>} : memref<80xi32, #tpu.memory_space<vmem>>, vector<16xi32>,
        %get3A_649 = arith.index_cast %add3A_616 : i32 to index
        %get3A_650 = arith.constant 32 : index
        %get3A_651 = tpu.vector_load %arg7[%get3A_649, %get3A_650] {strides = array<i32>} : memref<250x80xi32, #tpu.memory_space<vmem>>, vector<1x16xi32>,
        %get3A_652 = vector.shape_cast %get3A_651 : vector<1x16xi32> to vector<16xi32>
        %mul3A_653 = arith.constant 2 : i32
        %mul3A_654 = vector.broadcast %mul3A_653 : i32 to vector<16xi32>
        %mul3A_655 = arith.muli %get3A_652, %mul3A_654 : vector<16xi32>
        %add3A_656 = vector.broadcast %arg0 : i32 to vector<16xi32>
        %add3A_657 = arith.addi %mul3A_655, %add3A_656 : vector<16xi32>
        %swap3A_658 = arith.constant 32 : index
        %swap3A_659 = tpu.vector_load %arg9[%swap3A_658] {strides = array<i32>} : memref<80xi32, #tpu.memory_space<vmem>>, vector<16xi32>,
        %swap3A_660 = vector.shape_cast %swap3A_659 : vector<16xi32> to vector<16xi32>
        %swap3A_661 = vector.shape_cast %add3A_657 : vector<16xi32> to vector<16xi32>
        tpu.vector_store %arg9[%swap3A_658], %swap3A_661 {strides = array<i32>} : memref<80xi32, #tpu.memory_space<vmem>>, vector<16xi32>,
        %get3A_662 = arith.index_cast %add3A_616 : i32 to index
        %get3A_663 = arith.constant 48 : index
        %get3A_664 = tpu.vector_load %arg7[%get3A_662, %get3A_663] {strides = array<i32>} : memref<250x80xi32, #tpu.memory_space<vmem>>, vector<1x16xi32>,
        %get3A_665 = vector.shape_cast %get3A_664 : vector<1x16xi32> to vector<16xi32>
        %mul3A_666 = arith.constant 2 : i32
        %mul3A_667 = vector.broadcast %mul3A_666 : i32 to vector<16xi32>
        %mul3A_668 = arith.muli %get3A_665, %mul3A_667 : vector<16xi32>
        %add3A_669 = vector.broadcast %arg0 : i32 to vector<16xi32>
        %add3A_670 = arith.addi %mul3A_668, %add3A_669 : vector<16xi32>
        %swap3A_671 = arith.constant 48 : index
        %swap3A_672 = tpu.vector_load %arg9[%swap3A_671] {strides = array<i32>} : memref<80xi32, #tpu.memory_space<vmem>>, vector<16xi32>,
        %swap3A_673 = vector.shape_cast %swap3A_672 : vector<16xi32> to vector<16xi32>
        %swap3A_674 = vector.shape_cast %add3A_670 : vector<16xi32> to vector<16xi32>
        tpu.vector_store %arg9[%swap3A_671], %swap3A_674 {strides = array<i32>} : memref<80xi32, #tpu.memory_space<vmem>>, vector<16xi32>,
        %get3A_675 = arith.index_cast %add3A_616 : i32 to index
        %get3A_676 = arith.constant 64 : index
        %get3A_677 = tpu.vector_load %arg7[%get3A_675, %get3A_676] {strides = array<i32>} : memref<250x80xi32, #tpu.memory_space<vmem>>, vector<1x16xi32>,
        %get3A_678 = vector.shape_cast %get3A_677 : vector<1x16xi32> to vector<16xi32>
        %mul3A_679 = arith.constant 2 : i32
        %mul3A_680 = vector.broadcast %mul3A_679 : i32 to vector<16xi32>
        %mul3A_681 = arith.muli %get3A_678, %mul3A_680 : vector<16xi32>
        %add3A_682 = vector.broadcast %arg0 : i32 to vector<16xi32>
        %add3A_683 = arith.addi %mul3A_681, %add3A_682 : vector<16xi32>
        %swap3A_684 = arith.constant 64 : index
        %swap3A_685 = tpu.vector_load %arg9[%swap3A_684] {strides = array<i32>} : memref<80xi32, #tpu.memory_space<vmem>>, vector<16xi32>,
        %swap3A_686 = vector.shape_cast %swap3A_685 : vector<16xi32> to vector<16xi32>
        %swap3A_687 = vector.shape_cast %add3A_683 : vector<16xi32> to vector<16xi32>
        tpu.vector_store %arg9[%swap3A_684], %swap3A_687 {strides = array<i32>} : memref<80xi32, #tpu.memory_space<vmem>>, vector<16xi32>,
        %dma_start3A_688 = arith.constant 0 : i32
        %dma_start3A_689 = arith.constant 0 : i32
        %dma_start3A_690 = tpu.memref_slice %arg2[%dma_start3A_688, %dma_start3A_689] : memref<20000x64xf32, #tpu.memory_space<hbm>> -> memref<20000x64xf32, #tpu.memory_space<hbm>>
        tpu.enqueue_indirect_dma source(%dma_start3A_690 : memref<20000x64xf32, #tpu.memory_space<hbm>>) target(%arg19 : memref<80x64xf32, #tpu.memory_space<vmem>>) offsets(%arg9 : memref<80xi32, #tpu.memory_space<vmem>>) semaphore(%arg26 : memref<!tpu.dma_semaphore, #tpu.memory_space<semaphore_mem>>)
      } else {
      }
      %dma_wait3A_502 = arith.constant 0 : i32
      %dma_wait3A_503 = arith.constant 0 : i32
      %dma_wait3A_504 = tpu.memref_slice %arg4[%arg1, %dma_wait3A_502, %dma_wait3A_503] : memref<16x250x80xi32, #tpu.memory_space<hbm>> -> memref<1x1x80xi32, #tpu.memory_space<hbm>>
      %dma_wait3A_505 = tpu.memref_squeeze %dma_wait3A_504 : memref<1x1x80xi32, #tpu.memory_space<hbm>> -> memref<80xi32, #tpu.memory_space<hbm>>
      %dma_wait3A_506 = arith.constant 0 : i32
      %dma_wait3A_507 = tpu.memref_slice %arg4[%arg1, %dma_wait3A_502, %dma_wait3A_506] : memref<16x250x80xi32, #tpu.memory_space<hbm>> -> memref<1x1x80xi32, #tpu.memory_space<hbm>>
      %dma_wait3A_508 = tpu.memref_squeeze %dma_wait3A_507 : memref<1x1x80xi32, #tpu.memory_space<hbm>> -> memref<80xi32, #tpu.memory_space<hbm>>
      tpu.wait_dma2 semaphore(%arg32 : memref<!tpu.dma_semaphore, #tpu.memory_space<semaphore_mem>>) src(%dma_wait3A_508 : memref<80xi32, #tpu.memory_space<hbm>>) dst(%arg15 : memref<80xi32, #tpu.memory_space<vmem>>)
      %dma_wait3A_509 = arith.constant 0 : i32
      %dma_wait3A_510 = arith.constant 0 : i32
      %dma_wait3A_511 = tpu.memref_slice %arg2[%dma_wait3A_509, %dma_wait3A_510] : memref<20000x64xf32, #tpu.memory_space<hbm>> -> memref<20000x64xf32, #tpu.memory_space<hbm>>
      tpu.wait_indirect_dma semaphore(%arg27 : memref<!tpu.dma_semaphore, #tpu.memory_space<semaphore_mem>>) src(%dma_wait3A_511 : memref<20000x64xf32, #tpu.memory_space<hbm>>) dst(%arg20 : memref<80x64xf32, #tpu.memory_space<vmem>>)
      "tpu.region"() ({
        %run_scoped3A = tpu.sem_alloc : memref<!tpu.dma_semaphore, #tpu.memory_space<semaphore_mem>>
        %dma_start3A_613 = arith.constant 0 : i32
        %dma_start3A_614 = arith.constant 0 : i32
        %dma_start3A_615 = tpu.memref_slice %arg24[%dma_start3A_613, %dma_start3A_614] : memref<10128x64xf32, #tpu.memory_space<vmem_shared>> -> memref<10128x64xf32, #tpu.memory_space<vmem_shared>>
        tpu.enqueue_indirect_dma source(%arg20 : memref<80x64xf32, #tpu.memory_space<vmem>>) target(%dma_start3A_615 : memref<10128x64xf32, #tpu.memory_space<vmem_shared>>) offsets(%arg15 : memref<80xi32, #tpu.memory_space<vmem>>) semaphore(%run_scoped3A : memref<!tpu.dma_semaphore, #tpu.memory_space<semaphore_mem>>) {add = true}
        %dma_wait3A_616 = arith.constant 0 : i32
        %dma_wait3A_617 = arith.constant 0 : i32
        %dma_wait3A_618 = tpu.memref_slice %arg24[%dma_wait3A_616, %dma_wait3A_617] : memref<10128x64xf32, #tpu.memory_space<vmem_shared>> -> memref<10128x64xf32, #tpu.memory_space<vmem_shared>>
        tpu.wait_indirect_dma semaphore(%run_scoped3A : memref<!tpu.dma_semaphore, #tpu.memory_space<semaphore_mem>>) src(%arg20 : memref<80x64xf32, #tpu.memory_space<vmem>>) dst(%dma_wait3A_618 : memref<10128x64xf32, #tpu.memory_space<vmem_shared>>)
        tpu.yield
      }) : () -> ()
      %add3A_512 = arith.constant 2 : i32
      %add3A_513 = arith.addi %add3A_437, %add3A_512 : i32
      %jit3A_514 = arith.constant 2 : i32
      %eq3A_515 = arith.constant 0 : i32
      %eq3A_516 = arith.cmpi eq, %jit3A_514, %eq3A_515 : i32
      %jit3A_517 = arith.constant 1 : i32
      %select_n3A_518 = arith.select %eq3A_516, %jit3A_517, %jit3A_514 : i32
      %rem3A_519 = arith.remsi %add3A_513, %select_n3A_518 : i32
      %ne3A_520 = arith.constant 0 : i32
      %ne3A_521 = arith.cmpi ne, %rem3A_519, %ne3A_520 : i32
      %lt3A_522 = arith.constant 0 : i32
      %lt3A_523 = arith.cmpi slt, %rem3A_519, %lt3A_522 : i32
      %lt3A_524 = arith.constant 0 : i32
      %lt3A_525 = arith.cmpi slt, %select_n3A_518, %lt3A_524 : i32
      %ne3A_526 = arith.xori %lt3A_523, %lt3A_525 : i1
      %and3A_527 = arith.andi %ne3A_526, %ne3A_521 : i1
      %add3A_528 = arith.addi %rem3A_519, %select_n3A_518 : i32
      %select_n3A_529 = arith.select %and3A_527, %add3A_528, %rem3A_519 : i32
      %eq3A_530 = arith.cmpi eq, %select_n3A_529, %arg0 : i32
      %convert_element_type3A_531 = arith.extui %eq3A_530 : i1 to i32
      %cond3A_532 = arith.constant 0 : i32
      %cond3A_533 = arith.cmpi ne, %convert_element_type3A_531, %cond3A_532 : i32
      scf.if %cond3A_533 {
        "tpu.region"() ({
          %run_scoped3A = tpu.sem_alloc : memref<!tpu.dma_semaphore, #tpu.memory_space<semaphore_mem>>
          %dma_start3A_613 = arith.constant 0 : i32
          %dma_start3A_614 = arith.constant 0 : i32
          %dma_start3A_615 = tpu.memref_slice %arg37[%dma_start3A_613, %dma_start3A_614] : memref<10128x16xf32, #tpu.memory_space<vmem_shared>> -> memref<10128x16xf32, #tpu.memory_space<vmem_shared>>
          tpu.enqueue_indirect_dma source(%arg35 : memref<80x16xf32, #tpu.memory_space<vmem>>) target(%dma_start3A_615 : memref<10128x16xf32, #tpu.memory_space<vmem_shared>>) offsets(%arg15 : memref<80xi32, #tpu.memory_space<vmem>>) semaphore(%run_scoped3A : memref<!tpu.dma_semaphore, #tpu.memory_space<semaphore_mem>>) {add = true}
          %dma_wait3A_616 = arith.constant 0 : i32
          %dma_wait3A_617 = arith.constant 0 : i32
          %dma_wait3A_618 = tpu.memref_slice %arg37[%dma_wait3A_616, %dma_wait3A_617] : memref<10128x16xf32, #tpu.memory_space<vmem_shared>> -> memref<10128x16xf32, #tpu.memory_space<vmem_shared>>
          tpu.wait_indirect_dma semaphore(%run_scoped3A : memref<!tpu.dma_semaphore, #tpu.memory_space<semaphore_mem>>) src(%arg35 : memref<80x16xf32, #tpu.memory_space<vmem>>) dst(%dma_wait3A_618 : memref<10128x16xf32, #tpu.memory_space<vmem_shared>>)
          tpu.yield
        }) : () -> ()
      } else {
      }
      %lt3A_534 = arith.constant 245 : i32
      %lt3A_535 = arith.cmpi slt, %add3A_437, %lt3A_534 : i32
      %convert_element_type3A_536 = arith.extui %lt3A_535 : i1 to i32
      %cond3A_537 = arith.constant 0 : i32
      %cond3A_538 = arith.cmpi ne, %convert_element_type3A_536, %cond3A_537 : i32
      scf.if %cond3A_538 {
        %add3A_613 = arith.constant 5 : i32
        %add3A_614 = arith.addi %add3A_437, %add3A_613 : i32
        %add3A_615 = arith.constant 2 : i32
        %add3A_616 = arith.addi %add3A_614, %add3A_615 : i32
        %dma_start3A_617 = arith.constant 0 : i32
        %dma_start3A_618 = tpu.memref_slice %arg4[%arg1, %add3A_616, %dma_start3A_617] : memref<16x250x80xi32, #tpu.memory_space<hbm>> -> memref<1x1x80xi32, #tpu.memory_space<hbm>>
        %dma_start3A_619 = tpu.memref_squeeze %dma_start3A_618 : memref<1x1x80xi32, #tpu.memory_space<hbm>> -> memref<80xi32, #tpu.memory_space<hbm>>
        %dma_start3A_620 = arith.constant 0 : i32
        %dma_start3A_621 = tpu.memref_slice %arg4[%arg1, %add3A_616, %dma_start3A_620] : memref<16x250x80xi32, #tpu.memory_space<hbm>> -> memref<1x1x80xi32, #tpu.memory_space<hbm>>
        %dma_start3A_622 = tpu.memref_squeeze %dma_start3A_621 : memref<1x1x80xi32, #tpu.memory_space<hbm>> -> memref<80xi32, #tpu.memory_space<hbm>>
        tpu.enqueue_dma source(%dma_start3A_622 : memref<80xi32, #tpu.memory_space<hbm>>) target(%arg15 : memref<80xi32, #tpu.memory_space<vmem>>) target_semaphore(%arg32 : memref<!tpu.dma_semaphore, #tpu.memory_space<semaphore_mem>>)
        %get3A_623 = arith.index_cast %add3A_616 : i32 to index
        %get3A_624 = arith.constant 0 : index
        %get3A_625 = tpu.vector_load %arg7[%get3A_623, %get3A_624] {strides = array<i32>} : memref<250x80xi32, #tpu.memory_space<vmem>>, vector<1x16xi32>,
        %get3A_626 = vector.shape_cast %get3A_625 : vector<1x16xi32> to vector<16xi32>
        %mul3A_627 = arith.constant 2 : i32
        %mul3A_628 = vector.broadcast %mul3A_627 : i32 to vector<16xi32>
        %mul3A_629 = arith.muli %get3A_626, %mul3A_628 : vector<16xi32>
        %add3A_630 = vector.broadcast %arg0 : i32 to vector<16xi32>
        %add3A_631 = arith.addi %mul3A_629, %add3A_630 : vector<16xi32>
        %swap3A_632 = arith.constant 0 : index
        %swap3A_633 = tpu.vector_load %arg10[%swap3A_632] {strides = array<i32>} : memref<80xi32, #tpu.memory_space<vmem>>, vector<16xi32>,
        %swap3A_634 = vector.shape_cast %swap3A_633 : vector<16xi32> to vector<16xi32>
        %swap3A_635 = vector.shape_cast %add3A_631 : vector<16xi32> to vector<16xi32>
        tpu.vector_store %arg10[%swap3A_632], %swap3A_635 {strides = array<i32>} : memref<80xi32, #tpu.memory_space<vmem>>, vector<16xi32>,
        %get3A_636 = arith.index_cast %add3A_616 : i32 to index
        %get3A_637 = arith.constant 16 : index
        %get3A_638 = tpu.vector_load %arg7[%get3A_636, %get3A_637] {strides = array<i32>} : memref<250x80xi32, #tpu.memory_space<vmem>>, vector<1x16xi32>,
        %get3A_639 = vector.shape_cast %get3A_638 : vector<1x16xi32> to vector<16xi32>
        %mul3A_640 = arith.constant 2 : i32
        %mul3A_641 = vector.broadcast %mul3A_640 : i32 to vector<16xi32>
        %mul3A_642 = arith.muli %get3A_639, %mul3A_641 : vector<16xi32>
        %add3A_643 = vector.broadcast %arg0 : i32 to vector<16xi32>
        %add3A_644 = arith.addi %mul3A_642, %add3A_643 : vector<16xi32>
        %swap3A_645 = arith.constant 16 : index
        %swap3A_646 = tpu.vector_load %arg10[%swap3A_645] {strides = array<i32>} : memref<80xi32, #tpu.memory_space<vmem>>, vector<16xi32>,
        %swap3A_647 = vector.shape_cast %swap3A_646 : vector<16xi32> to vector<16xi32>
        %swap3A_648 = vector.shape_cast %add3A_644 : vector<16xi32> to vector<16xi32>
        tpu.vector_store %arg10[%swap3A_645], %swap3A_648 {strides = array<i32>} : memref<80xi32, #tpu.memory_space<vmem>>, vector<16xi32>,
        %get3A_649 = arith.index_cast %add3A_616 : i32 to index
        %get3A_650 = arith.constant 32 : index
        %get3A_651 = tpu.vector_load %arg7[%get3A_649, %get3A_650] {strides = array<i32>} : memref<250x80xi32, #tpu.memory_space<vmem>>, vector<1x16xi32>,
        %get3A_652 = vector.shape_cast %get3A_651 : vector<1x16xi32> to vector<16xi32>
        %mul3A_653 = arith.constant 2 : i32
        %mul3A_654 = vector.broadcast %mul3A_653 : i32 to vector<16xi32>
        %mul3A_655 = arith.muli %get3A_652, %mul3A_654 : vector<16xi32>
        %add3A_656 = vector.broadcast %arg0 : i32 to vector<16xi32>
        %add3A_657 = arith.addi %mul3A_655, %add3A_656 : vector<16xi32>
        %swap3A_658 = arith.constant 32 : index
        %swap3A_659 = tpu.vector_load %arg10[%swap3A_658] {strides = array<i32>} : memref<80xi32, #tpu.memory_space<vmem>>, vector<16xi32>,
        %swap3A_660 = vector.shape_cast %swap3A_659 : vector<16xi32> to vector<16xi32>
        %swap3A_661 = vector.shape_cast %add3A_657 : vector<16xi32> to vector<16xi32>
        tpu.vector_store %arg10[%swap3A_658], %swap3A_661 {strides = array<i32>} : memref<80xi32, #tpu.memory_space<vmem>>, vector<16xi32>,
        %get3A_662 = arith.index_cast %add3A_616 : i32 to index
        %get3A_663 = arith.constant 48 : index
        %get3A_664 = tpu.vector_load %arg7[%get3A_662, %get3A_663] {strides = array<i32>} : memref<250x80xi32, #tpu.memory_space<vmem>>, vector<1x16xi32>,
        %get3A_665 = vector.shape_cast %get3A_664 : vector<1x16xi32> to vector<16xi32>
        %mul3A_666 = arith.constant 2 : i32
        %mul3A_667 = vector.broadcast %mul3A_666 : i32 to vector<16xi32>
        %mul3A_668 = arith.muli %get3A_665, %mul3A_667 : vector<16xi32>
        %add3A_669 = vector.broadcast %arg0 : i32 to vector<16xi32>
        %add3A_670 = arith.addi %mul3A_668, %add3A_669 : vector<16xi32>
        %swap3A_671 = arith.constant 48 : index
        %swap3A_672 = tpu.vector_load %arg10[%swap3A_671] {strides = array<i32>} : memref<80xi32, #tpu.memory_space<vmem>>, vector<16xi32>,
        %swap3A_673 = vector.shape_cast %swap3A_672 : vector<16xi32> to vector<16xi32>
        %swap3A_674 = vector.shape_cast %add3A_670 : vector<16xi32> to vector<16xi32>
        tpu.vector_store %arg10[%swap3A_671], %swap3A_674 {strides = array<i32>} : memref<80xi32, #tpu.memory_space<vmem>>, vector<16xi32>,
        %get3A_675 = arith.index_cast %add3A_616 : i32 to index
        %get3A_676 = arith.constant 64 : index
        %get3A_677 = tpu.vector_load %arg7[%get3A_675, %get3A_676] {strides = array<i32>} : memref<250x80xi32, #tpu.memory_space<vmem>>, vector<1x16xi32>,
        %get3A_678 = vector.shape_cast %get3A_677 : vector<1x16xi32> to vector<16xi32>
        %mul3A_679 = arith.constant 2 : i32
        %mul3A_680 = vector.broadcast %mul3A_679 : i32 to vector<16xi32>
        %mul3A_681 = arith.muli %get3A_678, %mul3A_680 : vector<16xi32>
        %add3A_682 = vector.broadcast %arg0 : i32 to vector<16xi32>
        %add3A_683 = arith.addi %mul3A_681, %add3A_682 : vector<16xi32>
        %swap3A_684 = arith.constant 64 : index
        %swap3A_685 = tpu.vector_load %arg10[%swap3A_684] {strides = array<i32>} : memref<80xi32, #tpu.memory_space<vmem>>, vector<16xi32>,
        %swap3A_686 = vector.shape_cast %swap3A_685 : vector<16xi32> to vector<16xi32>
        %swap3A_687 = vector.shape_cast %add3A_683 : vector<16xi32> to vector<16xi32>
        tpu.vector_store %arg10[%swap3A_684], %swap3A_687 {strides = array<i32>} : memref<80xi32, #tpu.memory_space<vmem>>, vector<16xi32>,
        %dma_start3A_688 = arith.constant 0 : i32
        %dma_start3A_689 = arith.constant 0 : i32
        %dma_start3A_690 = tpu.memref_slice %arg2[%dma_start3A_688, %dma_start3A_689] : memref<20000x64xf32, #tpu.memory_space<hbm>> -> memref<20000x64xf32, #tpu.memory_space<hbm>>
        tpu.enqueue_indirect_dma source(%dma_start3A_690 : memref<20000x64xf32, #tpu.memory_space<hbm>>) target(%arg20 : memref<80x64xf32, #tpu.memory_space<vmem>>) offsets(%arg10 : memref<80xi32, #tpu.memory_space<vmem>>) semaphore(%arg27 : memref<!tpu.dma_semaphore, #tpu.memory_space<semaphore_mem>>)
      } else {
      }
      %dma_wait3A_539 = arith.constant 0 : i32
      %dma_wait3A_540 = arith.constant 0 : i32
      %dma_wait3A_541 = tpu.memref_slice %arg4[%arg1, %dma_wait3A_539, %dma_wait3A_540] : memref<16x250x80xi32, #tpu.memory_space<hbm>> -> memref<1x1x80xi32, #tpu.memory_space<hbm>>
      %dma_wait3A_542 = tpu.memref_squeeze %dma_wait3A_541 : memref<1x1x80xi32, #tpu.memory_space<hbm>> -> memref<80xi32, #tpu.memory_space<hbm>>
      %dma_wait3A_543 = arith.constant 0 : i32
      %dma_wait3A_544 = tpu.memref_slice %arg4[%arg1, %dma_wait3A_539, %dma_wait3A_543] : memref<16x250x80xi32, #tpu.memory_space<hbm>> -> memref<1x1x80xi32, #tpu.memory_space<hbm>>
      %dma_wait3A_545 = tpu.memref_squeeze %dma_wait3A_544 : memref<1x1x80xi32, #tpu.memory_space<hbm>> -> memref<80xi32, #tpu.memory_space<hbm>>
      tpu.wait_dma2 semaphore(%arg33 : memref<!tpu.dma_semaphore, #tpu.memory_space<semaphore_mem>>) src(%dma_wait3A_545 : memref<80xi32, #tpu.memory_space<hbm>>) dst(%arg16 : memref<80xi32, #tpu.memory_space<vmem>>)
      %dma_wait3A_546 = arith.constant 0 : i32
      %dma_wait3A_547 = arith.constant 0 : i32
      %dma_wait3A_548 = tpu.memref_slice %arg2[%dma_wait3A_546, %dma_wait3A_547] : memref<20000x64xf32, #tpu.memory_space<hbm>> -> memref<20000x64xf32, #tpu.memory_space<hbm>>
      tpu.wait_indirect_dma semaphore(%arg28 : memref<!tpu.dma_semaphore, #tpu.memory_space<semaphore_mem>>) src(%dma_wait3A_548 : memref<20000x64xf32, #tpu.memory_space<hbm>>) dst(%arg21 : memref<80x64xf32, #tpu.memory_space<vmem>>)
      "tpu.region"() ({
        %run_scoped3A = tpu.sem_alloc : memref<!tpu.dma_semaphore, #tpu.memory_space<semaphore_mem>>
        %dma_start3A_613 = arith.constant 0 : i32
        %dma_start3A_614 = arith.constant 0 : i32
        %dma_start3A_615 = tpu.memref_slice %arg24[%dma_start3A_613, %dma_start3A_614] : memref<10128x64xf32, #tpu.memory_space<vmem_shared>> -> memref<10128x64xf32, #tpu.memory_space<vmem_shared>>
        tpu.enqueue_indirect_dma source(%arg21 : memref<80x64xf32, #tpu.memory_space<vmem>>) target(%dma_start3A_615 : memref<10128x64xf32, #tpu.memory_space<vmem_shared>>) offsets(%arg16 : memref<80xi32, #tpu.memory_space<vmem>>) semaphore(%run_scoped3A : memref<!tpu.dma_semaphore, #tpu.memory_space<semaphore_mem>>) {add = true}
        %dma_wait3A_616 = arith.constant 0 : i32
        %dma_wait3A_617 = arith.constant 0 : i32
        %dma_wait3A_618 = tpu.memref_slice %arg24[%dma_wait3A_616, %dma_wait3A_617] : memref<10128x64xf32, #tpu.memory_space<vmem_shared>> -> memref<10128x64xf32, #tpu.memory_space<vmem_shared>>
        tpu.wait_indirect_dma semaphore(%run_scoped3A : memref<!tpu.dma_semaphore, #tpu.memory_space<semaphore_mem>>) src(%arg21 : memref<80x64xf32, #tpu.memory_space<vmem>>) dst(%dma_wait3A_618 : memref<10128x64xf32, #tpu.memory_space<vmem_shared>>)
        tpu.yield
      }) : () -> ()
      %add3A_549 = arith.constant 3 : i32
      %add3A_550 = arith.addi %add3A_437, %add3A_549 : i32
      %jit3A_551 = arith.constant 2 : i32
      %eq3A_552 = arith.constant 0 : i32
      %eq3A_553 = arith.cmpi eq, %jit3A_551, %eq3A_552 : i32
      %jit3A_554 = arith.constant 1 : i32
      %select_n3A_555 = arith.select %eq3A_553, %jit3A_554, %jit3A_551 : i32
      %rem3A_556 = arith.remsi %add3A_550, %select_n3A_555 : i32
      %ne3A_557 = arith.constant 0 : i32
      %ne3A_558 = arith.cmpi ne, %rem3A_556, %ne3A_557 : i32
      %lt3A_559 = arith.constant 0 : i32
      %lt3A_560 = arith.cmpi slt, %rem3A_556, %lt3A_559 : i32
      %lt3A_561 = arith.constant 0 : i32
      %lt3A_562 = arith.cmpi slt, %select_n3A_555, %lt3A_561 : i32
      %ne3A_563 = arith.xori %lt3A_560, %lt3A_562 : i1
      %and3A_564 = arith.andi %ne3A_563, %ne3A_558 : i1
      %add3A_565 = arith.addi %rem3A_556, %select_n3A_555 : i32
      %select_n3A_566 = arith.select %and3A_564, %add3A_565, %rem3A_556 : i32
      %eq3A_567 = arith.cmpi eq, %select_n3A_566, %arg0 : i32
      %convert_element_type3A_568 = arith.extui %eq3A_567 : i1 to i32
      %cond3A_569 = arith.constant 0 : i32
      %cond3A_570 = arith.cmpi ne, %convert_element_type3A_568, %cond3A_569 : i32
      scf.if %cond3A_570 {
        "tpu.region"() ({
          %run_scoped3A = tpu.sem_alloc : memref<!tpu.dma_semaphore, #tpu.memory_space<semaphore_mem>>
          %dma_start3A_613 = arith.constant 0 : i32
          %dma_start3A_614 = arith.constant 0 : i32
          %dma_start3A_615 = tpu.memref_slice %arg37[%dma_start3A_613, %dma_start3A_614] : memref<10128x16xf32, #tpu.memory_space<vmem_shared>> -> memref<10128x16xf32, #tpu.memory_space<vmem_shared>>
          tpu.enqueue_indirect_dma source(%arg35 : memref<80x16xf32, #tpu.memory_space<vmem>>) target(%dma_start3A_615 : memref<10128x16xf32, #tpu.memory_space<vmem_shared>>) offsets(%arg16 : memref<80xi32, #tpu.memory_space<vmem>>) semaphore(%run_scoped3A : memref<!tpu.dma_semaphore, #tpu.memory_space<semaphore_mem>>) {add = true}
          %dma_wait3A_616 = arith.constant 0 : i32
          %dma_wait3A_617 = arith.constant 0 : i32
          %dma_wait3A_618 = tpu.memref_slice %arg37[%dma_wait3A_616, %dma_wait3A_617] : memref<10128x16xf32, #tpu.memory_space<vmem_shared>> -> memref<10128x16xf32, #tpu.memory_space<vmem_shared>>
          tpu.wait_indirect_dma semaphore(%run_scoped3A : memref<!tpu.dma_semaphore, #tpu.memory_space<semaphore_mem>>) src(%arg35 : memref<80x16xf32, #tpu.memory_space<vmem>>) dst(%dma_wait3A_618 : memref<10128x16xf32, #tpu.memory_space<vmem_shared>>)
          tpu.yield
        }) : () -> ()
      } else {
      }
      %lt3A_571 = arith.constant 245 : i32
      %lt3A_572 = arith.cmpi slt, %add3A_437, %lt3A_571 : i32
      %convert_element_type3A_573 = arith.extui %lt3A_572 : i1 to i32
      %cond3A_574 = arith.constant 0 : i32
      %cond3A_575 = arith.cmpi ne, %convert_element_type3A_573, %cond3A_574 : i32
      scf.if %cond3A_575 {
        %add3A_613 = arith.constant 5 : i32
        %add3A_614 = arith.addi %add3A_437, %add3A_613 : i32
        %add3A_615 = arith.constant 3 : i32
        %add3A_616 = arith.addi %add3A_614, %add3A_615 : i32
        %dma_start3A_617 = arith.constant 0 : i32
        %dma_start3A_618 = tpu.memref_slice %arg4[%arg1, %add3A_616, %dma_start3A_617] : memref<16x250x80xi32, #tpu.memory_space<hbm>> -> memref<1x1x80xi32, #tpu.memory_space<hbm>>
        %dma_start3A_619 = tpu.memref_squeeze %dma_start3A_618 : memref<1x1x80xi32, #tpu.memory_space<hbm>> -> memref<80xi32, #tpu.memory_space<hbm>>
        %dma_start3A_620 = arith.constant 0 : i32
        %dma_start3A_621 = tpu.memref_slice %arg4[%arg1, %add3A_616, %dma_start3A_620] : memref<16x250x80xi32, #tpu.memory_space<hbm>> -> memref<1x1x80xi32, #tpu.memory_space<hbm>>
        %dma_start3A_622 = tpu.memref_squeeze %dma_start3A_621 : memref<1x1x80xi32, #tpu.memory_space<hbm>> -> memref<80xi32, #tpu.memory_space<hbm>>
        tpu.enqueue_dma source(%dma_start3A_622 : memref<80xi32, #tpu.memory_space<hbm>>) target(%arg16 : memref<80xi32, #tpu.memory_space<vmem>>) target_semaphore(%arg33 : memref<!tpu.dma_semaphore, #tpu.memory_space<semaphore_mem>>)
        %get3A_623 = arith.index_cast %add3A_616 : i32 to index
        %get3A_624 = arith.constant 0 : index
        %get3A_625 = tpu.vector_load %arg7[%get3A_623, %get3A_624] {strides = array<i32>} : memref<250x80xi32, #tpu.memory_space<vmem>>, vector<1x16xi32>,
        %get3A_626 = vector.shape_cast %get3A_625 : vector<1x16xi32> to vector<16xi32>
        %mul3A_627 = arith.constant 2 : i32
        %mul3A_628 = vector.broadcast %mul3A_627 : i32 to vector<16xi32>
        %mul3A_629 = arith.muli %get3A_626, %mul3A_628 : vector<16xi32>
        %add3A_630 = vector.broadcast %arg0 : i32 to vector<16xi32>
        %add3A_631 = arith.addi %mul3A_629, %add3A_630 : vector<16xi32>
        %swap3A_632 = arith.constant 0 : index
        %swap3A_633 = tpu.vector_load %arg11[%swap3A_632] {strides = array<i32>} : memref<80xi32, #tpu.memory_space<vmem>>, vector<16xi32>,
        %swap3A_634 = vector.shape_cast %swap3A_633 : vector<16xi32> to vector<16xi32>
        %swap3A_635 = vector.shape_cast %add3A_631 : vector<16xi32> to vector<16xi32>
        tpu.vector_store %arg11[%swap3A_632], %swap3A_635 {strides = array<i32>} : memref<80xi32, #tpu.memory_space<vmem>>, vector<16xi32>,
        %get3A_636 = arith.index_cast %add3A_616 : i32 to index
        %get3A_637 = arith.constant 16 : index
        %get3A_638 = tpu.vector_load %arg7[%get3A_636, %get3A_637] {strides = array<i32>} : memref<250x80xi32, #tpu.memory_space<vmem>>, vector<1x16xi32>,
        %get3A_639 = vector.shape_cast %get3A_638 : vector<1x16xi32> to vector<16xi32>
        %mul3A_640 = arith.constant 2 : i32
        %mul3A_641 = vector.broadcast %mul3A_640 : i32 to vector<16xi32>
        %mul3A_642 = arith.muli %get3A_639, %mul3A_641 : vector<16xi32>
        %add3A_643 = vector.broadcast %arg0 : i32 to vector<16xi32>
        %add3A_644 = arith.addi %mul3A_642, %add3A_643 : vector<16xi32>
        %swap3A_645 = arith.constant 16 : index
        %swap3A_646 = tpu.vector_load %arg11[%swap3A_645] {strides = array<i32>} : memref<80xi32, #tpu.memory_space<vmem>>, vector<16xi32>,
        %swap3A_647 = vector.shape_cast %swap3A_646 : vector<16xi32> to vector<16xi32>
        %swap3A_648 = vector.shape_cast %add3A_644 : vector<16xi32> to vector<16xi32>
        tpu.vector_store %arg11[%swap3A_645], %swap3A_648 {strides = array<i32>} : memref<80xi32, #tpu.memory_space<vmem>>, vector<16xi32>,
        %get3A_649 = arith.index_cast %add3A_616 : i32 to index
        %get3A_650 = arith.constant 32 : index
        %get3A_651 = tpu.vector_load %arg7[%get3A_649, %get3A_650] {strides = array<i32>} : memref<250x80xi32, #tpu.memory_space<vmem>>, vector<1x16xi32>,
        %get3A_652 = vector.shape_cast %get3A_651 : vector<1x16xi32> to vector<16xi32>
        %mul3A_653 = arith.constant 2 : i32
        %mul3A_654 = vector.broadcast %mul3A_653 : i32 to vector<16xi32>
        %mul3A_655 = arith.muli %get3A_652, %mul3A_654 : vector<16xi32>
        %add3A_656 = vector.broadcast %arg0 : i32 to vector<16xi32>
        %add3A_657 = arith.addi %mul3A_655, %add3A_656 : vector<16xi32>
        %swap3A_658 = arith.constant 32 : index
        %swap3A_659 = tpu.vector_load %arg11[%swap3A_658] {strides = array<i32>} : memref<80xi32, #tpu.memory_space<vmem>>, vector<16xi32>,
        %swap3A_660 = vector.shape_cast %swap3A_659 : vector<16xi32> to vector<16xi32>
        %swap3A_661 = vector.shape_cast %add3A_657 : vector<16xi32> to vector<16xi32>
        tpu.vector_store %arg11[%swap3A_658], %swap3A_661 {strides = array<i32>} : memref<80xi32, #tpu.memory_space<vmem>>, vector<16xi32>,
        %get3A_662 = arith.index_cast %add3A_616 : i32 to index
        %get3A_663 = arith.constant 48 : index
        %get3A_664 = tpu.vector_load %arg7[%get3A_662, %get3A_663] {strides = array<i32>} : memref<250x80xi32, #tpu.memory_space<vmem>>, vector<1x16xi32>,
        %get3A_665 = vector.shape_cast %get3A_664 : vector<1x16xi32> to vector<16xi32>
        %mul3A_666 = arith.constant 2 : i32
        %mul3A_667 = vector.broadcast %mul3A_666 : i32 to vector<16xi32>
        %mul3A_668 = arith.muli %get3A_665, %mul3A_667 : vector<16xi32>
        %add3A_669 = vector.broadcast %arg0 : i32 to vector<16xi32>
        %add3A_670 = arith.addi %mul3A_668, %add3A_669 : vector<16xi32>
        %swap3A_671 = arith.constant 48 : index
        %swap3A_672 = tpu.vector_load %arg11[%swap3A_671] {strides = array<i32>} : memref<80xi32, #tpu.memory_space<vmem>>, vector<16xi32>,
        %swap3A_673 = vector.shape_cast %swap3A_672 : vector<16xi32> to vector<16xi32>
        %swap3A_674 = vector.shape_cast %add3A_670 : vector<16xi32> to vector<16xi32>
        tpu.vector_store %arg11[%swap3A_671], %swap3A_674 {strides = array<i32>} : memref<80xi32, #tpu.memory_space<vmem>>, vector<16xi32>,
        %get3A_675 = arith.index_cast %add3A_616 : i32 to index
        %get3A_676 = arith.constant 64 : index
        %get3A_677 = tpu.vector_load %arg7[%get3A_675, %get3A_676] {strides = array<i32>} : memref<250x80xi32, #tpu.memory_space<vmem>>, vector<1x16xi32>,
        %get3A_678 = vector.shape_cast %get3A_677 : vector<1x16xi32> to vector<16xi32>
        %mul3A_679 = arith.constant 2 : i32
        %mul3A_680 = vector.broadcast %mul3A_679 : i32 to vector<16xi32>
        %mul3A_681 = arith.muli %get3A_678, %mul3A_680 : vector<16xi32>
        %add3A_682 = vector.broadcast %arg0 : i32 to vector<16xi32>
        %add3A_683 = arith.addi %mul3A_681, %add3A_682 : vector<16xi32>
        %swap3A_684 = arith.constant 64 : index
        %swap3A_685 = tpu.vector_load %arg11[%swap3A_684] {strides = array<i32>} : memref<80xi32, #tpu.memory_space<vmem>>, vector<16xi32>,
        %swap3A_686 = vector.shape_cast %swap3A_685 : vector<16xi32> to vector<16xi32>
        %swap3A_687 = vector.shape_cast %add3A_683 : vector<16xi32> to vector<16xi32>
        tpu.vector_store %arg11[%swap3A_684], %swap3A_687 {strides = array<i32>} : memref<80xi32, #tpu.memory_space<vmem>>, vector<16xi32>,
        %dma_start3A_688 = arith.constant 0 : i32
        %dma_start3A_689 = arith.constant 0 : i32
        %dma_start3A_690 = tpu.memref_slice %arg2[%dma_start3A_688, %dma_start3A_689] : memref<20000x64xf32, #tpu.memory_space<hbm>> -> memref<20000x64xf32, #tpu.memory_space<hbm>>
        tpu.enqueue_indirect_dma source(%dma_start3A_690 : memref<20000x64xf32, #tpu.memory_space<hbm>>) target(%arg21 : memref<80x64xf32, #tpu.memory_space<vmem>>) offsets(%arg11 : memref<80xi32, #tpu.memory_space<vmem>>) semaphore(%arg28 : memref<!tpu.dma_semaphore, #tpu.memory_space<semaphore_mem>>)
      } else {
      }
      %dma_wait3A_576 = arith.constant 0 : i32
      %dma_wait3A_577 = arith.constant 0 : i32
      %dma_wait3A_578 = tpu.memref_slice %arg4[%arg1, %dma_wait3A_576, %dma_wait3A_577] : memref<16x250x80xi32, #tpu.memory_space<hbm>> -> memref<1x1x80xi32, #tpu.memory_space<hbm>>
      %dma_wait3A_579 = tpu.memref_squeeze %dma_wait3A_578 : memref<1x1x80xi32, #tpu.memory_space<hbm>> -> memref<80xi32, #tpu.memory_space<hbm>>
      %dma_wait3A_580 = arith.constant 0 : i32
      %dma_wait3A_581 = tpu.memref_slice %arg4[%arg1, %dma_wait3A_576, %dma_wait3A_580] : memref<16x250x80xi32, #tpu.memory_space<hbm>> -> memref<1x1x80xi32, #tpu.memory_space<hbm>>
      %dma_wait3A_582 = tpu.memref_squeeze %dma_wait3A_581 : memref<1x1x80xi32, #tpu.memory_space<hbm>> -> memref<80xi32, #tpu.memory_space<hbm>>
      tpu.wait_dma2 semaphore(%arg34 : memref<!tpu.dma_semaphore, #tpu.memory_space<semaphore_mem>>) src(%dma_wait3A_582 : memref<80xi32, #tpu.memory_space<hbm>>) dst(%arg17 : memref<80xi32, #tpu.memory_space<vmem>>)
      %dma_wait3A_583 = arith.constant 0 : i32
      %dma_wait3A_584 = arith.constant 0 : i32
      %dma_wait3A_585 = tpu.memref_slice %arg2[%dma_wait3A_583, %dma_wait3A_584] : memref<20000x64xf32, #tpu.memory_space<hbm>> -> memref<20000x64xf32, #tpu.memory_space<hbm>>
      tpu.wait_indirect_dma semaphore(%arg29 : memref<!tpu.dma_semaphore, #tpu.memory_space<semaphore_mem>>) src(%dma_wait3A_585 : memref<20000x64xf32, #tpu.memory_space<hbm>>) dst(%arg22 : memref<80x64xf32, #tpu.memory_space<vmem>>)
      "tpu.region"() ({
        %run_scoped3A = tpu.sem_alloc : memref<!tpu.dma_semaphore, #tpu.memory_space<semaphore_mem>>
        %dma_start3A_613 = arith.constant 0 : i32
        %dma_start3A_614 = arith.constant 0 : i32
        %dma_start3A_615 = tpu.memref_slice %arg24[%dma_start3A_613, %dma_start3A_614] : memref<10128x64xf32, #tpu.memory_space<vmem_shared>> -> memref<10128x64xf32, #tpu.memory_space<vmem_shared>>
        tpu.enqueue_indirect_dma source(%arg22 : memref<80x64xf32, #tpu.memory_space<vmem>>) target(%dma_start3A_615 : memref<10128x64xf32, #tpu.memory_space<vmem_shared>>) offsets(%arg17 : memref<80xi32, #tpu.memory_space<vmem>>) semaphore(%run_scoped3A : memref<!tpu.dma_semaphore, #tpu.memory_space<semaphore_mem>>) {add = true}
        %dma_wait3A_616 = arith.constant 0 : i32
        %dma_wait3A_617 = arith.constant 0 : i32
        %dma_wait3A_618 = tpu.memref_slice %arg24[%dma_wait3A_616, %dma_wait3A_617] : memref<10128x64xf32, #tpu.memory_space<vmem_shared>> -> memref<10128x64xf32, #tpu.memory_space<vmem_shared>>
        tpu.wait_indirect_dma semaphore(%run_scoped3A : memref<!tpu.dma_semaphore, #tpu.memory_space<semaphore_mem>>) src(%arg22 : memref<80x64xf32, #tpu.memory_space<vmem>>) dst(%dma_wait3A_618 : memref<10128x64xf32, #tpu.memory_space<vmem_shared>>)
        tpu.yield
      }) : () -> ()
      %add3A_586 = arith.constant 4 : i32
      %add3A_587 = arith.addi %add3A_437, %add3A_586 : i32
      %jit3A_588 = arith.constant 2 : i32
      %eq3A_589 = arith.constant 0 : i32
      %eq3A_590 = arith.cmpi eq, %jit3A_588, %eq3A_589 : i32
      %jit3A_591 = arith.constant 1 : i32
      %select_n3A_592 = arith.select %eq3A_590, %jit3A_591, %jit3A_588 : i32
      %rem3A_593 = arith.remsi %add3A_587, %select_n3A_592 : i32
      %ne3A_594 = arith.constant 0 : i32
      %ne3A_595 = arith.cmpi ne, %rem3A_593, %ne3A_594 : i32
      %lt3A_596 = arith.constant 0 : i32
      %lt3A_597 = arith.cmpi slt, %rem3A_593, %lt3A_596 : i32
      %lt3A_598 = arith.constant 0 : i32
      %lt3A_599 = arith.cmpi slt, %select_n3A_592, %lt3A_598 : i32
      %ne3A_600 = arith.xori %lt3A_597, %lt3A_599 : i1
      %and3A_601 = arith.andi %ne3A_600, %ne3A_595 : i1
      %add3A_602 = arith.addi %rem3A_593, %select_n3A_592 : i32
      %select_n3A_603 = arith.select %and3A_601, %add3A_602, %rem3A_593 : i32
      %eq3A_604 = arith.cmpi eq, %select_n3A_603, %arg0 : i32
      %convert_element_type3A_605 = arith.extui %eq3A_604 : i1 to i32
      %cond3A_606 = arith.constant 0 : i32
      %cond3A_607 = arith.cmpi ne, %convert_element_type3A_605, %cond3A_606 : i32
      scf.if %cond3A_607 {
        "tpu.region"() ({
          %run_scoped3A = tpu.sem_alloc : memref<!tpu.dma_semaphore, #tpu.memory_space<semaphore_mem>>
          %dma_start3A_613 = arith.constant 0 : i32
          %dma_start3A_614 = arith.constant 0 : i32
          %dma_start3A_615 = tpu.memref_slice %arg37[%dma_start3A_613, %dma_start3A_614] : memref<10128x16xf32, #tpu.memory_space<vmem_shared>> -> memref<10128x16xf32, #tpu.memory_space<vmem_shared>>
          tpu.enqueue_indirect_dma source(%arg35 : memref<80x16xf32, #tpu.memory_space<vmem>>) target(%dma_start3A_615 : memref<10128x16xf32, #tpu.memory_space<vmem_shared>>) offsets(%arg17 : memref<80xi32, #tpu.memory_space<vmem>>) semaphore(%run_scoped3A : memref<!tpu.dma_semaphore, #tpu.memory_space<semaphore_mem>>) {add = true}
          %dma_wait3A_616 = arith.constant 0 : i32
          %dma_wait3A_617 = arith.constant 0 : i32
          %dma_wait3A_618 = tpu.memref_slice %arg37[%dma_wait3A_616, %dma_wait3A_617] : memref<10128x16xf32, #tpu.memory_space<vmem_shared>> -> memref<10128x16xf32, #tpu.memory_space<vmem_shared>>
          tpu.wait_indirect_dma semaphore(%run_scoped3A : memref<!tpu.dma_semaphore, #tpu.memory_space<semaphore_mem>>) src(%arg35 : memref<80x16xf32, #tpu.memory_space<vmem>>) dst(%dma_wait3A_618 : memref<10128x16xf32, #tpu.memory_space<vmem_shared>>)
          tpu.yield
        }) : () -> ()
      } else {
      }
      %lt3A_608 = arith.constant 245 : i32
      %lt3A_609 = arith.cmpi slt, %add3A_437, %lt3A_608 : i32
      %convert_element_type3A_610 = arith.extui %lt3A_609 : i1 to i32
      %cond3A_611 = arith.constant 0 : i32
      %cond3A_612 = arith.cmpi ne, %convert_element_type3A_610, %cond3A_611 : i32
      scf.if %cond3A_612 {
        %add3A_613 = arith.constant 5 : i32
        %add3A_614 = arith.addi %add3A_437, %add3A_613 : i32
        %add3A_615 = arith.constant 4 : i32
        %add3A_616 = arith.addi %add3A_614, %add3A_615 : i32
        %dma_start3A_617 = arith.constant 0 : i32
        %dma_start3A_618 = tpu.memref_slice %arg4[%arg1, %add3A_616, %dma_start3A_617] : memref<16x250x80xi32, #tpu.memory_space<hbm>> -> memref<1x1x80xi32, #tpu.memory_space<hbm>>
        %dma_start3A_619 = tpu.memref_squeeze %dma_start3A_618 : memref<1x1x80xi32, #tpu.memory_space<hbm>> -> memref<80xi32, #tpu.memory_space<hbm>>
        %dma_start3A_620 = arith.constant 0 : i32
        %dma_start3A_621 = tpu.memref_slice %arg4[%arg1, %add3A_616, %dma_start3A_620] : memref<16x250x80xi32, #tpu.memory_space<hbm>> -> memref<1x1x80xi32, #tpu.memory_space<hbm>>
        %dma_start3A_622 = tpu.memref_squeeze %dma_start3A_621 : memref<1x1x80xi32, #tpu.memory_space<hbm>> -> memref<80xi32, #tpu.memory_space<hbm>>
        tpu.enqueue_dma source(%dma_start3A_622 : memref<80xi32, #tpu.memory_space<hbm>>) target(%arg17 : memref<80xi32, #tpu.memory_space<vmem>>) target_semaphore(%arg34 : memref<!tpu.dma_semaphore, #tpu.memory_space<semaphore_mem>>)
        %get3A_623 = arith.index_cast %add3A_616 : i32 to index
        %get3A_624 = arith.constant 0 : index
        %get3A_625 = tpu.vector_load %arg7[%get3A_623, %get3A_624] {strides = array<i32>} : memref<250x80xi32, #tpu.memory_space<vmem>>, vector<1x16xi32>,
        %get3A_626 = vector.shape_cast %get3A_625 : vector<1x16xi32> to vector<16xi32>
        %mul3A_627 = arith.constant 2 : i32
        %mul3A_628 = vector.broadcast %mul3A_627 : i32 to vector<16xi32>
        %mul3A_629 = arith.muli %get3A_626, %mul3A_628 : vector<16xi32>
        %add3A_630 = vector.broadcast %arg0 : i32 to vector<16xi32>
        %add3A_631 = arith.addi %mul3A_629, %add3A_630 : vector<16xi32>
        %swap3A_632 = arith.constant 0 : index
        %swap3A_633 = tpu.vector_load %arg12[%swap3A_632] {strides = array<i32>} : memref<80xi32, #tpu.memory_space<vmem>>, vector<16xi32>,
        %swap3A_634 = vector.shape_cast %swap3A_633 : vector<16xi32> to vector<16xi32>
        %swap3A_635 = vector.shape_cast %add3A_631 : vector<16xi32> to vector<16xi32>
        tpu.vector_store %arg12[%swap3A_632], %swap3A_635 {strides = array<i32>} : memref<80xi32, #tpu.memory_space<vmem>>, vector<16xi32>,
        %get3A_636 = arith.index_cast %add3A_616 : i32 to index
        %get3A_637 = arith.constant 16 : index
        %get3A_638 = tpu.vector_load %arg7[%get3A_636, %get3A_637] {strides = array<i32>} : memref<250x80xi32, #tpu.memory_space<vmem>>, vector<1x16xi32>,
        %get3A_639 = vector.shape_cast %get3A_638 : vector<1x16xi32> to vector<16xi32>
        %mul3A_640 = arith.constant 2 : i32
        %mul3A_641 = vector.broadcast %mul3A_640 : i32 to vector<16xi32>
        %mul3A_642 = arith.muli %get3A_639, %mul3A_641 : vector<16xi32>
        %add3A_643 = vector.broadcast %arg0 : i32 to vector<16xi32>
        %add3A_644 = arith.addi %mul3A_642, %add3A_643 : vector<16xi32>
        %swap3A_645 = arith.constant 16 : index
        %swap3A_646 = tpu.vector_load %arg12[%swap3A_645] {strides = array<i32>} : memref<80xi32, #tpu.memory_space<vmem>>, vector<16xi32>,
        %swap3A_647 = vector.shape_cast %swap3A_646 : vector<16xi32> to vector<16xi32>
        %swap3A_648 = vector.shape_cast %add3A_644 : vector<16xi32> to vector<16xi32>
        tpu.vector_store %arg12[%swap3A_645], %swap3A_648 {strides = array<i32>} : memref<80xi32, #tpu.memory_space<vmem>>, vector<16xi32>,
        %get3A_649 = arith.index_cast %add3A_616 : i32 to index
        %get3A_650 = arith.constant 32 : index
        %get3A_651 = tpu.vector_load %arg7[%get3A_649, %get3A_650] {strides = array<i32>} : memref<250x80xi32, #tpu.memory_space<vmem>>, vector<1x16xi32>,
        %get3A_652 = vector.shape_cast %get3A_651 : vector<1x16xi32> to vector<16xi32>
        %mul3A_653 = arith.constant 2 : i32
        %mul3A_654 = vector.broadcast %mul3A_653 : i32 to vector<16xi32>
        %mul3A_655 = arith.muli %get3A_652, %mul3A_654 : vector<16xi32>
        %add3A_656 = vector.broadcast %arg0 : i32 to vector<16xi32>
        %add3A_657 = arith.addi %mul3A_655, %add3A_656 : vector<16xi32>
        %swap3A_658 = arith.constant 32 : index
        %swap3A_659 = tpu.vector_load %arg12[%swap3A_658] {strides = array<i32>} : memref<80xi32, #tpu.memory_space<vmem>>, vector<16xi32>,
        %swap3A_660 = vector.shape_cast %swap3A_659 : vector<16xi32> to vector<16xi32>
        %swap3A_661 = vector.shape_cast %add3A_657 : vector<16xi32> to vector<16xi32>
        tpu.vector_store %arg12[%swap3A_658], %swap3A_661 {strides = array<i32>} : memref<80xi32, #tpu.memory_space<vmem>>, vector<16xi32>,
        %get3A_662 = arith.index_cast %add3A_616 : i32 to index
        %get3A_663 = arith.constant 48 : index
        %get3A_664 = tpu.vector_load %arg7[%get3A_662, %get3A_663] {strides = array<i32>} : memref<250x80xi32, #tpu.memory_space<vmem>>, vector<1x16xi32>,
        %get3A_665 = vector.shape_cast %get3A_664 : vector<1x16xi32> to vector<16xi32>
        %mul3A_666 = arith.constant 2 : i32
        %mul3A_667 = vector.broadcast %mul3A_666 : i32 to vector<16xi32>
        %mul3A_668 = arith.muli %get3A_665, %mul3A_667 : vector<16xi32>
        %add3A_669 = vector.broadcast %arg0 : i32 to vector<16xi32>
        %add3A_670 = arith.addi %mul3A_668, %add3A_669 : vector<16xi32>
        %swap3A_671 = arith.constant 48 : index
        %swap3A_672 = tpu.vector_load %arg12[%swap3A_671] {strides = array<i32>} : memref<80xi32, #tpu.memory_space<vmem>>, vector<16xi32>,
        %swap3A_673 = vector.shape_cast %swap3A_672 : vector<16xi32> to vector<16xi32>
        %swap3A_674 = vector.shape_cast %add3A_670 : vector<16xi32> to vector<16xi32>
        tpu.vector_store %arg12[%swap3A_671], %swap3A_674 {strides = array<i32>} : memref<80xi32, #tpu.memory_space<vmem>>, vector<16xi32>,
        %get3A_675 = arith.index_cast %add3A_616 : i32 to index
        %get3A_676 = arith.constant 64 : index
        %get3A_677 = tpu.vector_load %arg7[%get3A_675, %get3A_676] {strides = array<i32>} : memref<250x80xi32, #tpu.memory_space<vmem>>, vector<1x16xi32>,
        %get3A_678 = vector.shape_cast %get3A_677 : vector<1x16xi32> to vector<16xi32>
        %mul3A_679 = arith.constant 2 : i32
        %mul3A_680 = vector.broadcast %mul3A_679 : i32 to vector<16xi32>
        %mul3A_681 = arith.muli %get3A_678, %mul3A_680 : vector<16xi32>
        %add3A_682 = vector.broadcast %arg0 : i32 to vector<16xi32>
        %add3A_683 = arith.addi %mul3A_681, %add3A_682 : vector<16xi32>
        %swap3A_684 = arith.constant 64 : index
        %swap3A_685 = tpu.vector_load %arg12[%swap3A_684] {strides = array<i32>} : memref<80xi32, #tpu.memory_space<vmem>>, vector<16xi32>,
        %swap3A_686 = vector.shape_cast %swap3A_685 : vector<16xi32> to vector<16xi32>
        %swap3A_687 = vector.shape_cast %add3A_683 : vector<16xi32> to vector<16xi32>
        tpu.vector_store %arg12[%swap3A_684], %swap3A_687 {strides = array<i32>} : memref<80xi32, #tpu.memory_space<vmem>>, vector<16xi32>,
        %dma_start3A_688 = arith.constant 0 : i32
        %dma_start3A_689 = arith.constant 0 : i32
        %dma_start3A_690 = tpu.memref_slice %arg2[%dma_start3A_688, %dma_start3A_689] : memref<20000x64xf32, #tpu.memory_space<hbm>> -> memref<20000x64xf32, #tpu.memory_space<hbm>>
        tpu.enqueue_indirect_dma source(%dma_start3A_690 : memref<20000x64xf32, #tpu.memory_space<hbm>>) target(%arg22 : memref<80x64xf32, #tpu.memory_space<vmem>>) offsets(%arg12 : memref<80xi32, #tpu.memory_space<vmem>>) semaphore(%arg29 : memref<!tpu.dma_semaphore, #tpu.memory_space<semaphore_mem>>)
      } else {
      }
    }
    %scan3A_423 = arith.constant 50 : i32
    %barrier3A_424 = arith.constant 0 : index
    tpu.barrier barrier_id(%barrier3A_424)
    %mul3A_425 = arith.constant 625 : i32
    %mul3A_426 = arith.muli %arg1, %mul3A_425 : i32
    %mul3A_427 = arith.constant 625 : i32
    %mul3A_428 = arith.muli %arg1, %mul3A_427 : i32
    "tpu.region"() ({
      %run_scoped3A = tpu.sem_alloc : memref<!tpu.dma_semaphore, #tpu.memory_space<semaphore_mem>>
      %dma_start3A_433 = arith.constant 0 : i32
      %dma_start3A_434 = tpu.memref_slice %arg5[%arg0, %mul3A_428, %dma_start3A_433] : memref<2x10000x64xf32, #tpu.memory_space<hbm>> -> memref<1x625x64xf32, #tpu.memory_space<hbm>>
      %dma_start3A_435 = tpu.memref_squeeze %dma_start3A_434 : memref<1x625x64xf32, #tpu.memory_space<hbm>> -> memref<625x64xf32, #tpu.memory_space<hbm>>
      %dma_start3A_436 = arith.constant 0 : i32
      %dma_start3A_437 = tpu.memref_slice %arg24[%mul3A_426, %dma_start3A_436] : memref<10128x64xf32, #tpu.memory_space<vmem_shared>> -> memref<625x64xf32, #tpu.memory_space<vmem_shared>>
      tpu.enqueue_dma source(%dma_start3A_437 : memref<625x64xf32, #tpu.memory_space<vmem_shared>>) target(%dma_start3A_435 : memref<625x64xf32, #tpu.memory_space<hbm>>) target_semaphore(%run_scoped3A : memref<!tpu.dma_semaphore, #tpu.memory_space<semaphore_mem>>)
      %dma_wait3A = arith.constant 0 : i32
      %dma_wait3A_438 = tpu.memref_slice %arg5[%arg0, %mul3A_428, %dma_wait3A] : memref<2x10000x64xf32, #tpu.memory_space<hbm>> -> memref<1x625x64xf32, #tpu.memory_space<hbm>>
      %dma_wait3A_439 = tpu.memref_squeeze %dma_wait3A_438 : memref<1x625x64xf32, #tpu.memory_space<hbm>> -> memref<625x64xf32, #tpu.memory_space<hbm>>
      %dma_wait3A_440 = arith.constant 0 : i32
      %dma_wait3A_441 = tpu.memref_slice %arg24[%mul3A_426, %dma_wait3A_440] : memref<10128x64xf32, #tpu.memory_space<vmem_shared>> -> memref<625x64xf32, #tpu.memory_space<vmem_shared>>
      tpu.wait_dma2 semaphore(%run_scoped3A : memref<!tpu.dma_semaphore, #tpu.memory_space<semaphore_mem>>) src(%dma_wait3A_441 : memref<625x64xf32, #tpu.memory_space<vmem_shared>>) dst(%dma_wait3A_439 : memref<625x64xf32, #tpu.memory_space<hbm>>)
      tpu.yield
    }) : () -> ()
    %mul3A_429 = arith.constant 625 : i32
    %mul3A_430 = arith.muli %arg1, %mul3A_429 : i32
    %mul3A_431 = arith.constant 625 : i32
    %mul3A_432 = arith.muli %arg1, %mul3A_431 : i32
    "tpu.region"() ({
      %run_scoped3A = tpu.sem_alloc : memref<!tpu.dma_semaphore, #tpu.memory_space<semaphore_mem>>
      %dma_start3A_433 = arith.constant 0 : i32
      %dma_start3A_434 = tpu.memref_slice %arg6[%arg0, %mul3A_432, %dma_start3A_433] : memref<2x10000x16xf32, #tpu.memory_space<hbm>> -> memref<1x625x16xf32, #tpu.memory_space<hbm>>
      %dma_start3A_435 = tpu.memref_squeeze %dma_start3A_434 : memref<1x625x16xf32, #tpu.memory_space<hbm>> -> memref<625x16xf32, #tpu.memory_space<hbm>>
      %dma_start3A_436 = arith.constant 0 : i32
      %dma_start3A_437 = tpu.memref_slice %arg37[%mul3A_430, %dma_start3A_436] : memref<10128x16xf32, #tpu.memory_space<vmem_shared>> -> memref<625x16xf32, #tpu.memory_space<vmem_shared>>
      tpu.enqueue_dma source(%dma_start3A_437 : memref<625x16xf32, #tpu.memory_space<vmem_shared>>) target(%dma_start3A_435 : memref<625x16xf32, #tpu.memory_space<hbm>>) target_semaphore(%run_scoped3A : memref<!tpu.dma_semaphore, #tpu.memory_space<semaphore_mem>>)
      %dma_wait3A = arith.constant 0 : i32
      %dma_wait3A_438 = tpu.memref_slice %arg6[%arg0, %mul3A_432, %dma_wait3A] : memref<2x10000x16xf32, #tpu.memory_space<hbm>> -> memref<1x625x16xf32, #tpu.memory_space<hbm>>
      %dma_wait3A_439 = tpu.memref_squeeze %dma_wait3A_438 : memref<1x625x16xf32, #tpu.memory_space<hbm>> -> memref<625x16xf32, #tpu.memory_space<hbm>>
      %dma_wait3A_440 = arith.constant 0 : i32
      %dma_wait3A_441 = tpu.memref_slice %arg37[%mul3A_430, %dma_wait3A_440] : memref<10128x16xf32, #tpu.memory_space<vmem_shared>> -> memref<625x16xf32, #tpu.memory_space<vmem_shared>>
      tpu.wait_dma2 semaphore(%run_scoped3A : memref<!tpu.dma_semaphore, #tpu.memory_space<semaphore_mem>>) src(%dma_wait3A_441 : memref<625x16xf32, #tpu.memory_space<vmem_shared>>) dst(%dma_wait3A_439 : memref<625x16xf32, #tpu.memory_space<hbm>>)
      tpu.yield
    }) : () -> ()
    return
  }
}

module attributes {stable_mosaic.version = 14 : i64} {
  func.func @body(%arg0: i32, %arg1: memref<2x1000x64xf32, #tpu.memory_space<vmem>>, %arg2: memref<2x1000x16xf32, #tpu.memory_space<vmem>>, %arg3: memref<1000x128xf32, #tpu.memory_space<vmem>>, %arg4: memref<128x128xf32, #tpu.memory_space<vmem>>, %arg5: memref<128xf32, #tpu.memory_space<vmem>>, %arg6: memref<128x128xf32, #tpu.memory_space<vmem>>, %arg7: memref<1000x128xf32, #tpu.memory_space<vmem>>, %arg8: memref<1000x1xf32, #tpu.memory_space<vmem>>) attributes {dimension_semantics = [#tpu.dimension_semantics<arbitrary>], iteration_bounds = array<i64: 10>, scalar_prefetch = 0 : i64, scratch_operands = 0 : i64, tpu.core_type = #tpu.core_type<tc>, window_params = [{transform_indices = @transform_0, window_bounds = array<i64: 2, 1000, 64>}, {transform_indices = @transform_1, window_bounds = array<i64: 2, 1000, 16>}, {transform_indices = @transform_2, window_bounds = array<i64: 1000, 128>}, {pipeline_mode = #tpu.pipeline_mode<synchronous>, transform_indices = @transform_3, window_bounds = array<i64: 128, 128>}, {pipeline_mode = #tpu.pipeline_mode<synchronous>, transform_indices = @transform_4, window_bounds = array<i64: 128>}, {pipeline_mode = #tpu.pipeline_mode<synchronous>, transform_indices = @transform_5, window_bounds = array<i64: 128, 128>}, {transform_indices = @transform_6, window_bounds = array<i64: 1000, 128>}, {transform_indices = @transform_7, window_bounds = array<i64: 1000, 1>}]} {
    %get3A = arith.constant 0 : index
    %get3A_0 = arith.constant 0 : index
    %get3A_1 = arith.constant 0 : index
    %get3A_2 = vector.load %arg2[%get3A, %get3A_0, %get3A_1] : memref<2x1000x16xf32, #tpu.memory_space<vmem>>, vector<1x1000x1xf32>
    %get3A_3 = vector.shape_cast %get3A_2 : vector<1x1000x1xf32> to vector<1000x1xf32>
    %get3A_4 = arith.constant 1 : index
    %get3A_5 = arith.constant 0 : index
    %get3A_6 = arith.constant 0 : index
    %get3A_7 = vector.load %arg2[%get3A_4, %get3A_5, %get3A_6] : memref<2x1000x16xf32, #tpu.memory_space<vmem>>, vector<1x1000x1xf32>
    %get3A_8 = vector.shape_cast %get3A_7 : vector<1x1000x1xf32> to vector<1000x1xf32>
    %add3A = arith.addf %get3A_3, %get3A_8 : vector<1000x1xf32>
    %max3A = arith.constant 1.000000e+00 : f32
    %max3A_9 = vector.broadcast %max3A : f32 to vector<1000x1xf32>
    %max3A_10 = arith.maximumf %add3A, %max3A_9 : vector<1000x1xf32>
    %div3A = arith.constant 1.000000e+00 : f32
    %div3A_11 = vector.broadcast %div3A : f32 to vector<1000x1xf32>
    %div3A_12 = arith.divf %div3A_11, %max3A_10 : vector<1000x1xf32>
    %swap3A = arith.constant 0 : index
    %swap3A_13 = arith.constant 0 : index
    %swap3A_14 = vector.load %arg8[%swap3A, %swap3A_13] : memref<1000x1xf32, #tpu.memory_space<vmem>>, vector<1000x1xf32>
    tpu.vector_store %arg8[%swap3A, %swap3A_13], %div3A_12 {strides = array<i32>} : memref<1000x1xf32, #tpu.memory_space<vmem>>, vector<1000x1xf32>,
    %get3A_15 = arith.constant 0 : index
    %get3A_16 = arith.constant 0 : index
    %get3A_17 = arith.constant 0 : index
    %get3A_18 = vector.load %arg1[%get3A_15, %get3A_16, %get3A_17] : memref<2x1000x64xf32, #tpu.memory_space<vmem>>, vector<1x1000x64xf32>
    %get3A_19 = vector.shape_cast %get3A_18 : vector<1x1000x64xf32> to vector<1000x64xf32>
    %get3A_20 = arith.constant 1 : index
    %get3A_21 = arith.constant 0 : index
    %get3A_22 = arith.constant 0 : index
    %get3A_23 = vector.load %arg1[%get3A_20, %get3A_21, %get3A_22] : memref<2x1000x64xf32, #tpu.memory_space<vmem>>, vector<1x1000x64xf32>
    %get3A_24 = vector.shape_cast %get3A_23 : vector<1x1000x64xf32> to vector<1000x64xf32>
    %concatenate3A = tpu.concatenate %get3A_19, %get3A_24 in 1 : vector<1000x64xf32>, vector<1000x64xf32> -> vector<1000x128xf32>
    %mul3A = vector.broadcast %div3A_12 : vector<1000x1xf32> to vector<1000x128xf32>
    %mul3A_25 = arith.mulf %concatenate3A, %mul3A : vector<1000x128xf32>
    %get3A_26 = arith.constant 0 : index
    %get3A_27 = arith.constant 0 : index
    %get3A_28 = vector.load %arg4[%get3A_26, %get3A_27] : memref<128x128xf32, #tpu.memory_space<vmem>>, vector<128x128xf32>
    %dot_general3A = arith.constant dense<0.000000e+00> : vector<1000x128xf32>
    %dot_general3A_29 = tpu.matmul %mul3A_25, %get3A_28, %dot_general3A {dimension_numbers = #tpu.dot_dimension_numbers<[1], [1], [0], [0], [0, 0, 1, 0], [], []>, transpose_lhs_hint = false} : vector<1000x128xf32>, vector<128x128xf32>, vector<1000x128xf32> -> vector<1000x128xf32>
    %get3A_30 = arith.constant 0 : index
    %get3A_31 = arith.constant 0 : index
    %get3A_32 = vector.load %arg3[%get3A_30, %get3A_31] : memref<1000x128xf32, #tpu.memory_space<vmem>>, vector<1000x128xf32>
    %get3A_33 = arith.constant 0 : index
    %get3A_34 = arith.constant 0 : index
    %get3A_35 = vector.load %arg6[%get3A_33, %get3A_34] : memref<128x128xf32, #tpu.memory_space<vmem>>, vector<128x128xf32>
    %dot_general3A_36 = arith.constant dense<0.000000e+00> : vector<1000x128xf32>
    %dot_general3A_37 = tpu.matmul %get3A_32, %get3A_35, %dot_general3A_36 {dimension_numbers = #tpu.dot_dimension_numbers<[1], [1], [0], [0], [0, 0, 1, 0], [], []>, transpose_lhs_hint = false} : vector<1000x128xf32>, vector<128x128xf32>, vector<1000x128xf32> -> vector<1000x128xf32>
    %add3A_38 = arith.addf %dot_general3A_29, %dot_general3A_37 : vector<1000x128xf32>
    %get3A_39 = arith.constant 0 : index
    %get3A_40 = vector.load %arg5[%get3A_39] : memref<128xf32, #tpu.memory_space<vmem>>, vector<128xf32>
    %broadcast_in_dim3A = vector.shape_cast %get3A_40 : vector<128xf32> to vector<1x128xf32>
    %add3A_41 = vector.broadcast %broadcast_in_dim3A : vector<1x128xf32> to vector<1000x128xf32>
    %add3A_42 = arith.addf %add3A_38, %add3A_41 : vector<1000x128xf32>
    %max3A_43 = arith.constant 0.000000e+00 : f32
    %max3A_44 = vector.broadcast %max3A_43 : f32 to vector<1000x128xf32>
    %max3A_45 = arith.maximumf %add3A_42, %max3A_44 : vector<1000x128xf32>
    %swap3A_46 = arith.constant 0 : index
    %swap3A_47 = arith.constant 0 : index
    %swap3A_48 = vector.load %arg7[%swap3A_46, %swap3A_47] : memref<1000x128xf32, #tpu.memory_space<vmem>>, vector<1000x128xf32>
    tpu.vector_store %arg7[%swap3A_46, %swap3A_47], %max3A_45 {strides = array<i32>} : memref<1000x128xf32, #tpu.memory_space<vmem>>, vector<1000x128xf32>,
    return
  }
  func.func @transform_0(%arg0: i32) -> (i32, i32, i32) {
    %c0_i32 = arith.constant 0 : i32
    %c0_i32_0 = arith.constant 0 : i32
    %c0_i32_1 = arith.constant 0 : i32
    return %c0_i32, %arg0, %c0_i32_0 : i32, i32, i32
  }
  func.func @transform_1(%arg0: i32) -> (i32, i32, i32) {
    %c0_i32 = arith.constant 0 : i32
    %c0_i32_0 = arith.constant 0 : i32
    %c0_i32_1 = arith.constant 0 : i32
    return %c0_i32, %arg0, %c0_i32_0 : i32, i32, i32
  }
  func.func @transform_2(%arg0: i32) -> (i32, i32) {
    %c0_i32 = arith.constant 0 : i32
    %c0_i32_0 = arith.constant 0 : i32
    return %arg0, %c0_i32 : i32, i32
  }
  func.func @transform_3(%arg0: i32) -> (i32, i32) {
    %c0_i32 = arith.constant 0 : i32
    %c0_i32_0 = arith.constant 0 : i32
    %c0_i32_1 = arith.constant 0 : i32
    return %c0_i32, %c0_i32_0 : i32, i32
  }
  func.func @transform_4(%arg0: i32) -> i32 {
    %c0_i32 = arith.constant 0 : i32
    %c0_i32_0 = arith.constant 0 : i32
    return %c0_i32 : i32
  }
  func.func @transform_5(%arg0: i32) -> (i32, i32) {
    %c0_i32 = arith.constant 0 : i32
    %c0_i32_0 = arith.constant 0 : i32
    %c0_i32_1 = arith.constant 0 : i32
    return %c0_i32, %c0_i32_0 : i32, i32
  }
  func.func @transform_6(%arg0: i32) -> (i32, i32) {
    %c0_i32 = arith.constant 0 : i32
    %c0_i32_0 = arith.constant 0 : i32
    return %arg0, %c0_i32 : i32, i32
  }
  func.func @transform_7(%arg0: i32) -> (i32, i32) {
    %c0_i32 = arith.constant 0 : i32
    %c0_i32_0 = arith.constant 0 : i32
    return %arg0, %c0_i32 : i32, i32
  }
}

module attributes {stable_mosaic.version = 14 : i64} {
  func.func @body(%arg0: i32, %arg1: memref<2x1000x64xf32, #tpu.memory_space<vmem>>, %arg2: memref<1000x1xf32, #tpu.memory_space<vmem>>, %arg3: memref<1000x128xf32, #tpu.memory_space<vmem>>, %arg4: memref<128x128xf32, #tpu.memory_space<vmem>>, %arg5: memref<128xf32, #tpu.memory_space<vmem>>, %arg6: memref<128x128xf32, #tpu.memory_space<vmem>>, %arg7: memref<1000x128xf32, #tpu.memory_space<vmem>>) attributes {dimension_semantics = [#tpu.dimension_semantics<arbitrary>], iteration_bounds = array<i64: 10>, scalar_prefetch = 0 : i64, scratch_operands = 0 : i64, tpu.core_type = #tpu.core_type<tc>, window_params = [{transform_indices = @transform_0, window_bounds = array<i64: 2, 1000, 64>}, {transform_indices = @transform_1, window_bounds = array<i64: 1000, 1>}, {transform_indices = @transform_2, window_bounds = array<i64: 1000, 128>}, {pipeline_mode = #tpu.pipeline_mode<synchronous>, transform_indices = @transform_3, window_bounds = array<i64: 128, 128>}, {pipeline_mode = #tpu.pipeline_mode<synchronous>, transform_indices = @transform_4, window_bounds = array<i64: 128>}, {pipeline_mode = #tpu.pipeline_mode<synchronous>, transform_indices = @transform_5, window_bounds = array<i64: 128, 128>}, {transform_indices = @transform_6, window_bounds = array<i64: 1000, 128>}]} {
    %get3A = arith.constant 0 : index
    %get3A_0 = arith.constant 0 : index
    %get3A_1 = arith.constant 0 : index
    %get3A_2 = vector.load %arg1[%get3A, %get3A_0, %get3A_1] : memref<2x1000x64xf32, #tpu.memory_space<vmem>>, vector<1x1000x64xf32>
    %get3A_3 = vector.shape_cast %get3A_2 : vector<1x1000x64xf32> to vector<1000x64xf32>
    %get3A_4 = arith.constant 1 : index
    %get3A_5 = arith.constant 0 : index
    %get3A_6 = arith.constant 0 : index
    %get3A_7 = vector.load %arg1[%get3A_4, %get3A_5, %get3A_6] : memref<2x1000x64xf32, #tpu.memory_space<vmem>>, vector<1x1000x64xf32>
    %get3A_8 = vector.shape_cast %get3A_7 : vector<1x1000x64xf32> to vector<1000x64xf32>
    %concatenate3A = tpu.concatenate %get3A_3, %get3A_8 in 1 : vector<1000x64xf32>, vector<1000x64xf32> -> vector<1000x128xf32>
    %get3A_9 = arith.constant 0 : index
    %get3A_10 = arith.constant 0 : index
    %get3A_11 = vector.load %arg2[%get3A_9, %get3A_10] : memref<1000x1xf32, #tpu.memory_space<vmem>>, vector<1000x1xf32>
    %mul3A = vector.broadcast %get3A_11 : vector<1000x1xf32> to vector<1000x128xf32>
    %mul3A_12 = arith.mulf %concatenate3A, %mul3A : vector<1000x128xf32>
    %get3A_13 = arith.constant 0 : index
    %get3A_14 = arith.constant 0 : index
    %get3A_15 = vector.load %arg4[%get3A_13, %get3A_14] : memref<128x128xf32, #tpu.memory_space<vmem>>, vector<128x128xf32>
    %dot_general3A = arith.constant dense<0.000000e+00> : vector<1000x128xf32>
    %dot_general3A_16 = tpu.matmul %mul3A_12, %get3A_15, %dot_general3A {dimension_numbers = #tpu.dot_dimension_numbers<[1], [1], [0], [0], [0, 0, 1, 0], [], []>, transpose_lhs_hint = false} : vector<1000x128xf32>, vector<128x128xf32>, vector<1000x128xf32> -> vector<1000x128xf32>
    %get3A_17 = arith.constant 0 : index
    %get3A_18 = arith.constant 0 : index
    %get3A_19 = vector.load %arg3[%get3A_17, %get3A_18] : memref<1000x128xf32, #tpu.memory_space<vmem>>, vector<1000x128xf32>
    %get3A_20 = arith.constant 0 : index
    %get3A_21 = arith.constant 0 : index
    %get3A_22 = vector.load %arg6[%get3A_20, %get3A_21] : memref<128x128xf32, #tpu.memory_space<vmem>>, vector<128x128xf32>
    %dot_general3A_23 = arith.constant dense<0.000000e+00> : vector<1000x128xf32>
    %dot_general3A_24 = tpu.matmul %get3A_19, %get3A_22, %dot_general3A_23 {dimension_numbers = #tpu.dot_dimension_numbers<[1], [1], [0], [0], [0, 0, 1, 0], [], []>, transpose_lhs_hint = false} : vector<1000x128xf32>, vector<128x128xf32>, vector<1000x128xf32> -> vector<1000x128xf32>
    %add3A = arith.addf %dot_general3A_16, %dot_general3A_24 : vector<1000x128xf32>
    %get3A_25 = arith.constant 0 : index
    %get3A_26 = vector.load %arg5[%get3A_25] : memref<128xf32, #tpu.memory_space<vmem>>, vector<128xf32>
    %broadcast_in_dim3A = vector.shape_cast %get3A_26 : vector<128xf32> to vector<1x128xf32>
    %add3A_27 = vector.broadcast %broadcast_in_dim3A : vector<1x128xf32> to vector<1000x128xf32>
    %add3A_28 = arith.addf %add3A, %add3A_27 : vector<1000x128xf32>
    %max3A = arith.constant 0.000000e+00 : f32
    %max3A_29 = vector.broadcast %max3A : f32 to vector<1000x128xf32>
    %max3A_30 = arith.maximumf %add3A_28, %max3A_29 : vector<1000x128xf32>
    %swap3A = arith.constant 0 : index
    %swap3A_31 = arith.constant 0 : index
    %swap3A_32 = vector.load %arg7[%swap3A, %swap3A_31] : memref<1000x128xf32, #tpu.memory_space<vmem>>, vector<1000x128xf32>
    tpu.vector_store %arg7[%swap3A, %swap3A_31], %max3A_30 {strides = array<i32>} : memref<1000x128xf32, #tpu.memory_space<vmem>>, vector<1000x128xf32>,
    return
  }
  func.func @transform_0(%arg0: i32) -> (i32, i32, i32) {
    %c0_i32 = arith.constant 0 : i32
    %c0_i32_0 = arith.constant 0 : i32
    %c0_i32_1 = arith.constant 0 : i32
    return %c0_i32, %arg0, %c0_i32_0 : i32, i32, i32
  }
  func.func @transform_1(%arg0: i32) -> (i32, i32) {
    %c0_i32 = arith.constant 0 : i32
    %c0_i32_0 = arith.constant 0 : i32
    return %arg0, %c0_i32 : i32, i32
  }
  func.func @transform_2(%arg0: i32) -> (i32, i32) {
    %c0_i32 = arith.constant 0 : i32
    %c0_i32_0 = arith.constant 0 : i32
    return %arg0, %c0_i32 : i32, i32
  }
  func.func @transform_3(%arg0: i32) -> (i32, i32) {
    %c0_i32 = arith.constant 0 : i32
    %c0_i32_0 = arith.constant 0 : i32
    %c0_i32_1 = arith.constant 0 : i32
    return %c0_i32, %c0_i32_0 : i32, i32
  }
  func.func @transform_4(%arg0: i32) -> i32 {
    %c0_i32 = arith.constant 0 : i32
    %c0_i32_0 = arith.constant 0 : i32
    return %c0_i32 : i32
  }
  func.func @transform_5(%arg0: i32) -> (i32, i32) {
    %c0_i32 = arith.constant 0 : i32
    %c0_i32_0 = arith.constant 0 : i32
    %c0_i32_1 = arith.constant 0 : i32
    return %c0_i32, %c0_i32_0 : i32, i32
  }
  func.func @transform_6(%arg0: i32) -> (i32, i32) {
    %c0_i32 = arith.constant 0 : i32
    %c0_i32_0 = arith.constant 0 : i32
    return %arg0, %c0_i32 : i32, i32
  }
}

module attributes {stable_mosaic.version = 14 : i64} {
  func.func @body(%arg0: i32, %arg1: memref<2x1000x64xf32, #tpu.memory_space<vmem>>, %arg2: memref<1000x1xf32, #tpu.memory_space<vmem>>, %arg3: memref<1000x128xf32, #tpu.memory_space<vmem>>, %arg4: memref<128x128xf32, #tpu.memory_space<vmem>>, %arg5: memref<128xf32, #tpu.memory_space<vmem>>, %arg6: memref<128x128xf32, #tpu.memory_space<vmem>>, %arg7: memref<128x128xf32, #tpu.memory_space<vmem>>, %arg8: memref<128xf32, #tpu.memory_space<vmem>>, %arg9: memref<128x128xf32, #tpu.memory_space<vmem>>, %arg10: memref<128xf32, #tpu.memory_space<vmem>>, %arg11: memref<1000x128xf32, #tpu.memory_space<vmem>>) attributes {dimension_semantics = [#tpu.dimension_semantics<arbitrary>], iteration_bounds = array<i64: 10>, scalar_prefetch = 0 : i64, scratch_operands = 0 : i64, tpu.core_type = #tpu.core_type<tc>, window_params = [{transform_indices = @transform_0, window_bounds = array<i64: 2, 1000, 64>}, {transform_indices = @transform_1, window_bounds = array<i64: 1000, 1>}, {transform_indices = @transform_2, window_bounds = array<i64: 1000, 128>}, {pipeline_mode = #tpu.pipeline_mode<synchronous>, transform_indices = @transform_3, window_bounds = array<i64: 128, 128>}, {pipeline_mode = #tpu.pipeline_mode<synchronous>, transform_indices = @transform_4, window_bounds = array<i64: 128>}, {pipeline_mode = #tpu.pipeline_mode<synchronous>, transform_indices = @transform_5, window_bounds = array<i64: 128, 128>}, {pipeline_mode = #tpu.pipeline_mode<synchronous>, transform_indices = @transform_6, window_bounds = array<i64: 128, 128>}, {pipeline_mode = #tpu.pipeline_mode<synchronous>, transform_indices = @transform_7, window_bounds = array<i64: 128>}, {pipeline_mode = #tpu.pipeline_mode<synchronous>, transform_indices = @transform_8, window_bounds = array<i64: 128, 128>}, {pipeline_mode = #tpu.pipeline_mode<synchronous>, transform_indices = @transform_9, window_bounds = array<i64: 128>}, {transform_indices = @transform_10, window_bounds = array<i64: 1000, 128>}]} {
    %get3A = arith.constant 0 : index
    %get3A_0 = arith.constant 0 : index
    %get3A_1 = arith.constant 0 : index
    %get3A_2 = vector.load %arg1[%get3A, %get3A_0, %get3A_1] : memref<2x1000x64xf32, #tpu.memory_space<vmem>>, vector<1x1000x64xf32>
    %get3A_3 = vector.shape_cast %get3A_2 : vector<1x1000x64xf32> to vector<1000x64xf32>
    %get3A_4 = arith.constant 1 : index
    %get3A_5 = arith.constant 0 : index
    %get3A_6 = arith.constant 0 : index
    %get3A_7 = vector.load %arg1[%get3A_4, %get3A_5, %get3A_6] : memref<2x1000x64xf32, #tpu.memory_space<vmem>>, vector<1x1000x64xf32>
    %get3A_8 = vector.shape_cast %get3A_7 : vector<1x1000x64xf32> to vector<1000x64xf32>
    %concatenate3A = tpu.concatenate %get3A_3, %get3A_8 in 1 : vector<1000x64xf32>, vector<1000x64xf32> -> vector<1000x128xf32>
    %get3A_9 = arith.constant 0 : index
    %get3A_10 = arith.constant 0 : index
    %get3A_11 = vector.load %arg2[%get3A_9, %get3A_10] : memref<1000x1xf32, #tpu.memory_space<vmem>>, vector<1000x1xf32>
    %mul3A = vector.broadcast %get3A_11 : vector<1000x1xf32> to vector<1000x128xf32>
    %mul3A_12 = arith.mulf %concatenate3A, %mul3A : vector<1000x128xf32>
    %get3A_13 = arith.constant 0 : index
    %get3A_14 = arith.constant 0 : index
    %get3A_15 = vector.load %arg4[%get3A_13, %get3A_14] : memref<128x128xf32, #tpu.memory_space<vmem>>, vector<128x128xf32>
    %dot_general3A = arith.constant dense<0.000000e+00> : vector<1000x128xf32>
    %dot_general3A_16 = tpu.matmul %mul3A_12, %get3A_15, %dot_general3A {dimension_numbers = #tpu.dot_dimension_numbers<[1], [1], [0], [0], [0, 0, 1, 0], [], []>, transpose_lhs_hint = false} : vector<1000x128xf32>, vector<128x128xf32>, vector<1000x128xf32> -> vector<1000x128xf32>
    %get3A_17 = arith.constant 0 : index
    %get3A_18 = arith.constant 0 : index
    %get3A_19 = vector.load %arg3[%get3A_17, %get3A_18] : memref<1000x128xf32, #tpu.memory_space<vmem>>, vector<1000x128xf32>
    %get3A_20 = arith.constant 0 : index
    %get3A_21 = arith.constant 0 : index
    %get3A_22 = vector.load %arg6[%get3A_20, %get3A_21] : memref<128x128xf32, #tpu.memory_space<vmem>>, vector<128x128xf32>
    %dot_general3A_23 = arith.constant dense<0.000000e+00> : vector<1000x128xf32>
    %dot_general3A_24 = tpu.matmul %get3A_19, %get3A_22, %dot_general3A_23 {dimension_numbers = #tpu.dot_dimension_numbers<[1], [1], [0], [0], [0, 0, 1, 0], [], []>, transpose_lhs_hint = false} : vector<1000x128xf32>, vector<128x128xf32>, vector<1000x128xf32> -> vector<1000x128xf32>
    %add3A = arith.addf %dot_general3A_16, %dot_general3A_24 : vector<1000x128xf32>
    %get3A_25 = arith.constant 0 : index
    %get3A_26 = vector.load %arg5[%get3A_25] : memref<128xf32, #tpu.memory_space<vmem>>, vector<128xf32>
    %broadcast_in_dim3A = vector.shape_cast %get3A_26 : vector<128xf32> to vector<1x128xf32>
    %add3A_27 = vector.broadcast %broadcast_in_dim3A : vector<1x128xf32> to vector<1000x128xf32>
    %add3A_28 = arith.addf %add3A, %add3A_27 : vector<1000x128xf32>
    %max3A = arith.constant 0.000000e+00 : f32
    %max3A_29 = vector.broadcast %max3A : f32 to vector<1000x128xf32>
    %max3A_30 = arith.maximumf %add3A_28, %max3A_29 : vector<1000x128xf32>
    %get3A_31 = arith.constant 0 : index
    %get3A_32 = arith.constant 0 : index
    %get3A_33 = vector.load %arg7[%get3A_31, %get3A_32] : memref<128x128xf32, #tpu.memory_space<vmem>>, vector<128x128xf32>
    %dot_general3A_34 = arith.constant dense<0.000000e+00> : vector<1000x128xf32>
    %dot_general3A_35 = tpu.matmul %max3A_30, %get3A_33, %dot_general3A_34 {dimension_numbers = #tpu.dot_dimension_numbers<[1], [1], [0], [0], [0, 0, 1, 0], [], []>, transpose_lhs_hint = false} : vector<1000x128xf32>, vector<128x128xf32>, vector<1000x128xf32> -> vector<1000x128xf32>
    %get3A_36 = arith.constant 0 : index
    %get3A_37 = vector.load %arg8[%get3A_36] : memref<128xf32, #tpu.memory_space<vmem>>, vector<128xf32>
    %broadcast_in_dim3A_38 = vector.shape_cast %get3A_37 : vector<128xf32> to vector<1x128xf32>
    %add3A_39 = vector.broadcast %broadcast_in_dim3A_38 : vector<1x128xf32> to vector<1000x128xf32>
    %add3A_40 = arith.addf %dot_general3A_35, %add3A_39 : vector<1000x128xf32>
    %max3A_41 = arith.constant 0.000000e+00 : f32
    %max3A_42 = vector.broadcast %max3A_41 : f32 to vector<1000x128xf32>
    %max3A_43 = arith.maximumf %add3A_40, %max3A_42 : vector<1000x128xf32>
    %get3A_44 = arith.constant 0 : index
    %get3A_45 = arith.constant 0 : index
    %get3A_46 = vector.load %arg9[%get3A_44, %get3A_45] : memref<128x128xf32, #tpu.memory_space<vmem>>, vector<128x128xf32>
    %dot_general3A_47 = arith.constant dense<0.000000e+00> : vector<1000x128xf32>
    %dot_general3A_48 = tpu.matmul %max3A_43, %get3A_46, %dot_general3A_47 {dimension_numbers = #tpu.dot_dimension_numbers<[1], [1], [0], [0], [0, 0, 1, 0], [], []>, transpose_lhs_hint = false} : vector<1000x128xf32>, vector<128x128xf32>, vector<1000x128xf32> -> vector<1000x128xf32>
    %get3A_49 = arith.constant 0 : index
    %get3A_50 = vector.load %arg10[%get3A_49] : memref<128xf32, #tpu.memory_space<vmem>>, vector<128xf32>
    %broadcast_in_dim3A_51 = vector.shape_cast %get3A_50 : vector<128xf32> to vector<1x128xf32>
    %add3A_52 = vector.broadcast %broadcast_in_dim3A_51 : vector<1x128xf32> to vector<1000x128xf32>
    %add3A_53 = arith.addf %dot_general3A_48, %add3A_52 : vector<1000x128xf32>
    %swap3A = arith.constant 0 : index
    %swap3A_54 = arith.constant 0 : index
    %swap3A_55 = vector.load %arg11[%swap3A, %swap3A_54] : memref<1000x128xf32, #tpu.memory_space<vmem>>, vector<1000x128xf32>
    tpu.vector_store %arg11[%swap3A, %swap3A_54], %add3A_53 {strides = array<i32>} : memref<1000x128xf32, #tpu.memory_space<vmem>>, vector<1000x128xf32>,
    return
  }
  func.func @transform_0(%arg0: i32) -> (i32, i32, i32) {
    %c0_i32 = arith.constant 0 : i32
    %c0_i32_0 = arith.constant 0 : i32
    %c0_i32_1 = arith.constant 0 : i32
    return %c0_i32, %arg0, %c0_i32_0 : i32, i32, i32
  }
  func.func @transform_1(%arg0: i32) -> (i32, i32) {
    %c0_i32 = arith.constant 0 : i32
    %c0_i32_0 = arith.constant 0 : i32
    return %arg0, %c0_i32 : i32, i32
  }
  func.func @transform_2(%arg0: i32) -> (i32, i32) {
    %c0_i32 = arith.constant 0 : i32
    %c0_i32_0 = arith.constant 0 : i32
    return %arg0, %c0_i32 : i32, i32
  }
  func.func @transform_3(%arg0: i32) -> (i32, i32) {
    %c0_i32 = arith.constant 0 : i32
    %c0_i32_0 = arith.constant 0 : i32
    %c0_i32_1 = arith.constant 0 : i32
    return %c0_i32, %c0_i32_0 : i32, i32
  }
  func.func @transform_4(%arg0: i32) -> i32 {
    %c0_i32 = arith.constant 0 : i32
    %c0_i32_0 = arith.constant 0 : i32
    return %c0_i32 : i32
  }
  func.func @transform_5(%arg0: i32) -> (i32, i32) {
    %c0_i32 = arith.constant 0 : i32
    %c0_i32_0 = arith.constant 0 : i32
    %c0_i32_1 = arith.constant 0 : i32
    return %c0_i32, %c0_i32_0 : i32, i32
  }
  func.func @transform_6(%arg0: i32) -> (i32, i32) {
    %c0_i32 = arith.constant 0 : i32
    %c0_i32_0 = arith.constant 0 : i32
    %c0_i32_1 = arith.constant 0 : i32
    return %c0_i32, %c0_i32_0 : i32, i32
  }
  func.func @transform_7(%arg0: i32) -> i32 {
    %c0_i32 = arith.constant 0 : i32
    %c0_i32_0 = arith.constant 0 : i32
    return %c0_i32 : i32
  }
  func.func @transform_8(%arg0: i32) -> (i32, i32) {
    %c0_i32 = arith.constant 0 : i32
    %c0_i32_0 = arith.constant 0 : i32
    %c0_i32_1 = arith.constant 0 : i32
    return %c0_i32, %c0_i32_0 : i32, i32
  }
  func.func @transform_9(%arg0: i32) -> i32 {
    %c0_i32 = arith.constant 0 : i32
    %c0_i32_0 = arith.constant 0 : i32
    return %c0_i32 : i32
  }
  func.func @transform_10(%arg0: i32) -> (i32, i32) {
    %c0_i32 = arith.constant 0 : i32
    %c0_i32_0 = arith.constant 0 : i32
    return %arg0, %c0_i32 : i32, i32
  }
}

</mosaic_0001>

<sc_bundles>
// kernel: kernel.11.cloned.1.call-start
scs
__scs_entry_jumppad:
0x0: {  	(pc) =	sbr.rel $0x88, $3  }
0x1: {  	(tag) =	ssettag $0x0;
	lr =	simm.s32 $0x1  }
0x2: {  	[smem:$0x3F92] =	sst lr;
	_ =	strace $0xD0000000  }
0x3: {  	_ = 	snop  }
0x4: {  	_ = 	snop  }
0x5: {  	_ = 	snop  }
0x6: {  	_ = 	snop  }
0x7: {  	_ = 	snop  }
__scs_overlays_trampoline_lowered:
0x8: {  	[smem:$0x3FA1] =	sst s0  }
0x9: {  	[smem:$0x3FA2] =	sst s1  }
0xa: {  	[smem:$0x3FA3] =	sst s2  }
0xb: {  	[smem:$0x3FA4] =	sst s3  }
0xc: {  	[smem:$0x3FA5] =	sst s4  }
0xd: {  	[smem:$0x3FA6] =	sst s5  }
0xe: {  	[smem:$0x3FA7] =	sst s6  }
0xf: {  	[smem:$0x3FA8] =	sst s7  }
0x10: {  	[smem:$0x3FA9] =	sst s8  }
0x11: {  	[smem:$0x3FAA] =	sst s9;
	s0 =	simm.s32 @!p0 $0x0  }
0x12: {  	s1 =	sld [smem:$0x3F90];
	s0 =	simm.s32 @p0 $0x1  }
0x13: {  	[smem:$0x3FAB] =	sst s0;
	s0 =	simm.s32 @!p1 $0x0  }
0x14: {  	s2 =	sld [smem:$0x3F8F];
	s0 =	simm.s32 @p1 $0x1  }
0x15: {  	[smem:$0x3FAC] =	sst s0;
	s0 =	simm.s32 @!p2 $0x0  }
0x16: {  	s3 =	sld [smem:$0x3FDB];
	s0 =	simm.s32 @p2 $0x1  }
0x17: {  	s4 =	simm.s32 $0x1BF5;
	[smem:$0x3FAE] =	sst s0  }
0x18: {  	s0 =	sld [smem:$0x3F91];
	_ =	swait.ge [sflag:s4], $0x0  }
0x19: {  	s7 =	sld [smem:$0x3F92]  }
0x1a: {  	s8 =	sadd.s32 $0xFFFFE003, lr  }
0x1b: {  	s9 =	sadd.s32 $0xFFFFFEF7, lr;
	s5 =	simm.s32 $0xFFFFFFFF;
	p2 =	slt.u32 s8, $0xFFFFF086  }
0x1c: {  	p1 =	slt.u32 s9, $0xF7A;
	s5 =	simm.s32 @!p2 $0x0  }
0x1d: {  	s5 =	simm.s32 @p1 $0x1;
	p0 =	seq.s32 s7, s2  }
0x1e: {  	s7 =	smul.u32 @!p0 $0xF7A, s2;
	p2 =	seq.s32 @!p0 s5, $0x0  }
0x1f: {  	s9 =	smul.u32 $0xF7A, s1;
	s8 =	simm.s32 @!p0 $0x1BF5;
	p2 =	por !p2, p0  }
0x20: {  	[sflag:s8] =	ssyncset.s32 @!p0 $0xFFFFF086;
	s6 =	sadd.s32 @!p0 s3, s7;
	s7 =	simm.s32 @!p0 $0x108  }
0x21: {  	s3 =	sadd.s32 s3, s9;
	s6 =	sadd.s32 @!p0 $0x88, s6;
	s7 =	simm.s32 @p2 $0x1082  }
0x22: {  	[simem:s7], [sflag:s8] =	dma.local @!p0 [hbm:s6], $0xF7A  }
0x23: {  	s9 =	sor.u32 $0xD0000000, s2;
	s6 =	simm.s32 $0x108;
	_ =	swait.ge @!p0 [sflag:s8], $0x0  }
0x24: {  	s3 =	sadd.s32 $0x88, s3;
	s6 =	simm.s32 @!p1 $0x1082;
	[sflag:s4] =	ssyncset.s32 $0xFFFFF086  }
0x25: {  	[simem:s6], [sflag:s4] =	dma.local [hbm:s3], $0xF7A  }
0x26: {  	[smem:$0x3F92] =	sst s1;
	(tag) =	ssettag s2;
	_ =	strace s9  }
0x27: {  	s1 =	sld [smem:$0x3FA2]  }
0x28: {  	s2 =	sld [smem:$0x3FA3]  }
0x29: {  	s4 =	sld [smem:$0x3FA5]  }
0x2a: {  	p0 =	seq.s32 s5, $0x0;
	s5 =	sld [smem:$0x3FA6]  }
0x2b: {  	s6 =	sld [smem:$0x3FA7]  }
0x2c: {  	s7 =	sld [smem:$0x3FA8]  }
0x2d: {  	s3 =	simm.s32 $0x108;
	s8 =	sld [smem:$0x3FA9]  }
0x2e: {  	s3 =	simm.s32 @!p0 $0x1082;
	s9 =	sld [smem:$0x3FAA]  }
0x2f: {  	lr =	sadd.s32 s0, s3;
	s0 =	sld [smem:$0x3FA1]  }
0x30: {  	s3 =	sld [smem:$0x3FA4]  }
0x31: {  	[smem:$0x3FAD] =	sst s10  }
0x32: {  	s10 =	sld [smem:$0x3FAB];
	_ =	sdelay $0x3  }
0x33: {  	p0 =	seq.s32 s10, $0x1;
	s10 =	sld [smem:$0x3FAD];
	_ =	sdelay $0x3  }
0x34: {  	[smem:$0x3FAD] =	sst s10  }
0x35: {  	s10 =	sld [smem:$0x3FAC];
	_ =	sdelay $0x3  }
0x36: {  	p1 =	seq.s32 s10, $0x1;
	s10 =	sld [smem:$0x3FAD];
	_ =	sdelay $0x3  }
0x37: {  	[smem:$0x3FAD] =	sst s10  }
0x38: {  	s10 =	sld [smem:$0x3FAE]  }
0x39: {  	_ = 	snop;
	(pc) =	sbr.ind lr, $3  }
0x3a: {  	_ = 	snop  }
0x3b: {  	_ = 	snop  }
0x3c: {  	p2 =	seq.s32 s10, $0x1;
	s10 =	sld [smem:$0x3FAD]  }
0x3d: {  	_ =	shalt  }
0x3e: {  	_ =	shalt  }
0x3f: {  	_ =	shalt  }
0x40: {  	_ =	shalt  }
0x41: {  	_ =	shalt  }
0x42: {  	_ =	shalt  }
0x43: {  	_ =	shalt  }
0x44: {  	_ =	shalt  }
0x45: {  	_ =	shalt  }
0x46: {  	_ =	shalt  }
0x47: {  	_ =	shalt  }
0x48: {  	_ =	shalt  }
0x49: {  	_ =	shalt  }
0x4a: {  	_ =	shalt  }
0x4b: {  	_ =	shalt  }
0x4c: {  	_ =	shalt  }
0x4d: {  	_ =	shalt  }
0x4e: {  	_ =	shalt  }
0x4f: {  	_ =	shalt  }
0x50: {  	_ =	shalt  }
0x51: {  	_ =	shalt  }
0x52: {  	_ =	shalt  }
0x53: {  	_ =	shalt  }
0x54: {  	_ =	shalt  }
0x55: {  	_ =	shalt  }
0x56: {  	_ =	shalt  }
0x57: {  	_ =	shalt  }
0x58: {  	_ =	shalt  }
0x59: {  	_ =	shalt  }
0x5a: {  	_ =	shalt  }
0x5b: {  	_ =	shalt  }
0x5c: {  	_ =	shalt  }
0x5d: {  	_ =	shalt  }
0x5e: {  	_ =	shalt  }
0x5f: {  	_ =	shalt  }
0x60: {  	_ =	shalt  }
0x61: {  	_ =	shalt  }
0x62: {  	_ =	shalt  }
0x63: {  	_ =	shalt  }
0x64: {  	_ =	shalt  }
0x65: {  	_ =	shalt  }
0x66: {  	_ =	shalt  }
0x67: {  	_ =	shalt  }
0x68: {  	_ =	shalt  }
0x69: {  	_ =	shalt  }
0x6a: {  	_ =	shalt  }
0x6b: {  	_ =	shalt  }
0x6c: {  	_ =	shalt  }
0x6d: {  	_ =	shalt  }
0x6e: {  	_ =	shalt  }
0x6f: {  	_ =	shalt  }
0x70: {  	_ =	shalt  }
0x71: {  	_ =	shalt  }
0x72: {  	_ =	shalt  }
0x73: {  	_ =	shalt  }
0x74: {  	_ =	shalt  }
0x75: {  	_ =	shalt  }
0x76: {  	_ =	shalt  }
0x77: {  	_ =	shalt  }
0x78: {  	_ =	shalt  }
0x79: {  	_ =	shalt  }
0x7a: {  	_ =	shalt  }
0x7b: {  	_ =	shalt  }
0x7c: {  	_ =	shalt  }
0x7d: {  	_ =	shalt  }
0x7e: {  	_ =	shalt  }
0x7f: {  	_ =	shalt  }
0x80: {  	_ =	shalt  }
0x81: {  	_ =	shalt  }
0x82: {  	_ =	shalt  }
0x83: {  	_ =	shalt  }
0x84: {  	_ =	shalt  }
0x85: {  	_ =	shalt  }
0x86: {  	_ =	shalt  }
0x87: {  	_ =	shalt  }
.Lfunc_end0:
.L_simem_size_0:
called_computation.1_lowered:
.L_overlay_start_0:
0x88: {  	s2 =	sld [smem:$0x3FD9]  }
0x89: {  	s3 =	sld [smem:$0x3FFE];
	_ =	sdelay $0x1  }
0x8a: {  	s1 =	srdreg.scid  }
0x8b: {  	s0 =	sand.u32 $0x1, s1  }
0x8c: {  	s17 =	sshll.u32 s0, $0xA;
	s2 =	sadd.s32 s3, s2  }
0x8d: {  	s2 =	sadd.s32 s2, s17  }
0x8e: {  	[smem:$0x3FB9] =	sst s2  }
0x8f: {  	_ = 	snop  }
0x90: {  	s2 =	sld [smem:$0x3FD0];
	(tm) =	ssettm $0x1  }
0x91: {  	s18 =	sld [smem:$0x3FFB];
	_ =	sdelay $0x3  }
0x92: {  	_ =	strace s18  }
0x93: {  	s3 =	sld [smem:$0x3FFC];
	_ =	sdelay $0x3  }
0x94: {  	_ =	strace s3  }
0x95: {  	s3 =	sld [smem:$0x3FFD];
	_ =	sdelay $0x3  }
0x96: {  	_ =	strace s3  }
0x97: {  	_ =	strace $0x8FFFFFFF  }
0x98: {  	s19 =	sld [smem:$0x3FDB];
	_ =	sdelay $0x1  }
0x99: {  	s4 =	simm.s32 $_scs_section_size  }
0x9a: {  	s5 =	simm.s32 $_size__tile_overlayer_lowered;
	s6 =	simm.s32 $_tile_overlayer_lowered  }
0x9b: {  	s22 =	simm.s32 $0x1BFF;
	s21 =	sshll.u32 s6, $0x1;
	s3 =	sadd.s32 s4, s19  }
0x9c: {  	s7 =	simm.s32 $0x0;
	s20 =	sshll.u32 s5, $0x1;
	s5 =	sadd.s32 s21, s3  }
0x9d: {  	[timem:s7], [sflag:s22] =	dma.local [hbm:s5], s20  }
0x9e: {  	_ =	swait.ge [sflag:s22], s20  }
0x9f: {  	s4 =	ssub.s32 $0x0, s20;
	[sflag:s22] =	ssyncset.done $0x0  }
0xa0: {  	[sflag:s22] =	ssyncadd.s32 s4;
	_ =	sdelay $0x1  }
0xa1: {  	s23 =	simm.s32 $0x1B8B  }
0xa2: {  	_ =	swait.ge [sflag:s23], $0x1  }
0xa3: {  	[sflag:s23] =	ssyncset.done $0x0  }
0xa4: {  	s25 =	simm.s32 $0x1B8E;
	s24 =	sld [smem:$0x3FFE];
	[sflag:s23] =	ssyncadd.s32 $0xFFFFFFFF  }
0xa5: {  	s26 =	simm.s32 $execute0_lowered;
	[smem:$0x3FD2] =	sst s25  }
0xa6: {  	s5 =	sshll.u32 s26, $0x1;
	_ =	strace $0x80000049;
	[dreg:$0x1] =	wrdreg $0xFFFFFFFF  }
0xa7: {  	s28 =	simm.s32 $_size_execute0_lowered;
	s3 =	sadd.s32 s3, s5;
	[dreg:$0x0] =	wrdreg $0x0  }
0xa8: {  	s5 =	sshll.u32 s28, $0x1;
	[dreg:$0x2] =	wrdreg s3  }
0xa9: {  	[dreg:$0x3] =	wrdreg s5  }
0xaa: {  	[dreg:$0x4] =	wrdreg $0xC0  }
0xab: {  	_ =	task [dreg:s7], $0x5FFFF  }
0xac: {  	[dreg:$0x1] =	wrdreg $0xFFFFFFFF  }
0xad: {  	[dreg:$0x0] =	wrdreg $0x60  }
0xae: {  	[dreg:$0x2] =	wrdreg s2  }
0xaf: {  	[dreg:$0x3] =	wrdreg s24  }
0xb0: {  	[dreg:$0x4] =	wrdreg $0xD4800  }
0xb1: {  	[dreg:$0x5] =	wrdreg $0x9  }
0xb2: {  	_ =	task.clear_ibuf [dreg:s7], $0x6FFFF;
	_ =	strace $0x90000049  }
0xb3: {  	s29 =	simm.s32 $0x9;
	_ =	strace $0x8000004B  }
0xb4: {  	_ =	swait.ge [sflag:s29], $0x1  }
0xb5: {  	[sflag:s29] =	ssyncadd.s32 $0xFFFFFFFF  }
0xb6: {  	_ =	strace $0x9000004B  }
0xb7: {  	_ =	sfence  }
0xb8: {  	s30 =	sld [smem:$0x0];
	_ =	sdelay $0x2  }
0xb9: {  	s31 =	sshll.u32 s1, $0xD;
	s1 =	sshrl.u32 s1, $0x2  }
0xba: {  	s3 =	sand.u32 $0x4000, s31;
	s1 =	sadd.s32 s1, s30  }
0xbb: {  	s0 =	sor.u32 s3, s0;
	s1 =	sshll.u32 s1, $0x11  }
0xbc: {  	s0 =	sor.u32 s1, s0  }
0xbd: {  	s0 =	sadd.s32 $0x8F2B, s0  }
0xbe: {  	[sflag:s0] =	ssyncadd.remote.s32 $0x1  }
0xbf: {  	_ =	sfence.sel $0xFFFF  }
0xc0: {  	[dreg:$0x0] =	wrdreg $0xFFFFFFFF;
	(pc) =	sbr.abs _section_cstart, $3  }
0xc1: {  	[dreg:$0x1] =	wrdreg $0xFFFFFFFF  }
0xc2: {  	_ =	task.clear_ibuf [dreg:s7], $0x2FFFF;
	_ =	strace $0x9FFFFFFF  }
0xc3: {  	(tm) =	ssettm $0x7FFFFFFF  }
tec
execute0_lowered:
.L_overlay_start_1:
0x0: {  	(tag) =	ssettag $0x1  }
0x1: {  	s1 =	rddreg [dreg:$0x0]  }
0x2: {  	s0 =	rddreg [dreg:$0x1]  }
0x3: {  	s11 =	stileid.u32;
	s2 =	srdreg.scid  }
0x4: {  	s3 =	rddreg [dreg:$0x2];
	s4 =	simm.s32 $0x0;
	s5 =	smul.u32 $0x4E20, s11  }
0x5: {  	s20 =	simm.s32 $0xB;
	s21 =	simm.s32 $0x4FB0;
	s6 =	smul.u32 $0x9C40, s11  }
0x6: {  	s29 =	simm.s32 $0x6540;
	s30 =	simm.s32 $0x5050;
	s14 =	smul.u32 $0x27100, s11  }
0x7: {  	s12 =	sand.u32 $0x1, s2;
	[smem:$0x7FF] =	sst s4;
	s23 =	smul.u32 $0x9C4, s11  }
0x8: {  	s10 =	sadd.s32 $0x3600, s0;
	s11 =	simm.s32 $0x6;
	s2 =	smul.u32 $0x9C400, s12  }
0x9: {  	_ =	strace $0x8000004A;
	s7 =	ssub.s32 $0x2, s12;
	v0 =	vmov s12;
	s12 =	simm.s32 $0xA  }
0xa: {  	s5 =	sshrl.u32 s5, $0x3;
	s9 =	sshrl.u32 s7, $0x1;
	s18 =	sshrl.u32 s14, $0x2  }
0xb: {  	s19 =	sadd.s32 s6, s3;
	s14 =	simm.s32 $0x7;
	s2 =	sadd.s32 s6, s2  }
0xc: {  	s8 =	sadd.s32 s5, s0;
	s31 =	ssub.s32 s7, s9;
	s13 =	sadd.s32 s10, s5  }
0xd: {  	s22 =	sadd.s32 s18, s3;
	s18 =	sadd.s32 s23, s10;
	[dreg:$0x5] =	wrdreg s13  }
0xe: {  	s10 =	simm.s32 $0xA140;
	s9 =	sadd.s32 $0xD400, s8;
	[dreg:$0xb] =	wrdreg s22  }
0xf: {  	s6 =	simm.s32 $0x4;
	s15 =	sadd.s32 $0xA, s13;
	[dreg:$0x4] =	wrdreg s9  }
0x10: {  	s23 =	simm.s32 $0x0;
	s16 =	sadd.s32 $0x14, s13;
	[dreg:$0x6] =	wrdreg s15  }
0x11: {  	s2 =	sshrl.u32 s2, $0x3;
	s17 =	sadd.s32 $0x1E, s13;
	[dreg:$0x7] =	wrdreg s16  }
0x12: {  	s7 =	sadd.s32 $0x28, s13;
	s24 =	sadd.s32 $0x1F40, s22;
	[dreg:$0x8] =	wrdreg s17  }
0x13: {  	s25 =	sadd.s32 $0x3E80, s22;
	s26 =	sadd.s32 $0x5DC0, s22;
	[dreg:$0x9] =	wrdreg s7  }
0x14: {  	s28 =	sadd.s32 $0x7D00, s22;
	s22 =	simm.s32 $0x50;
	[dreg:$0xd] =	wrdreg s24  }
0x15: {  	s8 =	simm.s32 $0x50F0;
	s13 =	simm.s32 $0x1;
	[dreg:$0xe] =	wrdreg s25  }
0x16: {  	s0 =	sadd.s32 s2, s0;
	s2 =	smax.u32 s31, $0x1;
	[dreg:$0xf] =	wrdreg s26  }
0x17: {  	[dreg:$0x10] =	wrdreg s28;
	s31 =	sshrl.u32 s19, $0x3;
	s25 =	simm.s32 $0x5140  }
.Ltmp0:
0x18: {  	s26 =	simm.s32 $0x5000;
	s7 =	simm.s32 $0x8D40;
	(pc) =	sbr.rel .LBB2_1-.Ltmp0, $4  }
0x19: {  	s9 =	simm.s32 $0x4F60;
	s15 =	simm.s32 $0x2;
	s16 =	simm.s32 $0x8  }
0x1a: {  	s17 =	simm.s32 $0x3;
	s24 =	simm.s32 $0x9;
	[dreg:$0xc] =	wrdreg s2  }
0x1b: {  	s19 =	simm.s32 $0x5;
	s0 =	sadd.s32 $0x17200, s0;
	[dreg:$0x11] =	wrdreg s31  }
0x1c: {  	v1 =	vimm.f32 $0.0e+00;
	s2 =	simm.s32 $0x7940;
	[dreg:$0xa] =	wrdreg s0;
	s0 =	simm.s32 $0x50A0  }
.LBB2_12:
0x1d: {  	s5 =	stileid.u32;
	[bflag:$0x0] =	sbarrier.arrive $0xFFFF  }
0x1e: {  	s5 =	sshll.u32 s5, $0x6;
	s23 =	rddreg [dreg:$0xa]  }
0x1f: {  	s28 =	rddreg [dreg:$0x11];
	s5 =	sor.u32 $0x1C0B, s5  }
0x20: {  	[hbm:s23], [sflag:s5] =	dma.local [spmem:s28], $0x1388  }
0x21: {  	_ =	swait.ge [sflag:s20], $0x1388  }
0x22: {  	s28 =	rddreg [dreg:$0x12]  }
0x23: {  	s31 =	rddreg [dreg:$0xc];
	s23 =	sadd.s32 $0x1, s28  }
0x24: {  	p0 =	sne.s32 s23, s31  }
.Ltmp1:
0x25: {  	_ = 	snop;
	(pc) =	sbr.rel @!p0 .LBB2_13-.Ltmp1, $3  }
0x26: {  	_ =	sdelay $0x1  }
0x27: {  	[sflag:s20] =	ssyncset.done $0x0  }
0x28: {  	[sflag:s20] =	ssyncadd.s32 $0xFFFFEC78  }
.LBB2_1:
0x29: {  	[dreg:$0x12] =	wrdreg s23;
	s28 =	simm.s32 $0x100;
	s23 =	simm.s32 $0x0  }
.LBB2_2:
0x2a: {  	p0 =	sne.s32 s28, $0x7C00;
	[tilespmem:s23+$0xB570] =	vst v1;
	s31 =	smov.u32 s28;
	s28 =	sadd.s32 $0x100, s28  }
.Ltmp2:
0x2b: {  	[tilespmem:s23+$0xB560] =	vst v1;
	(pc) =	sbr.rel @p0 .LBB2_2-.Ltmp2, $3  }
0x2c: {  	[tilespmem:s23+$0xB540] =	vst v1  }
0x2d: {  	[tilespmem:s23+$0xB550] =	vst v1;
	_ =	sdelay $0x1  }
0x2e: {  	s23 =	sshra.s32 s31, $0x2  }
0x2f: {  	[tilespmem:s23+$0xB570] =	vst v1  }
0x30: {  	[tilespmem:s23+$0xB560] =	vst v1  }
0x31: {  	[tilespmem:s23+$0xB540] =	vst v1  }
0x32: {  	[tilespmem:s23+$0xB550] =	vst v1;
	s5 =	rddreg [dreg:$0xb];
	s23 =	simm.s32 $0xB540  }
0x33: {  	[spmem:s5] =	stream.linear.scatter [tilespmem:s23], [sflag:$0xB], $0x1F40, $0x38;
	[tilespmem:$0x172C0] =	vst v63  }
0x34: {  	_ =	swait.ge [sflag:s20], $0x1F40  }
0x35: {  	[sflag:s20] =	ssyncset.done $0x0  }
0x36: {  	s31 =	rddreg [dreg:$0xd];
	[sflag:s20] =	ssyncadd.s32 $0xFFFFE0C0  }
0x37: {  	[spmem:s31] =	stream.linear.scatter [tilespmem:s23], [sflag:$0xB], $0x1F40, $0x38;
	[tilespmem:$0x172C0] =	vst v63  }
0x38: {  	_ =	swait.ge [sflag:s20], $0x1F40  }
0x39: {  	[sflag:s20] =	ssyncset.done $0x0  }
0x3a: {  	s31 =	rddreg [dreg:$0xe];
	[sflag:s20] =	ssyncadd.s32 $0xFFFFE0C0  }
0x3b: {  	[spmem:s31] =	stream.linear.scatter [tilespmem:s23], [sflag:$0xB], $0x1F40, $0x38;
	[tilespmem:$0x172C0] =	vst v63  }
0x3c: {  	_ =	swait.ge [sflag:s20], $0x1F40  }
0x3d: {  	[sflag:s20] =	ssyncset.done $0x0  }
0x3e: {  	s31 =	rddreg [dreg:$0xf];
	[sflag:s20] =	ssyncadd.s32 $0xFFFFE0C0  }
0x3f: {  	[spmem:s31] =	stream.linear.scatter [tilespmem:s23], [sflag:$0xB], $0x1F40, $0x38;
	[tilespmem:$0x172C0] =	vst v63  }
0x40: {  	_ =	swait.ge [sflag:s20], $0x1F40  }
0x41: {  	[sflag:s20] =	ssyncset.done $0x0  }
0x42: {  	s31 =	rddreg [dreg:$0x10];
	[sflag:s20] =	ssyncadd.s32 $0xFFFFE0C0  }
0x43: {  	[spmem:s31] =	stream.linear.scatter [tilespmem:s23], [sflag:$0xB], $0x1F40, $0x38;
	[tilespmem:$0x172C0] =	vst v63  }
0x44: {  	_ =	swait.ge [sflag:s20], $0x1F40  }
0x45: {  	[sflag:s20] =	ssyncset.done $0x0  }
0x46: {  	s23 =	simm.s32 $0x0;
	s31 =	rddreg [dreg:$0x4];
	[sflag:s20] =	ssyncadd.s32 $0xFFFFE0C0  }
0x47: {  	[tilespmem:s23], [sflag:$0xB] =	stream.linear.gather [hbm4b:s31+s23], $0x4E20, $0x38;
	[tilespmem:$0x172C0] =	vst v63  }
0x48: {  	_ =	swait.ge [sflag:s20], $0x4E20  }
0x49: {  	[sflag:s20] =	ssyncset.done $0x0  }
0x4a: {  	[sflag:s20] =	ssyncadd.s32 $0xFFFFB1E0  }
0x4b: {  	[bflag:$0x0] =	sbarrier.arrive $0xFFFF  }
0x4c: {  	s31 =	rddreg [dreg:$0x5]  }
0x4d: {  	[tilespmem:s21], [sflag:$0x6] =	stream.linear.gather [hbm4b:s31+s23], $0x50, $0x38;
	[tilespmem:$0x172C0] =	vst v63  }
0x4e: {  	v2 =	vld [tilespmem:$0x0]  }
0x4f: {  	v3 =	vld [tilespmem:$0x10]  }
0x50: {  	v4 =	vld [tilespmem:$0x20]  }
0x51: {  	v5 =	vld [tilespmem:$0x30]  }
0x52: {  	v6 =	vld [tilespmem:$0x40]  }
0x53: {  	v2 =	vshll.u32 v2, $0x1  }
0x54: {  	v3 =	vshll.u32 v3, $0x1;
	v2 =	vor.u32 v0, v2  }
0x55: {  	[tilespmem:$0x4E20] =	vst v2;
	v2 =	vor.u32 v0, v3;
	v3 =	vshll.u32 v4, $0x1  }
0x56: {  	[tilespmem:$0x4E30] =	vst v2;
	v2 =	vor.u32 v0, v3;
	v3 =	vshll.u32 v5, $0x1  }
0x57: {  	[tilespmem:$0x4E40] =	vst v2;
	v2 =	vor.u32 v0, v3;
	v3 =	vshll.u32 v6, $0x1  }
0x58: {  	[tilespmem:$0x4E50] =	vst v2;
	v2 =	vor.u32 v0, v3  }
0x59: {  	s31 =	simm.s32 $0x4E20;
	[tilespmem:$0x4E60] =	vst v2  }
0x5a: {  	[tilespmem:s25], [sflag:$0x1] =	stream.indirect.gather [hbm4b:s1+s22], $0x40, s31, s22, $0xb8;
	[tilespmem:$0x172C0] =	vst v63  }
0x5b: {  	s31 =	rddreg [dreg:$0x6]  }
0x5c: {  	[tilespmem:s26], [sflag:$0x7] =	stream.linear.gather [hbm4b:s31+s23], $0x50, $0x38;
	[tilespmem:$0x172C0] =	vst v63  }
0x5d: {  	v2 =	vld [tilespmem:$0x50]  }
0x5e: {  	v3 =	vld [tilespmem:$0x60]  }
0x5f: {  	v52 =	vld [tilespmem:$0x70]  }
0x60: {  	v53 =	vld [tilespmem:$0x80]  }
0x61: {  	v54 =	vld [tilespmem:$0x90]  }
0x62: {  	v2 =	vshll.u32 v2, $0x1  }
0x63: {  	v3 =	vshll.u32 v3, $0x1;
	v2 =	vor.u32 v0, v2  }
0x64: {  	[tilespmem:$0x4E70] =	vst v2;
	v2 =	vor.u32 v0, v3;
	v3 =	vshll.u32 v52, $0x1  }
0x65: {  	[tilespmem:$0x4E80] =	vst v2;
	v2 =	vor.u32 v0, v3;
	v3 =	vshll.u32 v53, $0x1  }
0x66: {  	[tilespmem:$0x4E90] =	vst v2;
	v2 =	vor.u32 v0, v3;
	v3 =	vshll.u32 v54, $0x1  }
0x67: {  	[tilespmem:$0x4EA0] =	vst v2;
	v2 =	vor.u32 v0, v3  }
0x68: {  	s31 =	simm.s32 $0x4E70;
	[tilespmem:$0x4EB0] =	vst v2  }
0x69: {  	[tilespmem:s29], [sflag:$0x2] =	stream.indirect.gather [hbm4b:s1+s22], $0x40, s31, s22, $0xb8;
	[tilespmem:$0x172C0] =	vst v63  }
0x6a: {  	s31 =	rddreg [dreg:$0x7]  }
0x6b: {  	[tilespmem:s30], [sflag:$0x8] =	stream.linear.gather [hbm4b:s31+s23], $0x50, $0x38;
	[tilespmem:$0x172C0] =	vst v63  }
0x6c: {  	v2 =	vld [tilespmem:$0xA0]  }
0x6d: {  	v3 =	vld [tilespmem:$0xB0]  }
0x6e: {  	v55 =	vld [tilespmem:$0xC0]  }
0x6f: {  	v56 =	vld [tilespmem:$0xD0]  }
0x70: {  	v57 =	vld [tilespmem:$0xE0]  }
0x71: {  	v2 =	vshll.u32 v2, $0x1  }
0x72: {  	v3 =	vshll.u32 v3, $0x1;
	v2 =	vor.u32 v0, v2  }
0x73: {  	[tilespmem:$0x4EC0] =	vst v2;
	v2 =	vor.u32 v0, v3;
	v3 =	vshll.u32 v55, $0x1  }
0x74: {  	[tilespmem:$0x4ED0] =	vst v2;
	v2 =	vor.u32 v0, v3;
	v3 =	vshll.u32 v56, $0x1  }
0x75: {  	[tilespmem:$0x4EE0] =	vst v2;
	v2 =	vor.u32 v0, v3;
	v3 =	vshll.u32 v57, $0x1  }
0x76: {  	[tilespmem:$0x4EF0] =	vst v2;
	v2 =	vor.u32 v0, v3  }
0x77: {  	s31 =	simm.s32 $0x4EC0;
	[tilespmem:$0x4F00] =	vst v2  }
0x78: {  	[tilespmem:s2], [sflag:$0x3] =	stream.indirect.gather [hbm4b:s1+s22], $0x40, s31, s22, $0xb8;
	[tilespmem:$0x172C0] =	vst v63  }
0x79: {  	s31 =	rddreg [dreg:$0x8]  }
0x7a: {  	[tilespmem:s0], [sflag:$0x9] =	stream.linear.gather [hbm4b:s31+s23], $0x50, $0x38;
	[tilespmem:$0x172C0] =	vst v63  }
0x7b: {  	v2 =	vld [tilespmem:$0xF0]  }
0x7c: {  	v3 =	vld [tilespmem:$0x100]  }
0x7d: {  	v58 =	vld [tilespmem:$0x110]  }
0x7e: {  	v59 =	vld [tilespmem:$0x120]  }
0x7f: {  	v60 =	vld [tilespmem:$0x130]  }
0x80: {  	v2 =	vshll.u32 v2, $0x1  }
0x81: {  	v3 =	vshll.u32 v3, $0x1;
	v2 =	vor.u32 v0, v2  }
0x82: {  	[tilespmem:$0x4F10] =	vst v2;
	v2 =	vor.u32 v0, v3;
	v3 =	vshll.u32 v58, $0x1  }
0x83: {  	[tilespmem:$0x4F20] =	vst v2;
	v2 =	vor.u32 v0, v3;
	v3 =	vshll.u32 v59, $0x1  }
0x84: {  	[tilespmem:$0x4F30] =	vst v2;
	v2 =	vor.u32 v0, v3;
	v3 =	vshll.u32 v60, $0x1  }
0x85: {  	[tilespmem:$0x4F40] =	vst v2;
	v2 =	vor.u32 v0, v3  }
0x86: {  	s31 =	simm.s32 $0x4F10;
	[tilespmem:$0x4F50] =	vst v2  }
0x87: {  	[tilespmem:s7], [sflag:$0x4] =	stream.indirect.gather [hbm4b:s1+s22], $0x40, s31, s22, $0xb8;
	[tilespmem:$0x172C0] =	vst v63  }
0x88: {  	s31 =	rddreg [dreg:$0x9]  }
0x89: {  	[tilespmem:s8], [sflag:$0xA] =	stream.linear.gather [hbm4b:s31+s23], $0x50, $0x38;
	[tilespmem:$0x172C0] =	vst v63  }
0x8a: {  	v2 =	vld [tilespmem:$0x140]  }
0x8b: {  	v3 =	vld [tilespmem:$0x150]  }
0x8c: {  	v61 =	vld [tilespmem:$0x160]  }
0x8d: {  	v62 =	vld [tilespmem:$0x170]  }
0x8e: {  	v63 =	vld [tilespmem:$0x180]  }
0x8f: {  	v2 =	vshll.u32 v2, $0x1  }
0x90: {  	v3 =	vshll.u32 v3, $0x1;
	v2 =	vor.u32 v0, v2  }
0x91: {  	[tilespmem:$0x4F60] =	vst v2;
	v2 =	vor.u32 v0, v3;
	v3 =	vshll.u32 v61, $0x1  }
0x92: {  	[tilespmem:$0x4F70] =	vst v2;
	v2 =	vor.u32 v0, v3;
	v3 =	vshll.u32 v62, $0x1  }
0x93: {  	[tilespmem:$0x4F80] =	vst v2;
	v2 =	vor.u32 v0, v3;
	v3 =	vshll.u32 v63, $0x1  }
0x94: {  	[tilespmem:$0x4F90] =	vst v2;
	v2 =	vor.u32 v0, v3  }
0x95: {  	s28 =	simm.s32 $0x310;
	[tilespmem:$0x4FA0] =	vst v2  }
0x96: {  	[tilespmem:s10], [sflag:$0x5] =	stream.indirect.gather [hbm4b:s1+s22], $0x40, s9, s22, $0xb8;
	[tilespmem:$0x172C0] =	vst v63  }
.LBB2_4:
0x97: {  	_ =	swait.ge [sflag:s11], $0x50  }
0x98: {  	[sflag:s11] =	ssyncset.done $0x0  }
0x99: {  	[sflag:s11] =	ssyncadd.s32 $0xFFFFFFB0  }
0x9a: {  	_ =	swait.ge [sflag:s13], $0x1400  }
0x9b: {  	p0 =	seq.s32 s23, $0x992;
	[sflag:s13] =	ssyncset.done $0x0  }
.Ltmp3:
0x9c: {  	[sflag:s13] =	ssyncadd.s32 $0xFFFFEC00;
	(pc) =	sbr.rel @!p0 .LBB2_5-.Ltmp3, $4  }
0x9d: {  	[spmem:s3] =	stream.indirect.scatter.add.f32 [tilespmem:s25], [sflag:$0xB], $0x40, s21, s22, $0xb8;
	[tilespmem:$0x172C0] =	vst v63  }
0x9e: {  	_ =	swait.ge [sflag:s20], $0x1400  }
0x9f: {  	[sflag:s20] =	ssyncset.done $0x0  }
0xa0: {  	[sflag:s20] =	ssyncadd.s32 $0xFFFFEC00  }
0xa1: {  	_ =	swait.ge [sflag:s14], $0x50  }
0xa2: {  	[sflag:s14] =	ssyncset.done $0x0  }
0xa3: {  	[sflag:s14] =	ssyncadd.s32 $0xFFFFFFB0  }
0xa4: {  	_ =	swait.ge [sflag:s15], $0x1400  }
0xa5: {  	[sflag:s15] =	ssyncset.done $0x0  }
.Ltmp4:
0xa6: {  	[sflag:s15] =	ssyncadd.s32 $0xFFFFEC00;
	(pc) =	sbr.rel .LBB2_7-.Ltmp4, $4  }
0xa7: {  	[spmem:s3] =	stream.indirect.scatter.add.f32 [tilespmem:s29], [sflag:$0xB], $0x40, s26, s22, $0xb8;
	[tilespmem:$0x172C0] =	vst v63  }
0xa8: {  	_ =	swait.ge [sflag:s20], $0x1400  }
0xa9: {  	[sflag:s20] =	ssyncset.done $0x0  }
0xaa: {  	[sflag:s20] =	ssyncadd.s32 $0xFFFFEC00  }
.LBB2_5:
0xab: {  	s31 =	sadd.s32 s23, s18  }
0xac: {  	s5 =	sadd.s32 $0x32, s31  }
0xad: {  	[tilespmem:s21], [sflag:$0x6] =	stream.linear.gather [hbm4b:s5+s4], $0x50, $0x38;
	[tilespmem:$0x172C0] =	vst v63  }
0xae: {  	v2 =	vld [tilespmem:s28+$0xFFFFFE80];
	_ =	sdelay $0x4  }
0xaf: {  	v2 =	vshll.u32 v2, $0x1  }
0xb0: {  	v2 =	vor.u32 v0, v2  }
0xb1: {  	[tilespmem:$0x4E20] =	vst v2  }
0xb2: {  	v2 =	vld [tilespmem:s28+$0xFFFFFE90];
	_ =	sdelay $0x4  }
0xb3: {  	v2 =	vshll.u32 v2, $0x1  }
0xb4: {  	v2 =	vor.u32 v0, v2  }
0xb5: {  	[tilespmem:$0x4E30] =	vst v2  }
0xb6: {  	v2 =	vld [tilespmem:s28+$0xFFFFFEA0];
	_ =	sdelay $0x4  }
0xb7: {  	v2 =	vshll.u32 v2, $0x1  }
0xb8: {  	v2 =	vor.u32 v0, v2  }
0xb9: {  	[tilespmem:$0x4E40] =	vst v2  }
0xba: {  	v2 =	vld [tilespmem:s28+$0xFFFFFEB0];
	_ =	sdelay $0x4  }
0xbb: {  	v2 =	vshll.u32 v2, $0x1  }
0xbc: {  	v2 =	vor.u32 v0, v2  }
0xbd: {  	[tilespmem:$0x4E50] =	vst v2  }
0xbe: {  	v2 =	vld [tilespmem:s28+$0xFFFFFEC0];
	_ =	sdelay $0x4  }
0xbf: {  	v2 =	vshll.u32 v2, $0x1  }
0xc0: {  	v2 =	vor.u32 v0, v2  }
0xc1: {  	s5 =	simm.s32 $0x4E20;
	[tilespmem:$0x4E60] =	vst v2  }
0xc2: {  	[tilespmem:s25], [sflag:$0x1] =	stream.indirect.gather [hbm4b:s1+s22], $0x40, s5, s22, $0xb8;
	[tilespmem:$0x172C0] =	vst v63  }
0xc3: {  	_ =	swait.ge [sflag:s14], $0x50  }
0xc4: {  	[sflag:s14] =	ssyncset.done $0x0  }
0xc5: {  	[sflag:s14] =	ssyncadd.s32 $0xFFFFFFB0  }
0xc6: {  	_ =	swait.ge [sflag:s15], $0x1400  }
0xc7: {  	[sflag:s15] =	ssyncset.done $0x0  }
0xc8: {  	[sflag:s15] =	ssyncadd.s32 $0xFFFFEC00  }
0xc9: {  	[spmem:s3] =	stream.indirect.scatter.add.f32 [tilespmem:s29], [sflag:$0xB], $0x40, s26, s22, $0xb8;
	[tilespmem:$0x172C0] =	vst v63  }
0xca: {  	_ =	swait.ge [sflag:s20], $0x1400  }
0xcb: {  	[sflag:s20] =	ssyncset.done $0x0  }
0xcc: {  	s31 =	sadd.s32 $0x3C, s31;
	[sflag:s20] =	ssyncadd.s32 $0xFFFFEC00  }
0xcd: {  	[tilespmem:s26], [sflag:$0x7] =	stream.linear.gather [hbm4b:s31+s4], $0x50, $0x38;
	[tilespmem:$0x172C0] =	vst v63  }
0xce: {  	v2 =	vld [tilespmem:s28+$0xFFFFFED0];
	_ =	sdelay $0x4  }
0xcf: {  	v2 =	vshll.u32 v2, $0x1  }
0xd0: {  	v2 =	vor.u32 v0, v2  }
0xd1: {  	[tilespmem:$0x4E70] =	vst v2  }
0xd2: {  	v2 =	vld [tilespmem:s28+$0xFFFFFEE0];
	_ =	sdelay $0x4  }
0xd3: {  	v2 =	vshll.u32 v2, $0x1  }
0xd4: {  	v2 =	vor.u32 v0, v2  }
0xd5: {  	[tilespmem:$0x4E80] =	vst v2  }
0xd6: {  	v2 =	vld [tilespmem:s28+$0xFFFFFEF0];
	_ =	sdelay $0x4  }
0xd7: {  	v2 =	vshll.u32 v2, $0x1  }
0xd8: {  	v2 =	vor.u32 v0, v2  }
0xd9: {  	[tilespmem:$0x4E90] =	vst v2  }
0xda: {  	v2 =	vld [tilespmem:s28+$0xFFFFFF00];
	_ =	sdelay $0x4  }
0xdb: {  	v2 =	vshll.u32 v2, $0x1  }
0xdc: {  	v2 =	vor.u32 v0, v2  }
0xdd: {  	[tilespmem:$0x4EA0] =	vst v2  }
0xde: {  	v2 =	vld [tilespmem:s28+$0xFFFFFF10];
	_ =	sdelay $0x4  }
0xdf: {  	v2 =	vshll.u32 v2, $0x1  }
0xe0: {  	v2 =	vor.u32 v0, v2  }
0xe1: {  	s31 =	simm.s32 $0x4E70;
	[tilespmem:$0x4EB0] =	vst v2  }
0xe2: {  	[tilespmem:s29], [sflag:$0x2] =	stream.indirect.gather [hbm4b:s1+s22], $0x40, s31, s22, $0xb8;
	[tilespmem:$0x172C0] =	vst v63  }
.LBB2_7:
0xe3: {  	_ =	swait.ge [sflag:s16], $0x50  }
0xe4: {  	[sflag:s16] =	ssyncset.done $0x0  }
0xe5: {  	[sflag:s16] =	ssyncadd.s32 $0xFFFFFFB0  }
0xe6: {  	_ =	swait.ge [sflag:s17], $0x1400  }
0xe7: {  	[sflag:s17] =	ssyncset.done $0x0  }
.Ltmp5:
0xe8: {  	[sflag:s17] =	ssyncadd.s32 $0xFFFFEC00;
	(pc) =	sbr.rel @!p0 .LBB2_8-.Ltmp5, $4  }
0xe9: {  	[spmem:s3] =	stream.indirect.scatter.add.f32 [tilespmem:s2], [sflag:$0xB], $0x40, s30, s22, $0xb8;
	[tilespmem:$0x172C0] =	vst v63  }
0xea: {  	_ =	swait.ge [sflag:s20], $0x1400  }
0xeb: {  	[sflag:s20] =	ssyncset.done $0x0  }
0xec: {  	[sflag:s20] =	ssyncadd.s32 $0xFFFFEC00  }
0xed: {  	_ =	swait.ge [sflag:s24], $0x50  }
0xee: {  	[sflag:s24] =	ssyncset.done $0x0  }
0xef: {  	[sflag:s24] =	ssyncadd.s32 $0xFFFFFFB0  }
0xf0: {  	_ =	swait.ge [sflag:s6], $0x1400  }
0xf1: {  	[sflag:s6] =	ssyncset.done $0x0  }
.Ltmp6:
0xf2: {  	[sflag:s6] =	ssyncadd.s32 $0xFFFFEC00;
	(pc) =	sbr.rel .LBB2_10-.Ltmp6, $4  }
0xf3: {  	[spmem:s3] =	stream.indirect.scatter.add.f32 [tilespmem:s7], [sflag:$0xB], $0x40, s0, s22, $0xb8;
	[tilespmem:$0x172C0] =	vst v63  }
0xf4: {  	_ =	swait.ge [sflag:s20], $0x1400  }
0xf5: {  	[sflag:s20] =	ssyncset.done $0x0  }
0xf6: {  	[sflag:s20] =	ssyncadd.s32 $0xFFFFEC00  }
.LBB2_8:
0xf7: {  	s5 =	sadd.s32 s23, s18  }
0xf8: {  	s31 =	sadd.s32 $0x46, s5  }
0xf9: {  	[tilespmem:s30], [sflag:$0x8] =	stream.linear.gather [hbm4b:s31+s4], $0x50, $0x38;
	[tilespmem:$0x172C0] =	vst v63  }
0xfa: {  	v2 =	vld [tilespmem:s28+$0xFFFFFF20];
	_ =	sdelay $0x4  }
0xfb: {  	v2 =	vshll.u32 v2, $0x1  }
0xfc: {  	v2 =	vor.u32 v0, v2  }
0xfd: {  	[tilespmem:$0x4EC0] =	vst v2  }
0xfe: {  	v2 =	vld [tilespmem:s28+$0xFFFFFF30];
	_ =	sdelay $0x4  }
0xff: {  	v2 =	vshll.u32 v2, $0x1  }
0x100: {  	v2 =	vor.u32 v0, v2  }
0x101: {  	[tilespmem:$0x4ED0] =	vst v2  }
0x102: {  	v2 =	vld [tilespmem:s28+$0xFFFFFF40];
	_ =	sdelay $0x4  }
0x103: {  	v2 =	vshll.u32 v2, $0x1  }
0x104: {  	v2 =	vor.u32 v0, v2  }
0x105: {  	[tilespmem:$0x4EE0] =	vst v2  }
0x106: {  	v2 =	vld [tilespmem:s28+$0xFFFFFF50];
	_ =	sdelay $0x4  }
0x107: {  	v2 =	vshll.u32 v2, $0x1  }
0x108: {  	v2 =	vor.u32 v0, v2  }
0x109: {  	[tilespmem:$0x4EF0] =	vst v2  }
0x10a: {  	v2 =	vld [tilespmem:s28+$0xFFFFFF60];
	_ =	sdelay $0x4  }
0x10b: {  	v2 =	vshll.u32 v2, $0x1  }
0x10c: {  	v2 =	vor.u32 v0, v2  }
0x10d: {  	s31 =	simm.s32 $0x4EC0;
	[tilespmem:$0x4F00] =	vst v2  }
0x10e: {  	[tilespmem:s2], [sflag:$0x3] =	stream.indirect.gather [hbm4b:s1+s22], $0x40, s31, s22, $0xb8;
	[tilespmem:$0x172C0] =	vst v63  }
0x10f: {  	_ =	swait.ge [sflag:s24], $0x50  }
0x110: {  	[sflag:s24] =	ssyncset.done $0x0  }
0x111: {  	[sflag:s24] =	ssyncadd.s32 $0xFFFFFFB0  }
0x112: {  	_ =	swait.ge [sflag:s6], $0x1400  }
0x113: {  	[sflag:s6] =	ssyncset.done $0x0  }
0x114: {  	[sflag:s6] =	ssyncadd.s32 $0xFFFFEC00  }
0x115: {  	[spmem:s3] =	stream.indirect.scatter.add.f32 [tilespmem:s7], [sflag:$0xB], $0x40, s0, s22, $0xb8;
	[tilespmem:$0x172C0] =	vst v63  }
0x116: {  	_ =	swait.ge [sflag:s20], $0x1400  }
0x117: {  	[sflag:s20] =	ssyncset.done $0x0  }
0x118: {  	s5 =	sadd.s32 $0x50, s5;
	[sflag:s20] =	ssyncadd.s32 $0xFFFFEC00  }
0x119: {  	[tilespmem:s0], [sflag:$0x9] =	stream.linear.gather [hbm4b:s5+s4], $0x50, $0x38;
	[tilespmem:$0x172C0] =	vst v63  }
0x11a: {  	v2 =	vld [tilespmem:s28+$0xFFFFFF70];
	_ =	sdelay $0x4  }
0x11b: {  	v2 =	vshll.u32 v2, $0x1  }
0x11c: {  	v2 =	vor.u32 v0, v2  }
0x11d: {  	[tilespmem:$0x4F10] =	vst v2  }
0x11e: {  	v2 =	vld [tilespmem:s28+$0xFFFFFF80];
	_ =	sdelay $0x4  }
0x11f: {  	v2 =	vshll.u32 v2, $0x1  }
0x120: {  	v2 =	vor.u32 v0, v2  }
0x121: {  	[tilespmem:$0x4F20] =	vst v2  }
0x122: {  	v2 =	vld [tilespmem:s28+$0xFFFFFF90];
	_ =	sdelay $0x4  }
0x123: {  	v2 =	vshll.u32 v2, $0x1  }
0x124: {  	v2 =	vor.u32 v0, v2  }
0x125: {  	[tilespmem:$0x4F30] =	vst v2  }
0x126: {  	v2 =	vld [tilespmem:s28+$0xFFFFFFA0];
	_ =	sdelay $0x4  }
0x127: {  	v2 =	vshll.u32 v2, $0x1  }
0x128: {  	v2 =	vor.u32 v0, v2  }
0x129: {  	[tilespmem:$0x4F40] =	vst v2  }
0x12a: {  	v2 =	vld [tilespmem:s28+$0xFFFFFFB0];
	_ =	sdelay $0x4  }
0x12b: {  	v2 =	vshll.u32 v2, $0x1  }
0x12c: {  	v2 =	vor.u32 v0, v2  }
0x12d: {  	s31 =	simm.s32 $0x4F10;
	[tilespmem:$0x4F50] =	vst v2  }
0x12e: {  	[tilespmem:s7], [sflag:$0x4] =	stream.indirect.gather [hbm4b:s1+s22], $0x40, s31, s22, $0xb8;
	[tilespmem:$0x172C0] =	vst v63  }
.LBB2_10:
0x12f: {  	_ =	swait.ge [sflag:s12], $0x50  }
0x130: {  	[sflag:s12] =	ssyncset.done $0x0  }
0x131: {  	[sflag:s12] =	ssyncadd.s32 $0xFFFFFFB0  }
0x132: {  	_ =	swait.ge [sflag:s19], $0x1400  }
0x133: {  	[sflag:s19] =	ssyncset.done $0x0  }
.Ltmp7:
0x134: {  	[sflag:s19] =	ssyncadd.s32 $0xFFFFEC00;
	(pc) =	sbr.rel @p0 .LBB2_12-.Ltmp7, $4  }
0x135: {  	[spmem:s3] =	stream.indirect.scatter.add.f32 [tilespmem:s10], [sflag:$0xB], $0x40, s8, s22, $0xb8;
	[tilespmem:$0x172C0] =	vst v63  }
0x136: {  	_ =	swait.ge [sflag:s20], $0x1400  }
0x137: {  	[sflag:s20] =	ssyncset.done $0x0  }
0x138: {  	[sflag:s20] =	ssyncadd.s32 $0xFFFFEC00  }
0x139: {  	s5 =	sadd.s32 s23, s18  }
0x13a: {  	s5 =	sadd.s32 $0x5A, s5  }
0x13b: {  	[tilespmem:s8], [sflag:$0xA] =	stream.linear.gather [hbm4b:s5+s4], $0x50, $0x38;
	[tilespmem:$0x172C0] =	vst v63  }
0x13c: {  	v2 =	vld [tilespmem:s28+$0xFFFFFFC0];
	_ =	sdelay $0x4  }
0x13d: {  	v2 =	vshll.u32 v2, $0x1  }
0x13e: {  	v2 =	vor.u32 v0, v2  }
0x13f: {  	[tilespmem:$0x4F60] =	vst v2  }
0x140: {  	v2 =	vld [tilespmem:s28+$0xFFFFFFD0];
	_ =	sdelay $0x4  }
0x141: {  	v2 =	vshll.u32 v2, $0x1  }
0x142: {  	v2 =	vor.u32 v0, v2  }
0x143: {  	[tilespmem:$0x4F70] =	vst v2  }
0x144: {  	v2 =	vld [tilespmem:s28+$0xFFFFFFE0];
	_ =	sdelay $0x4  }
0x145: {  	v2 =	vshll.u32 v2, $0x1  }
0x146: {  	v2 =	vor.u32 v0, v2  }
0x147: {  	[tilespmem:$0x4F80] =	vst v2  }
0x148: {  	v2 =	vld [tilespmem:s28+$0xFFFFFFF0];
	_ =	sdelay $0x4  }
0x149: {  	v2 =	vshll.u32 v2, $0x1  }
0x14a: {  	v2 =	vor.u32 v0, v2  }
0x14b: {  	[tilespmem:$0x4F90] =	vst v2  }
0x14c: {  	v2 =	vld [tilespmem:s28+$0x0];
	_ =	sdelay $0x3  }
.Ltmp8:
0x14d: {  	_ = 	snop;
	(pc) =	sbr.rel .LBB2_4-.Ltmp8, $4  }
0x14e: {  	v2 =	vshll.u32 v2, $0x1  }
0x14f: {  	v2 =	vor.u32 v0, v2  }
0x150: {  	s23 =	sadd.s32 $0x32, s23;
	s28 =	sadd.s32 $0x190, s28;
	[tilespmem:$0x4FA0] =	vst v2  }
0x151: {  	[tilespmem:s10], [sflag:$0x5] =	stream.indirect.gather [hbm4b:s1+s22], $0x40, s9, s22, $0xb8;
	[tilespmem:$0x172C0] =	vst v63  }
.LBB2_13:
0x152: {  	_ =	sfence.sel $0x180000  }
0x153: {  	[bflag:$0x0] =	sbarrier.arrive $0xFFFF  }
0x154: {  	_ =	strace $0x9000004A  }
0x155: {  	s0 =	stileid.u32;
	[bflag:$0x2] =	sbarrier.arrive $0xFFFF  }
0x156: {  	p0 =	sne.s32 s0, $0x0;
	s0 =	rddreg [dreg:$0x3]  }
0x157: {  	s0 =	sadd.s32 @!p0 $0x100000, s0  }
0x158: {  	[sflag:s0] =	ssyncadd.tile.s32 @!p0 $0x1;
	_ =	shalt  }
.Lfunc_end2:
_tile_overlayer_lowered:
.L_overlay_start_2:
0x159: {  	(tag) =	ssettag $0x2  }
0x15a: {  	s0 =	rddreg [dreg:$0x0];
	s2 =	stileid.u32  }
0x15b: {  	s1 =	rddreg [dreg:$0x1];
	p0 =	sne.s32 s2, $0x0  }
0x15c: {  	s3 =	rddreg [dreg:$0x2];
	[bflag:$0x3] =	sbarrier.arrive $0xFFFF;
	s2 =	simm.s32 @!p0 $0x1C0B  }
0x15d: {  	[timem:s3], [sflag:s2] =	dma.local @!p0 [hbm:s0], s1  }
0x15e: {  	s0 =	simm.s32 @!p0 $0xB  }
0x15f: {  	_ =	swait.ge @!p0 [sflag:s0], s1  }
0x160: {  	s1 =	ssub.s32 @!p0 $0x0, s1;
	[sflag:s0] =	ssyncset.done @!p0 $0x0  }
0x161: {  	[sflag:s0] =	ssyncadd.s32 @!p0 s1  }
0x162: {  	[bflag:$0x3] =	sbarrier.arrive $0xFFFF  }
0x163: {  	_ =	shalt  }

// kernel: kernel.14.cloned.1.call-start
scs
__scs_entry_jumppad:
0x0: {  	(pc) =	sbr.rel $0x88, $3  }
0x1: {  	(tag) =	ssettag $0x0;
	lr =	simm.s32 $0x1  }
0x2: {  	[smem:$0x3F92] =	sst lr;
	_ =	strace $0xD0000000  }
0x3: {  	_ = 	snop  }
0x4: {  	_ = 	snop  }
0x5: {  	_ = 	snop  }
0x6: {  	_ = 	snop  }
0x7: {  	_ = 	snop  }
__scs_overlays_trampoline_lowered:
0x8: {  	[smem:$0x3FA1] =	sst s0  }
0x9: {  	[smem:$0x3FA2] =	sst s1  }
0xa: {  	[smem:$0x3FA3] =	sst s2  }
0xb: {  	[smem:$0x3FA4] =	sst s3  }
0xc: {  	[smem:$0x3FA5] =	sst s4  }
0xd: {  	[smem:$0x3FA6] =	sst s5  }
0xe: {  	[smem:$0x3FA7] =	sst s6  }
0xf: {  	[smem:$0x3FA8] =	sst s7  }
0x10: {  	[smem:$0x3FA9] =	sst s8  }
0x11: {  	[smem:$0x3FAA] =	sst s9;
	s0 =	simm.s32 @!p0 $0x0  }
0x12: {  	s1 =	sld [smem:$0x3F90];
	s0 =	simm.s32 @p0 $0x1  }
0x13: {  	[smem:$0x3FAB] =	sst s0;
	s0 =	simm.s32 @!p1 $0x0  }
0x14: {  	s2 =	sld [smem:$0x3F8F];
	s0 =	simm.s32 @p1 $0x1  }
0x15: {  	[smem:$0x3FAC] =	sst s0;
	s0 =	simm.s32 @!p2 $0x0  }
0x16: {  	s3 =	sld [smem:$0x3FDB];
	s0 =	simm.s32 @p2 $0x1  }
0x17: {  	s4 =	simm.s32 $0x1BF5;
	[smem:$0x3FAE] =	sst s0  }
0x18: {  	s0 =	sld [smem:$0x3F91];
	_ =	swait.ge [sflag:s4], $0x0  }
0x19: {  	s7 =	sld [smem:$0x3F92]  }
0x1a: {  	s8 =	sadd.s32 $0xFFFFE003, lr  }
0x1b: {  	s9 =	sadd.s32 $0xFFFFFEF7, lr;
	s5 =	simm.s32 $0xFFFFFFFF;
	p2 =	slt.u32 s8, $0xFFFFF086  }
0x1c: {  	p1 =	slt.u32 s9, $0xF7A;
	s5 =	simm.s32 @!p2 $0x0  }
0x1d: {  	s5 =	simm.s32 @p1 $0x1;
	p0 =	seq.s32 s7, s2  }
0x1e: {  	s7 =	smul.u32 @!p0 $0xF7A, s2;
	p2 =	seq.s32 @!p0 s5, $0x0  }
0x1f: {  	s9 =	smul.u32 $0xF7A, s1;
	s8 =	simm.s32 @!p0 $0x1BF5;
	p2 =	por !p2, p0  }
0x20: {  	[sflag:s8] =	ssyncset.s32 @!p0 $0xFFFFF086;
	s6 =	sadd.s32 @!p0 s3, s7;
	s7 =	simm.s32 @!p0 $0x108  }
0x21: {  	s3 =	sadd.s32 s3, s9;
	s6 =	sadd.s32 @!p0 $0x88, s6;
	s7 =	simm.s32 @p2 $0x1082  }
0x22: {  	[simem:s7], [sflag:s8] =	dma.local @!p0 [hbm:s6], $0xF7A  }
0x23: {  	s9 =	sor.u32 $0xD0000000, s2;
	s6 =	simm.s32 $0x108;
	_ =	swait.ge @!p0 [sflag:s8], $0x0  }
0x24: {  	s3 =	sadd.s32 $0x88, s3;
	s6 =	simm.s32 @!p1 $0x1082;
	[sflag:s4] =	ssyncset.s32 $0xFFFFF086  }
0x25: {  	[simem:s6], [sflag:s4] =	dma.local [hbm:s3], $0xF7A  }
0x26: {  	[smem:$0x3F92] =	sst s1;
	(tag) =	ssettag s2;
	_ =	strace s9  }
0x27: {  	s1 =	sld [smem:$0x3FA2]  }
0x28: {  	s2 =	sld [smem:$0x3FA3]  }
0x29: {  	s4 =	sld [smem:$0x3FA5]  }
0x2a: {  	p0 =	seq.s32 s5, $0x0;
	s5 =	sld [smem:$0x3FA6]  }
0x2b: {  	s6 =	sld [smem:$0x3FA7]  }
0x2c: {  	s7 =	sld [smem:$0x3FA8]  }
0x2d: {  	s3 =	simm.s32 $0x108;
	s8 =	sld [smem:$0x3FA9]  }
0x2e: {  	s3 =	simm.s32 @!p0 $0x1082;
	s9 =	sld [smem:$0x3FAA]  }
0x2f: {  	lr =	sadd.s32 s0, s3;
	s0 =	sld [smem:$0x3FA1]  }
0x30: {  	s3 =	sld [smem:$0x3FA4]  }
0x31: {  	[smem:$0x3FAD] =	sst s10  }
0x32: {  	s10 =	sld [smem:$0x3FAB];
	_ =	sdelay $0x3  }
0x33: {  	p0 =	seq.s32 s10, $0x1;
	s10 =	sld [smem:$0x3FAD];
	_ =	sdelay $0x3  }
0x34: {  	[smem:$0x3FAD] =	sst s10  }
0x35: {  	s10 =	sld [smem:$0x3FAC];
	_ =	sdelay $0x3  }
0x36: {  	p1 =	seq.s32 s10, $0x1;
	s10 =	sld [smem:$0x3FAD];
	_ =	sdelay $0x3  }
0x37: {  	[smem:$0x3FAD] =	sst s10  }
0x38: {  	s10 =	sld [smem:$0x3FAE]  }
0x39: {  	_ = 	snop;
	(pc) =	sbr.ind lr, $3  }
0x3a: {  	_ = 	snop  }
0x3b: {  	_ = 	snop  }
0x3c: {  	p2 =	seq.s32 s10, $0x1;
	s10 =	sld [smem:$0x3FAD]  }
0x3d: {  	_ =	shalt  }
0x3e: {  	_ =	shalt  }
0x3f: {  	_ =	shalt  }
0x40: {  	_ =	shalt  }
0x41: {  	_ =	shalt  }
0x42: {  	_ =	shalt  }
0x43: {  	_ =	shalt  }
0x44: {  	_ =	shalt  }
0x45: {  	_ =	shalt  }
0x46: {  	_ =	shalt  }
0x47: {  	_ =	shalt  }
0x48: {  	_ =	shalt  }
0x49: {  	_ =	shalt  }
0x4a: {  	_ =	shalt  }
0x4b: {  	_ =	shalt  }
0x4c: {  	_ =	shalt  }
0x4d: {  	_ =	shalt  }
0x4e: {  	_ =	shalt  }
0x4f: {  	_ =	shalt  }
0x50: {  	_ =	shalt  }
0x51: {  	_ =	shalt  }
0x52: {  	_ =	shalt  }
0x53: {  	_ =	shalt  }
0x54: {  	_ =	shalt  }
0x55: {  	_ =	shalt  }
0x56: {  	_ =	shalt  }
0x57: {  	_ =	shalt  }
0x58: {  	_ =	shalt  }
0x59: {  	_ =	shalt  }
0x5a: {  	_ =	shalt  }
0x5b: {  	_ =	shalt  }
0x5c: {  	_ =	shalt  }
0x5d: {  	_ =	shalt  }
0x5e: {  	_ =	shalt  }
0x5f: {  	_ =	shalt  }
0x60: {  	_ =	shalt  }
0x61: {  	_ =	shalt  }
0x62: {  	_ =	shalt  }
0x63: {  	_ =	shalt  }
0x64: {  	_ =	shalt  }
0x65: {  	_ =	shalt  }
0x66: {  	_ =	shalt  }
0x67: {  	_ =	shalt  }
0x68: {  	_ =	shalt  }
0x69: {  	_ =	shalt  }
0x6a: {  	_ =	shalt  }
0x6b: {  	_ =	shalt  }
0x6c: {  	_ =	shalt  }
0x6d: {  	_ =	shalt  }
0x6e: {  	_ =	shalt  }
0x6f: {  	_ =	shalt  }
0x70: {  	_ =	shalt  }
0x71: {  	_ =	shalt  }
0x72: {  	_ =	shalt  }
0x73: {  	_ =	shalt  }
0x74: {  	_ =	shalt  }
0x75: {  	_ =	shalt  }
0x76: {  	_ =	shalt  }
0x77: {  	_ =	shalt  }
0x78: {  	_ =	shalt  }
0x79: {  	_ =	shalt  }
0x7a: {  	_ =	shalt  }
0x7b: {  	_ =	shalt  }
0x7c: {  	_ =	shalt  }
0x7d: {  	_ =	shalt  }
0x7e: {  	_ =	shalt  }
0x7f: {  	_ =	shalt  }
0x80: {  	_ =	shalt  }
0x81: {  	_ =	shalt  }
0x82: {  	_ =	shalt  }
0x83: {  	_ =	shalt  }
0x84: {  	_ =	shalt  }
0x85: {  	_ =	shalt  }
0x86: {  	_ =	shalt  }
0x87: {  	_ =	shalt  }
.Lfunc_end0:
.L_simem_size_0:
called_computation.2_lowered:
.L_overlay_start_0:
0x88: {  	s2 =	sld [smem:$0x3FD9]  }
0x89: {  	s3 =	sld [smem:$0x3FFE];
	_ =	sdelay $0x1  }
0x8a: {  	s1 =	srdreg.scid  }
0x8b: {  	s0 =	sand.u32 $0x1, s1  }
0x8c: {  	s17 =	sshll.u32 s0, $0xA;
	s2 =	sadd.s32 s3, s2  }
0x8d: {  	s2 =	sadd.s32 s2, s17  }
0x8e: {  	[smem:$0x3FB9] =	sst s2  }
0x8f: {  	_ = 	snop  }
0x90: {  	s2 =	sld [smem:$0x3FD0];
	(tm) =	ssettm $0x1  }
0x91: {  	s18 =	sld [smem:$0x3FFB];
	_ =	sdelay $0x3  }
0x92: {  	_ =	strace s18  }
0x93: {  	s3 =	sld [smem:$0x3FFC];
	_ =	sdelay $0x3  }
0x94: {  	_ =	strace s3  }
0x95: {  	s3 =	sld [smem:$0x3FFD];
	_ =	sdelay $0x3  }
0x96: {  	_ =	strace s3  }
0x97: {  	_ =	strace $0x8FFFFFFF  }
0x98: {  	s19 =	sld [smem:$0x3FDB];
	_ =	sdelay $0x1  }
0x99: {  	s4 =	simm.s32 $_scs_section_size  }
0x9a: {  	s5 =	simm.s32 $_size__tile_overlayer_lowered;
	s6 =	simm.s32 $_tile_overlayer_lowered  }
0x9b: {  	s22 =	simm.s32 $0x1BFF;
	s21 =	sshll.u32 s6, $0x1;
	s3 =	sadd.s32 s4, s19  }
0x9c: {  	s7 =	simm.s32 $0x0;
	s20 =	sshll.u32 s5, $0x1;
	s5 =	sadd.s32 s21, s3  }
0x9d: {  	[timem:s7], [sflag:s22] =	dma.local [hbm:s5], s20  }
0x9e: {  	_ =	swait.ge [sflag:s22], s20  }
0x9f: {  	s4 =	ssub.s32 $0x0, s20;
	[sflag:s22] =	ssyncset.done $0x0  }
0xa0: {  	[sflag:s22] =	ssyncadd.s32 s4;
	_ =	sdelay $0x1  }
0xa1: {  	s23 =	simm.s32 $0x1B8B  }
0xa2: {  	_ =	swait.ge [sflag:s23], $0x1  }
0xa3: {  	[sflag:s23] =	ssyncset.done $0x0  }
0xa4: {  	s25 =	simm.s32 $0x1B8E;
	s24 =	sld [smem:$0x3FFE];
	[sflag:s23] =	ssyncadd.s32 $0xFFFFFFFF  }
0xa5: {  	s26 =	simm.s32 $execute0_lowered;
	[smem:$0x3FD2] =	sst s25  }
0xa6: {  	s5 =	sshll.u32 s26, $0x1;
	_ =	strace $0x8000004C;
	[dreg:$0x1] =	wrdreg $0xFFFFFFFF  }
0xa7: {  	s28 =	simm.s32 $_size_execute0_lowered;
	s3 =	sadd.s32 s3, s5;
	[dreg:$0x0] =	wrdreg $0x0  }
0xa8: {  	s5 =	sshll.u32 s28, $0x1;
	[dreg:$0x2] =	wrdreg s3  }
0xa9: {  	[dreg:$0x3] =	wrdreg s5  }
0xaa: {  	[dreg:$0x4] =	wrdreg $0xC0  }
0xab: {  	_ =	task [dreg:s7], $0x5FFFF  }
0xac: {  	[dreg:$0x1] =	wrdreg $0xFFFFFFFF  }
0xad: {  	[dreg:$0x0] =	wrdreg $0x60  }
0xae: {  	[dreg:$0x2] =	wrdreg s2  }
0xaf: {  	[dreg:$0x3] =	wrdreg s24  }
0xb0: {  	[dreg:$0x4] =	wrdreg $0xD4800  }
0xb1: {  	[dreg:$0x5] =	wrdreg $0x9  }
0xb2: {  	_ =	task.clear_ibuf [dreg:s7], $0x6FFFF;
	_ =	strace $0x9000004C  }
0xb3: {  	s29 =	simm.s32 $0x9;
	_ =	strace $0x8000004E  }
0xb4: {  	_ =	swait.ge [sflag:s29], $0x1  }
0xb5: {  	[sflag:s29] =	ssyncadd.s32 $0xFFFFFFFF  }
0xb6: {  	_ =	strace $0x9000004E  }
0xb7: {  	_ =	sfence  }
0xb8: {  	s30 =	sld [smem:$0x0];
	_ =	sdelay $0x2  }
0xb9: {  	s31 =	sshll.u32 s1, $0xD;
	s1 =	sshrl.u32 s1, $0x2  }
0xba: {  	s3 =	sand.u32 $0x4000, s31;
	s1 =	sadd.s32 s1, s30  }
0xbb: {  	s0 =	sor.u32 s3, s0;
	s1 =	sshll.u32 s1, $0x11  }
0xbc: {  	s0 =	sor.u32 s1, s0  }
0xbd: {  	s0 =	sadd.s32 $0x8F2B, s0  }
0xbe: {  	[sflag:s0] =	ssyncadd.remote.s32 $0x1  }
0xbf: {  	_ =	sfence.sel $0xFFFF  }
0xc0: {  	[dreg:$0x0] =	wrdreg $0xFFFFFFFF;
	(pc) =	sbr.abs _section_cstart, $3  }
0xc1: {  	[dreg:$0x1] =	wrdreg $0xFFFFFFFF  }
0xc2: {  	_ =	task.clear_ibuf [dreg:s7], $0x2FFFF;
	_ =	strace $0x9FFFFFFF  }
0xc3: {  	(tm) =	ssettm $0x7FFFFFFF  }
tec
execute0_lowered:
.L_overlay_start_1:
0x0: {  	(tag) =	ssettag $0x1  }
0x1: {  	s1 =	rddreg [dreg:$0x0]  }
0x2: {  	s0 =	rddreg [dreg:$0x1]  }
0x3: {  	s11 =	stileid.u32;
	s2 =	srdreg.scid  }
0x4: {  	s3 =	rddreg [dreg:$0x2];
	s4 =	simm.s32 $0x0;
	s5 =	smul.u32 $0x4E20, s11  }
0x5: {  	s20 =	simm.s32 $0xB;
	s21 =	simm.s32 $0x4FB0;
	s6 =	smul.u32 $0x9C40, s11  }
0x6: {  	s29 =	simm.s32 $0x6540;
	s30 =	simm.s32 $0x5050;
	s14 =	smul.u32 $0x27100, s11  }
0x7: {  	s12 =	sand.u32 $0x1, s2;
	[smem:$0x7FF] =	sst s4;
	s23 =	smul.u32 $0x9C4, s11  }
0x8: {  	s10 =	sadd.s32 $0x3600, s0;
	s11 =	simm.s32 $0x6;
	s2 =	smul.u32 $0x9C400, s12  }
0x9: {  	_ =	strace $0x8000004D;
	s7 =	ssub.s32 $0x2, s12;
	v0 =	vmov s12;
	s12 =	simm.s32 $0xA  }
0xa: {  	s5 =	sshrl.u32 s5, $0x3;
	s9 =	sshrl.u32 s7, $0x1;
	s18 =	sshrl.u32 s14, $0x2  }
0xb: {  	s19 =	sadd.s32 s6, s3;
	s14 =	simm.s32 $0x7;
	s2 =	sadd.s32 s6, s2  }
0xc: {  	s8 =	sadd.s32 s5, s0;
	s31 =	ssub.s32 s7, s9;
	s13 =	sadd.s32 s10, s5  }
0xd: {  	s22 =	sadd.s32 s18, s3;
	s18 =	sadd.s32 s23, s10;
	[dreg:$0x5] =	wrdreg s13  }
0xe: {  	s10 =	simm.s32 $0xA140;
	s9 =	sadd.s32 $0xD400, s8;
	[dreg:$0xb] =	wrdreg s22  }
0xf: {  	s6 =	simm.s32 $0x4;
	s15 =	sadd.s32 $0xA, s13;
	[dreg:$0x4] =	wrdreg s9  }
0x10: {  	s23 =	simm.s32 $0x0;
	s16 =	sadd.s32 $0x14, s13;
	[dreg:$0x6] =	wrdreg s15  }
0x11: {  	s2 =	sshrl.u32 s2, $0x3;
	s17 =	sadd.s32 $0x1E, s13;
	[dreg:$0x7] =	wrdreg s16  }
0x12: {  	s7 =	sadd.s32 $0x28, s13;
	s24 =	sadd.s32 $0x1F40, s22;
	[dreg:$0x8] =	wrdreg s17  }
0x13: {  	s25 =	sadd.s32 $0x3E80, s22;
	s26 =	sadd.s32 $0x5DC0, s22;
	[dreg:$0x9] =	wrdreg s7  }
0x14: {  	s28 =	sadd.s32 $0x7D00, s22;
	s22 =	simm.s32 $0x50;
	[dreg:$0xd] =	wrdreg s24  }
0x15: {  	s8 =	simm.s32 $0x50F0;
	s13 =	simm.s32 $0x1;
	[dreg:$0xe] =	wrdreg s25  }
0x16: {  	s0 =	sadd.s32 s2, s0;
	s2 =	smax.u32 s31, $0x1;
	[dreg:$0xf] =	wrdreg s26  }
0x17: {  	[dreg:$0x10] =	wrdreg s28;
	s31 =	sshrl.u32 s19, $0x3;
	s25 =	simm.s32 $0x5140  }
.Ltmp0:
0x18: {  	s26 =	simm.s32 $0x5000;
	s7 =	simm.s32 $0x8D40;
	(pc) =	sbr.rel .LBB2_1-.Ltmp0, $4  }
0x19: {  	s9 =	simm.s32 $0x4F60;
	s15 =	simm.s32 $0x2;
	s16 =	simm.s32 $0x8  }
0x1a: {  	s17 =	simm.s32 $0x3;
	s24 =	simm.s32 $0x9;
	[dreg:$0xc] =	wrdreg s2  }
0x1b: {  	s19 =	simm.s32 $0x5;
	s0 =	sadd.s32 $0x17200, s0;
	[dreg:$0x11] =	wrdreg s31  }
0x1c: {  	v1 =	vimm.f32 $0.0e+00;
	s2 =	simm.s32 $0x7940;
	[dreg:$0xa] =	wrdreg s0;
	s0 =	simm.s32 $0x50A0  }
.LBB2_12:
0x1d: {  	s5 =	stileid.u32;
	[bflag:$0x0] =	sbarrier.arrive $0xFFFF  }
0x1e: {  	s5 =	sshll.u32 s5, $0x6;
	s23 =	rddreg [dreg:$0xa]  }
0x1f: {  	s28 =	rddreg [dreg:$0x11];
	s5 =	sor.u32 $0x1C0B, s5  }
0x20: {  	[hbm:s23], [sflag:s5] =	dma.local [spmem:s28], $0x1388  }
0x21: {  	_ =	swait.ge [sflag:s20], $0x1388  }
0x22: {  	s28 =	rddreg [dreg:$0x12]  }
0x23: {  	s31 =	rddreg [dreg:$0xc];
	s23 =	sadd.s32 $0x1, s28  }
0x24: {  	p0 =	sne.s32 s23, s31  }
.Ltmp1:
0x25: {  	_ = 	snop;
	(pc) =	sbr.rel @!p0 .LBB2_13-.Ltmp1, $3  }
0x26: {  	_ =	sdelay $0x1  }
0x27: {  	[sflag:s20] =	ssyncset.done $0x0  }
0x28: {  	[sflag:s20] =	ssyncadd.s32 $0xFFFFEC78  }
.LBB2_1:
0x29: {  	[dreg:$0x12] =	wrdreg s23;
	s28 =	simm.s32 $0x100;
	s23 =	simm.s32 $0x0  }
.LBB2_2:
0x2a: {  	p0 =	sne.s32 s28, $0x7C00;
	[tilespmem:s23+$0xB570] =	vst v1;
	s31 =	smov.u32 s28;
	s28 =	sadd.s32 $0x100, s28  }
.Ltmp2:
0x2b: {  	[tilespmem:s23+$0xB560] =	vst v1;
	(pc) =	sbr.rel @p0 .LBB2_2-.Ltmp2, $3  }
0x2c: {  	[tilespmem:s23+$0xB540] =	vst v1  }
0x2d: {  	[tilespmem:s23+$0xB550] =	vst v1;
	_ =	sdelay $0x1  }
0x2e: {  	s23 =	sshra.s32 s31, $0x2  }
0x2f: {  	[tilespmem:s23+$0xB570] =	vst v1  }
0x30: {  	[tilespmem:s23+$0xB560] =	vst v1  }
0x31: {  	[tilespmem:s23+$0xB540] =	vst v1  }
0x32: {  	[tilespmem:s23+$0xB550] =	vst v1;
	s5 =	rddreg [dreg:$0xb];
	s23 =	simm.s32 $0xB540  }
0x33: {  	[spmem:s5] =	stream.linear.scatter [tilespmem:s23], [sflag:$0xB], $0x1F40, $0x38;
	[tilespmem:$0x172C0] =	vst v63  }
0x34: {  	_ =	swait.ge [sflag:s20], $0x1F40  }
0x35: {  	[sflag:s20] =	ssyncset.done $0x0  }
0x36: {  	s31 =	rddreg [dreg:$0xd];
	[sflag:s20] =	ssyncadd.s32 $0xFFFFE0C0  }
0x37: {  	[spmem:s31] =	stream.linear.scatter [tilespmem:s23], [sflag:$0xB], $0x1F40, $0x38;
	[tilespmem:$0x172C0] =	vst v63  }
0x38: {  	_ =	swait.ge [sflag:s20], $0x1F40  }
0x39: {  	[sflag:s20] =	ssyncset.done $0x0  }
0x3a: {  	s31 =	rddreg [dreg:$0xe];
	[sflag:s20] =	ssyncadd.s32 $0xFFFFE0C0  }
0x3b: {  	[spmem:s31] =	stream.linear.scatter [tilespmem:s23], [sflag:$0xB], $0x1F40, $0x38;
	[tilespmem:$0x172C0] =	vst v63  }
0x3c: {  	_ =	swait.ge [sflag:s20], $0x1F40  }
0x3d: {  	[sflag:s20] =	ssyncset.done $0x0  }
0x3e: {  	s31 =	rddreg [dreg:$0xf];
	[sflag:s20] =	ssyncadd.s32 $0xFFFFE0C0  }
0x3f: {  	[spmem:s31] =	stream.linear.scatter [tilespmem:s23], [sflag:$0xB], $0x1F40, $0x38;
	[tilespmem:$0x172C0] =	vst v63  }
0x40: {  	_ =	swait.ge [sflag:s20], $0x1F40  }
0x41: {  	[sflag:s20] =	ssyncset.done $0x0  }
0x42: {  	s31 =	rddreg [dreg:$0x10];
	[sflag:s20] =	ssyncadd.s32 $0xFFFFE0C0  }
0x43: {  	[spmem:s31] =	stream.linear.scatter [tilespmem:s23], [sflag:$0xB], $0x1F40, $0x38;
	[tilespmem:$0x172C0] =	vst v63  }
0x44: {  	_ =	swait.ge [sflag:s20], $0x1F40  }
0x45: {  	[sflag:s20] =	ssyncset.done $0x0  }
0x46: {  	s23 =	simm.s32 $0x0;
	s31 =	rddreg [dreg:$0x4];
	[sflag:s20] =	ssyncadd.s32 $0xFFFFE0C0  }
0x47: {  	[tilespmem:s23], [sflag:$0xB] =	stream.linear.gather [hbm4b:s31+s23], $0x4E20, $0x38;
	[tilespmem:$0x172C0] =	vst v63  }
0x48: {  	_ =	swait.ge [sflag:s20], $0x4E20  }
0x49: {  	[sflag:s20] =	ssyncset.done $0x0  }
0x4a: {  	[sflag:s20] =	ssyncadd.s32 $0xFFFFB1E0  }
0x4b: {  	[bflag:$0x0] =	sbarrier.arrive $0xFFFF  }
0x4c: {  	s31 =	rddreg [dreg:$0x5]  }
0x4d: {  	[tilespmem:s21], [sflag:$0x6] =	stream.linear.gather [hbm4b:s31+s23], $0x50, $0x38;
	[tilespmem:$0x172C0] =	vst v63  }
0x4e: {  	v2 =	vld [tilespmem:$0x0]  }
0x4f: {  	v3 =	vld [tilespmem:$0x10]  }
0x50: {  	v4 =	vld [tilespmem:$0x20]  }
0x51: {  	v5 =	vld [tilespmem:$0x30]  }
0x52: {  	v6 =	vld [tilespmem:$0x40]  }
0x53: {  	v2 =	vshll.u32 v2, $0x1  }
0x54: {  	v3 =	vshll.u32 v3, $0x1;
	v2 =	vor.u32 v0, v2  }
0x55: {  	[tilespmem:$0x4E20] =	vst v2;
	v2 =	vor.u32 v0, v3;
	v3 =	vshll.u32 v4, $0x1  }
0x56: {  	[tilespmem:$0x4E30] =	vst v2;
	v2 =	vor.u32 v0, v3;
	v3 =	vshll.u32 v5, $0x1  }
0x57: {  	[tilespmem:$0x4E40] =	vst v2;
	v2 =	vor.u32 v0, v3;
	v3 =	vshll.u32 v6, $0x1  }
0x58: {  	[tilespmem:$0x4E50] =	vst v2;
	v2 =	vor.u32 v0, v3  }
0x59: {  	s31 =	simm.s32 $0x4E20;
	[tilespmem:$0x4E60] =	vst v2  }
0x5a: {  	[tilespmem:s25], [sflag:$0x1] =	stream.indirect.gather [hbm4b:s1+s22], $0x40, s31, s22, $0xb8;
	[tilespmem:$0x172C0] =	vst v63  }
0x5b: {  	s31 =	rddreg [dreg:$0x6]  }
0x5c: {  	[tilespmem:s26], [sflag:$0x7] =	stream.linear.gather [hbm4b:s31+s23], $0x50, $0x38;
	[tilespmem:$0x172C0] =	vst v63  }
0x5d: {  	v2 =	vld [tilespmem:$0x50]  }
0x5e: {  	v3 =	vld [tilespmem:$0x60]  }
0x5f: {  	v52 =	vld [tilespmem:$0x70]  }
0x60: {  	v53 =	vld [tilespmem:$0x80]  }
0x61: {  	v54 =	vld [tilespmem:$0x90]  }
0x62: {  	v2 =	vshll.u32 v2, $0x1  }
0x63: {  	v3 =	vshll.u32 v3, $0x1;
	v2 =	vor.u32 v0, v2  }
0x64: {  	[tilespmem:$0x4E70] =	vst v2;
	v2 =	vor.u32 v0, v3;
	v3 =	vshll.u32 v52, $0x1  }
0x65: {  	[tilespmem:$0x4E80] =	vst v2;
	v2 =	vor.u32 v0, v3;
	v3 =	vshll.u32 v53, $0x1  }
0x66: {  	[tilespmem:$0x4E90] =	vst v2;
	v2 =	vor.u32 v0, v3;
	v3 =	vshll.u32 v54, $0x1  }
0x67: {  	[tilespmem:$0x4EA0] =	vst v2;
	v2 =	vor.u32 v0, v3  }
0x68: {  	s31 =	simm.s32 $0x4E70;
	[tilespmem:$0x4EB0] =	vst v2  }
0x69: {  	[tilespmem:s29], [sflag:$0x2] =	stream.indirect.gather [hbm4b:s1+s22], $0x40, s31, s22, $0xb8;
	[tilespmem:$0x172C0] =	vst v63  }
0x6a: {  	s31 =	rddreg [dreg:$0x7]  }
0x6b: {  	[tilespmem:s30], [sflag:$0x8] =	stream.linear.gather [hbm4b:s31+s23], $0x50, $0x38;
	[tilespmem:$0x172C0] =	vst v63  }
0x6c: {  	v2 =	vld [tilespmem:$0xA0]  }
0x6d: {  	v3 =	vld [tilespmem:$0xB0]  }
0x6e: {  	v55 =	vld [tilespmem:$0xC0]  }
0x6f: {  	v56 =	vld [tilespmem:$0xD0]  }
0x70: {  	v57 =	vld [tilespmem:$0xE0]  }
0x71: {  	v2 =	vshll.u32 v2, $0x1  }
0x72: {  	v3 =	vshll.u32 v3, $0x1;
	v2 =	vor.u32 v0, v2  }
0x73: {  	[tilespmem:$0x4EC0] =	vst v2;
	v2 =	vor.u32 v0, v3;
	v3 =	vshll.u32 v55, $0x1  }
0x74: {  	[tilespmem:$0x4ED0] =	vst v2;
	v2 =	vor.u32 v0, v3;
	v3 =	vshll.u32 v56, $0x1  }
0x75: {  	[tilespmem:$0x4EE0] =	vst v2;
	v2 =	vor.u32 v0, v3;
	v3 =	vshll.u32 v57, $0x1  }
0x76: {  	[tilespmem:$0x4EF0] =	vst v2;
	v2 =	vor.u32 v0, v3  }
0x77: {  	s31 =	simm.s32 $0x4EC0;
	[tilespmem:$0x4F00] =	vst v2  }
0x78: {  	[tilespmem:s2], [sflag:$0x3] =	stream.indirect.gather [hbm4b:s1+s22], $0x40, s31, s22, $0xb8;
	[tilespmem:$0x172C0] =	vst v63  }
0x79: {  	s31 =	rddreg [dreg:$0x8]  }
0x7a: {  	[tilespmem:s0], [sflag:$0x9] =	stream.linear.gather [hbm4b:s31+s23], $0x50, $0x38;
	[tilespmem:$0x172C0] =	vst v63  }
0x7b: {  	v2 =	vld [tilespmem:$0xF0]  }
0x7c: {  	v3 =	vld [tilespmem:$0x100]  }
0x7d: {  	v58 =	vld [tilespmem:$0x110]  }
0x7e: {  	v59 =	vld [tilespmem:$0x120]  }
0x7f: {  	v60 =	vld [tilespmem:$0x130]  }
0x80: {  	v2 =	vshll.u32 v2, $0x1  }
0x81: {  	v3 =	vshll.u32 v3, $0x1;
	v2 =	vor.u32 v0, v2  }
0x82: {  	[tilespmem:$0x4F10] =	vst v2;
	v2 =	vor.u32 v0, v3;
	v3 =	vshll.u32 v58, $0x1  }
0x83: {  	[tilespmem:$0x4F20] =	vst v2;
	v2 =	vor.u32 v0, v3;
	v3 =	vshll.u32 v59, $0x1  }
0x84: {  	[tilespmem:$0x4F30] =	vst v2;
	v2 =	vor.u32 v0, v3;
	v3 =	vshll.u32 v60, $0x1  }
0x85: {  	[tilespmem:$0x4F40] =	vst v2;
	v2 =	vor.u32 v0, v3  }
0x86: {  	s31 =	simm.s32 $0x4F10;
	[tilespmem:$0x4F50] =	vst v2  }
0x87: {  	[tilespmem:s7], [sflag:$0x4] =	stream.indirect.gather [hbm4b:s1+s22], $0x40, s31, s22, $0xb8;
	[tilespmem:$0x172C0] =	vst v63  }
0x88: {  	s31 =	rddreg [dreg:$0x9]  }
0x89: {  	[tilespmem:s8], [sflag:$0xA] =	stream.linear.gather [hbm4b:s31+s23], $0x50, $0x38;
	[tilespmem:$0x172C0] =	vst v63  }
0x8a: {  	v2 =	vld [tilespmem:$0x140]  }
0x8b: {  	v3 =	vld [tilespmem:$0x150]  }
0x8c: {  	v61 =	vld [tilespmem:$0x160]  }
0x8d: {  	v62 =	vld [tilespmem:$0x170]  }
0x8e: {  	v63 =	vld [tilespmem:$0x180]  }
0x8f: {  	v2 =	vshll.u32 v2, $0x1  }
0x90: {  	v3 =	vshll.u32 v3, $0x1;
	v2 =	vor.u32 v0, v2  }
0x91: {  	[tilespmem:$0x4F60] =	vst v2;
	v2 =	vor.u32 v0, v3;
	v3 =	vshll.u32 v61, $0x1  }
0x92: {  	[tilespmem:$0x4F70] =	vst v2;
	v2 =	vor.u32 v0, v3;
	v3 =	vshll.u32 v62, $0x1  }
0x93: {  	[tilespmem:$0x4F80] =	vst v2;
	v2 =	vor.u32 v0, v3;
	v3 =	vshll.u32 v63, $0x1  }
0x94: {  	[tilespmem:$0x4F90] =	vst v2;
	v2 =	vor.u32 v0, v3  }
0x95: {  	s28 =	simm.s32 $0x310;
	[tilespmem:$0x4FA0] =	vst v2  }
0x96: {  	[tilespmem:s10], [sflag:$0x5] =	stream.indirect.gather [hbm4b:s1+s22], $0x40, s9, s22, $0xb8;
	[tilespmem:$0x172C0] =	vst v63  }
.LBB2_4:
0x97: {  	_ =	swait.ge [sflag:s11], $0x50  }
0x98: {  	[sflag:s11] =	ssyncset.done $0x0  }
0x99: {  	[sflag:s11] =	ssyncadd.s32 $0xFFFFFFB0  }
0x9a: {  	_ =	swait.ge [sflag:s13], $0x1400  }
0x9b: {  	p0 =	seq.s32 s23, $0x992;
	[sflag:s13] =	ssyncset.done $0x0  }
.Ltmp3:
0x9c: {  	[sflag:s13] =	ssyncadd.s32 $0xFFFFEC00;
	(pc) =	sbr.rel @!p0 .LBB2_5-.Ltmp3, $4  }
0x9d: {  	[spmem:s3] =	stream.indirect.scatter.add.f32 [tilespmem:s25], [sflag:$0xB], $0x40, s21, s22, $0xb8;
	[tilespmem:$0x172C0] =	vst v63  }
0x9e: {  	_ =	swait.ge [sflag:s20], $0x1400  }
0x9f: {  	[sflag:s20] =	ssyncset.done $0x0  }
0xa0: {  	[sflag:s20] =	ssyncadd.s32 $0xFFFFEC00  }
0xa1: {  	_ =	swait.ge [sflag:s14], $0x50  }
0xa2: {  	[sflag:s14] =	ssyncset.done $0x0  }
0xa3: {  	[sflag:s14] =	ssyncadd.s32 $0xFFFFFFB0  }
0xa4: {  	_ =	swait.ge [sflag:s15], $0x1400  }
0xa5: {  	[sflag:s15] =	ssyncset.done $0x0  }
.Ltmp4:
0xa6: {  	[sflag:s15] =	ssyncadd.s32 $0xFFFFEC00;
	(pc) =	sbr.rel .LBB2_7-.Ltmp4, $4  }
0xa7: {  	[spmem:s3] =	stream.indirect.scatter.add.f32 [tilespmem:s29], [sflag:$0xB], $0x40, s26, s22, $0xb8;
	[tilespmem:$0x172C0] =	vst v63  }
0xa8: {  	_ =	swait.ge [sflag:s20], $0x1400  }
0xa9: {  	[sflag:s20] =	ssyncset.done $0x0  }
0xaa: {  	[sflag:s20] =	ssyncadd.s32 $0xFFFFEC00  }
.LBB2_5:
0xab: {  	s31 =	sadd.s32 s23, s18  }
0xac: {  	s5 =	sadd.s32 $0x32, s31  }
0xad: {  	[tilespmem:s21], [sflag:$0x6] =	stream.linear.gather [hbm4b:s5+s4], $0x50, $0x38;
	[tilespmem:$0x172C0] =	vst v63  }
0xae: {  	v2 =	vld [tilespmem:s28+$0xFFFFFE80];
	_ =	sdelay $0x4  }
0xaf: {  	v2 =	vshll.u32 v2, $0x1  }
0xb0: {  	v2 =	vor.u32 v0, v2  }
0xb1: {  	[tilespmem:$0x4E20] =	vst v2  }
0xb2: {  	v2 =	vld [tilespmem:s28+$0xFFFFFE90];
	_ =	sdelay $0x4  }
0xb3: {  	v2 =	vshll.u32 v2, $0x1  }
0xb4: {  	v2 =	vor.u32 v0, v2  }
0xb5: {  	[tilespmem:$0x4E30] =	vst v2  }
0xb6: {  	v2 =	vld [tilespmem:s28+$0xFFFFFEA0];
	_ =	sdelay $0x4  }
0xb7: {  	v2 =	vshll.u32 v2, $0x1  }
0xb8: {  	v2 =	vor.u32 v0, v2  }
0xb9: {  	[tilespmem:$0x4E40] =	vst v2  }
0xba: {  	v2 =	vld [tilespmem:s28+$0xFFFFFEB0];
	_ =	sdelay $0x4  }
0xbb: {  	v2 =	vshll.u32 v2, $0x1  }
0xbc: {  	v2 =	vor.u32 v0, v2  }
0xbd: {  	[tilespmem:$0x4E50] =	vst v2  }
0xbe: {  	v2 =	vld [tilespmem:s28+$0xFFFFFEC0];
	_ =	sdelay $0x4  }
0xbf: {  	v2 =	vshll.u32 v2, $0x1  }
0xc0: {  	v2 =	vor.u32 v0, v2  }
0xc1: {  	s5 =	simm.s32 $0x4E20;
	[tilespmem:$0x4E60] =	vst v2  }
0xc2: {  	[tilespmem:s25], [sflag:$0x1] =	stream.indirect.gather [hbm4b:s1+s22], $0x40, s5, s22, $0xb8;
	[tilespmem:$0x172C0] =	vst v63  }
0xc3: {  	_ =	swait.ge [sflag:s14], $0x50  }
0xc4: {  	[sflag:s14] =	ssyncset.done $0x0  }
0xc5: {  	[sflag:s14] =	ssyncadd.s32 $0xFFFFFFB0  }
0xc6: {  	_ =	swait.ge [sflag:s15], $0x1400  }
0xc7: {  	[sflag:s15] =	ssyncset.done $0x0  }
0xc8: {  	[sflag:s15] =	ssyncadd.s32 $0xFFFFEC00  }
0xc9: {  	[spmem:s3] =	stream.indirect.scatter.add.f32 [tilespmem:s29], [sflag:$0xB], $0x40, s26, s22, $0xb8;
	[tilespmem:$0x172C0] =	vst v63  }
0xca: {  	_ =	swait.ge [sflag:s20], $0x1400  }
0xcb: {  	[sflag:s20] =	ssyncset.done $0x0  }
0xcc: {  	s31 =	sadd.s32 $0x3C, s31;
	[sflag:s20] =	ssyncadd.s32 $0xFFFFEC00  }
0xcd: {  	[tilespmem:s26], [sflag:$0x7] =	stream.linear.gather [hbm4b:s31+s4], $0x50, $0x38;
	[tilespmem:$0x172C0] =	vst v63  }
0xce: {  	v2 =	vld [tilespmem:s28+$0xFFFFFED0];
	_ =	sdelay $0x4  }
0xcf: {  	v2 =	vshll.u32 v2, $0x1  }
0xd0: {  	v2 =	vor.u32 v0, v2  }
0xd1: {  	[tilespmem:$0x4E70] =	vst v2  }
0xd2: {  	v2 =	vld [tilespmem:s28+$0xFFFFFEE0];
	_ =	sdelay $0x4  }
0xd3: {  	v2 =	vshll.u32 v2, $0x1  }
0xd4: {  	v2 =	vor.u32 v0, v2  }
0xd5: {  	[tilespmem:$0x4E80] =	vst v2  }
0xd6: {  	v2 =	vld [tilespmem:s28+$0xFFFFFEF0];
	_ =	sdelay $0x4  }
0xd7: {  	v2 =	vshll.u32 v2, $0x1  }
0xd8: {  	v2 =	vor.u32 v0, v2  }
0xd9: {  	[tilespmem:$0x4E90] =	vst v2  }
0xda: {  	v2 =	vld [tilespmem:s28+$0xFFFFFF00];
	_ =	sdelay $0x4  }
0xdb: {  	v2 =	vshll.u32 v2, $0x1  }
0xdc: {  	v2 =	vor.u32 v0, v2  }
0xdd: {  	[tilespmem:$0x4EA0] =	vst v2  }
0xde: {  	v2 =	vld [tilespmem:s28+$0xFFFFFF10];
	_ =	sdelay $0x4  }
0xdf: {  	v2 =	vshll.u32 v2, $0x1  }
0xe0: {  	v2 =	vor.u32 v0, v2  }
0xe1: {  	s31 =	simm.s32 $0x4E70;
	[tilespmem:$0x4EB0] =	vst v2  }
0xe2: {  	[tilespmem:s29], [sflag:$0x2] =	stream.indirect.gather [hbm4b:s1+s22], $0x40, s31, s22, $0xb8;
	[tilespmem:$0x172C0] =	vst v63  }
.LBB2_7:
0xe3: {  	_ =	swait.ge [sflag:s16], $0x50  }
0xe4: {  	[sflag:s16] =	ssyncset.done $0x0  }
0xe5: {  	[sflag:s16] =	ssyncadd.s32 $0xFFFFFFB0  }
0xe6: {  	_ =	swait.ge [sflag:s17], $0x1400  }
0xe7: {  	[sflag:s17] =	ssyncset.done $0x0  }
.Ltmp5:
0xe8: {  	[sflag:s17] =	ssyncadd.s32 $0xFFFFEC00;
	(pc) =	sbr.rel @!p0 .LBB2_8-.Ltmp5, $4  }
0xe9: {  	[spmem:s3] =	stream.indirect.scatter.add.f32 [tilespmem:s2], [sflag:$0xB], $0x40, s30, s22, $0xb8;
	[tilespmem:$0x172C0] =	vst v63  }
0xea: {  	_ =	swait.ge [sflag:s20], $0x1400  }
0xeb: {  	[sflag:s20] =	ssyncset.done $0x0  }
0xec: {  	[sflag:s20] =	ssyncadd.s32 $0xFFFFEC00  }
0xed: {  	_ =	swait.ge [sflag:s24], $0x50  }
0xee: {  	[sflag:s24] =	ssyncset.done $0x0  }
0xef: {  	[sflag:s24] =	ssyncadd.s32 $0xFFFFFFB0  }
0xf0: {  	_ =	swait.ge [sflag:s6], $0x1400  }
0xf1: {  	[sflag:s6] =	ssyncset.done $0x0  }
.Ltmp6:
0xf2: {  	[sflag:s6] =	ssyncadd.s32 $0xFFFFEC00;
	(pc) =	sbr.rel .LBB2_10-.Ltmp6, $4  }
0xf3: {  	[spmem:s3] =	stream.indirect.scatter.add.f32 [tilespmem:s7], [sflag:$0xB], $0x40, s0, s22, $0xb8;
	[tilespmem:$0x172C0] =	vst v63  }
0xf4: {  	_ =	swait.ge [sflag:s20], $0x1400  }
0xf5: {  	[sflag:s20] =	ssyncset.done $0x0  }
0xf6: {  	[sflag:s20] =	ssyncadd.s32 $0xFFFFEC00  }
.LBB2_8:
0xf7: {  	s5 =	sadd.s32 s23, s18  }
0xf8: {  	s31 =	sadd.s32 $0x46, s5  }
0xf9: {  	[tilespmem:s30], [sflag:$0x8] =	stream.linear.gather [hbm4b:s31+s4], $0x50, $0x38;
	[tilespmem:$0x172C0] =	vst v63  }
0xfa: {  	v2 =	vld [tilespmem:s28+$0xFFFFFF20];
	_ =	sdelay $0x4  }
0xfb: {  	v2 =	vshll.u32 v2, $0x1  }
0xfc: {  	v2 =	vor.u32 v0, v2  }
0xfd: {  	[tilespmem:$0x4EC0] =	vst v2  }
0xfe: {  	v2 =	vld [tilespmem:s28+$0xFFFFFF30];
	_ =	sdelay $0x4  }
0xff: {  	v2 =	vshll.u32 v2, $0x1  }
0x100: {  	v2 =	vor.u32 v0, v2  }
0x101: {  	[tilespmem:$0x4ED0] =	vst v2  }
0x102: {  	v2 =	vld [tilespmem:s28+$0xFFFFFF40];
	_ =	sdelay $0x4  }
0x103: {  	v2 =	vshll.u32 v2, $0x1  }
0x104: {  	v2 =	vor.u32 v0, v2  }
0x105: {  	[tilespmem:$0x4EE0] =	vst v2  }
0x106: {  	v2 =	vld [tilespmem:s28+$0xFFFFFF50];
	_ =	sdelay $0x4  }
0x107: {  	v2 =	vshll.u32 v2, $0x1  }
0x108: {  	v2 =	vor.u32 v0, v2  }
0x109: {  	[tilespmem:$0x4EF0] =	vst v2  }
0x10a: {  	v2 =	vld [tilespmem:s28+$0xFFFFFF60];
	_ =	sdelay $0x4  }
0x10b: {  	v2 =	vshll.u32 v2, $0x1  }
0x10c: {  	v2 =	vor.u32 v0, v2  }
0x10d: {  	s31 =	simm.s32 $0x4EC0;
	[tilespmem:$0x4F00] =	vst v2  }
0x10e: {  	[tilespmem:s2], [sflag:$0x3] =	stream.indirect.gather [hbm4b:s1+s22], $0x40, s31, s22, $0xb8;
	[tilespmem:$0x172C0] =	vst v63  }
0x10f: {  	_ =	swait.ge [sflag:s24], $0x50  }
0x110: {  	[sflag:s24] =	ssyncset.done $0x0  }
0x111: {  	[sflag:s24] =	ssyncadd.s32 $0xFFFFFFB0  }
0x112: {  	_ =	swait.ge [sflag:s6], $0x1400  }
0x113: {  	[sflag:s6] =	ssyncset.done $0x0  }
0x114: {  	[sflag:s6] =	ssyncadd.s32 $0xFFFFEC00  }
0x115: {  	[spmem:s3] =	stream.indirect.scatter.add.f32 [tilespmem:s7], [sflag:$0xB], $0x40, s0, s22, $0xb8;
	[tilespmem:$0x172C0] =	vst v63  }
0x116: {  	_ =	swait.ge [sflag:s20], $0x1400  }
0x117: {  	[sflag:s20] =	ssyncset.done $0x0  }
0x118: {  	s5 =	sadd.s32 $0x50, s5;
	[sflag:s20] =	ssyncadd.s32 $0xFFFFEC00  }
0x119: {  	[tilespmem:s0], [sflag:$0x9] =	stream.linear.gather [hbm4b:s5+s4], $0x50, $0x38;
	[tilespmem:$0x172C0] =	vst v63  }
0x11a: {  	v2 =	vld [tilespmem:s28+$0xFFFFFF70];
	_ =	sdelay $0x4  }
0x11b: {  	v2 =	vshll.u32 v2, $0x1  }
0x11c: {  	v2 =	vor.u32 v0, v2  }
0x11d: {  	[tilespmem:$0x4F10] =	vst v2  }
0x11e: {  	v2 =	vld [tilespmem:s28+$0xFFFFFF80];
	_ =	sdelay $0x4  }
0x11f: {  	v2 =	vshll.u32 v2, $0x1  }
0x120: {  	v2 =	vor.u32 v0, v2  }
0x121: {  	[tilespmem:$0x4F20] =	vst v2  }
0x122: {  	v2 =	vld [tilespmem:s28+$0xFFFFFF90];
	_ =	sdelay $0x4  }
0x123: {  	v2 =	vshll.u32 v2, $0x1  }
0x124: {  	v2 =	vor.u32 v0, v2  }
0x125: {  	[tilespmem:$0x4F30] =	vst v2  }
0x126: {  	v2 =	vld [tilespmem:s28+$0xFFFFFFA0];
	_ =	sdelay $0x4  }
0x127: {  	v2 =	vshll.u32 v2, $0x1  }
0x128: {  	v2 =	vor.u32 v0, v2  }
0x129: {  	[tilespmem:$0x4F40] =	vst v2  }
0x12a: {  	v2 =	vld [tilespmem:s28+$0xFFFFFFB0];
	_ =	sdelay $0x4  }
0x12b: {  	v2 =	vshll.u32 v2, $0x1  }
0x12c: {  	v2 =	vor.u32 v0, v2  }
0x12d: {  	s31 =	simm.s32 $0x4F10;
	[tilespmem:$0x4F50] =	vst v2  }
0x12e: {  	[tilespmem:s7], [sflag:$0x4] =	stream.indirect.gather [hbm4b:s1+s22], $0x40, s31, s22, $0xb8;
	[tilespmem:$0x172C0] =	vst v63  }
.LBB2_10:
0x12f: {  	_ =	swait.ge [sflag:s12], $0x50  }
0x130: {  	[sflag:s12] =	ssyncset.done $0x0  }
0x131: {  	[sflag:s12] =	ssyncadd.s32 $0xFFFFFFB0  }
0x132: {  	_ =	swait.ge [sflag:s19], $0x1400  }
0x133: {  	[sflag:s19] =	ssyncset.done $0x0  }
.Ltmp7:
0x134: {  	[sflag:s19] =	ssyncadd.s32 $0xFFFFEC00;
	(pc) =	sbr.rel @p0 .LBB2_12-.Ltmp7, $4  }
0x135: {  	[spmem:s3] =	stream.indirect.scatter.add.f32 [tilespmem:s10], [sflag:$0xB], $0x40, s8, s22, $0xb8;
	[tilespmem:$0x172C0] =	vst v63  }
0x136: {  	_ =	swait.ge [sflag:s20], $0x1400  }
0x137: {  	[sflag:s20] =	ssyncset.done $0x0  }
0x138: {  	[sflag:s20] =	ssyncadd.s32 $0xFFFFEC00  }
0x139: {  	s5 =	sadd.s32 s23, s18  }
0x13a: {  	s5 =	sadd.s32 $0x5A, s5  }
0x13b: {  	[tilespmem:s8], [sflag:$0xA] =	stream.linear.gather [hbm4b:s5+s4], $0x50, $0x38;
	[tilespmem:$0x172C0] =	vst v63  }
0x13c: {  	v2 =	vld [tilespmem:s28+$0xFFFFFFC0];
	_ =	sdelay $0x4  }
0x13d: {  	v2 =	vshll.u32 v2, $0x1  }
0x13e: {  	v2 =	vor.u32 v0, v2  }
0x13f: {  	[tilespmem:$0x4F60] =	vst v2  }
0x140: {  	v2 =	vld [tilespmem:s28+$0xFFFFFFD0];
	_ =	sdelay $0x4  }
0x141: {  	v2 =	vshll.u32 v2, $0x1  }
0x142: {  	v2 =	vor.u32 v0, v2  }
0x143: {  	[tilespmem:$0x4F70] =	vst v2  }
0x144: {  	v2 =	vld [tilespmem:s28+$0xFFFFFFE0];
	_ =	sdelay $0x4  }
0x145: {  	v2 =	vshll.u32 v2, $0x1  }
0x146: {  	v2 =	vor.u32 v0, v2  }
0x147: {  	[tilespmem:$0x4F80] =	vst v2  }
0x148: {  	v2 =	vld [tilespmem:s28+$0xFFFFFFF0];
	_ =	sdelay $0x4  }
0x149: {  	v2 =	vshll.u32 v2, $0x1  }
0x14a: {  	v2 =	vor.u32 v0, v2  }
0x14b: {  	[tilespmem:$0x4F90] =	vst v2  }
0x14c: {  	v2 =	vld [tilespmem:s28+$0x0];
	_ =	sdelay $0x3  }
.Ltmp8:
0x14d: {  	_ = 	snop;
	(pc) =	sbr.rel .LBB2_4-.Ltmp8, $4  }
0x14e: {  	v2 =	vshll.u32 v2, $0x1  }
0x14f: {  	v2 =	vor.u32 v0, v2  }
0x150: {  	s23 =	sadd.s32 $0x32, s23;
	s28 =	sadd.s32 $0x190, s28;
	[tilespmem:$0x4FA0] =	vst v2  }
0x151: {  	[tilespmem:s10], [sflag:$0x5] =	stream.indirect.gather [hbm4b:s1+s22], $0x40, s9, s22, $0xb8;
	[tilespmem:$0x172C0] =	vst v63  }
.LBB2_13:
0x152: {  	_ =	sfence.sel $0x180000  }
0x153: {  	[bflag:$0x0] =	sbarrier.arrive $0xFFFF  }
0x154: {  	_ =	strace $0x9000004D  }
0x155: {  	s0 =	stileid.u32;
	[bflag:$0x2] =	sbarrier.arrive $0xFFFF  }
0x156: {  	p0 =	sne.s32 s0, $0x0;
	s0 =	rddreg [dreg:$0x3]  }
0x157: {  	s0 =	sadd.s32 @!p0 $0x100000, s0  }
0x158: {  	[sflag:s0] =	ssyncadd.tile.s32 @!p0 $0x1;
	_ =	shalt  }
.Lfunc_end2:
_tile_overlayer_lowered:
.L_overlay_start_2:
0x159: {  	(tag) =	ssettag $0x2  }
0x15a: {  	s0 =	rddreg [dreg:$0x0];
	s2 =	stileid.u32  }
0x15b: {  	s1 =	rddreg [dreg:$0x1];
	p0 =	sne.s32 s2, $0x0  }
0x15c: {  	s3 =	rddreg [dreg:$0x2];
	[bflag:$0x3] =	sbarrier.arrive $0xFFFF;
	s2 =	simm.s32 @!p0 $0x1C0B  }
0x15d: {  	[timem:s3], [sflag:s2] =	dma.local @!p0 [hbm:s0], s1  }
0x15e: {  	s0 =	simm.s32 @!p0 $0xB  }
0x15f: {  	_ =	swait.ge @!p0 [sflag:s0], s1  }
0x160: {  	s1 =	ssub.s32 @!p0 $0x0, s1;
	[sflag:s0] =	ssyncset.done @!p0 $0x0  }
0x161: {  	[sflag:s0] =	ssyncadd.s32 @!p0 s1  }
0x162: {  	[bflag:$0x3] =	sbarrier.arrive $0xFFFF  }
0x163: {  	_ =	shalt  }

// kernel: kernel.8.cloned.1.call-start
scs
__scs_entry_jumppad:
0x0: {  	(pc) =	sbr.rel $0x88, $3  }
0x1: {  	(tag) =	ssettag $0x0;
	lr =	simm.s32 $0x1  }
0x2: {  	[smem:$0x3F92] =	sst lr;
	_ =	strace $0xD0000000  }
0x3: {  	_ = 	snop  }
0x4: {  	_ = 	snop  }
0x5: {  	_ = 	snop  }
0x6: {  	_ = 	snop  }
0x7: {  	_ = 	snop  }
__scs_overlays_trampoline_lowered:
0x8: {  	[smem:$0x3FA1] =	sst s0  }
0x9: {  	[smem:$0x3FA2] =	sst s1  }
0xa: {  	[smem:$0x3FA3] =	sst s2  }
0xb: {  	[smem:$0x3FA4] =	sst s3  }
0xc: {  	[smem:$0x3FA5] =	sst s4  }
0xd: {  	[smem:$0x3FA6] =	sst s5  }
0xe: {  	[smem:$0x3FA7] =	sst s6  }
0xf: {  	[smem:$0x3FA8] =	sst s7  }
0x10: {  	[smem:$0x3FA9] =	sst s8  }
0x11: {  	[smem:$0x3FAA] =	sst s9;
	s0 =	simm.s32 @!p0 $0x0  }
0x12: {  	s1 =	sld [smem:$0x3F90];
	s0 =	simm.s32 @p0 $0x1  }
0x13: {  	[smem:$0x3FAB] =	sst s0;
	s0 =	simm.s32 @!p1 $0x0  }
0x14: {  	s2 =	sld [smem:$0x3F8F];
	s0 =	simm.s32 @p1 $0x1  }
0x15: {  	[smem:$0x3FAC] =	sst s0;
	s0 =	simm.s32 @!p2 $0x0  }
0x16: {  	s3 =	sld [smem:$0x3FDB];
	s0 =	simm.s32 @p2 $0x1  }
0x17: {  	s4 =	simm.s32 $0x1BF5;
	[smem:$0x3FAE] =	sst s0  }
0x18: {  	s0 =	sld [smem:$0x3F91];
	_ =	swait.ge [sflag:s4], $0x0  }
0x19: {  	s7 =	sld [smem:$0x3F92]  }
0x1a: {  	s8 =	sadd.s32 $0xFFFFE003, lr  }
0x1b: {  	s9 =	sadd.s32 $0xFFFFFEF7, lr;
	s5 =	simm.s32 $0xFFFFFFFF;
	p2 =	slt.u32 s8, $0xFFFFF086  }
0x1c: {  	p1 =	slt.u32 s9, $0xF7A;
	s5 =	simm.s32 @!p2 $0x0  }
0x1d: {  	s5 =	simm.s32 @p1 $0x1;
	p0 =	seq.s32 s7, s2  }
0x1e: {  	s7 =	smul.u32 @!p0 $0xF7A, s2;
	p2 =	seq.s32 @!p0 s5, $0x0  }
0x1f: {  	s9 =	smul.u32 $0xF7A, s1;
	s8 =	simm.s32 @!p0 $0x1BF5;
	p2 =	por !p2, p0  }
0x20: {  	[sflag:s8] =	ssyncset.s32 @!p0 $0xFFFFF086;
	s6 =	sadd.s32 @!p0 s3, s7;
	s7 =	simm.s32 @!p0 $0x108  }
0x21: {  	s3 =	sadd.s32 s3, s9;
	s6 =	sadd.s32 @!p0 $0x88, s6;
	s7 =	simm.s32 @p2 $0x1082  }
0x22: {  	[simem:s7], [sflag:s8] =	dma.local @!p0 [hbm:s6], $0xF7A  }
0x23: {  	s9 =	sor.u32 $0xD0000000, s2;
	s6 =	simm.s32 $0x108;
	_ =	swait.ge @!p0 [sflag:s8], $0x0  }
0x24: {  	s3 =	sadd.s32 $0x88, s3;
	s6 =	simm.s32 @!p1 $0x1082;
	[sflag:s4] =	ssyncset.s32 $0xFFFFF086  }
0x25: {  	[simem:s6], [sflag:s4] =	dma.local [hbm:s3], $0xF7A  }
0x26: {  	[smem:$0x3F92] =	sst s1;
	(tag) =	ssettag s2;
	_ =	strace s9  }
0x27: {  	s1 =	sld [smem:$0x3FA2]  }
0x28: {  	s2 =	sld [smem:$0x3FA3]  }
0x29: {  	s4 =	sld [smem:$0x3FA5]  }
0x2a: {  	p0 =	seq.s32 s5, $0x0;
	s5 =	sld [smem:$0x3FA6]  }
0x2b: {  	s6 =	sld [smem:$0x3FA7]  }
0x2c: {  	s7 =	sld [smem:$0x3FA8]  }
0x2d: {  	s3 =	simm.s32 $0x108;
	s8 =	sld [smem:$0x3FA9]  }
0x2e: {  	s3 =	simm.s32 @!p0 $0x1082;
	s9 =	sld [smem:$0x3FAA]  }
0x2f: {  	lr =	sadd.s32 s0, s3;
	s0 =	sld [smem:$0x3FA1]  }
0x30: {  	s3 =	sld [smem:$0x3FA4]  }
0x31: {  	[smem:$0x3FAD] =	sst s10  }
0x32: {  	s10 =	sld [smem:$0x3FAB];
	_ =	sdelay $0x3  }
0x33: {  	p0 =	seq.s32 s10, $0x1;
	s10 =	sld [smem:$0x3FAD];
	_ =	sdelay $0x3  }
0x34: {  	[smem:$0x3FAD] =	sst s10  }
0x35: {  	s10 =	sld [smem:$0x3FAC];
	_ =	sdelay $0x3  }
0x36: {  	p1 =	seq.s32 s10, $0x1;
	s10 =	sld [smem:$0x3FAD];
	_ =	sdelay $0x3  }
0x37: {  	[smem:$0x3FAD] =	sst s10  }
0x38: {  	s10 =	sld [smem:$0x3FAE]  }
0x39: {  	_ = 	snop;
	(pc) =	sbr.ind lr, $3  }
0x3a: {  	_ = 	snop  }
0x3b: {  	_ = 	snop  }
0x3c: {  	p2 =	seq.s32 s10, $0x1;
	s10 =	sld [smem:$0x3FAD]  }
0x3d: {  	_ =	shalt  }
0x3e: {  	_ =	shalt  }
0x3f: {  	_ =	shalt  }
0x40: {  	_ =	shalt  }
0x41: {  	_ =	shalt  }
0x42: {  	_ =	shalt  }
0x43: {  	_ =	shalt  }
0x44: {  	_ =	shalt  }
0x45: {  	_ =	shalt  }
0x46: {  	_ =	shalt  }
0x47: {  	_ =	shalt  }
0x48: {  	_ =	shalt  }
0x49: {  	_ =	shalt  }
0x4a: {  	_ =	shalt  }
0x4b: {  	_ =	shalt  }
0x4c: {  	_ =	shalt  }
0x4d: {  	_ =	shalt  }
0x4e: {  	_ =	shalt  }
0x4f: {  	_ =	shalt  }
0x50: {  	_ =	shalt  }
0x51: {  	_ =	shalt  }
0x52: {  	_ =	shalt  }
0x53: {  	_ =	shalt  }
0x54: {  	_ =	shalt  }
0x55: {  	_ =	shalt  }
0x56: {  	_ =	shalt  }
0x57: {  	_ =	shalt  }
0x58: {  	_ =	shalt  }
0x59: {  	_ =	shalt  }
0x5a: {  	_ =	shalt  }
0x5b: {  	_ =	shalt  }
0x5c: {  	_ =	shalt  }
0x5d: {  	_ =	shalt  }
0x5e: {  	_ =	shalt  }
0x5f: {  	_ =	shalt  }
0x60: {  	_ =	shalt  }
0x61: {  	_ =	shalt  }
0x62: {  	_ =	shalt  }
0x63: {  	_ =	shalt  }
0x64: {  	_ =	shalt  }
0x65: {  	_ =	shalt  }
0x66: {  	_ =	shalt  }
0x67: {  	_ =	shalt  }
0x68: {  	_ =	shalt  }
0x69: {  	_ =	shalt  }
0x6a: {  	_ =	shalt  }
0x6b: {  	_ =	shalt  }
0x6c: {  	_ =	shalt  }
0x6d: {  	_ =	shalt  }
0x6e: {  	_ =	shalt  }
0x6f: {  	_ =	shalt  }
0x70: {  	_ =	shalt  }
0x71: {  	_ =	shalt  }
0x72: {  	_ =	shalt  }
0x73: {  	_ =	shalt  }
0x74: {  	_ =	shalt  }
0x75: {  	_ =	shalt  }
0x76: {  	_ =	shalt  }
0x77: {  	_ =	shalt  }
0x78: {  	_ =	shalt  }
0x79: {  	_ =	shalt  }
0x7a: {  	_ =	shalt  }
0x7b: {  	_ =	shalt  }
0x7c: {  	_ =	shalt  }
0x7d: {  	_ =	shalt  }
0x7e: {  	_ =	shalt  }
0x7f: {  	_ =	shalt  }
0x80: {  	_ =	shalt  }
0x81: {  	_ =	shalt  }
0x82: {  	_ =	shalt  }
0x83: {  	_ =	shalt  }
0x84: {  	_ =	shalt  }
0x85: {  	_ =	shalt  }
0x86: {  	_ =	shalt  }
0x87: {  	_ =	shalt  }
.Lfunc_end0:
.L_simem_size_0:
called_computation_lowered:
.L_overlay_start_0:
0x88: {  	s2 =	sld [smem:$0x3FD9]  }
0x89: {  	s3 =	sld [smem:$0x3FFE];
	_ =	sdelay $0x1  }
0x8a: {  	s1 =	srdreg.scid  }
0x8b: {  	s0 =	sand.u32 $0x1, s1  }
0x8c: {  	s17 =	sshll.u32 s0, $0xA;
	s2 =	sadd.s32 s3, s2  }
0x8d: {  	s2 =	sadd.s32 s2, s17  }
0x8e: {  	[smem:$0x3FB9] =	sst s2  }
0x8f: {  	_ = 	snop  }
0x90: {  	s2 =	sld [smem:$0x3FC9]  }
0x91: {  	s18 =	sld [smem:$0x3FD0];
	(tm) =	ssettm $0x1  }
0x92: {  	s4 =	sld [smem:$0x3FFB];
	_ =	sdelay $0x3  }
0x93: {  	_ =	strace s4  }
0x94: {  	s4 =	sld [smem:$0x3FFC];
	_ =	sdelay $0x3  }
0x95: {  	_ =	strace s4  }
0x96: {  	s4 =	sld [smem:$0x3FFD];
	_ =	sdelay $0x3  }
0x97: {  	_ =	strace s4  }
0x98: {  	_ =	strace $0x8FFFFFFF  }
0x99: {  	s19 =	sld [smem:$0x3FDB];
	_ =	sdelay $0x1  }
0x9a: {  	s5 =	simm.s32 $_scs_section_size  }
0x9b: {  	s6 =	simm.s32 $_size__tile_overlayer_lowered;
	s7 =	simm.s32 $_tile_overlayer_lowered  }
0x9c: {  	s22 =	simm.s32 $0x1BFF;
	s21 =	sshll.u32 s7, $0x1;
	s4 =	sadd.s32 s5, s19  }
0x9d: {  	s8 =	simm.s32 $0x0;
	s20 =	sshll.u32 s6, $0x1;
	s6 =	sadd.s32 s21, s4  }
0x9e: {  	[timem:s8], [sflag:s22] =	dma.local [hbm:s6], s20  }
0x9f: {  	_ =	swait.ge [sflag:s22], s20  }
0xa0: {  	s5 =	ssub.s32 $0x0, s20;
	[sflag:s22] =	ssyncset.done $0x0  }
0xa1: {  	[sflag:s22] =	ssyncadd.s32 s5;
	_ =	sdelay $0x1  }
0xa2: {  	s23 =	simm.s32 $0x1B8B  }
0xa3: {  	_ =	swait.ge [sflag:s23], $0x1  }
0xa4: {  	[sflag:s23] =	ssyncset.done $0x0  }
0xa5: {  	s25 =	simm.s32 $0x1B8E;
	s24 =	sld [smem:$0x3FFE];
	[sflag:s23] =	ssyncadd.s32 $0xFFFFFFFF  }
0xa6: {  	s26 =	simm.s32 $execute0_lowered;
	[smem:$0x3FD2] =	sst s25  }
0xa7: {  	s6 =	sshll.u32 s26, $0x1;
	_ =	strace $0x80000046;
	[dreg:$0x1] =	wrdreg $0xFFFFFFFF  }
0xa8: {  	s28 =	simm.s32 $_size_execute0_lowered;
	s4 =	sadd.s32 s4, s6;
	[dreg:$0x0] =	wrdreg $0x0  }
0xa9: {  	s6 =	sshll.u32 s28, $0x1;
	[dreg:$0x2] =	wrdreg s4  }
0xaa: {  	[dreg:$0x3] =	wrdreg s6  }
0xab: {  	[dreg:$0x4] =	wrdreg $0xC0  }
0xac: {  	_ =	task [dreg:s8], $0x5FFFF  }
0xad: {  	[dreg:$0x1] =	wrdreg $0xFFFFFFFF  }
0xae: {  	[dreg:$0x0] =	wrdreg $0x60  }
0xaf: {  	[dreg:$0x2] =	wrdreg s2  }
0xb0: {  	[dreg:$0x3] =	wrdreg s24  }
0xb1: {  	[dreg:$0x4] =	wrdreg s18  }
0xb2: {  	[dreg:$0x5] =	wrdreg $0xD4800  }
0xb3: {  	[dreg:$0x6] =	wrdreg $0x17F900  }
0xb4: {  	[dreg:$0x7] =	wrdreg $0x9  }
0xb5: {  	_ =	task.clear_ibuf [dreg:s8], $0x8FFFF;
	_ =	strace $0x90000046  }
0xb6: {  	s29 =	simm.s32 $0x9;
	_ =	strace $0x80000048  }
0xb7: {  	_ =	swait.ge [sflag:s29], $0x1  }
0xb8: {  	[sflag:s29] =	ssyncadd.s32 $0xFFFFFFFF  }
0xb9: {  	_ =	strace $0x90000048  }
0xba: {  	_ =	sfence  }
0xbb: {  	s30 =	sld [smem:$0x0];
	_ =	sdelay $0x2  }
0xbc: {  	s31 =	sshll.u32 s1, $0xD;
	s1 =	sshrl.u32 s1, $0x2  }
0xbd: {  	s3 =	sand.u32 $0x4000, s31;
	s1 =	sadd.s32 s1, s30  }
0xbe: {  	s0 =	sor.u32 s3, s0;
	s1 =	sshll.u32 s1, $0x11  }
0xbf: {  	s0 =	sor.u32 s1, s0  }
0xc0: {  	s0 =	sadd.s32 $0x8F2B, s0  }
0xc1: {  	[sflag:s0] =	ssyncadd.remote.s32 $0x1  }
0xc2: {  	_ =	sfence.sel $0xFFFF  }
0xc3: {  	[dreg:$0x0] =	wrdreg $0xFFFFFFFF;
	(pc) =	sbr.abs _section_cstart, $3  }
0xc4: {  	[dreg:$0x1] =	wrdreg $0xFFFFFFFF  }
0xc5: {  	_ =	task.clear_ibuf [dreg:s8], $0x2FFFF;
	_ =	strace $0x9FFFFFFF  }
0xc6: {  	(tm) =	ssettm $0x7FFFFFFF  }
0xc7: {  	_ =	shalt  }
tec
execute0_lowered:
.L_overlay_start_1:
0x0: {  	(tag) =	ssettag $0x1  }
0x1: {  	s1 =	rddreg [dreg:$0x0]  }
0x2: {  	s0 =	rddreg [dreg:$0x1]  }
0x3: {  	s2 =	rddreg [dreg:$0x2]  }
0x4: {  	s3 =	rddreg [dreg:$0x3];
	s6 =	stileid.u32  }
0x5: {  	s7 =	srdreg.scid;
	s4 =	smul.u32 $0x4E20, s6  }
0x6: {  	s5 =	rddreg [dreg:$0x4];
	s23 =	smul.u32 $0x2710, s6  }
0x7: {  	s8 =	simm.s32 $0x0;
	s28 =	simm.s32 $0x3;
	s12 =	smul.u32 $0x9C40, s6  }
0x8: {  	s29 =	simm.s32 $0x9;
	s30 =	simm.s32 $0x4;
	s25 =	smul.u32 $0x271, s6  }
0x9: {  	s31 =	simm.s32 $0x5;
	s15 =	sand.u32 $0x1, s7;
	s21 =	smul.u32 $0x9C4, s6  }
0xa: {  	[smem:$0x7FF] =	sst s8;
	s13 =	sadd.s32 $0x3600, s0;
	s7 =	smul.u32 $0x27100, s15  }
0xb: {  	_ =	strace $0x80000047;
	s10 =	smul.u32 $0x9C400, s15;
	s11 =	ssub.s32 $0x2, s15  }
0xc: {  	[dreg:$0x1b] =	wrdreg s15;
	s4 =	sshrl.u32 s4, $0x3;
	s14 =	sshrl.u32 s11, $0x1  }
0xd: {  	s18 =	sadd.s32 $0xFA, s25;
	s20 =	sadd.s32 $0x177, s25;
	s9 =	sadd.s32 s4, s0  }
0xe: {  	s7 =	sadd.s32 s23, s7;
	s24 =	ssub.s32 s11, s14;
	s10 =	sadd.s32 s12, s10  }
0xf: {  	s16 =	sadd.s32 s13, s4;
	s4 =	sadd.s32 s12, s3;
	s19 =	sshll.u32 s18, $0x6  }
0x10: {  	s18 =	sshll.u32 s18, $0x4;
	s11 =	simm.s32 $0x50F0;
	s7 =	sshrl.u32 s7, $0x3  }
0x11: {  	s9 =	sadd.s32 $0xD400, s9;
	s26 =	sshrl.u32 s10, $0x3;
	s10 =	sadd.s32 $0x7D, s25  }
0x12: {  	s22 =	sadd.s32 s19, s3;
	s19 =	sshll.u32 s20, $0x4;
	[dreg:$0x7] =	wrdreg s16  }
0x13: {  	s0 =	sadd.s32 s7, s0;
	[dreg:$0x6] =	wrdreg s9;
	s2 =	sadd.s32 s2, s26  }
0x14: {  	s9 =	smul.u32 $0x27100, s6;
	s7 =	smax.u32 s24, $0x1;
	[dreg:$0xd] =	wrdreg s22  }
0x15: {  	s17 =	sshll.u32 s10, $0x6;
	s24 =	sadd.s32 $0x1F4, s25;
	[dreg:$0x8] =	wrdreg s2  }
0x16: {  	s26 =	sshrl.u32 s12, $0x2;
	s22 =	sshrl.u32 s4, $0x3;
	[dreg:$0xa] =	wrdreg s7  }
0x17: {  	s0 =	sadd.s32 $0x17200, s0;
	s25 =	sshll.u32 s24, $0x6;
	[dreg:$0x15] =	wrdreg s22  }
0x18: {  	s7 =	sshll.u32 s10, $0x4;
	[dreg:$0x9] =	wrdreg s0;
	s12 =	sadd.s32 s25, s3  }
0x19: {  	s0 =	sadd.s32 s23, s5;
	s14 =	sadd.s32 s7, s5;
	[dreg:$0xf] =	wrdreg s12  }
0x1a: {  	s23 =	sshll.u32 s20, $0x6;
	s20 =	sadd.s32 s18, s5;
	[dreg:$0x11] =	wrdreg s14  }
0x1b: {  	s2 =	sshrl.u32 s9, $0x2;
	s25 =	sadd.s32 $0x1E, s16;
	[dreg:$0x12] =	wrdreg s20  }
0x1c: {  	s4 =	simm.s32 $0x0;
	s2 =	sadd.s32 s2, s3;
	[dreg:$0x19] =	wrdreg s25  }
0x1d: {  	s10 =	simm.s32 $0x50;
	s0 =	sshrl.u32 s0, $0x3;
	[dreg:$0xb] =	wrdreg s2  }
0x1e: {  	s9 =	simm.s32 $0xA;
	s2 =	sadd.s32 s17, s3;
	[dreg:$0x16] =	wrdreg s0  }
0x1f: {  	s17 =	sadd.s32 s21, s13;
	s13 =	sadd.s32 s26, s5;
	[dreg:$0xc] =	wrdreg s2  }
0x20: {  	s12 =	simm.s32 $0xA140;
	s21 =	sadd.s32 s19, s5;
	[dreg:$0x10] =	wrdreg s13  }
0x21: {  	s25 =	simm.s32 $0x2;
	s26 =	sadd.s32 $0x28, s16;
	[dreg:$0x13] =	wrdreg s21  }
.Ltmp0:
0x22: {  	s2 =	sadd.s32 s23, s3;
	[dreg:$0x1a] =	wrdreg s26;
	(pc) =	sbr.rel .LBB2_1-.Ltmp0, $4  }
0x23: {  	s23 =	sadd.s32 $0xA, s16;
	s26 =	simm.s32 $0x8;
	[dreg:$0xe] =	wrdreg s2  }
0x24: {  	s2 =	sshll.u32 s24, $0x4;
	[dreg:$0x17] =	wrdreg s23;
	s24 =	sadd.s32 $0x14, s16  }
0x25: {  	s23 =	simm.s32 $0x1;
	s2 =	sadd.s32 s2, s5;
	[dreg:$0x18] =	wrdreg s24  }
0x26: {  	v1 =	vimm.f32 $0.0e+00;
	v2 =	vimm.f32 $1.000000000e+00;
	v0 =	vmov s15;
	s24 =	simm.s32 $0x7;
	[dreg:$0x14] =	wrdreg s2;
	s2 =	simm.s32 $0xB  }
.LBB2_10:
0x27: {  	s0 =	stileid.u32;
	[bflag:$0x0] =	sbarrier.arrive $0xFFFF  }
0x28: {  	s0 =	sshll.u32 s0, $0x6;
	s4 =	rddreg [dreg:$0x8]  }
0x29: {  	s6 =	rddreg [dreg:$0x15];
	s0 =	sor.u32 $0x1C0B, s0  }
0x2a: {  	[hbm:s4], [sflag:s0] =	dma.local [spmem:s6], $0x1388  }
0x2b: {  	_ =	swait.ge [sflag:s2], $0x1388  }
0x2c: {  	[sflag:s2] =	ssyncset.done $0x0;
	s19 =	rddreg [dreg:$0x9]  }
0x2d: {  	s20 =	rddreg [dreg:$0x16];
	[sflag:s2] =	ssyncadd.s32 $0xFFFFEC78  }
0x2e: {  	[hbm:s19], [sflag:s0] =	dma.local [spmem:s20], $0x4E2  }
0x2f: {  	_ =	swait.ge [sflag:s2], $0x4E2  }
0x30: {  	s21 =	rddreg [dreg:$0x1c]  }
0x31: {  	s22 =	rddreg [dreg:$0xa];
	s4 =	sadd.s32 $0x1, s21  }
0x32: {  	p0 =	sne.s32 s4, s22  }
.Ltmp1:
0x33: {  	_ = 	snop;
	(pc) =	sbr.rel @!p0 .LBB2_11-.Ltmp1, $3  }
0x34: {  	_ =	sdelay $0x1  }
0x35: {  	[sflag:s2] =	ssyncset.done $0x0  }
0x36: {  	[sflag:s2] =	ssyncadd.s32 $0xFFFFFB1E  }
.LBB2_1:
0x37: {  	[dreg:$0x1c] =	wrdreg s4;
	s4 =	simm.s32 $0x100;
	s0 =	simm.s32 $0x0  }
.LBB2_2:
0x38: {  	p0 =	sne.s32 s4, $0x7C00;
	[tilespmem:s0+$0xB570] =	vst v1;
	s7 =	smov.u32 s4;
	s4 =	sadd.s32 $0x100, s4  }
.Ltmp2:
0x39: {  	[tilespmem:s0+$0xB560] =	vst v1;
	(pc) =	sbr.rel @p0 .LBB2_2-.Ltmp2, $3  }
0x3a: {  	[tilespmem:s0+$0xB540] =	vst v1  }
0x3b: {  	[tilespmem:s0+$0xB550] =	vst v1;
	_ =	sdelay $0x1  }
0x3c: {  	s0 =	sshra.s32 s7, $0x2  }
0x3d: {  	[tilespmem:s0+$0xB570] =	vst v1  }
0x3e: {  	[tilespmem:s0+$0xB560] =	vst v1  }
0x3f: {  	[tilespmem:s0+$0xB540] =	vst v1  }
0x40: {  	[tilespmem:s0+$0xB550] =	vst v1;
	s18 =	rddreg [dreg:$0xb];
	s4 =	simm.s32 $0xB540  }
0x41: {  	[spmem:s18] =	stream.linear.scatter [tilespmem:s4], [sflag:$0xB], $0x1F40, $0x38;
	[tilespmem:$0x1A720] =	vst v63  }
0x42: {  	_ =	swait.ge [sflag:s2], $0x1F40  }
0x43: {  	[sflag:s2] =	ssyncset.done $0x0  }
0x44: {  	s19 =	rddreg [dreg:$0xc];
	[sflag:s2] =	ssyncadd.s32 $0xFFFFE0C0  }
0x45: {  	[spmem:s19] =	stream.linear.scatter [tilespmem:s4], [sflag:$0xB], $0x1F40, $0x38;
	[tilespmem:$0x1A720] =	vst v63  }
0x46: {  	_ =	swait.ge [sflag:s2], $0x1F40  }
0x47: {  	[sflag:s2] =	ssyncset.done $0x0  }
0x48: {  	s20 =	rddreg [dreg:$0xd];
	[sflag:s2] =	ssyncadd.s32 $0xFFFFE0C0  }
0x49: {  	[spmem:s20] =	stream.linear.scatter [tilespmem:s4], [sflag:$0xB], $0x1F40, $0x38;
	[tilespmem:$0x1A720] =	vst v63  }
0x4a: {  	_ =	swait.ge [sflag:s2], $0x1F40  }
0x4b: {  	[sflag:s2] =	ssyncset.done $0x0  }
0x4c: {  	s21 =	rddreg [dreg:$0xe];
	[sflag:s2] =	ssyncadd.s32 $0xFFFFE0C0  }
0x4d: {  	[spmem:s21] =	stream.linear.scatter [tilespmem:s4], [sflag:$0xB], $0x1F40, $0x38;
	[tilespmem:$0x1A720] =	vst v63  }
0x4e: {  	_ =	swait.ge [sflag:s2], $0x1F40  }
0x4f: {  	[sflag:s2] =	ssyncset.done $0x0  }
0x50: {  	s22 =	rddreg [dreg:$0xf];
	[sflag:s2] =	ssyncadd.s32 $0xFFFFE0C0  }
0x51: {  	[spmem:s22] =	stream.linear.scatter [tilespmem:s4], [sflag:$0xB], $0x1F40, $0x38;
	[tilespmem:$0x1A720] =	vst v63  }
0x52: {  	_ =	swait.ge [sflag:s2], $0x1F40  }
0x53: {  	[sflag:s2] =	ssyncset.done $0x0  }
0x54: {  	s0 =	simm.s32 $0x40;
	s4 =	simm.s32 $0x0;
	[sflag:s2] =	ssyncadd.s32 $0xFFFFE0C0  }
.LBB2_4:
0x55: {  	p0 =	seq.s32 s0, $0x13C0;
	[tilespmem:s4+$0x172C0] =	vst v2;
	s4 =	smov.u32 s0;
	s0 =	sadd.s32 $0x40, s0  }
.Ltmp3:
0x56: {  	(pc) =	sbr.rel @!p0 .LBB2_4-.Ltmp3, $2  }
0x57: {  	_ =	sdelay $0x2  }
0x58: {  	s4 =	sshra.s32 s4, $0x2  }
0x59: {  	[tilespmem:s4+$0x172C0] =	vst v2;
	s0 =	simm.s32 $0x40;
	s4 =	simm.s32 $0x0  }
.LBB2_6:
0x5a: {  	p0 =	seq.s32 s0, $0x1F00;
	[tilespmem:s4+$0x177C0] =	vst v1;
	s4 =	smov.u32 s0;
	s0 =	sadd.s32 $0x40, s0  }
.Ltmp4:
0x5b: {  	(pc) =	sbr.rel @!p0 .LBB2_6-.Ltmp4, $2  }
0x5c: {  	_ =	sdelay $0x2  }
0x5d: {  	s4 =	sshra.s32 s4, $0x2  }
0x5e: {  	[tilespmem:s4+$0x177C0] =	vst v1;
	s0 =	rddreg [dreg:$0x10];
	s7 =	simm.s32 $0x177C0  }
0x5f: {  	[spmem:s0] =	stream.linear.scatter [tilespmem:s7], [sflag:$0xB], $0x7D0, $0x38;
	[tilespmem:$0x1A720] =	vst v63  }
0x60: {  	_ =	swait.ge [sflag:s2], $0x7D0  }
0x61: {  	[sflag:s2] =	ssyncset.done $0x0  }
0x62: {  	s8 =	rddreg [dreg:$0x11];
	[sflag:s2] =	ssyncadd.s32 $0xFFFFF830  }
0x63: {  	[spmem:s8] =	stream.linear.scatter [tilespmem:s7], [sflag:$0xB], $0x7D0, $0x38;
	[tilespmem:$0x1A720] =	vst v63  }
0x64: {  	_ =	swait.ge [sflag:s2], $0x7D0  }
0x65: {  	[sflag:s2] =	ssyncset.done $0x0  }
0x66: {  	s13 =	rddreg [dreg:$0x12];
	[sflag:s2] =	ssyncadd.s32 $0xFFFFF830  }
0x67: {  	[spmem:s13] =	stream.linear.scatter [tilespmem:s7], [sflag:$0xB], $0x7D0, $0x38;
	[tilespmem:$0x1A720] =	vst v63  }
0x68: {  	_ =	swait.ge [sflag:s2], $0x7D0  }
0x69: {  	[sflag:s2] =	ssyncset.done $0x0  }
0x6a: {  	s14 =	rddreg [dreg:$0x13];
	[sflag:s2] =	ssyncadd.s32 $0xFFFFF830  }
0x6b: {  	[spmem:s14] =	stream.linear.scatter [tilespmem:s7], [sflag:$0xB], $0x7D0, $0x38;
	[tilespmem:$0x1A720] =	vst v63  }
0x6c: {  	_ =	swait.ge [sflag:s2], $0x7D0  }
0x6d: {  	[sflag:s2] =	ssyncset.done $0x0  }
0x6e: {  	s15 =	rddreg [dreg:$0x14];
	[sflag:s2] =	ssyncadd.s32 $0xFFFFF830  }
0x6f: {  	[spmem:s15] =	stream.linear.scatter [tilespmem:s7], [sflag:$0xB], $0x7D0, $0x38;
	[tilespmem:$0x1A720] =	vst v63  }
0x70: {  	_ =	swait.ge [sflag:s2], $0x7D0  }
0x71: {  	[sflag:s2] =	ssyncset.done $0x0  }
0x72: {  	s0 =	simm.s32 $0x0;
	s16 =	rddreg [dreg:$0x6];
	[sflag:s2] =	ssyncadd.s32 $0xFFFFF830  }
0x73: {  	[tilespmem:s0], [sflag:$0xB] =	stream.linear.gather [hbm4b:s16+s0], $0x4E20, $0x38;
	[tilespmem:$0x1A720] =	vst v63  }
0x74: {  	_ =	swait.ge [sflag:s2], $0x4E20  }
0x75: {  	[sflag:s2] =	ssyncset.done $0x0  }
0x76: {  	[sflag:s2] =	ssyncadd.s32 $0xFFFFB1E0  }
0x77: {  	[bflag:$0x0] =	sbarrier.arrive $0xFFFF  }
0x78: {  	s6 =	simm.s32 $0x4FB0;
	s18 =	rddreg [dreg:$0x7]  }
0x79: {  	[tilespmem:s6], [sflag:$0x6] =	stream.linear.gather [hbm4b:s18+s0], $0x50, $0x38;
	[tilespmem:$0x1A720] =	vst v63  }
0x7a: {  	v3 =	vld [tilespmem:$0x0]  }
0x7b: {  	v4 =	vld [tilespmem:$0x10]  }
0x7c: {  	v5 =	vld [tilespmem:$0x20]  }
0x7d: {  	v6 =	vld [tilespmem:$0x30]  }
0x7e: {  	v7 =	vld [tilespmem:$0x40]  }
0x7f: {  	v3 =	vshll.u32 v3, $0x1  }
0x80: {  	v4 =	vshll.u32 v4, $0x1;
	v3 =	vor.u32 v0, v3  }
0x81: {  	v33 =	vshll.u32 v5, $0x1;
	[tilespmem:$0x4E20] =	vst v3;
	v3 =	vor.u32 v0, v4  }
0x82: {  	v34 =	vshll.u32 v6, $0x1;
	[tilespmem:$0x4E30] =	vst v3;
	v3 =	vor.u32 v0, v33  }
0x83: {  	v35 =	vshll.u32 v7, $0x1;
	[tilespmem:$0x4E40] =	vst v3;
	v3 =	vor.u32 v0, v34  }
0x84: {  	[tilespmem:$0x4E50] =	vst v3;
	v3 =	vor.u32 v0, v35  }
0x85: {  	s19 =	simm.s32 $0x4E20;
	s20 =	simm.s32 $0x5140;
	[tilespmem:$0x4E60] =	vst v3  }
0x86: {  	[tilespmem:s20], [sflag:$0x1] =	stream.indirect.gather [hbm4b:s1+s10], $0x40, s19, s10, $0xb8;
	[tilespmem:$0x1A720] =	vst v63  }
0x87: {  	s22 =	simm.s32 $0x5000;
	s21 =	rddreg [dreg:$0x17]  }
0x88: {  	[tilespmem:s22], [sflag:$0x7] =	stream.linear.gather [hbm4b:s21+s0], $0x50, $0x38;
	[tilespmem:$0x1A720] =	vst v63  }
0x89: {  	v3 =	vld [tilespmem:$0x50]  }
0x8a: {  	v36 =	vld [tilespmem:$0x60]  }
0x8b: {  	v37 =	vld [tilespmem:$0x70]  }
0x8c: {  	v38 =	vld [tilespmem:$0x80]  }
0x8d: {  	v39 =	vld [tilespmem:$0x90]  }
0x8e: {  	v3 =	vshll.u32 v3, $0x1  }
0x8f: {  	v4 =	vshll.u32 v36, $0x1;
	v3 =	vor.u32 v0, v3  }
0x90: {  	v40 =	vshll.u32 v37, $0x1;
	[tilespmem:$0x4E70] =	vst v3;
	v3 =	vor.u32 v0, v4  }
0x91: {  	v41 =	vshll.u32 v38, $0x1;
	[tilespmem:$0x4E80] =	vst v3;
	v3 =	vor.u32 v0, v40  }
0x92: {  	v42 =	vshll.u32 v39, $0x1;
	[tilespmem:$0x4E90] =	vst v3;
	v3 =	vor.u32 v0, v41  }
0x93: {  	[tilespmem:$0x4EA0] =	vst v3;
	v3 =	vor.u32 v0, v42  }
0x94: {  	s7 =	simm.s32 $0x6540;
	s6 =	simm.s32 $0x4E70;
	[tilespmem:$0x4EB0] =	vst v3  }
0x95: {  	[tilespmem:s7], [sflag:$0x2] =	stream.indirect.gather [hbm4b:s1+s10], $0x40, s6, s10, $0xb8;
	[tilespmem:$0x1A720] =	vst v63  }
0x96: {  	s13 =	simm.s32 $0x5050;
	s8 =	rddreg [dreg:$0x18]  }
0x97: {  	[tilespmem:s13], [sflag:$0x8] =	stream.linear.gather [hbm4b:s8+s0], $0x50, $0x38;
	[tilespmem:$0x1A720] =	vst v63  }
0x98: {  	v3 =	vld [tilespmem:$0xA0]  }
0x99: {  	v43 =	vld [tilespmem:$0xB0]  }
0x9a: {  	v44 =	vld [tilespmem:$0xC0]  }
0x9b: {  	v45 =	vld [tilespmem:$0xD0]  }
0x9c: {  	v46 =	vld [tilespmem:$0xE0]  }
0x9d: {  	v3 =	vshll.u32 v3, $0x1  }
0x9e: {  	v4 =	vshll.u32 v43, $0x1;
	v3 =	vor.u32 v0, v3  }
0x9f: {  	v47 =	vshll.u32 v44, $0x1;
	[tilespmem:$0x4EC0] =	vst v3;
	v3 =	vor.u32 v0, v4  }
0xa0: {  	v48 =	vshll.u32 v45, $0x1;
	[tilespmem:$0x4ED0] =	vst v3;
	v3 =	vor.u32 v0, v47  }
0xa1: {  	v49 =	vshll.u32 v46, $0x1;
	[tilespmem:$0x4EE0] =	vst v3;
	v3 =	vor.u32 v0, v48  }
0xa2: {  	[tilespmem:$0x4EF0] =	vst v3;
	v3 =	vor.u32 v0, v49  }
0xa3: {  	s14 =	simm.s32 $0x4EC0;
	s15 =	simm.s32 $0x7940;
	[tilespmem:$0x4F00] =	vst v3  }
0xa4: {  	[tilespmem:s15], [sflag:$0x3] =	stream.indirect.gather [hbm4b:s1+s10], $0x40, s14, s10, $0xb8;
	[tilespmem:$0x1A720] =	vst v63  }
0xa5: {  	s16 =	rddreg [dreg:$0x19];
	s18 =	simm.s32 $0x50A0  }
0xa6: {  	[tilespmem:s18], [sflag:$0x9] =	stream.linear.gather [hbm4b:s16+s0], $0x50, $0x38;
	[tilespmem:$0x1A720] =	vst v63  }
0xa7: {  	v3 =	vld [tilespmem:$0xF0]  }
0xa8: {  	v50 =	vld [tilespmem:$0x100]  }
0xa9: {  	v51 =	vld [tilespmem:$0x110]  }
0xaa: {  	v52 =	vld [tilespmem:$0x120]  }
0xab: {  	v53 =	vld [tilespmem:$0x130]  }
0xac: {  	v3 =	vshll.u32 v3, $0x1  }
0xad: {  	v4 =	vshll.u32 v50, $0x1;
	v3 =	vor.u32 v0, v3  }
0xae: {  	v54 =	vshll.u32 v51, $0x1;
	[tilespmem:$0x4F10] =	vst v3;
	v3 =	vor.u32 v0, v4  }
0xaf: {  	v55 =	vshll.u32 v52, $0x1;
	[tilespmem:$0x4F20] =	vst v3;
	v3 =	vor.u32 v0, v54  }
0xb0: {  	v56 =	vshll.u32 v53, $0x1;
	[tilespmem:$0x4F30] =	vst v3;
	v3 =	vor.u32 v0, v55  }
0xb1: {  	[tilespmem:$0x4F40] =	vst v3;
	v3 =	vor.u32 v0, v56  }
0xb2: {  	s19 =	simm.s32 $0x4F10;
	s20 =	simm.s32 $0x8D40;
	[tilespmem:$0x4F50] =	vst v3  }
0xb3: {  	[tilespmem:s20], [sflag:$0x4] =	stream.indirect.gather [hbm4b:s1+s10], $0x40, s19, s10, $0xb8;
	[tilespmem:$0x1A720] =	vst v63  }
0xb4: {  	s21 =	rddreg [dreg:$0x1a]  }
0xb5: {  	[tilespmem:s11], [sflag:$0xA] =	stream.linear.gather [hbm4b:s21+s0], $0x50, $0x38;
	[tilespmem:$0x1A720] =	vst v63  }
0xb6: {  	v3 =	vld [tilespmem:$0x140]  }
0xb7: {  	v57 =	vld [tilespmem:$0x150]  }
0xb8: {  	v58 =	vld [tilespmem:$0x160]  }
0xb9: {  	v59 =	vld [tilespmem:$0x170]  }
0xba: {  	v60 =	vld [tilespmem:$0x180]  }
0xbb: {  	v3 =	vshll.u32 v3, $0x1  }
0xbc: {  	v4 =	vshll.u32 v57, $0x1;
	v3 =	vor.u32 v0, v3  }
0xbd: {  	v61 =	vshll.u32 v58, $0x1;
	[tilespmem:$0x4F60] =	vst v3;
	v3 =	vor.u32 v0, v4  }
0xbe: {  	v62 =	vshll.u32 v59, $0x1;
	[tilespmem:$0x4F70] =	vst v3;
	v3 =	vor.u32 v0, v61  }
0xbf: {  	v63 =	vshll.u32 v60, $0x1;
	[tilespmem:$0x4F80] =	vst v3;
	v3 =	vor.u32 v0, v62  }
0xc0: {  	[tilespmem:$0x4F90] =	vst v3;
	v3 =	vor.u32 v0, v63  }
0xc1: {  	s4 =	simm.s32 $0x0;
	s22 =	simm.s32 $0x4F60;
	[tilespmem:$0x4FA0] =	vst v3  }
0xc2: {  	[tilespmem:s12], [sflag:$0x5] =	stream.indirect.gather [hbm4b:s1+s10], $0x40, s22, s10, $0xb8;
	[tilespmem:$0x1A720] =	vst v63  }
0xc3: {  	s7 =	simm.s32 $0x310;
	s21 =	simm.s32 $0x50F0;
	s22 =	simm.s32 $0xA140  }
.LBB2_8:
0xc4: {  	s6 =	simm.s32 $0x6  }
0xc5: {  	_ =	swait.ge [sflag:s6], $0x50  }
0xc6: {  	[sflag:s6] =	ssyncset.done $0x0  }
0xc7: {  	[sflag:s6] =	ssyncadd.s32 $0xFFFFFFB0  }
0xc8: {  	_ =	swait.ge [sflag:s23], $0x1400  }
0xc9: {  	[sflag:s23] =	ssyncset.done $0x0  }
0xca: {  	s12 =	simm.s32 $0x4FB0;
	s8 =	simm.s32 $0x5140;
	[sflag:s23] =	ssyncadd.s32 $0xFFFFEC00  }
0xcb: {  	[spmem:s3] =	stream.indirect.scatter.add.f32 [tilespmem:s8], [sflag:$0xB], $0x40, s12, s10, $0xb8;
	[tilespmem:$0x1A720] =	vst v63  }
0xcc: {  	_ =	swait.ge [sflag:s2], $0x1400  }
0xcd: {  	s13 =	sand.u32 $0x1, s0;
	[sflag:s2] =	ssyncset.done $0x0;
	s14 =	rddreg [dreg:$0x1b]  }
0xce: {  	[sflag:s2] =	ssyncadd.s32 $0xFFFFEC00;
	p0 =	sne.s32 s13, s14  }
0xcf: {  	s20 =	simm.s32 @!p0 $0x50;
	s8 =	simm.s32 @!p0 $0x4FB0;
	s11 =	simm.s32 @!p0 $0x172C0  }
0xd0: {  	[spmem:s5] =	stream.indirect.scatter.add.f32 @!p0 [tilespmem:s11], [sflag:$0xB], $0x10, s8, s20, $0xb8;
	[tilespmem:$0x1A720] =	vst v63  }
0xd1: {  	s8 =	simm.s32 @!p0 $0xB  }
0xd2: {  	p1 =	seq.s32 s4, $0x992;
	_ =	swait.ge @!p0 [sflag:s8], $0x500  }
0xd3: {  	s15 =	simm.s32 @!p1 $0x4FB0;
	s12 =	sadd.s32 @!p1 s4, s17;
	[sflag:s8] =	ssyncset.done @!p0 $0x0  }
0xd4: {  	s14 =	sadd.s32 @!p1 $0x32, s12;
	s13 =	simm.s32 @!p1 $0x0;
	[sflag:s8] =	ssyncadd.s32 @!p0 $0xFFFFFB00  }
0xd5: {  	[tilespmem:s15], [sflag:$0x6] =	stream.linear.gather @!p1 [hbm4b:s14+s13], $0x50, $0x38;
	[tilespmem:$0x1A720] =	vst v63  }
0xd6: {  	v3 =	vld @!p1 [tilespmem:s7+$0xFFFFFE80];
	_ =	sdelay $0x4  }
0xd7: {  	v3 =	vshll.u32 @!p1 v3, $0x1  }
0xd8: {  	v3 =	vor.u32 @!p1 v0, v3  }
0xd9: {  	[tilespmem:$0x4E20] =	vst @!p1 v3  }
0xda: {  	v3 =	vld @!p1 [tilespmem:s7+$0xFFFFFE90];
	_ =	sdelay $0x4  }
0xdb: {  	v3 =	vshll.u32 @!p1 v3, $0x1  }
0xdc: {  	v3 =	vor.u32 @!p1 v0, v3  }
0xdd: {  	[tilespmem:$0x4E30] =	vst @!p1 v3  }
0xde: {  	v3 =	vld @!p1 [tilespmem:s7+$0xFFFFFEA0];
	_ =	sdelay $0x4  }
0xdf: {  	v3 =	vshll.u32 @!p1 v3, $0x1  }
0xe0: {  	v3 =	vor.u32 @!p1 v0, v3  }
0xe1: {  	[tilespmem:$0x4E40] =	vst @!p1 v3  }
0xe2: {  	v3 =	vld @!p1 [tilespmem:s7+$0xFFFFFEB0];
	_ =	sdelay $0x4  }
0xe3: {  	v3 =	vshll.u32 @!p1 v3, $0x1  }
0xe4: {  	v3 =	vor.u32 @!p1 v0, v3  }
0xe5: {  	[tilespmem:$0x4E50] =	vst @!p1 v3  }
0xe6: {  	v3 =	vld @!p1 [tilespmem:s7+$0xFFFFFEC0];
	_ =	sdelay $0x4  }
0xe7: {  	v3 =	vshll.u32 @!p1 v3, $0x1  }
0xe8: {  	v3 =	vor.u32 @!p1 v0, v3  }
0xe9: {  	s16 =	simm.s32 @!p1 $0x5140;
	s14 =	simm.s32 @!p1 $0x50;
	s15 =	simm.s32 @!p1 $0x4E20;
	[tilespmem:$0x4E60] =	vst @!p1 v3  }
0xea: {  	[tilespmem:s16], [sflag:$0x1] =	stream.indirect.gather @!p1 [hbm4b:s1+s14], $0x40, s15, s14, $0xb8;
	[tilespmem:$0x1A720] =	vst v63  }
0xeb: {  	_ =	swait.ge [sflag:s24], $0x50  }
0xec: {  	[sflag:s24] =	ssyncset.done $0x0  }
0xed: {  	[sflag:s24] =	ssyncadd.s32 $0xFFFFFFB0  }
0xee: {  	s18 =	srdreg.scid;
	_ =	swait.ge [sflag:s25], $0x1400  }
0xef: {  	s19 =	sxor.u32 s18, s0;
	[sflag:s25] =	ssyncset.done $0x0  }
0xf0: {  	s15 =	simm.s32 $0x5000;
	s16 =	simm.s32 $0x6540;
	[sflag:s25] =	ssyncadd.s32 $0xFFFFEC00  }
0xf1: {  	[spmem:s3] =	stream.indirect.scatter.add.f32 [tilespmem:s16], [sflag:$0xB], $0x40, s15, s10, $0xb8;
	[tilespmem:$0x1A720] =	vst v63  }
0xf2: {  	s15 =	sand.u32 $0x1, s19  }
0xf3: {  	_ =	swait.ge [sflag:s2], $0x1400;
	p2 =	seq.s32 s15, $0x0  }
0xf4: {  	[sflag:s2] =	ssyncset.done $0x0;
	s15 =	simm.s32 @!p2 $0x50  }
0xf5: {  	s16 =	simm.s32 @!p2 $0x5000;
	s18 =	simm.s32 @!p2 $0x172C0;
	[sflag:s2] =	ssyncadd.s32 $0xFFFFEC00  }
0xf6: {  	[spmem:s5] =	stream.indirect.scatter.add.f32 @!p2 [tilespmem:s18], [sflag:$0xB], $0x10, s16, s15, $0xb8;
	[tilespmem:$0x1A720] =	vst v63  }
0xf7: {  	s16 =	simm.s32 @!p2 $0xB  }
0xf8: {  	_ =	swait.ge @!p2 [sflag:s16], $0x500  }
0xf9: {  	[sflag:s16] =	ssyncset.done @!p2 $0x0  }
0xfa: {  	s6 =	sadd.s32 @!p1 $0x3C, s12;
	s19 =	simm.s32 @!p1 $0x5000;
	[sflag:s16] =	ssyncadd.s32 @!p2 $0xFFFFFB00  }
0xfb: {  	[tilespmem:s19], [sflag:$0x7] =	stream.linear.gather @!p1 [hbm4b:s6+s13], $0x50, $0x38;
	[tilespmem:$0x1A720] =	vst v63  }
0xfc: {  	v3 =	vld @!p1 [tilespmem:s7+$0xFFFFFED0];
	_ =	sdelay $0x4  }
0xfd: {  	v3 =	vshll.u32 @!p1 v3, $0x1  }
0xfe: {  	v3 =	vor.u32 @!p1 v0, v3  }
0xff: {  	[tilespmem:$0x4E70] =	vst @!p1 v3  }
0x100: {  	v3 =	vld @!p1 [tilespmem:s7+$0xFFFFFEE0];
	_ =	sdelay $0x4  }
0x101: {  	v3 =	vshll.u32 @!p1 v3, $0x1  }
0x102: {  	v3 =	vor.u32 @!p1 v0, v3  }
0x103: {  	[tilespmem:$0x4E80] =	vst @!p1 v3  }
0x104: {  	v3 =	vld @!p1 [tilespmem:s7+$0xFFFFFEF0];
	_ =	sdelay $0x4  }
0x105: {  	v3 =	vshll.u32 @!p1 v3, $0x1  }
0x106: {  	v3 =	vor.u32 @!p1 v0, v3  }
0x107: {  	[tilespmem:$0x4E90] =	vst @!p1 v3  }
0x108: {  	v3 =	vld @!p1 [tilespmem:s7+$0xFFFFFF00];
	_ =	sdelay $0x4  }
0x109: {  	v3 =	vshll.u32 @!p1 v3, $0x1  }
0x10a: {  	v3 =	vor.u32 @!p1 v0, v3  }
0x10b: {  	[tilespmem:$0x4EA0] =	vst @!p1 v3  }
0x10c: {  	v3 =	vld @!p1 [tilespmem:s7+$0xFFFFFF10];
	_ =	sdelay $0x4  }
0x10d: {  	v3 =	vshll.u32 @!p1 v3, $0x1  }
0x10e: {  	v3 =	vor.u32 @!p1 v0, v3  }
0x10f: {  	s6 =	simm.s32 @!p1 $0x4E70;
	s19 =	simm.s32 @!p1 $0x6540;
	[tilespmem:$0x4EB0] =	vst @!p1 v3  }
0x110: {  	[tilespmem:s19], [sflag:$0x2] =	stream.indirect.gather @!p1 [hbm4b:s1+s14], $0x40, s6, s14, $0xb8;
	[tilespmem:$0x1A720] =	vst v63  }
0x111: {  	_ =	swait.ge [sflag:s26], $0x50  }
0x112: {  	[sflag:s26] =	ssyncset.done $0x0  }
0x113: {  	[sflag:s26] =	ssyncadd.s32 $0xFFFFFFB0  }
0x114: {  	_ =	swait.ge [sflag:s28], $0x1400  }
0x115: {  	[sflag:s28] =	ssyncset.done $0x0  }
0x116: {  	s6 =	simm.s32 $0x5050;
	s19 =	simm.s32 $0x7940;
	[sflag:s28] =	ssyncadd.s32 $0xFFFFEC00  }
0x117: {  	[spmem:s3] =	stream.indirect.scatter.add.f32 [tilespmem:s19], [sflag:$0xB], $0x40, s6, s10, $0xb8;
	[tilespmem:$0x1A720] =	vst v63  }
0x118: {  	_ =	swait.ge [sflag:s2], $0x1400  }
0x119: {  	[sflag:s2] =	ssyncset.done $0x0  }
0x11a: {  	s6 =	simm.s32 @!p0 $0x5050;
	[sflag:s2] =	ssyncadd.s32 $0xFFFFEC00  }
0x11b: {  	[spmem:s5] =	stream.indirect.scatter.add.f32 @!p0 [tilespmem:s11], [sflag:$0xB], $0x10, s6, s20, $0xb8;
	[tilespmem:$0x1A720] =	vst v63  }
0x11c: {  	_ =	swait.ge @!p0 [sflag:s8], $0x500  }
0x11d: {  	[sflag:s8] =	ssyncset.done @!p0 $0x0  }
0x11e: {  	s19 =	simm.s32 @!p1 $0x5050;
	s6 =	sadd.s32 @!p1 $0x46, s12;
	[sflag:s8] =	ssyncadd.s32 @!p0 $0xFFFFFB00  }
0x11f: {  	[tilespmem:s19], [sflag:$0x8] =	stream.linear.gather @!p1 [hbm4b:s6+s13], $0x50, $0x38;
	[tilespmem:$0x1A720] =	vst v63  }
0x120: {  	v3 =	vld @!p1 [tilespmem:s7+$0xFFFFFF20];
	_ =	sdelay $0x4  }
0x121: {  	v3 =	vshll.u32 @!p1 v3, $0x1  }
0x122: {  	v3 =	vor.u32 @!p1 v0, v3  }
0x123: {  	[tilespmem:$0x4EC0] =	vst @!p1 v3  }
0x124: {  	v3 =	vld @!p1 [tilespmem:s7+$0xFFFFFF30];
	_ =	sdelay $0x4  }
0x125: {  	v3 =	vshll.u32 @!p1 v3, $0x1  }
0x126: {  	v3 =	vor.u32 @!p1 v0, v3  }
0x127: {  	[tilespmem:$0x4ED0] =	vst @!p1 v3  }
0x128: {  	v3 =	vld @!p1 [tilespmem:s7+$0xFFFFFF40];
	_ =	sdelay $0x4  }
0x129: {  	v3 =	vshll.u32 @!p1 v3, $0x1  }
0x12a: {  	v3 =	vor.u32 @!p1 v0, v3  }
0x12b: {  	[tilespmem:$0x4EE0] =	vst @!p1 v3  }
0x12c: {  	v3 =	vld @!p1 [tilespmem:s7+$0xFFFFFF50];
	_ =	sdelay $0x4  }
0x12d: {  	v3 =	vshll.u32 @!p1 v3, $0x1  }
0x12e: {  	v3 =	vor.u32 @!p1 v0, v3  }
0x12f: {  	[tilespmem:$0x4EF0] =	vst @!p1 v3  }
0x130: {  	v3 =	vld @!p1 [tilespmem:s7+$0xFFFFFF60];
	_ =	sdelay $0x4  }
0x131: {  	v3 =	vshll.u32 @!p1 v3, $0x1  }
0x132: {  	v3 =	vor.u32 @!p1 v0, v3  }
0x133: {  	s6 =	simm.s32 @!p1 $0x4EC0;
	s19 =	simm.s32 @!p1 $0x7940;
	[tilespmem:$0x4F00] =	vst @!p1 v3  }
0x134: {  	[tilespmem:s19], [sflag:$0x3] =	stream.indirect.gather @!p1 [hbm4b:s1+s14], $0x40, s6, s14, $0xb8;
	[tilespmem:$0x1A720] =	vst v63  }
0x135: {  	_ =	swait.ge [sflag:s29], $0x50  }
0x136: {  	[sflag:s29] =	ssyncset.done $0x0  }
0x137: {  	[sflag:s29] =	ssyncadd.s32 $0xFFFFFFB0  }
0x138: {  	_ =	swait.ge [sflag:s30], $0x1400  }
0x139: {  	[sflag:s30] =	ssyncset.done $0x0  }
0x13a: {  	s6 =	simm.s32 $0x50A0;
	s19 =	simm.s32 $0x8D40;
	[sflag:s30] =	ssyncadd.s32 $0xFFFFEC00  }
0x13b: {  	[spmem:s3] =	stream.indirect.scatter.add.f32 [tilespmem:s19], [sflag:$0xB], $0x40, s6, s10, $0xb8;
	[tilespmem:$0x1A720] =	vst v63  }
0x13c: {  	_ =	swait.ge [sflag:s2], $0x1400  }
0x13d: {  	[sflag:s2] =	ssyncset.done $0x0  }
0x13e: {  	s6 =	simm.s32 @!p2 $0x50A0;
	[sflag:s2] =	ssyncadd.s32 $0xFFFFEC00  }
0x13f: {  	[spmem:s5] =	stream.indirect.scatter.add.f32 @!p2 [tilespmem:s18], [sflag:$0xB], $0x10, s6, s15, $0xb8;
	[tilespmem:$0x1A720] =	vst v63  }
0x140: {  	_ =	swait.ge @!p2 [sflag:s16], $0x500  }
0x141: {  	[sflag:s16] =	ssyncset.done @!p2 $0x0  }
0x142: {  	s6 =	sadd.s32 @!p1 $0x50, s12;
	s12 =	simm.s32 @!p1 $0x50A0;
	[sflag:s16] =	ssyncadd.s32 @!p2 $0xFFFFFB00  }
0x143: {  	[tilespmem:s12], [sflag:$0x9] =	stream.linear.gather @!p1 [hbm4b:s6+s13], $0x50, $0x38;
	[tilespmem:$0x1A720] =	vst v63  }
0x144: {  	v3 =	vld @!p1 [tilespmem:s7+$0xFFFFFF70];
	_ =	sdelay $0x4  }
0x145: {  	v3 =	vshll.u32 @!p1 v3, $0x1  }
0x146: {  	v3 =	vor.u32 @!p1 v0, v3  }
0x147: {  	[tilespmem:$0x4F10] =	vst @!p1 v3  }
0x148: {  	v3 =	vld @!p1 [tilespmem:s7+$0xFFFFFF80];
	_ =	sdelay $0x4  }
0x149: {  	v3 =	vshll.u32 @!p1 v3, $0x1  }
0x14a: {  	v3 =	vor.u32 @!p1 v0, v3  }
0x14b: {  	[tilespmem:$0x4F20] =	vst @!p1 v3  }
0x14c: {  	v3 =	vld @!p1 [tilespmem:s7+$0xFFFFFF90];
	_ =	sdelay $0x4  }
0x14d: {  	v3 =	vshll.u32 @!p1 v3, $0x1  }
0x14e: {  	v3 =	vor.u32 @!p1 v0, v3  }
0x14f: {  	[tilespmem:$0x4F30] =	vst @!p1 v3  }
0x150: {  	v3 =	vld @!p1 [tilespmem:s7+$0xFFFFFFA0];
	_ =	sdelay $0x4  }
0x151: {  	v3 =	vshll.u32 @!p1 v3, $0x1  }
0x152: {  	v3 =	vor.u32 @!p1 v0, v3  }
0x153: {  	[tilespmem:$0x4F40] =	vst @!p1 v3  }
0x154: {  	v3 =	vld @!p1 [tilespmem:s7+$0xFFFFFFB0];
	_ =	sdelay $0x4  }
0x155: {  	v3 =	vshll.u32 @!p1 v3, $0x1  }
0x156: {  	v3 =	vor.u32 @!p1 v0, v3  }
0x157: {  	s6 =	simm.s32 @!p1 $0x4F10;
	s12 =	simm.s32 @!p1 $0x8D40;
	[tilespmem:$0x4F50] =	vst @!p1 v3  }
0x158: {  	[tilespmem:s12], [sflag:$0x4] =	stream.indirect.gather @!p1 [hbm4b:s1+s14], $0x40, s6, s14, $0xb8;
	[tilespmem:$0x1A720] =	vst v63  }
0x159: {  	_ =	swait.ge [sflag:s9], $0x50  }
0x15a: {  	[sflag:s9] =	ssyncset.done $0x0  }
0x15b: {  	[sflag:s9] =	ssyncadd.s32 $0xFFFFFFB0  }
0x15c: {  	_ =	swait.ge [sflag:s31], $0x1400  }
0x15d: {  	[sflag:s31] =	ssyncset.done $0x0  }
0x15e: {  	[sflag:s31] =	ssyncadd.s32 $0xFFFFEC00  }
0x15f: {  	[spmem:s3] =	stream.indirect.scatter.add.f32 [tilespmem:s22], [sflag:$0xB], $0x40, s21, s10, $0xb8;
	[tilespmem:$0x1A720] =	vst v63  }
0x160: {  	_ =	swait.ge [sflag:s2], $0x1400  }
0x161: {  	[sflag:s2] =	ssyncset.done $0x0  }
.Ltmp5:
0x162: {  	s6 =	simm.s32 @!p0 $0x50F0;
	[sflag:s2] =	ssyncadd.s32 $0xFFFFEC00;
	(pc) =	sbr.rel @p1 .LBB2_10-.Ltmp5, $4  }
0x163: {  	[spmem:s5] =	stream.indirect.scatter.add.f32 @!p0 [tilespmem:s11], [sflag:$0xB], $0x10, s6, s20, $0xb8;
	[tilespmem:$0x1A720] =	vst v63  }
0x164: {  	_ =	swait.ge @!p0 [sflag:s8], $0x500  }
0x165: {  	[sflag:s8] =	ssyncset.done @!p0 $0x0  }
0x166: {  	s12 =	simm.s32 $0xA140;
	s11 =	simm.s32 $0x50F0;
	[sflag:s8] =	ssyncadd.s32 @!p0 $0xFFFFFB00  }
0x167: {  	s6 =	sadd.s32 s4, s17  }
0x168: {  	s8 =	simm.s32 $0x0;
	s6 =	sadd.s32 $0x5A, s6  }
0x169: {  	[tilespmem:s11], [sflag:$0xA] =	stream.linear.gather [hbm4b:s6+s8], $0x50, $0x38;
	[tilespmem:$0x1A720] =	vst v63  }
0x16a: {  	v3 =	vld [tilespmem:s7+$0xFFFFFFC0];
	_ =	sdelay $0x4  }
0x16b: {  	v3 =	vshll.u32 v3, $0x1  }
0x16c: {  	v3 =	vor.u32 v0, v3  }
0x16d: {  	[tilespmem:$0x4F60] =	vst v3  }
0x16e: {  	v3 =	vld [tilespmem:s7+$0xFFFFFFD0];
	_ =	sdelay $0x4  }
0x16f: {  	v3 =	vshll.u32 v3, $0x1  }
0x170: {  	v3 =	vor.u32 v0, v3  }
0x171: {  	[tilespmem:$0x4F70] =	vst v3  }
0x172: {  	v3 =	vld [tilespmem:s7+$0xFFFFFFE0];
	_ =	sdelay $0x4  }
0x173: {  	v3 =	vshll.u32 v3, $0x1  }
0x174: {  	v3 =	vor.u32 v0, v3  }
0x175: {  	[tilespmem:$0x4F80] =	vst v3  }
0x176: {  	v3 =	vld [tilespmem:s7+$0xFFFFFFF0];
	_ =	sdelay $0x4  }
0x177: {  	v3 =	vshll.u32 v3, $0x1  }
0x178: {  	v3 =	vor.u32 v0, v3  }
0x179: {  	[tilespmem:$0x4F90] =	vst v3  }
0x17a: {  	v3 =	vld [tilespmem:s7+$0x0];
	_ =	sdelay $0x4  }
.Ltmp6:
0x17b: {  	v3 =	vshll.u32 v3, $0x1;
	(pc) =	sbr.rel .LBB2_8-.Ltmp6, $4  }
0x17c: {  	v3 =	vor.u32 v0, v3  }
0x17d: {  	s22 =	simm.s32 $0x4F60;
	s4 =	sadd.s32 $0x32, s4;
	s0 =	sadd.s32 $0x5, s0;
	[tilespmem:$0x4FA0] =	vst v3  }
0x17e: {  	[tilespmem:s12], [sflag:$0x5] =	stream.indirect.gather [hbm4b:s1+s10], $0x40, s22, s10, $0xb8;
	[tilespmem:$0x1A720] =	vst v63  }
0x17f: {  	s21 =	simm.s32 $0x50F0;
	s7 =	sadd.s32 $0x190, s7;
	s22 =	simm.s32 $0xA140  }
.LBB2_11:
0x180: {  	_ =	sfence.sel $0x180000  }
0x181: {  	[bflag:$0x0] =	sbarrier.arrive $0xFFFF  }
0x182: {  	_ =	strace $0x90000047  }
0x183: {  	s0 =	stileid.u32;
	[bflag:$0x2] =	sbarrier.arrive $0xFFFF  }
0x184: {  	p0 =	sne.s32 s0, $0x0;
	s0 =	rddreg [dreg:$0x5]  }
0x185: {  	s0 =	sadd.s32 @!p0 $0x100000, s0  }
0x186: {  	[sflag:s0] =	ssyncadd.tile.s32 @!p0 $0x1;
	_ =	shalt  }
.Lfunc_end2:
_tile_overlayer_lowered:
.L_overlay_start_2:
0x187: {  	(tag) =	ssettag $0x2  }
0x188: {  	s0 =	rddreg [dreg:$0x0];
	s2 =	stileid.u32  }
0x189: {  	s1 =	rddreg [dreg:$0x1];
	p0 =	sne.s32 s2, $0x0  }
0x18a: {  	s3 =	rddreg [dreg:$0x2];
	[bflag:$0x3] =	sbarrier.arrive $0xFFFF;
	s2 =	simm.s32 @!p0 $0x1C0B  }
0x18b: {  	[timem:s3], [sflag:s2] =	dma.local @!p0 [hbm:s0], s1  }
0x18c: {  	s0 =	simm.s32 @!p0 $0xB  }
0x18d: {  	_ =	swait.ge @!p0 [sflag:s0], s1  }
0x18e: {  	s1 =	ssub.s32 @!p0 $0x0, s1;
	[sflag:s0] =	ssyncset.done @!p0 $0x0  }
0x18f: {  	[sflag:s0] =	ssyncadd.s32 @!p0 s1  }
0x190: {  	[bflag:$0x3] =	sbarrier.arrive $0xFFFF  }
0x191: {  	_ =	shalt  }

</sc_bundles>
